<compile_context>
chip_gen: v7x
topology: tpu7x:2x2x1
jax: 0.10.2.dev20260603
libtpu: 0.0.44.dev20260713+nightly
codegen_flags: <defaults>
</compile_context>

<pallas_src>
import jax
import jax.numpy as jnp
import numpy as np
from jax import lax
from jax.experimental import pallas as pl
from jax.experimental.pallas import tpu as pltpu
from jax.experimental.pallas import tpu_sc as plsc

_N_LEVELS = 10
_F = 2
_T = 2 ** 14
_TF = _T * _F
_BASE_RES = 16
_SCALE = 1.5
_RES = [int(np.floor(_BASE_RES * _SCALE ** l)) for l in range(_N_LEVELS)]
_B = 262144
_D_IN = _N_LEVELS * _F

_P2 = np.uint32(2654435761)
_P3 = np.uint32(805459861)

_NC = 2
_NS = 16
_LANES = 16
_NW = _NC * _NS

_NSPLIT = 1
_NB = _B // _NSPLIT


def _make_enc_call(nb):
    chunk = nb // _NW
    groups = chunk // _LANES

    def _encode_body(x_hbm, y_hbm, z_hbm, tabs, out, x_v, y_v, z_v, tab0_v,
                     tab1_v, row0_v, row1_v, tsem, rsem):
        wid = lax.axis_index("s") * _NC + lax.axis_index("c")
        base = wid * chunk
        tab_bufs = (tab0_v, tab1_v)
        row_bufs = (row0_v, row1_v)

        tab_descs = [pltpu.async_copy(tabs.at[pl.ds(0, _TF)], tab0_v,
                                      tsem.at[0])]
        pltpu.sync_copy(x_hbm.at[pl.ds(base, chunk)], x_v)
        pltpu.sync_copy(y_hbm.at[pl.ds(base, chunk)], y_v)
        pltpu.sync_copy(z_hbm.at[pl.ds(base, chunk)], z_v)

        row_descs = {}
        for l in range(_N_LEVELS):
            res = _RES[l]
            dense = (res + 1) ** 3 <= _T
            if l + 1 < _N_LEVELS:
                tab_descs.append(pltpu.async_copy(
                    tabs.at[pl.ds((l + 1) * _TF, _TF)],
                    tab_bufs[(l + 1) % 2], tsem.at[(l + 1) % 2]))
            tab_descs[l].wait()
            if l >= 2:
                row_descs[l - 2].wait()
            tab_l = tab_bufs[l % 2]
            row_l = row_bufs[l % 2]

            def body(i, res=res, dense=dense, tab_l=tab_l, row_l=row_l):
                sl = pl.ds(i * _LANES, _LANES)
                x = x_v[sl]
                y = y_v[sl]
                z = z_v[sl]
                xs = x * float(res)
                ys = y * float(res)
                zs = z * float(res)
                xi = xs.astype(jnp.int32)
                yi = ys.astype(jnp.int32)
                zi = zs.astype(jnp.int32)
                fx = xs - xi.astype(jnp.float32)
                fy = ys - yi.astype(jnp.float32)
                fz = zs - zi.astype(jnp.float32)

                if dense:
                    s1 = res + 1
                    b0 = (xi * s1 + yi) * s1 + zi
                    idx2 = {}
                    for dx in (0, 1):
                        for dy in (0, 1):
                            for dz in (0, 1):
                                off = dx * s1 * s1 + dy * s1 + dz
                                idx2[(dx, dy, dz)] = b0 + off
                else:
                    xu = xi.astype(jnp.uint32)
                    yu = yi.astype(jnp.uint32)
                    zu = zi.astype(jnp.uint32)
                    hx = (xu, xu + jnp.uint32(1))
                    hy0 = yu * _P2
                    hy = (hy0, hy0 + _P2)
                    hz0 = zu * _P3
                    hz = (hz0, hz0 + _P3)
                    mask = jnp.uint32(_T - 1)
                    idx2 = {}
                    for dx in (0, 1):
                        for dy in (0, 1):
                            for dz in (0, 1):
                                h = (hx[dx] ^ hy[dy] ^ hz[dz]) & mask
                                idx2[(dx, dy, dz)] = h.astype(jnp.int32)

                tab_hi = tab_l.at[pl.ds(_T, _T)]
                cz = {}
                for dx in (0, 1):
                    for dy in (0, 1):
                        for dz in (0, 1):
                            i2 = idx2[(dx, dy, dz)]
                            cz[(dx, dy, dz, 0)] = plsc.load_gather(
                                tab_l, [i2])
                            cz[(dx, dy, dz, 1)] = plsc.load_gather(
                                tab_hi, [i2])
                cy = {}
                for ft in (0, 1):
                    for dx in (0, 1):
                        for dy in (0, 1):
                            a = cz[(dx, dy, 0, ft)]
                            b = cz[(dx, dy, 1, ft)]
                            cy[(dx, dy, ft)] = a + fz * (b - a)
                cx = {}
                for ft in (0, 1):
                    for dx in (0, 1):
                        a = cy[(dx, 0, ft)]
                        b = cy[(dx, 1, ft)]
                        cx[(dx, ft)] = a + fy * (b - a)
                for ft in (0, 1):
                    a = cx[(0, ft)]
                    b = cx[(1, ft)]
                    row_l[ft, sl] = a + fx * (b - a)

            plsc.parallel_loop(0, groups)(body)
            row_descs[l] = pltpu.async_copy(
                row_l, out.at[pl.ds(2 * l, 2), pl.ds(base, chunk)],
                rsem.at[l % 2])
        row_descs[_N_LEVELS - 2].wait()
        row_descs[_N_LEVELS - 1].wait()

    return pl.kernel(
        _encode_body,
        out_type=jax.ShapeDtypeStruct((_D_IN, nb), jnp.float32),
        mesh=plsc.VectorSubcoreMesh(
            core_axis_name="c", subcore_axis_name="s", num_cores=_NC,
            num_subcores=_NS),
        scratch_types=[
            pltpu.VMEM((chunk,), jnp.float32),
            pltpu.VMEM((chunk,), jnp.float32),
            pltpu.VMEM((chunk,), jnp.float32),
            pltpu.VMEM((_TF,), jnp.float32),
            pltpu.VMEM((_TF,), jnp.float32),
            pltpu.VMEM((2, chunk), jnp.float32),
            pltpu.VMEM((2, chunk), jnp.float32),
            pltpu.SemaphoreType.DMA((2,)),
            pltpu.SemaphoreType.DMA((2,)),
        ],
        compiler_params=pltpu.CompilerParams(needs_layout_passes=False),
    )


_enc_call = _make_enc_call(_NB)

_BLK = 32768


def _mlp_body(enc_ref, w1_ref, w2_ref, w3_ref, out_ref):
    e = enc_ref[...]
    h = jnp.dot(w1_ref[...], e, preferred_element_type=jnp.float32)
    h = jnp.maximum(h, 0.0)
    h = jnp.dot(w2_ref[...], h, preferred_element_type=jnp.float32)
    h = jnp.maximum(h, 0.0)
    o = jnp.dot(w3_ref[...], h, preferred_element_type=jnp.float32)
    out_ref[...] = jnp.clip(o, 0.0, 1.0)


def _mlp_call(encT, w1t, w2t, w3t):
    nb = encT.shape[1]
    return pl.pallas_call(
        _mlp_body,
        grid=(nb // _BLK,),
        in_specs=[
            pl.BlockSpec((_D_IN, _BLK), lambda i: (0, i)),
            pl.BlockSpec((64, _D_IN), lambda i: (0, 0)),
            pl.BlockSpec((64, 64), lambda i: (0, 0)),
            pl.BlockSpec((1, 64), lambda i: (0, 0)),
        ],
        out_specs=pl.BlockSpec((1, _BLK), lambda i: (0, i)),
        out_shape=jax.ShapeDtypeStruct((1, nb), jnp.float32),
    )(encT, w1t, w2t, w3t)


@jax.jit
def _impl(pos, tables, W1, W2, W3):
    x, y, z = pos[:, 0], pos[:, 1], pos[:, 2]
    tabs = tables.transpose(0, 2, 1).reshape(_N_LEVELS * _TF)
    w1t, w2t, w3t = W1.T, W2.T, W3.T
    outs = []
    for i in range(_NSPLIT):
        sl = slice(i * _NB, (i + 1) * _NB)
        encT = _enc_call(x[sl], y[sl], z[sl], tabs)
        outs.append(_mlp_call(encT, w1t, w2t, w3t))
    outT = outs[0] if _NSPLIT == 1 else jnp.concatenate(outs, axis=1)
    return outT.reshape(_B, 1)


def kernel(pos, tables, W1, W2, W3):
    return _impl(pos, tables, W1, W2, W3)

# --- scband reference (transcript-rebuilt; emitter-appended) ---
"""Pipeline reference for scband-hash-grid-19112604467803 (READ-ONLY COPY).

The authoritative reference and input builder live on the scoring server;
editing this copy changes nothing except your own understanding.
"""

import jax, jax.numpy as jnp
import numpy as np

N_LEVELS = 10
F_PER_LEVEL = 2
T = 2 ** 14
BASE_RES = 16
SCALE = 1.5
RES = [int(np.floor(BASE_RES * SCALE ** l)) for l in range(N_LEVELS)]
OFFSETS = np.array([[i, j, k] for i in (0, 1) for j in (0, 1) for k in (0, 1)], dtype=np.int32)
B = 262144


def hashgrid_encode(pos, tables):
    p1 = jnp.uint32(1)
    p2 = jnp.uint32(2654435761)
    p3 = jnp.uint32(805459861)
    feats = []
    for l in range(N_LEVELS):
        res = RES[l]
        scaled = pos * res
        pos0f = jnp.floor(scaled)
        frac = scaled - pos0f
        pos0 = pos0f.astype(jnp.int32)
        corners = pos0[:, None, :] + OFFSETS[None, :, :]  # [B, 8, 3]
        if (res + 1) ** 3 <= T:
            # dense grid fits in hashmap: direct (tiled) indexing, like tcnn
            idx = (corners[..., 0] * (res + 1) + corners[..., 1]) * (res + 1) + corners[..., 2]
        else:
            cu = corners.astype(jnp.uint32)
            h = (cu[..., 0] * p1) ^ (cu[..., 1] * p2) ^ (cu[..., 2] * p3)
            idx = (h % jnp.uint32(T)).astype(jnp.int32)
        w = jnp.prod(jnp.where(OFFSETS[None, :, :] == 1, frac[:, None, :], 1.0 - frac[:, None, :]), axis=-1)  # [B, 8]
        f = jnp.take(tables[l], idx, axis=0)  # [B, 8, 2]
        feats.append(jnp.sum(f * w[..., None], axis=1))
    return jnp.concatenate(feats, axis=-1)  # [B, 20]


def setup_inputs(seed: int = 0):
    key = jax.random.key(seed)
    k1, k2, k3, k4, k5 = jax.random.split(key, 5)
    pos = jax.random.uniform(k1, (B, 3), dtype=jnp.float32)
    tables = jax.random.uniform(k2, (N_LEVELS, T, F_PER_LEVEL), dtype=jnp.float32, minval=-1e-4, maxval=1e-4)
    d_in = N_LEVELS * F_PER_LEVEL
    W1 = jax.random.normal(k3, (d_in, 64), dtype=jnp.float32) * (1.0 / np.sqrt(d_in))
    W2 = jax.random.normal(k4, (64, 64), dtype=jnp.float32) * (1.0 / np.sqrt(64.0))
    W3 = jax.random.normal(k5, (64, 1), dtype=jnp.float32) * (1.0 / np.sqrt(64.0))
    return {"pos": pos, "tables": tables, "W1": W1, "W2": W2, "W3": W3}


def reference(pos, tables, W1, W2, W3):
    enc = hashgrid_encode(pos, tables)
    h = jax.nn.relu(enc @ W1)
    h = jax.nn.relu(h @ W2)
    out = h @ W3
    return jnp.clip(out, 0.0, 1.0).astype(jnp.float32)

if __name__ == "__main__":
    import jax
    _d = setup_inputs()
    print(jax.jit(kernel)(*tuple(_d.values())))

</pallas_src>

<mosaic_0001>
#map = affine_map<(d0, d1) -> (0)>
#map1 = affine_map<(d0, d1) -> (0, 0)>
module attributes {stable_mosaic.version = 14 : i64} {
  func.func @_encode_body(%arg0: i32, %arg1: i32, %arg2: memref<262144xf32, #tpu.memory_space<hbm>>, %arg3: memref<262144xf32, #tpu.memory_space<hbm>>, %arg4: memref<262144xf32, #tpu.memory_space<hbm>>, %arg5: memref<327680xf32, #tpu.memory_space<hbm>>, %arg6: memref<20x262144xf32, #tpu.memory_space<hbm>>, %arg7: memref<8192xf32, #tpu.memory_space<vmem>>, %arg8: memref<8192xf32, #tpu.memory_space<vmem>>, %arg9: memref<8192xf32, #tpu.memory_space<vmem>>, %arg10: memref<32768xf32, #tpu.memory_space<vmem>>, %arg11: memref<32768xf32, #tpu.memory_space<vmem>>, %arg12: memref<2x8192xf32, #tpu.memory_space<vmem>>, %arg13: memref<2x8192xf32, #tpu.memory_space<vmem>>, %arg14: memref<2x!tpu.dma_semaphore, #tpu.memory_space<semaphore_mem>>, %arg15: memref<2x!tpu.dma_semaphore, #tpu.memory_space<semaphore_mem>>) attributes {dimension_semantics = [#tpu.dimension_semantics<core_parallel>, #tpu.dimension_semantics<subcore_parallel>], iteration_bounds = array<i64: 2, 16>, scalar_prefetch = 0 : i64, scratch_operands = 9 : i64, tpu.core_type = #tpu.core_type<sc_vector_subcore>, window_params = [{transform_indices = #map}, {transform_indices = #map}, {transform_indices = #map}, {transform_indices = #map}, {transform_indices = #map1}]} {
    %mul3A = arith.constant 2 : i32
    %mul3A_0 = arith.muli %arg1, %mul3A : i32
    %add3A = arith.addi %mul3A_0, %arg0 : i32
    %mul3A_1 = arith.constant 8192 : i32
    %mul3A_2 = arith.muli %add3A, %mul3A_1 : i32
    %dma_start3A = arith.constant 0 : i32
    %dma_start3A_3 = arith.constant 0 : i32
    %dma_start3A_4 = tpu.memref_slice %arg5[%dma_start3A_3] : memref<327680xf32, #tpu.memory_space<hbm>> -> memref<32768xf32, #tpu.memory_space<hbm>>
    %dma_start3A_5 = tpu.memref_slice %arg14[%dma_start3A] : memref<2x!tpu.dma_semaphore, #tpu.memory_space<semaphore_mem>> -> memref<1x!tpu.dma_semaphore, #tpu.memory_space<semaphore_mem>>
    %dma_start3A_6 = tpu.memref_squeeze %dma_start3A_5 : memref<1x!tpu.dma_semaphore, #tpu.memory_space<semaphore_mem>> -> memref<!tpu.dma_semaphore, #tpu.memory_space<semaphore_mem>>
    %dma_start3A_7 = arith.constant 0 : i32
    %dma_start3A_8 = tpu.memref_slice %arg5[%dma_start3A_7] : memref<327680xf32, #tpu.memory_space<hbm>> -> memref<32768xf32, #tpu.memory_space<hbm>>
    tpu.enqueue_dma source(%dma_start3A_8 : memref<32768xf32, #tpu.memory_space<hbm>>) target(%arg10 : memref<32768xf32, #tpu.memory_space<vmem>>) target_semaphore(%dma_start3A_6 : memref<!tpu.dma_semaphore, #tpu.memory_space<semaphore_mem>>)
    "tpu.region"() ({
      %run_scoped3A = tpu.sem_alloc : memref<!tpu.dma_semaphore, #tpu.memory_space<semaphore_mem>>
      %dma_start3A_310 = tpu.memref_slice %arg2[%mul3A_2] : memref<262144xf32, #tpu.memory_space<hbm>> -> memref<8192xf32, #tpu.memory_space<hbm>>
      %dma_start3A_311 = tpu.memref_slice %arg2[%mul3A_2] : memref<262144xf32, #tpu.memory_space<hbm>> -> memref<8192xf32, #tpu.memory_space<hbm>>
      tpu.enqueue_dma source(%dma_start3A_311 : memref<8192xf32, #tpu.memory_space<hbm>>) target(%arg7 : memref<8192xf32, #tpu.memory_space<vmem>>) target_semaphore(%run_scoped3A : memref<!tpu.dma_semaphore, #tpu.memory_space<semaphore_mem>>)
      %dma_wait3A_312 = tpu.memref_slice %arg2[%mul3A_2] : memref<262144xf32, #tpu.memory_space<hbm>> -> memref<8192xf32, #tpu.memory_space<hbm>>
      %dma_wait3A_313 = tpu.memref_slice %arg2[%mul3A_2] : memref<262144xf32, #tpu.memory_space<hbm>> -> memref<8192xf32, #tpu.memory_space<hbm>>
      tpu.wait_dma2 semaphore(%run_scoped3A : memref<!tpu.dma_semaphore, #tpu.memory_space<semaphore_mem>>) src(%dma_wait3A_313 : memref<8192xf32, #tpu.memory_space<hbm>>) dst(%arg7 : memref<8192xf32, #tpu.memory_space<vmem>>)
      tpu.yield
    }) : () -> ()
    "tpu.region"() ({
      %run_scoped3A = tpu.sem_alloc : memref<!tpu.dma_semaphore, #tpu.memory_space<semaphore_mem>>
      %dma_start3A_310 = tpu.memref_slice %arg3[%mul3A_2] : memref<262144xf32, #tpu.memory_space<hbm>> -> memref<8192xf32, #tpu.memory_space<hbm>>
      %dma_start3A_311 = tpu.memref_slice %arg3[%mul3A_2] : memref<262144xf32, #tpu.memory_space<hbm>> -> memref<8192xf32, #tpu.memory_space<hbm>>
      tpu.enqueue_dma source(%dma_start3A_311 : memref<8192xf32, #tpu.memory_space<hbm>>) target(%arg8 : memref<8192xf32, #tpu.memory_space<vmem>>) target_semaphore(%run_scoped3A : memref<!tpu.dma_semaphore, #tpu.memory_space<semaphore_mem>>)
      %dma_wait3A_312 = tpu.memref_slice %arg3[%mul3A_2] : memref<262144xf32, #tpu.memory_space<hbm>> -> memref<8192xf32, #tpu.memory_space<hbm>>
      %dma_wait3A_313 = tpu.memref_slice %arg3[%mul3A_2] : memref<262144xf32, #tpu.memory_space<hbm>> -> memref<8192xf32, #tpu.memory_space<hbm>>
      tpu.wait_dma2 semaphore(%run_scoped3A : memref<!tpu.dma_semaphore, #tpu.memory_space<semaphore_mem>>) src(%dma_wait3A_313 : memref<8192xf32, #tpu.memory_space<hbm>>) dst(%arg8 : memref<8192xf32, #tpu.memory_space<vmem>>)
      tpu.yield
    }) : () -> ()
    "tpu.region"() ({
      %run_scoped3A = tpu.sem_alloc : memref<!tpu.dma_semaphore, #tpu.memory_space<semaphore_mem>>
      %dma_start3A_310 = tpu.memref_slice %arg4[%mul3A_2] : memref<262144xf32, #tpu.memory_space<hbm>> -> memref<8192xf32, #tpu.memory_space<hbm>>
      %dma_start3A_311 = tpu.memref_slice %arg4[%mul3A_2] : memref<262144xf32, #tpu.memory_space<hbm>> -> memref<8192xf32, #tpu.memory_space<hbm>>
      tpu.enqueue_dma source(%dma_start3A_311 : memref<8192xf32, #tpu.memory_space<hbm>>) target(%arg9 : memref<8192xf32, #tpu.memory_space<vmem>>) target_semaphore(%run_scoped3A : memref<!tpu.dma_semaphore, #tpu.memory_space<semaphore_mem>>)
      %dma_wait3A_312 = tpu.memref_slice %arg4[%mul3A_2] : memref<262144xf32, #tpu.memory_space<hbm>> -> memref<8192xf32, #tpu.memory_space<hbm>>
      %dma_wait3A_313 = tpu.memref_slice %arg4[%mul3A_2] : memref<262144xf32, #tpu.memory_space<hbm>> -> memref<8192xf32, #tpu.memory_space<hbm>>
      tpu.wait_dma2 semaphore(%run_scoped3A : memref<!tpu.dma_semaphore, #tpu.memory_space<semaphore_mem>>) src(%dma_wait3A_313 : memref<8192xf32, #tpu.memory_space<hbm>>) dst(%arg9 : memref<8192xf32, #tpu.memory_space<vmem>>)
      tpu.yield
    }) : () -> ()
    %dma_start3A_9 = arith.constant 1 : i32
    %dma_start3A_10 = arith.constant 32768 : i32
    %dma_start3A_11 = tpu.memref_slice %arg5[%dma_start3A_10] : memref<327680xf32, #tpu.memory_space<hbm>> -> memref<32768xf32, #tpu.memory_space<hbm>>
    %dma_start3A_12 = tpu.memref_slice %arg14[%dma_start3A_9] : memref<2x!tpu.dma_semaphore, #tpu.memory_space<semaphore_mem>> -> memref<1x!tpu.dma_semaphore, #tpu.memory_space<semaphore_mem>>
    %dma_start3A_13 = tpu.memref_squeeze %dma_start3A_12 : memref<1x!tpu.dma_semaphore, #tpu.memory_space<semaphore_mem>> -> memref<!tpu.dma_semaphore, #tpu.memory_space<semaphore_mem>>
    %dma_start3A_14 = arith.constant 32768 : i32
    %dma_start3A_15 = tpu.memref_slice %arg5[%dma_start3A_14] : memref<327680xf32, #tpu.memory_space<hbm>> -> memref<32768xf32, #tpu.memory_space<hbm>>
    tpu.enqueue_dma source(%dma_start3A_15 : memref<32768xf32, #tpu.memory_space<hbm>>) target(%arg11 : memref<32768xf32, #tpu.memory_space<vmem>>) target_semaphore(%dma_start3A_13 : memref<!tpu.dma_semaphore, #tpu.memory_space<semaphore_mem>>)
    %dma_wait3A = arith.constant 0 : i32
    %dma_wait3A_16 = arith.constant 0 : i32
    %dma_wait3A_17 = tpu.memref_slice %arg5[%dma_wait3A_16] : memref<327680xf32, #tpu.memory_space<hbm>> -> memref<32768xf32, #tpu.memory_space<hbm>>
    %dma_wait3A_18 = tpu.memref_slice %arg14[%dma_wait3A] : memref<2x!tpu.dma_semaphore, #tpu.memory_space<semaphore_mem>> -> memref<1x!tpu.dma_semaphore, #tpu.memory_space<semaphore_mem>>
    %dma_wait3A_19 = tpu.memref_squeeze %dma_wait3A_18 : memref<1x!tpu.dma_semaphore, #tpu.memory_space<semaphore_mem>> -> memref<!tpu.dma_semaphore, #tpu.memory_space<semaphore_mem>>
    %dma_wait3A_20 = arith.constant 0 : i32
    %dma_wait3A_21 = tpu.memref_slice %arg5[%dma_wait3A_20] : memref<327680xf32, #tpu.memory_space<hbm>> -> memref<32768xf32, #tpu.memory_space<hbm>>
    tpu.wait_dma2 semaphore(%dma_wait3A_19 : memref<!tpu.dma_semaphore, #tpu.memory_space<semaphore_mem>>) src(%dma_wait3A_21 : memref<32768xf32, #tpu.memory_space<hbm>>) dst(%arg10 : memref<32768xf32, #tpu.memory_space<vmem>>)
    %parallel_loop3A = arith.constant 0 : i32
    %parallel_loop3A_22 = arith.constant 512 : i32
    %parallel_loop3A_23 = arith.constant 1 : i32
    scf.for %parallel_loop3A_310 = %parallel_loop3A to %parallel_loop3A_22 step %parallel_loop3A_23  : i32 {
      %parallel_loop3A_311 = arith.constant 16 : i32
      %parallel_loop3A_312 = arith.muli %parallel_loop3A_310, %parallel_loop3A_311 : i32
      %parallel_loop3A_313 = arith.index_cast %parallel_loop3A_312 : i32 to index
      %parallel_loop3A_314 = tpu.vector_load %arg7[%parallel_loop3A_313] {strides = array<i32>} : memref<8192xf32, #tpu.memory_space<vmem>>, vector<16xf32>,
      %parallel_loop3A_315 = arith.index_cast %parallel_loop3A_312 : i32 to index
      %parallel_loop3A_316 = tpu.vector_load %arg8[%parallel_loop3A_315] {strides = array<i32>} : memref<8192xf32, #tpu.memory_space<vmem>>, vector<16xf32>,
      %parallel_loop3A_317 = arith.index_cast %parallel_loop3A_312 : i32 to index
      %parallel_loop3A_318 = tpu.vector_load %arg9[%parallel_loop3A_317] {strides = array<i32>} : memref<8192xf32, #tpu.memory_space<vmem>>, vector<16xf32>,
      %parallel_loop3A_319 = arith.constant 1.600000e+01 : f32
      %parallel_loop3A_320 = vector.broadcast %parallel_loop3A_319 : f32 to vector<16xf32>
      %parallel_loop3A_321 = arith.mulf %parallel_loop3A_314, %parallel_loop3A_320 : vector<16xf32>
      %parallel_loop3A_322 = arith.constant 1.600000e+01 : f32
      %parallel_loop3A_323 = vector.broadcast %parallel_loop3A_322 : f32 to vector<16xf32>
      %parallel_loop3A_324 = arith.mulf %parallel_loop3A_316, %parallel_loop3A_323 : vector<16xf32>
      %parallel_loop3A_325 = arith.constant 1.600000e+01 : f32
      %parallel_loop3A_326 = vector.broadcast %parallel_loop3A_325 : f32 to vector<16xf32>
      %parallel_loop3A_327 = arith.mulf %parallel_loop3A_318, %parallel_loop3A_326 : vector<16xf32>
      %parallel_loop3A_328 = arith.fptosi %parallel_loop3A_321 : vector<16xf32> to vector<16xi32>
      %parallel_loop3A_329 = arith.fptosi %parallel_loop3A_324 : vector<16xf32> to vector<16xi32>
      %parallel_loop3A_330 = arith.fptosi %parallel_loop3A_327 : vector<16xf32> to vector<16xi32>
      %parallel_loop3A_331 = arith.sitofp %parallel_loop3A_328 : vector<16xi32> to vector<16xf32>
      %parallel_loop3A_332 = arith.subf %parallel_loop3A_321, %parallel_loop3A_331 : vector<16xf32>
      %parallel_loop3A_333 = arith.sitofp %parallel_loop3A_329 : vector<16xi32> to vector<16xf32>
      %parallel_loop3A_334 = arith.subf %parallel_loop3A_324, %parallel_loop3A_333 : vector<16xf32>
      %parallel_loop3A_335 = arith.sitofp %parallel_loop3A_330 : vector<16xi32> to vector<16xf32>
      %parallel_loop3A_336 = arith.subf %parallel_loop3A_327, %parallel_loop3A_335 : vector<16xf32>
      %parallel_loop3A_337 = arith.constant 17 : i32
      %parallel_loop3A_338 = vector.broadcast %parallel_loop3A_337 : i32 to vector<16xi32>
      %parallel_loop3A_339 = arith.muli %parallel_loop3A_328, %parallel_loop3A_338 : vector<16xi32>
      %parallel_loop3A_340 = arith.addi %parallel_loop3A_339, %parallel_loop3A_329 : vector<16xi32>
      %parallel_loop3A_341 = arith.constant 17 : i32
      %parallel_loop3A_342 = vector.broadcast %parallel_loop3A_341 : i32 to vector<16xi32>
      %parallel_loop3A_343 = arith.muli %parallel_loop3A_340, %parallel_loop3A_342 : vector<16xi32>
      %parallel_loop3A_344 = arith.addi %parallel_loop3A_343, %parallel_loop3A_330 : vector<16xi32>
      %parallel_loop3A_345 = arith.constant 0 : i32
      %parallel_loop3A_346 = vector.broadcast %parallel_loop3A_345 : i32 to vector<16xi32>
      %parallel_loop3A_347 = arith.addi %parallel_loop3A_344, %parallel_loop3A_346 : vector<16xi32>
      %parallel_loop3A_348 = arith.constant 1 : i32
      %parallel_loop3A_349 = vector.broadcast %parallel_loop3A_348 : i32 to vector<16xi32>
      %parallel_loop3A_350 = arith.addi %parallel_loop3A_344, %parallel_loop3A_349 : vector<16xi32>
      %parallel_loop3A_351 = arith.constant 17 : i32
      %parallel_loop3A_352 = vector.broadcast %parallel_loop3A_351 : i32 to vector<16xi32>
      %parallel_loop3A_353 = arith.addi %parallel_loop3A_344, %parallel_loop3A_352 : vector<16xi32>
      %parallel_loop3A_354 = arith.constant 18 : i32
      %parallel_loop3A_355 = vector.broadcast %parallel_loop3A_354 : i32 to vector<16xi32>
      %parallel_loop3A_356 = arith.addi %parallel_loop3A_344, %parallel_loop3A_355 : vector<16xi32>
      %parallel_loop3A_357 = arith.constant 289 : i32
      %parallel_loop3A_358 = vector.broadcast %parallel_loop3A_357 : i32 to vector<16xi32>
      %parallel_loop3A_359 = arith.addi %parallel_loop3A_344, %parallel_loop3A_358 : vector<16xi32>
      %parallel_loop3A_360 = arith.constant 290 : i32
      %parallel_loop3A_361 = vector.broadcast %parallel_loop3A_360 : i32 to vector<16xi32>
      %parallel_loop3A_362 = arith.addi %parallel_loop3A_344, %parallel_loop3A_361 : vector<16xi32>
      %parallel_loop3A_363 = arith.constant 306 : i32
      %parallel_loop3A_364 = vector.broadcast %parallel_loop3A_363 : i32 to vector<16xi32>
      %parallel_loop3A_365 = arith.addi %parallel_loop3A_344, %parallel_loop3A_364 : vector<16xi32>
      %parallel_loop3A_366 = arith.constant 307 : i32
      %parallel_loop3A_367 = vector.broadcast %parallel_loop3A_366 : i32 to vector<16xi32>
      %parallel_loop3A_368 = arith.addi %parallel_loop3A_344, %parallel_loop3A_367 : vector<16xi32>
      %parallel_loop3A_369 = tpu.vector_load_idx %arg10[%parallel_loop3A_347] : memref<32768xf32, #tpu.memory_space<vmem>>[vector<16xi32>], vector<16xf32>,
      %parallel_loop3A_370 = arith.constant 16384 : i32
      %parallel_loop3A_371 = tpu.memref_slice %arg10[%parallel_loop3A_370] : memref<32768xf32, #tpu.memory_space<vmem>> -> memref<16384xf32, #tpu.memory_space<vmem>>
      %parallel_loop3A_372 = tpu.vector_load_idx %parallel_loop3A_371[%parallel_loop3A_347] : memref<16384xf32, #tpu.memory_space<vmem>>[vector<16xi32>], vector<16xf32>,
      %parallel_loop3A_373 = tpu.vector_load_idx %arg10[%parallel_loop3A_350] : memref<32768xf32, #tpu.memory_space<vmem>>[vector<16xi32>], vector<16xf32>,
      %parallel_loop3A_374 = arith.constant 16384 : i32
      %parallel_loop3A_375 = tpu.memref_slice %arg10[%parallel_loop3A_374] : memref<32768xf32, #tpu.memory_space<vmem>> -> memref<16384xf32, #tpu.memory_space<vmem>>
      %parallel_loop3A_376 = tpu.vector_load_idx %parallel_loop3A_375[%parallel_loop3A_350] : memref<16384xf32, #tpu.memory_space<vmem>>[vector<16xi32>], vector<16xf32>,
      %parallel_loop3A_377 = tpu.vector_load_idx %arg10[%parallel_loop3A_353] : memref<32768xf32, #tpu.memory_space<vmem>>[vector<16xi32>], vector<16xf32>,
      %parallel_loop3A_378 = arith.constant 16384 : i32
      %parallel_loop3A_379 = tpu.memref_slice %arg10[%parallel_loop3A_378] : memref<32768xf32, #tpu.memory_space<vmem>> -> memref<16384xf32, #tpu.memory_space<vmem>>
      %parallel_loop3A_380 = tpu.vector_load_idx %parallel_loop3A_379[%parallel_loop3A_353] : memref<16384xf32, #tpu.memory_space<vmem>>[vector<16xi32>], vector<16xf32>,
      %parallel_loop3A_381 = tpu.vector_load_idx %arg10[%parallel_loop3A_356] : memref<32768xf32, #tpu.memory_space<vmem>>[vector<16xi32>], vector<16xf32>,
      %parallel_loop3A_382 = arith.constant 16384 : i32
      %parallel_loop3A_383 = tpu.memref_slice %arg10[%parallel_loop3A_382] : memref<32768xf32, #tpu.memory_space<vmem>> -> memref<16384xf32, #tpu.memory_space<vmem>>
      %parallel_loop3A_384 = tpu.vector_load_idx %parallel_loop3A_383[%parallel_loop3A_356] : memref<16384xf32, #tpu.memory_space<vmem>>[vector<16xi32>], vector<16xf32>,
      %parallel_loop3A_385 = tpu.vector_load_idx %arg10[%parallel_loop3A_359] : memref<32768xf32, #tpu.memory_space<vmem>>[vector<16xi32>], vector<16xf32>,
      %parallel_loop3A_386 = arith.constant 16384 : i32
      %parallel_loop3A_387 = tpu.memref_slice %arg10[%parallel_loop3A_386] : memref<32768xf32, #tpu.memory_space<vmem>> -> memref<16384xf32, #tpu.memory_space<vmem>>
      %parallel_loop3A_388 = tpu.vector_load_idx %parallel_loop3A_387[%parallel_loop3A_359] : memref<16384xf32, #tpu.memory_space<vmem>>[vector<16xi32>], vector<16xf32>,
      %parallel_loop3A_389 = tpu.vector_load_idx %arg10[%parallel_loop3A_362] : memref<32768xf32, #tpu.memory_space<vmem>>[vector<16xi32>], vector<16xf32>,
      %parallel_loop3A_390 = arith.constant 16384 : i32
      %parallel_loop3A_391 = tpu.memref_slice %arg10[%parallel_loop3A_390] : memref<32768xf32, #tpu.memory_space<vmem>> -> memref<16384xf32, #tpu.memory_space<vmem>>
      %parallel_loop3A_392 = tpu.vector_load_idx %parallel_loop3A_391[%parallel_loop3A_362] : memref<16384xf32, #tpu.memory_space<vmem>>[vector<16xi32>], vector<16xf32>,
      %parallel_loop3A_393 = tpu.vector_load_idx %arg10[%parallel_loop3A_365] : memref<32768xf32, #tpu.memory_space<vmem>>[vector<16xi32>], vector<16xf32>,
      %parallel_loop3A_394 = arith.constant 16384 : i32
      %parallel_loop3A_395 = tpu.memref_slice %arg10[%parallel_loop3A_394] : memref<32768xf32, #tpu.memory_space<vmem>> -> memref<16384xf32, #tpu.memory_space<vmem>>
      %parallel_loop3A_396 = tpu.vector_load_idx %parallel_loop3A_395[%parallel_loop3A_365] : memref<16384xf32, #tpu.memory_space<vmem>>[vector<16xi32>], vector<16xf32>,
      %parallel_loop3A_397 = tpu.vector_load_idx %arg10[%parallel_loop3A_368] : memref<32768xf32, #tpu.memory_space<vmem>>[vector<16xi32>], vector<16xf32>,
      %parallel_loop3A_398 = arith.constant 16384 : i32
      %parallel_loop3A_399 = tpu.memref_slice %arg10[%parallel_loop3A_398] : memref<32768xf32, #tpu.memory_space<vmem>> -> memref<16384xf32, #tpu.memory_space<vmem>>
      %parallel_loop3A_400 = tpu.vector_load_idx %parallel_loop3A_399[%parallel_loop3A_368] : memref<16384xf32, #tpu.memory_space<vmem>>[vector<16xi32>], vector<16xf32>,
      %parallel_loop3A_401 = arith.subf %parallel_loop3A_373, %parallel_loop3A_369 : vector<16xf32>
      %parallel_loop3A_402 = arith.mulf %parallel_loop3A_336, %parallel_loop3A_401 : vector<16xf32>
      %parallel_loop3A_403 = arith.addf %parallel_loop3A_369, %parallel_loop3A_402 : vector<16xf32>
      %parallel_loop3A_404 = arith.subf %parallel_loop3A_381, %parallel_loop3A_377 : vector<16xf32>
      %parallel_loop3A_405 = arith.mulf %parallel_loop3A_336, %parallel_loop3A_404 : vector<16xf32>
      %parallel_loop3A_406 = arith.addf %parallel_loop3A_377, %parallel_loop3A_405 : vector<16xf32>
      %parallel_loop3A_407 = arith.subf %parallel_loop3A_389, %parallel_loop3A_385 : vector<16xf32>
      %parallel_loop3A_408 = arith.mulf %parallel_loop3A_336, %parallel_loop3A_407 : vector<16xf32>
      %parallel_loop3A_409 = arith.addf %parallel_loop3A_385, %parallel_loop3A_408 : vector<16xf32>
      %parallel_loop3A_410 = arith.subf %parallel_loop3A_397, %parallel_loop3A_393 : vector<16xf32>
      %parallel_loop3A_411 = arith.mulf %parallel_loop3A_336, %parallel_loop3A_410 : vector<16xf32>
      %parallel_loop3A_412 = arith.addf %parallel_loop3A_393, %parallel_loop3A_411 : vector<16xf32>
      %parallel_loop3A_413 = arith.subf %parallel_loop3A_376, %parallel_loop3A_372 : vector<16xf32>
      %parallel_loop3A_414 = arith.mulf %parallel_loop3A_336, %parallel_loop3A_413 : vector<16xf32>
      %parallel_loop3A_415 = arith.addf %parallel_loop3A_372, %parallel_loop3A_414 : vector<16xf32>
      %parallel_loop3A_416 = arith.subf %parallel_loop3A_384, %parallel_loop3A_380 : vector<16xf32>
      %parallel_loop3A_417 = arith.mulf %parallel_loop3A_336, %parallel_loop3A_416 : vector<16xf32>
      %parallel_loop3A_418 = arith.addf %parallel_loop3A_380, %parallel_loop3A_417 : vector<16xf32>
      %parallel_loop3A_419 = arith.subf %parallel_loop3A_392, %parallel_loop3A_388 : vector<16xf32>
      %parallel_loop3A_420 = arith.mulf %parallel_loop3A_336, %parallel_loop3A_419 : vector<16xf32>
      %parallel_loop3A_421 = arith.addf %parallel_loop3A_388, %parallel_loop3A_420 : vector<16xf32>
      %parallel_loop3A_422 = arith.subf %parallel_loop3A_400, %parallel_loop3A_396 : vector<16xf32>
      %parallel_loop3A_423 = arith.mulf %parallel_loop3A_336, %parallel_loop3A_422 : vector<16xf32>
      %parallel_loop3A_424 = arith.addf %parallel_loop3A_396, %parallel_loop3A_423 : vector<16xf32>
      %parallel_loop3A_425 = arith.subf %parallel_loop3A_406, %parallel_loop3A_403 : vector<16xf32>
      %parallel_loop3A_426 = arith.mulf %parallel_loop3A_334, %parallel_loop3A_425 : vector<16xf32>
      %parallel_loop3A_427 = arith.addf %parallel_loop3A_403, %parallel_loop3A_426 : vector<16xf32>
      %parallel_loop3A_428 = arith.subf %parallel_loop3A_412, %parallel_loop3A_409 : vector<16xf32>
      %parallel_loop3A_429 = arith.mulf %parallel_loop3A_334, %parallel_loop3A_428 : vector<16xf32>
      %parallel_loop3A_430 = arith.addf %parallel_loop3A_409, %parallel_loop3A_429 : vector<16xf32>
      %parallel_loop3A_431 = arith.subf %parallel_loop3A_418, %parallel_loop3A_415 : vector<16xf32>
      %parallel_loop3A_432 = arith.mulf %parallel_loop3A_334, %parallel_loop3A_431 : vector<16xf32>
      %parallel_loop3A_433 = arith.addf %parallel_loop3A_415, %parallel_loop3A_432 : vector<16xf32>
      %parallel_loop3A_434 = arith.subf %parallel_loop3A_424, %parallel_loop3A_421 : vector<16xf32>
      %parallel_loop3A_435 = arith.mulf %parallel_loop3A_334, %parallel_loop3A_434 : vector<16xf32>
      %parallel_loop3A_436 = arith.addf %parallel_loop3A_421, %parallel_loop3A_435 : vector<16xf32>
      %parallel_loop3A_437 = arith.subf %parallel_loop3A_430, %parallel_loop3A_427 : vector<16xf32>
      %parallel_loop3A_438 = arith.mulf %parallel_loop3A_332, %parallel_loop3A_437 : vector<16xf32>
      %parallel_loop3A_439 = arith.addf %parallel_loop3A_427, %parallel_loop3A_438 : vector<16xf32>
      %parallel_loop3A_440 = arith.constant 0 : i32
      %parallel_loop3A_441 = arith.index_cast %parallel_loop3A_440 : i32 to index
      %parallel_loop3A_442 = arith.index_cast %parallel_loop3A_312 : i32 to index
      %parallel_loop3A_443 = tpu.vector_load %arg12[%parallel_loop3A_441, %parallel_loop3A_442] {strides = array<i32>} : memref<2x8192xf32, #tpu.memory_space<vmem>>, vector<16xf32>,
      tpu.vector_store %arg12[%parallel_loop3A_441, %parallel_loop3A_442], %parallel_loop3A_439 {strides = array<i32>} : memref<2x8192xf32, #tpu.memory_space<vmem>>, vector<16xf32>,
      %parallel_loop3A_444 = arith.subf %parallel_loop3A_436, %parallel_loop3A_433 : vector<16xf32>
      %parallel_loop3A_445 = arith.mulf %parallel_loop3A_332, %parallel_loop3A_444 : vector<16xf32>
      %parallel_loop3A_446 = arith.addf %parallel_loop3A_433, %parallel_loop3A_445 : vector<16xf32>
      %parallel_loop3A_447 = arith.constant 1 : i32
      %parallel_loop3A_448 = arith.index_cast %parallel_loop3A_447 : i32 to index
      %parallel_loop3A_449 = arith.index_cast %parallel_loop3A_312 : i32 to index
      %parallel_loop3A_450 = tpu.vector_load %arg12[%parallel_loop3A_448, %parallel_loop3A_449] {strides = array<i32>} : memref<2x8192xf32, #tpu.memory_space<vmem>>, vector<16xf32>,
      tpu.vector_store %arg12[%parallel_loop3A_448, %parallel_loop3A_449], %parallel_loop3A_446 {strides = array<i32>} : memref<2x8192xf32, #tpu.memory_space<vmem>>, vector<16xf32>,
    } {sc.loop_unroll_factor = 1 : i64, sc.parallel_access}
    %dma_start3A_24 = arith.constant 0 : i32
    %dma_start3A_25 = arith.constant 0 : i32
    %dma_start3A_26 = tpu.memref_slice %arg6[%dma_start3A_25, %mul3A_2] : memref<20x262144xf32, #tpu.memory_space<hbm>> -> memref<2x8192xf32, #tpu.memory_space<hbm>>
    %dma_start3A_27 = tpu.memref_slice %arg15[%dma_start3A_24] : memref<2x!tpu.dma_semaphore, #tpu.memory_space<semaphore_mem>> -> memref<1x!tpu.dma_semaphore, #tpu.memory_space<semaphore_mem>>
    %dma_start3A_28 = tpu.memref_squeeze %dma_start3A_27 : memref<1x!tpu.dma_semaphore, #tpu.memory_space<semaphore_mem>> -> memref<!tpu.dma_semaphore, #tpu.memory_space<semaphore_mem>>
    %dma_start3A_29 = arith.constant 0 : i32
    %dma_start3A_30 = tpu.memref_slice %arg6[%dma_start3A_29, %mul3A_2] : memref<20x262144xf32, #tpu.memory_space<hbm>> -> memref<2x8192xf32, #tpu.memory_space<hbm>>
    tpu.enqueue_dma source(%arg12 : memref<2x8192xf32, #tpu.memory_space<vmem>>) target(%dma_start3A_30 : memref<2x8192xf32, #tpu.memory_space<hbm>>) target_semaphore(%dma_start3A_28 : memref<!tpu.dma_semaphore, #tpu.memory_space<semaphore_mem>>)
    %dma_start3A_31 = arith.constant 0 : i32
    %dma_start3A_32 = arith.constant 65536 : i32
    %dma_start3A_33 = tpu.memref_slice %arg5[%dma_start3A_32] : memref<327680xf32, #tpu.memory_space<hbm>> -> memref<32768xf32, #tpu.memory_space<hbm>>
    %dma_start3A_34 = tpu.memref_slice %arg14[%dma_start3A_31] : memref<2x!tpu.dma_semaphore, #tpu.memory_space<semaphore_mem>> -> memref<1x!tpu.dma_semaphore, #tpu.memory_space<semaphore_mem>>
    %dma_start3A_35 = tpu.memref_squeeze %dma_start3A_34 : memref<1x!tpu.dma_semaphore, #tpu.memory_space<semaphore_mem>> -> memref<!tpu.dma_semaphore, #tpu.memory_space<semaphore_mem>>
    %dma_start3A_36 = arith.constant 65536 : i32
    %dma_start3A_37 = tpu.memref_slice %arg5[%dma_start3A_36] : memref<327680xf32, #tpu.memory_space<hbm>> -> memref<32768xf32, #tpu.memory_space<hbm>>
    tpu.enqueue_dma source(%dma_start3A_37 : memref<32768xf32, #tpu.memory_space<hbm>>) target(%arg10 : memref<32768xf32, #tpu.memory_space<vmem>>) target_semaphore(%dma_start3A_35 : memref<!tpu.dma_semaphore, #tpu.memory_space<semaphore_mem>>)
    %dma_wait3A_38 = arith.constant 1 : i32
    %dma_wait3A_39 = arith.constant 32768 : i32
    %dma_wait3A_40 = tpu.memref_slice %arg5[%dma_wait3A_39] : memref<327680xf32, #tpu.memory_space<hbm>> -> memref<32768xf32, #tpu.memory_space<hbm>>
    %dma_wait3A_41 = tpu.memref_slice %arg14[%dma_wait3A_38] : memref<2x!tpu.dma_semaphore, #tpu.memory_space<semaphore_mem>> -> memref<1x!tpu.dma_semaphore, #tpu.memory_space<semaphore_mem>>
    %dma_wait3A_42 = tpu.memref_squeeze %dma_wait3A_41 : memref<1x!tpu.dma_semaphore, #tpu.memory_space<semaphore_mem>> -> memref<!tpu.dma_semaphore, #tpu.memory_space<semaphore_mem>>
    %dma_wait3A_43 = arith.constant 32768 : i32
    %dma_wait3A_44 = tpu.memref_slice %arg5[%dma_wait3A_43] : memref<327680xf32, #tpu.memory_space<hbm>> -> memref<32768xf32, #tpu.memory_space<hbm>>
    tpu.wait_dma2 semaphore(%dma_wait3A_42 : memref<!tpu.dma_semaphore, #tpu.memory_space<semaphore_mem>>) src(%dma_wait3A_44 : memref<32768xf32, #tpu.memory_space<hbm>>) dst(%arg11 : memref<32768xf32, #tpu.memory_space<vmem>>)
    %parallel_loop3A_45 = arith.constant 0 : i32
    %parallel_loop3A_46 = arith.constant 512 : i32
    %parallel_loop3A_47 = arith.constant 1 : i32
    scf.for %parallel_loop3A_310 = %parallel_loop3A_45 to %parallel_loop3A_46 step %parallel_loop3A_47  : i32 {
      %parallel_loop3A_311 = arith.constant 16 : i32
      %parallel_loop3A_312 = arith.muli %parallel_loop3A_310, %parallel_loop3A_311 : i32
      %parallel_loop3A_313 = arith.index_cast %parallel_loop3A_312 : i32 to index
      %parallel_loop3A_314 = tpu.vector_load %arg7[%parallel_loop3A_313] {strides = array<i32>} : memref<8192xf32, #tpu.memory_space<vmem>>, vector<16xf32>,
      %parallel_loop3A_315 = arith.index_cast %parallel_loop3A_312 : i32 to index
      %parallel_loop3A_316 = tpu.vector_load %arg8[%parallel_loop3A_315] {strides = array<i32>} : memref<8192xf32, #tpu.memory_space<vmem>>, vector<16xf32>,
      %parallel_loop3A_317 = arith.index_cast %parallel_loop3A_312 : i32 to index
      %parallel_loop3A_318 = tpu.vector_load %arg9[%parallel_loop3A_317] {strides = array<i32>} : memref<8192xf32, #tpu.memory_space<vmem>>, vector<16xf32>,
      %parallel_loop3A_319 = arith.constant 2.400000e+01 : f32
      %parallel_loop3A_320 = vector.broadcast %parallel_loop3A_319 : f32 to vector<16xf32>
      %parallel_loop3A_321 = arith.mulf %parallel_loop3A_314, %parallel_loop3A_320 : vector<16xf32>
      %parallel_loop3A_322 = arith.constant 2.400000e+01 : f32
      %parallel_loop3A_323 = vector.broadcast %parallel_loop3A_322 : f32 to vector<16xf32>
      %parallel_loop3A_324 = arith.mulf %parallel_loop3A_316, %parallel_loop3A_323 : vector<16xf32>
      %parallel_loop3A_325 = arith.constant 2.400000e+01 : f32
      %parallel_loop3A_326 = vector.broadcast %parallel_loop3A_325 : f32 to vector<16xf32>
      %parallel_loop3A_327 = arith.mulf %parallel_loop3A_318, %parallel_loop3A_326 : vector<16xf32>
      %parallel_loop3A_328 = arith.fptosi %parallel_loop3A_321 : vector<16xf32> to vector<16xi32>
      %parallel_loop3A_329 = arith.fptosi %parallel_loop3A_324 : vector<16xf32> to vector<16xi32>
      %parallel_loop3A_330 = arith.fptosi %parallel_loop3A_327 : vector<16xf32> to vector<16xi32>
      %parallel_loop3A_331 = arith.sitofp %parallel_loop3A_328 : vector<16xi32> to vector<16xf32>
      %parallel_loop3A_332 = arith.subf %parallel_loop3A_321, %parallel_loop3A_331 : vector<16xf32>
      %parallel_loop3A_333 = arith.sitofp %parallel_loop3A_329 : vector<16xi32> to vector<16xf32>
      %parallel_loop3A_334 = arith.subf %parallel_loop3A_324, %parallel_loop3A_333 : vector<16xf32>
      %parallel_loop3A_335 = arith.sitofp %parallel_loop3A_330 : vector<16xi32> to vector<16xf32>
      %parallel_loop3A_336 = arith.subf %parallel_loop3A_327, %parallel_loop3A_335 : vector<16xf32>
      %parallel_loop3A_337 = arith.constant 25 : i32
      %parallel_loop3A_338 = vector.broadcast %parallel_loop3A_337 : i32 to vector<16xi32>
      %parallel_loop3A_339 = arith.muli %parallel_loop3A_328, %parallel_loop3A_338 : vector<16xi32>
      %parallel_loop3A_340 = arith.addi %parallel_loop3A_339, %parallel_loop3A_329 : vector<16xi32>
      %parallel_loop3A_341 = arith.constant 25 : i32
      %parallel_loop3A_342 = vector.broadcast %parallel_loop3A_341 : i32 to vector<16xi32>
      %parallel_loop3A_343 = arith.muli %parallel_loop3A_340, %parallel_loop3A_342 : vector<16xi32>
      %parallel_loop3A_344 = arith.addi %parallel_loop3A_343, %parallel_loop3A_330 : vector<16xi32>
      %parallel_loop3A_345 = arith.constant 0 : i32
      %parallel_loop3A_346 = vector.broadcast %parallel_loop3A_345 : i32 to vector<16xi32>
      %parallel_loop3A_347 = arith.addi %parallel_loop3A_344, %parallel_loop3A_346 : vector<16xi32>
      %parallel_loop3A_348 = arith.constant 1 : i32
      %parallel_loop3A_349 = vector.broadcast %parallel_loop3A_348 : i32 to vector<16xi32>
      %parallel_loop3A_350 = arith.addi %parallel_loop3A_344, %parallel_loop3A_349 : vector<16xi32>
      %parallel_loop3A_351 = arith.constant 25 : i32
      %parallel_loop3A_352 = vector.broadcast %parallel_loop3A_351 : i32 to vector<16xi32>
      %parallel_loop3A_353 = arith.addi %parallel_loop3A_344, %parallel_loop3A_352 : vector<16xi32>
      %parallel_loop3A_354 = arith.constant 26 : i32
      %parallel_loop3A_355 = vector.broadcast %parallel_loop3A_354 : i32 to vector<16xi32>
      %parallel_loop3A_356 = arith.addi %parallel_loop3A_344, %parallel_loop3A_355 : vector<16xi32>
      %parallel_loop3A_357 = arith.constant 625 : i32
      %parallel_loop3A_358 = vector.broadcast %parallel_loop3A_357 : i32 to vector<16xi32>
      %parallel_loop3A_359 = arith.addi %parallel_loop3A_344, %parallel_loop3A_358 : vector<16xi32>
      %parallel_loop3A_360 = arith.constant 626 : i32
      %parallel_loop3A_361 = vector.broadcast %parallel_loop3A_360 : i32 to vector<16xi32>
      %parallel_loop3A_362 = arith.addi %parallel_loop3A_344, %parallel_loop3A_361 : vector<16xi32>
      %parallel_loop3A_363 = arith.constant 650 : i32
      %parallel_loop3A_364 = vector.broadcast %parallel_loop3A_363 : i32 to vector<16xi32>
      %parallel_loop3A_365 = arith.addi %parallel_loop3A_344, %parallel_loop3A_364 : vector<16xi32>
      %parallel_loop3A_366 = arith.constant 651 : i32
      %parallel_loop3A_367 = vector.broadcast %parallel_loop3A_366 : i32 to vector<16xi32>
      %parallel_loop3A_368 = arith.addi %parallel_loop3A_344, %parallel_loop3A_367 : vector<16xi32>
      %parallel_loop3A_369 = tpu.vector_load_idx %arg11[%parallel_loop3A_347] : memref<32768xf32, #tpu.memory_space<vmem>>[vector<16xi32>], vector<16xf32>,
      %parallel_loop3A_370 = arith.constant 16384 : i32
      %parallel_loop3A_371 = tpu.memref_slice %arg11[%parallel_loop3A_370] : memref<32768xf32, #tpu.memory_space<vmem>> -> memref<16384xf32, #tpu.memory_space<vmem>>
      %parallel_loop3A_372 = tpu.vector_load_idx %parallel_loop3A_371[%parallel_loop3A_347] : memref<16384xf32, #tpu.memory_space<vmem>>[vector<16xi32>], vector<16xf32>,
      %parallel_loop3A_373 = tpu.vector_load_idx %arg11[%parallel_loop3A_350] : memref<32768xf32, #tpu.memory_space<vmem>>[vector<16xi32>], vector<16xf32>,
      %parallel_loop3A_374 = arith.constant 16384 : i32
      %parallel_loop3A_375 = tpu.memref_slice %arg11[%parallel_loop3A_374] : memref<32768xf32, #tpu.memory_space<vmem>> -> memref<16384xf32, #tpu.memory_space<vmem>>
      %parallel_loop3A_376 = tpu.vector_load_idx %parallel_loop3A_375[%parallel_loop3A_350] : memref<16384xf32, #tpu.memory_space<vmem>>[vector<16xi32>], vector<16xf32>,
      %parallel_loop3A_377 = tpu.vector_load_idx %arg11[%parallel_loop3A_353] : memref<32768xf32, #tpu.memory_space<vmem>>[vector<16xi32>], vector<16xf32>,
      %parallel_loop3A_378 = arith.constant 16384 : i32
      %parallel_loop3A_379 = tpu.memref_slice %arg11[%parallel_loop3A_378] : memref<32768xf32, #tpu.memory_space<vmem>> -> memref<16384xf32, #tpu.memory_space<vmem>>
      %parallel_loop3A_380 = tpu.vector_load_idx %parallel_loop3A_379[%parallel_loop3A_353] : memref<16384xf32, #tpu.memory_space<vmem>>[vector<16xi32>], vector<16xf32>,
      %parallel_loop3A_381 = tpu.vector_load_idx %arg11[%parallel_loop3A_356] : memref<32768xf32, #tpu.memory_space<vmem>>[vector<16xi32>], vector<16xf32>,
      %parallel_loop3A_382 = arith.constant 16384 : i32
      %parallel_loop3A_383 = tpu.memref_slice %arg11[%parallel_loop3A_382] : memref<32768xf32, #tpu.memory_space<vmem>> -> memref<16384xf32, #tpu.memory_space<vmem>>
      %parallel_loop3A_384 = tpu.vector_load_idx %parallel_loop3A_383[%parallel_loop3A_356] : memref<16384xf32, #tpu.memory_space<vmem>>[vector<16xi32>], vector<16xf32>,
      %parallel_loop3A_385 = tpu.vector_load_idx %arg11[%parallel_loop3A_359] : memref<32768xf32, #tpu.memory_space<vmem>>[vector<16xi32>], vector<16xf32>,
      %parallel_loop3A_386 = arith.constant 16384 : i32
      %parallel_loop3A_387 = tpu.memref_slice %arg11[%parallel_loop3A_386] : memref<32768xf32, #tpu.memory_space<vmem>> -> memref<16384xf32, #tpu.memory_space<vmem>>
      %parallel_loop3A_388 = tpu.vector_load_idx %parallel_loop3A_387[%parallel_loop3A_359] : memref<16384xf32, #tpu.memory_space<vmem>>[vector<16xi32>], vector<16xf32>,
      %parallel_loop3A_389 = tpu.vector_load_idx %arg11[%parallel_loop3A_362] : memref<32768xf32, #tpu.memory_space<vmem>>[vector<16xi32>], vector<16xf32>,
      %parallel_loop3A_390 = arith.constant 16384 : i32
      %parallel_loop3A_391 = tpu.memref_slice %arg11[%parallel_loop3A_390] : memref<32768xf32, #tpu.memory_space<vmem>> -> memref<16384xf32, #tpu.memory_space<vmem>>
      %parallel_loop3A_392 = tpu.vector_load_idx %parallel_loop3A_391[%parallel_loop3A_362] : memref<16384xf32, #tpu.memory_space<vmem>>[vector<16xi32>], vector<16xf32>,
      %parallel_loop3A_393 = tpu.vector_load_idx %arg11[%parallel_loop3A_365] : memref<32768xf32, #tpu.memory_space<vmem>>[vector<16xi32>], vector<16xf32>,
      %parallel_loop3A_394 = arith.constant 16384 : i32
      %parallel_loop3A_395 = tpu.memref_slice %arg11[%parallel_loop3A_394] : memref<32768xf32, #tpu.memory_space<vmem>> -> memref<16384xf32, #tpu.memory_space<vmem>>
      %parallel_loop3A_396 = tpu.vector_load_idx %parallel_loop3A_395[%parallel_loop3A_365] : memref<16384xf32, #tpu.memory_space<vmem>>[vector<16xi32>], vector<16xf32>,
      %parallel_loop3A_397 = tpu.vector_load_idx %arg11[%parallel_loop3A_368] : memref<32768xf32, #tpu.memory_space<vmem>>[vector<16xi32>], vector<16xf32>,
      %parallel_loop3A_398 = arith.constant 16384 : i32
      %parallel_loop3A_399 = tpu.memref_slice %arg11[%parallel_loop3A_398] : memref<32768xf32, #tpu.memory_space<vmem>> -> memref<16384xf32, #tpu.memory_space<vmem>>
      %parallel_loop3A_400 = tpu.vector_load_idx %parallel_loop3A_399[%parallel_loop3A_368] : memref<16384xf32, #tpu.memory_space<vmem>>[vector<16xi32>], vector<16xf32>,
      %parallel_loop3A_401 = arith.subf %parallel_loop3A_373, %parallel_loop3A_369 : vector<16xf32>
      %parallel_loop3A_402 = arith.mulf %parallel_loop3A_336, %parallel_loop3A_401 : vector<16xf32>
      %parallel_loop3A_403 = arith.addf %parallel_loop3A_369, %parallel_loop3A_402 : vector<16xf32>
      %parallel_loop3A_404 = arith.subf %parallel_loop3A_381, %parallel_loop3A_377 : vector<16xf32>
      %parallel_loop3A_405 = arith.mulf %parallel_loop3A_336, %parallel_loop3A_404 : vector<16xf32>
      %parallel_loop3A_406 = arith.addf %parallel_loop3A_377, %parallel_loop3A_405 : vector<16xf32>
      %parallel_loop3A_407 = arith.subf %parallel_loop3A_389, %parallel_loop3A_385 : vector<16xf32>
      %parallel_loop3A_408 = arith.mulf %parallel_loop3A_336, %parallel_loop3A_407 : vector<16xf32>
      %parallel_loop3A_409 = arith.addf %parallel_loop3A_385, %parallel_loop3A_408 : vector<16xf32>
      %parallel_loop3A_410 = arith.subf %parallel_loop3A_397, %parallel_loop3A_393 : vector<16xf32>
      %parallel_loop3A_411 = arith.mulf %parallel_loop3A_336, %parallel_loop3A_410 : vector<16xf32>
      %parallel_loop3A_412 = arith.addf %parallel_loop3A_393, %parallel_loop3A_411 : vector<16xf32>
      %parallel_loop3A_413 = arith.subf %parallel_loop3A_376, %parallel_loop3A_372 : vector<16xf32>
      %parallel_loop3A_414 = arith.mulf %parallel_loop3A_336, %parallel_loop3A_413 : vector<16xf32>
      %parallel_loop3A_415 = arith.addf %parallel_loop3A_372, %parallel_loop3A_414 : vector<16xf32>
      %parallel_loop3A_416 = arith.subf %parallel_loop3A_384, %parallel_loop3A_380 : vector<16xf32>
      %parallel_loop3A_417 = arith.mulf %parallel_loop3A_336, %parallel_loop3A_416 : vector<16xf32>
      %parallel_loop3A_418 = arith.addf %parallel_loop3A_380, %parallel_loop3A_417 : vector<16xf32>
      %parallel_loop3A_419 = arith.subf %parallel_loop3A_392, %parallel_loop3A_388 : vector<16xf32>
      %parallel_loop3A_420 = arith.mulf %parallel_loop3A_336, %parallel_loop3A_419 : vector<16xf32>
      %parallel_loop3A_421 = arith.addf %parallel_loop3A_388, %parallel_loop3A_420 : vector<16xf32>
      %parallel_loop3A_422 = arith.subf %parallel_loop3A_400, %parallel_loop3A_396 : vector<16xf32>
      %parallel_loop3A_423 = arith.mulf %parallel_loop3A_336, %parallel_loop3A_422 : vector<16xf32>
      %parallel_loop3A_424 = arith.addf %parallel_loop3A_396, %parallel_loop3A_423 : vector<16xf32>
      %parallel_loop3A_425 = arith.subf %parallel_loop3A_406, %parallel_loop3A_403 : vector<16xf32>
      %parallel_loop3A_426 = arith.mulf %parallel_loop3A_334, %parallel_loop3A_425 : vector<16xf32>
      %parallel_loop3A_427 = arith.addf %parallel_loop3A_403, %parallel_loop3A_426 : vector<16xf32>
      %parallel_loop3A_428 = arith.subf %parallel_loop3A_412, %parallel_loop3A_409 : vector<16xf32>
      %parallel_loop3A_429 = arith.mulf %parallel_loop3A_334, %parallel_loop3A_428 : vector<16xf32>
      %parallel_loop3A_430 = arith.addf %parallel_loop3A_409, %parallel_loop3A_429 : vector<16xf32>
      %parallel_loop3A_431 = arith.subf %parallel_loop3A_418, %parallel_loop3A_415 : vector<16xf32>
      %parallel_loop3A_432 = arith.mulf %parallel_loop3A_334, %parallel_loop3A_431 : vector<16xf32>
      %parallel_loop3A_433 = arith.addf %parallel_loop3A_415, %parallel_loop3A_432 : vector<16xf32>
      %parallel_loop3A_434 = arith.subf %parallel_loop3A_424, %parallel_loop3A_421 : vector<16xf32>
      %parallel_loop3A_435 = arith.mulf %parallel_loop3A_334, %parallel_loop3A_434 : vector<16xf32>
      %parallel_loop3A_436 = arith.addf %parallel_loop3A_421, %parallel_loop3A_435 : vector<16xf32>
      %parallel_loop3A_437 = arith.subf %parallel_loop3A_430, %parallel_loop3A_427 : vector<16xf32>
      %parallel_loop3A_438 = arith.mulf %parallel_loop3A_332, %parallel_loop3A_437 : vector<16xf32>
      %parallel_loop3A_439 = arith.addf %parallel_loop3A_427, %parallel_loop3A_438 : vector<16xf32>
      %parallel_loop3A_440 = arith.constant 0 : i32
      %parallel_loop3A_441 = arith.index_cast %parallel_loop3A_440 : i32 to index
      %parallel_loop3A_442 = arith.index_cast %parallel_loop3A_312 : i32 to index
      %parallel_loop3A_443 = tpu.vector_load %arg13[%parallel_loop3A_441, %parallel_loop3A_442] {strides = array<i32>} : memref<2x8192xf32, #tpu.memory_space<vmem>>, vector<16xf32>,
      tpu.vector_store %arg13[%parallel_loop3A_441, %parallel_loop3A_442], %parallel_loop3A_439 {strides = array<i32>} : memref<2x8192xf32, #tpu.memory_space<vmem>>, vector<16xf32>,
      %parallel_loop3A_444 = arith.subf %parallel_loop3A_436, %parallel_loop3A_433 : vector<16xf32>
      %parallel_loop3A_445 = arith.mulf %parallel_loop3A_332, %parallel_loop3A_444 : vector<16xf32>
      %parallel_loop3A_446 = arith.addf %parallel_loop3A_433, %parallel_loop3A_445 : vector<16xf32>
      %parallel_loop3A_447 = arith.constant 1 : i32
      %parallel_loop3A_448 = arith.index_cast %parallel_loop3A_447 : i32 to index
      %parallel_loop3A_449 = arith.index_cast %parallel_loop3A_312 : i32 to index
      %parallel_loop3A_450 = tpu.vector_load %arg13[%parallel_loop3A_448, %parallel_loop3A_449] {strides = array<i32>} : memref<2x8192xf32, #tpu.memory_space<vmem>>, vector<16xf32>,
      tpu.vector_store %arg13[%parallel_loop3A_448, %parallel_loop3A_449], %parallel_loop3A_446 {strides = array<i32>} : memref<2x8192xf32, #tpu.memory_space<vmem>>, vector<16xf32>,
    } {sc.loop_unroll_factor = 1 : i64, sc.parallel_access}
    %dma_start3A_48 = arith.constant 1 : i32
    %dma_start3A_49 = arith.constant 2 : i32
    %dma_start3A_50 = tpu.memref_slice %arg6[%dma_start3A_49, %mul3A_2] : memref<20x262144xf32, #tpu.memory_space<hbm>> -> memref<2x8192xf32, #tpu.memory_space<hbm>>
    %dma_start3A_51 = tpu.memref_slice %arg15[%dma_start3A_48] : memref<2x!tpu.dma_semaphore, #tpu.memory_space<semaphore_mem>> -> memref<1x!tpu.dma_semaphore, #tpu.memory_space<semaphore_mem>>
    %dma_start3A_52 = tpu.memref_squeeze %dma_start3A_51 : memref<1x!tpu.dma_semaphore, #tpu.memory_space<semaphore_mem>> -> memref<!tpu.dma_semaphore, #tpu.memory_space<semaphore_mem>>
    %dma_start3A_53 = arith.constant 2 : i32
    %dma_start3A_54 = tpu.memref_slice %arg6[%dma_start3A_53, %mul3A_2] : memref<20x262144xf32, #tpu.memory_space<hbm>> -> memref<2x8192xf32, #tpu.memory_space<hbm>>
    tpu.enqueue_dma source(%arg13 : memref<2x8192xf32, #tpu.memory_space<vmem>>) target(%dma_start3A_54 : memref<2x8192xf32, #tpu.memory_space<hbm>>) target_semaphore(%dma_start3A_52 : memref<!tpu.dma_semaphore, #tpu.memory_space<semaphore_mem>>)
    %dma_start3A_55 = arith.constant 1 : i32
    %dma_start3A_56 = arith.constant 98304 : i32
    %dma_start3A_57 = tpu.memref_slice %arg5[%dma_start3A_56] : memref<327680xf32, #tpu.memory_space<hbm>> -> memref<32768xf32, #tpu.memory_space<hbm>>
    %dma_start3A_58 = tpu.memref_slice %arg14[%dma_start3A_55] : memref<2x!tpu.dma_semaphore, #tpu.memory_space<semaphore_mem>> -> memref<1x!tpu.dma_semaphore, #tpu.memory_space<semaphore_mem>>
    %dma_start3A_59 = tpu.memref_squeeze %dma_start3A_58 : memref<1x!tpu.dma_semaphore, #tpu.memory_space<semaphore_mem>> -> memref<!tpu.dma_semaphore, #tpu.memory_space<semaphore_mem>>
    %dma_start3A_60 = arith.constant 98304 : i32
    %dma_start3A_61 = tpu.memref_slice %arg5[%dma_start3A_60] : memref<327680xf32, #tpu.memory_space<hbm>> -> memref<32768xf32, #tpu.memory_space<hbm>>
    tpu.enqueue_dma source(%dma_start3A_61 : memref<32768xf32, #tpu.memory_space<hbm>>) target(%arg11 : memref<32768xf32, #tpu.memory_space<vmem>>) target_semaphore(%dma_start3A_59 : memref<!tpu.dma_semaphore, #tpu.memory_space<semaphore_mem>>)
    %dma_wait3A_62 = arith.constant 0 : i32
    %dma_wait3A_63 = arith.constant 65536 : i32
    %dma_wait3A_64 = tpu.memref_slice %arg5[%dma_wait3A_63] : memref<327680xf32, #tpu.memory_space<hbm>> -> memref<32768xf32, #tpu.memory_space<hbm>>
    %dma_wait3A_65 = tpu.memref_slice %arg14[%dma_wait3A_62] : memref<2x!tpu.dma_semaphore, #tpu.memory_space<semaphore_mem>> -> memref<1x!tpu.dma_semaphore, #tpu.memory_space<semaphore_mem>>
    %dma_wait3A_66 = tpu.memref_squeeze %dma_wait3A_65 : memref<1x!tpu.dma_semaphore, #tpu.memory_space<semaphore_mem>> -> memref<!tpu.dma_semaphore, #tpu.memory_space<semaphore_mem>>
    %dma_wait3A_67 = arith.constant 65536 : i32
    %dma_wait3A_68 = tpu.memref_slice %arg5[%dma_wait3A_67] : memref<327680xf32, #tpu.memory_space<hbm>> -> memref<32768xf32, #tpu.memory_space<hbm>>
    tpu.wait_dma2 semaphore(%dma_wait3A_66 : memref<!tpu.dma_semaphore, #tpu.memory_space<semaphore_mem>>) src(%dma_wait3A_68 : memref<32768xf32, #tpu.memory_space<hbm>>) dst(%arg10 : memref<32768xf32, #tpu.memory_space<vmem>>)
    %dma_wait3A_69 = arith.constant 0 : i32
    %dma_wait3A_70 = arith.constant 0 : i32
    %dma_wait3A_71 = tpu.memref_slice %arg6[%dma_wait3A_70, %mul3A_2] : memref<20x262144xf32, #tpu.memory_space<hbm>> -> memref<2x8192xf32, #tpu.memory_space<hbm>>
    %dma_wait3A_72 = tpu.memref_slice %arg15[%dma_wait3A_69] : memref<2x!tpu.dma_semaphore, #tpu.memory_space<semaphore_mem>> -> memref<1x!tpu.dma_semaphore, #tpu.memory_space<semaphore_mem>>
    %dma_wait3A_73 = tpu.memref_squeeze %dma_wait3A_72 : memref<1x!tpu.dma_semaphore, #tpu.memory_space<semaphore_mem>> -> memref<!tpu.dma_semaphore, #tpu.memory_space<semaphore_mem>>
    %dma_wait3A_74 = arith.constant 0 : i32
    %dma_wait3A_75 = tpu.memref_slice %arg6[%dma_wait3A_74, %mul3A_2] : memref<20x262144xf32, #tpu.memory_space<hbm>> -> memref<2x8192xf32, #tpu.memory_space<hbm>>
    tpu.wait_dma2 semaphore(%dma_wait3A_73 : memref<!tpu.dma_semaphore, #tpu.memory_space<semaphore_mem>>) src(%arg12 : memref<2x8192xf32, #tpu.memory_space<vmem>>) dst(%dma_wait3A_75 : memref<2x8192xf32, #tpu.memory_space<hbm>>)
    %parallel_loop3A_76 = arith.constant 0 : i32
    %parallel_loop3A_77 = arith.constant 512 : i32
    %parallel_loop3A_78 = arith.constant 1 : i32
    scf.for %parallel_loop3A_310 = %parallel_loop3A_76 to %parallel_loop3A_77 step %parallel_loop3A_78  : i32 {
      %parallel_loop3A_311 = arith.constant 16 : i32
      %parallel_loop3A_312 = arith.muli %parallel_loop3A_310, %parallel_loop3A_311 : i32
      %parallel_loop3A_313 = arith.index_cast %parallel_loop3A_312 : i32 to index
      %parallel_loop3A_314 = tpu.vector_load %arg7[%parallel_loop3A_313] {strides = array<i32>} : memref<8192xf32, #tpu.memory_space<vmem>>, vector<16xf32>,
      %parallel_loop3A_315 = arith.index_cast %parallel_loop3A_312 : i32 to index
      %parallel_loop3A_316 = tpu.vector_load %arg8[%parallel_loop3A_315] {strides = array<i32>} : memref<8192xf32, #tpu.memory_space<vmem>>, vector<16xf32>,
      %parallel_loop3A_317 = arith.index_cast %parallel_loop3A_312 : i32 to index
      %parallel_loop3A_318 = tpu.vector_load %arg9[%parallel_loop3A_317] {strides = array<i32>} : memref<8192xf32, #tpu.memory_space<vmem>>, vector<16xf32>,
      %parallel_loop3A_319 = arith.constant 3.600000e+01 : f32
      %parallel_loop3A_320 = vector.broadcast %parallel_loop3A_319 : f32 to vector<16xf32>
      %parallel_loop3A_321 = arith.mulf %parallel_loop3A_314, %parallel_loop3A_320 : vector<16xf32>
      %parallel_loop3A_322 = arith.constant 3.600000e+01 : f32
      %parallel_loop3A_323 = vector.broadcast %parallel_loop3A_322 : f32 to vector<16xf32>
      %parallel_loop3A_324 = arith.mulf %parallel_loop3A_316, %parallel_loop3A_323 : vector<16xf32>
      %parallel_loop3A_325 = arith.constant 3.600000e+01 : f32
      %parallel_loop3A_326 = vector.broadcast %parallel_loop3A_325 : f32 to vector<16xf32>
      %parallel_loop3A_327 = arith.mulf %parallel_loop3A_318, %parallel_loop3A_326 : vector<16xf32>
      %parallel_loop3A_328 = arith.fptosi %parallel_loop3A_321 : vector<16xf32> to vector<16xi32>
      %parallel_loop3A_329 = arith.fptosi %parallel_loop3A_324 : vector<16xf32> to vector<16xi32>
      %parallel_loop3A_330 = arith.fptosi %parallel_loop3A_327 : vector<16xf32> to vector<16xi32>
      %parallel_loop3A_331 = arith.sitofp %parallel_loop3A_328 : vector<16xi32> to vector<16xf32>
      %parallel_loop3A_332 = arith.subf %parallel_loop3A_321, %parallel_loop3A_331 : vector<16xf32>
      %parallel_loop3A_333 = arith.sitofp %parallel_loop3A_329 : vector<16xi32> to vector<16xf32>
      %parallel_loop3A_334 = arith.subf %parallel_loop3A_324, %parallel_loop3A_333 : vector<16xf32>
      %parallel_loop3A_335 = arith.sitofp %parallel_loop3A_330 : vector<16xi32> to vector<16xf32>
      %parallel_loop3A_336 = arith.subf %parallel_loop3A_327, %parallel_loop3A_335 : vector<16xf32>
      %parallel_loop3A_337 = arith.constant 1 : i32
      %parallel_loop3A_338 = vector.broadcast %parallel_loop3A_337 : i32 to vector<16xi32>
      %parallel_loop3A_339 = arith.addi %parallel_loop3A_328, %parallel_loop3A_338 : vector<16xi32>
      %parallel_loop3A_340 = arith.constant -1640531535 : i32
      %parallel_loop3A_341 = vector.broadcast %parallel_loop3A_340 : i32 to vector<16xi32>
      %parallel_loop3A_342 = arith.muli %parallel_loop3A_329, %parallel_loop3A_341 : vector<16xi32>
      %parallel_loop3A_343 = arith.constant -1640531535 : i32
      %parallel_loop3A_344 = vector.broadcast %parallel_loop3A_343 : i32 to vector<16xi32>
      %parallel_loop3A_345 = arith.addi %parallel_loop3A_342, %parallel_loop3A_344 : vector<16xi32>
      %parallel_loop3A_346 = arith.constant 805459861 : i32
      %parallel_loop3A_347 = vector.broadcast %parallel_loop3A_346 : i32 to vector<16xi32>
      %parallel_loop3A_348 = arith.muli %parallel_loop3A_330, %parallel_loop3A_347 : vector<16xi32>
      %parallel_loop3A_349 = arith.constant 805459861 : i32
      %parallel_loop3A_350 = vector.broadcast %parallel_loop3A_349 : i32 to vector<16xi32>
      %parallel_loop3A_351 = arith.addi %parallel_loop3A_348, %parallel_loop3A_350 : vector<16xi32>
      %parallel_loop3A_352 = arith.xori %parallel_loop3A_328, %parallel_loop3A_342 : vector<16xi32>
      %parallel_loop3A_353 = arith.xori %parallel_loop3A_352, %parallel_loop3A_348 : vector<16xi32>
      %parallel_loop3A_354 = arith.constant 16383 : i32
      %parallel_loop3A_355 = vector.broadcast %parallel_loop3A_354 : i32 to vector<16xi32>
      %parallel_loop3A_356 = arith.andi %parallel_loop3A_353, %parallel_loop3A_355 : vector<16xi32>
      %parallel_loop3A_357 = arith.xori %parallel_loop3A_328, %parallel_loop3A_342 : vector<16xi32>
      %parallel_loop3A_358 = arith.xori %parallel_loop3A_357, %parallel_loop3A_351 : vector<16xi32>
      %parallel_loop3A_359 = arith.constant 16383 : i32
      %parallel_loop3A_360 = vector.broadcast %parallel_loop3A_359 : i32 to vector<16xi32>
      %parallel_loop3A_361 = arith.andi %parallel_loop3A_358, %parallel_loop3A_360 : vector<16xi32>
      %parallel_loop3A_362 = arith.xori %parallel_loop3A_328, %parallel_loop3A_345 : vector<16xi32>
      %parallel_loop3A_363 = arith.xori %parallel_loop3A_362, %parallel_loop3A_348 : vector<16xi32>
      %parallel_loop3A_364 = arith.constant 16383 : i32
      %parallel_loop3A_365 = vector.broadcast %parallel_loop3A_364 : i32 to vector<16xi32>
      %parallel_loop3A_366 = arith.andi %parallel_loop3A_363, %parallel_loop3A_365 : vector<16xi32>
      %parallel_loop3A_367 = arith.xori %parallel_loop3A_328, %parallel_loop3A_345 : vector<16xi32>
      %parallel_loop3A_368 = arith.xori %parallel_loop3A_367, %parallel_loop3A_351 : vector<16xi32>
      %parallel_loop3A_369 = arith.constant 16383 : i32
      %parallel_loop3A_370 = vector.broadcast %parallel_loop3A_369 : i32 to vector<16xi32>
      %parallel_loop3A_371 = arith.andi %parallel_loop3A_368, %parallel_loop3A_370 : vector<16xi32>
      %parallel_loop3A_372 = arith.xori %parallel_loop3A_339, %parallel_loop3A_342 : vector<16xi32>
      %parallel_loop3A_373 = arith.xori %parallel_loop3A_372, %parallel_loop3A_348 : vector<16xi32>
      %parallel_loop3A_374 = arith.constant 16383 : i32
      %parallel_loop3A_375 = vector.broadcast %parallel_loop3A_374 : i32 to vector<16xi32>
      %parallel_loop3A_376 = arith.andi %parallel_loop3A_373, %parallel_loop3A_375 : vector<16xi32>
      %parallel_loop3A_377 = arith.xori %parallel_loop3A_339, %parallel_loop3A_342 : vector<16xi32>
      %parallel_loop3A_378 = arith.xori %parallel_loop3A_377, %parallel_loop3A_351 : vector<16xi32>
      %parallel_loop3A_379 = arith.constant 16383 : i32
      %parallel_loop3A_380 = vector.broadcast %parallel_loop3A_379 : i32 to vector<16xi32>
      %parallel_loop3A_381 = arith.andi %parallel_loop3A_378, %parallel_loop3A_380 : vector<16xi32>
      %parallel_loop3A_382 = arith.xori %parallel_loop3A_339, %parallel_loop3A_345 : vector<16xi32>
      %parallel_loop3A_383 = arith.xori %parallel_loop3A_382, %parallel_loop3A_348 : vector<16xi32>
      %parallel_loop3A_384 = arith.constant 16383 : i32
      %parallel_loop3A_385 = vector.broadcast %parallel_loop3A_384 : i32 to vector<16xi32>
      %parallel_loop3A_386 = arith.andi %parallel_loop3A_383, %parallel_loop3A_385 : vector<16xi32>
      %parallel_loop3A_387 = arith.xori %parallel_loop3A_339, %parallel_loop3A_345 : vector<16xi32>
      %parallel_loop3A_388 = arith.xori %parallel_loop3A_387, %parallel_loop3A_351 : vector<16xi32>
      %parallel_loop3A_389 = arith.constant 16383 : i32
      %parallel_loop3A_390 = vector.broadcast %parallel_loop3A_389 : i32 to vector<16xi32>
      %parallel_loop3A_391 = arith.andi %parallel_loop3A_388, %parallel_loop3A_390 : vector<16xi32>
      %parallel_loop3A_392 = tpu.vector_load_idx %arg10[%parallel_loop3A_356] : memref<32768xf32, #tpu.memory_space<vmem>>[vector<16xi32>], vector<16xf32>,
      %parallel_loop3A_393 = arith.constant 16384 : i32
      %parallel_loop3A_394 = tpu.memref_slice %arg10[%parallel_loop3A_393] : memref<32768xf32, #tpu.memory_space<vmem>> -> memref<16384xf32, #tpu.memory_space<vmem>>
      %parallel_loop3A_395 = tpu.vector_load_idx %parallel_loop3A_394[%parallel_loop3A_356] : memref<16384xf32, #tpu.memory_space<vmem>>[vector<16xi32>], vector<16xf32>,
      %parallel_loop3A_396 = tpu.vector_load_idx %arg10[%parallel_loop3A_361] : memref<32768xf32, #tpu.memory_space<vmem>>[vector<16xi32>], vector<16xf32>,
      %parallel_loop3A_397 = arith.constant 16384 : i32
      %parallel_loop3A_398 = tpu.memref_slice %arg10[%parallel_loop3A_397] : memref<32768xf32, #tpu.memory_space<vmem>> -> memref<16384xf32, #tpu.memory_space<vmem>>
      %parallel_loop3A_399 = tpu.vector_load_idx %parallel_loop3A_398[%parallel_loop3A_361] : memref<16384xf32, #tpu.memory_space<vmem>>[vector<16xi32>], vector<16xf32>,
      %parallel_loop3A_400 = tpu.vector_load_idx %arg10[%parallel_loop3A_366] : memref<32768xf32, #tpu.memory_space<vmem>>[vector<16xi32>], vector<16xf32>,
      %parallel_loop3A_401 = arith.constant 16384 : i32
      %parallel_loop3A_402 = tpu.memref_slice %arg10[%parallel_loop3A_401] : memref<32768xf32, #tpu.memory_space<vmem>> -> memref<16384xf32, #tpu.memory_space<vmem>>
      %parallel_loop3A_403 = tpu.vector_load_idx %parallel_loop3A_402[%parallel_loop3A_366] : memref<16384xf32, #tpu.memory_space<vmem>>[vector<16xi32>], vector<16xf32>,
      %parallel_loop3A_404 = tpu.vector_load_idx %arg10[%parallel_loop3A_371] : memref<32768xf32, #tpu.memory_space<vmem>>[vector<16xi32>], vector<16xf32>,
      %parallel_loop3A_405 = arith.constant 16384 : i32
      %parallel_loop3A_406 = tpu.memref_slice %arg10[%parallel_loop3A_405] : memref<32768xf32, #tpu.memory_space<vmem>> -> memref<16384xf32, #tpu.memory_space<vmem>>
      %parallel_loop3A_407 = tpu.vector_load_idx %parallel_loop3A_406[%parallel_loop3A_371] : memref<16384xf32, #tpu.memory_space<vmem>>[vector<16xi32>], vector<16xf32>,
      %parallel_loop3A_408 = tpu.vector_load_idx %arg10[%parallel_loop3A_376] : memref<32768xf32, #tpu.memory_space<vmem>>[vector<16xi32>], vector<16xf32>,
      %parallel_loop3A_409 = arith.constant 16384 : i32
      %parallel_loop3A_410 = tpu.memref_slice %arg10[%parallel_loop3A_409] : memref<32768xf32, #tpu.memory_space<vmem>> -> memref<16384xf32, #tpu.memory_space<vmem>>
      %parallel_loop3A_411 = tpu.vector_load_idx %parallel_loop3A_410[%parallel_loop3A_376] : memref<16384xf32, #tpu.memory_space<vmem>>[vector<16xi32>], vector<16xf32>,
      %parallel_loop3A_412 = tpu.vector_load_idx %arg10[%parallel_loop3A_381] : memref<32768xf32, #tpu.memory_space<vmem>>[vector<16xi32>], vector<16xf32>,
      %parallel_loop3A_413 = arith.constant 16384 : i32
      %parallel_loop3A_414 = tpu.memref_slice %arg10[%parallel_loop3A_413] : memref<32768xf32, #tpu.memory_space<vmem>> -> memref<16384xf32, #tpu.memory_space<vmem>>
      %parallel_loop3A_415 = tpu.vector_load_idx %parallel_loop3A_414[%parallel_loop3A_381] : memref<16384xf32, #tpu.memory_space<vmem>>[vector<16xi32>], vector<16xf32>,
      %parallel_loop3A_416 = tpu.vector_load_idx %arg10[%parallel_loop3A_386] : memref<32768xf32, #tpu.memory_space<vmem>>[vector<16xi32>], vector<16xf32>,
      %parallel_loop3A_417 = arith.constant 16384 : i32
      %parallel_loop3A_418 = tpu.memref_slice %arg10[%parallel_loop3A_417] : memref<32768xf32, #tpu.memory_space<vmem>> -> memref<16384xf32, #tpu.memory_space<vmem>>
      %parallel_loop3A_419 = tpu.vector_load_idx %parallel_loop3A_418[%parallel_loop3A_386] : memref<16384xf32, #tpu.memory_space<vmem>>[vector<16xi32>], vector<16xf32>,
      %parallel_loop3A_420 = tpu.vector_load_idx %arg10[%parallel_loop3A_391] : memref<32768xf32, #tpu.memory_space<vmem>>[vector<16xi32>], vector<16xf32>,
      %parallel_loop3A_421 = arith.constant 16384 : i32
      %parallel_loop3A_422 = tpu.memref_slice %arg10[%parallel_loop3A_421] : memref<32768xf32, #tpu.memory_space<vmem>> -> memref<16384xf32, #tpu.memory_space<vmem>>
      %parallel_loop3A_423 = tpu.vector_load_idx %parallel_loop3A_422[%parallel_loop3A_391] : memref<16384xf32, #tpu.memory_space<vmem>>[vector<16xi32>], vector<16xf32>,
      %parallel_loop3A_424 = arith.subf %parallel_loop3A_396, %parallel_loop3A_392 : vector<16xf32>
      %parallel_loop3A_425 = arith.mulf %parallel_loop3A_336, %parallel_loop3A_424 : vector<16xf32>
      %parallel_loop3A_426 = arith.addf %parallel_loop3A_392, %parallel_loop3A_425 : vector<16xf32>
      %parallel_loop3A_427 = arith.subf %parallel_loop3A_404, %parallel_loop3A_400 : vector<16xf32>
      %parallel_loop3A_428 = arith.mulf %parallel_loop3A_336, %parallel_loop3A_427 : vector<16xf32>
      %parallel_loop3A_429 = arith.addf %parallel_loop3A_400, %parallel_loop3A_428 : vector<16xf32>
      %parallel_loop3A_430 = arith.subf %parallel_loop3A_412, %parallel_loop3A_408 : vector<16xf32>
      %parallel_loop3A_431 = arith.mulf %parallel_loop3A_336, %parallel_loop3A_430 : vector<16xf32>
      %parallel_loop3A_432 = arith.addf %parallel_loop3A_408, %parallel_loop3A_431 : vector<16xf32>
      %parallel_loop3A_433 = arith.subf %parallel_loop3A_420, %parallel_loop3A_416 : vector<16xf32>
      %parallel_loop3A_434 = arith.mulf %parallel_loop3A_336, %parallel_loop3A_433 : vector<16xf32>
      %parallel_loop3A_435 = arith.addf %parallel_loop3A_416, %parallel_loop3A_434 : vector<16xf32>
      %parallel_loop3A_436 = arith.subf %parallel_loop3A_399, %parallel_loop3A_395 : vector<16xf32>
      %parallel_loop3A_437 = arith.mulf %parallel_loop3A_336, %parallel_loop3A_436 : vector<16xf32>
      %parallel_loop3A_438 = arith.addf %parallel_loop3A_395, %parallel_loop3A_437 : vector<16xf32>
      %parallel_loop3A_439 = arith.subf %parallel_loop3A_407, %parallel_loop3A_403 : vector<16xf32>
      %parallel_loop3A_440 = arith.mulf %parallel_loop3A_336, %parallel_loop3A_439 : vector<16xf32>
      %parallel_loop3A_441 = arith.addf %parallel_loop3A_403, %parallel_loop3A_440 : vector<16xf32>
      %parallel_loop3A_442 = arith.subf %parallel_loop3A_415, %parallel_loop3A_411 : vector<16xf32>
      %parallel_loop3A_443 = arith.mulf %parallel_loop3A_336, %parallel_loop3A_442 : vector<16xf32>
      %parallel_loop3A_444 = arith.addf %parallel_loop3A_411, %parallel_loop3A_443 : vector<16xf32>
      %parallel_loop3A_445 = arith.subf %parallel_loop3A_423, %parallel_loop3A_419 : vector<16xf32>
      %parallel_loop3A_446 = arith.mulf %parallel_loop3A_336, %parallel_loop3A_445 : vector<16xf32>
      %parallel_loop3A_447 = arith.addf %parallel_loop3A_419, %parallel_loop3A_446 : vector<16xf32>
      %parallel_loop3A_448 = arith.subf %parallel_loop3A_429, %parallel_loop3A_426 : vector<16xf32>
      %parallel_loop3A_449 = arith.mulf %parallel_loop3A_334, %parallel_loop3A_448 : vector<16xf32>
      %parallel_loop3A_450 = arith.addf %parallel_loop3A_426, %parallel_loop3A_449 : vector<16xf32>
      %parallel_loop3A_451 = arith.subf %parallel_loop3A_435, %parallel_loop3A_432 : vector<16xf32>
      %parallel_loop3A_452 = arith.mulf %parallel_loop3A_334, %parallel_loop3A_451 : vector<16xf32>
      %parallel_loop3A_453 = arith.addf %parallel_loop3A_432, %parallel_loop3A_452 : vector<16xf32>
      %parallel_loop3A_454 = arith.subf %parallel_loop3A_441, %parallel_loop3A_438 : vector<16xf32>
      %parallel_loop3A_455 = arith.mulf %parallel_loop3A_334, %parallel_loop3A_454 : vector<16xf32>
      %parallel_loop3A_456 = arith.addf %parallel_loop3A_438, %parallel_loop3A_455 : vector<16xf32>
      %parallel_loop3A_457 = arith.subf %parallel_loop3A_447, %parallel_loop3A_444 : vector<16xf32>
      %parallel_loop3A_458 = arith.mulf %parallel_loop3A_334, %parallel_loop3A_457 : vector<16xf32>
      %parallel_loop3A_459 = arith.addf %parallel_loop3A_444, %parallel_loop3A_458 : vector<16xf32>
      %parallel_loop3A_460 = arith.subf %parallel_loop3A_453, %parallel_loop3A_450 : vector<16xf32>
      %parallel_loop3A_461 = arith.mulf %parallel_loop3A_332, %parallel_loop3A_460 : vector<16xf32>
      %parallel_loop3A_462 = arith.addf %parallel_loop3A_450, %parallel_loop3A_461 : vector<16xf32>
      %parallel_loop3A_463 = arith.constant 0 : i32
      %parallel_loop3A_464 = arith.index_cast %parallel_loop3A_463 : i32 to index
      %parallel_loop3A_465 = arith.index_cast %parallel_loop3A_312 : i32 to index
      %parallel_loop3A_466 = tpu.vector_load %arg12[%parallel_loop3A_464, %parallel_loop3A_465] {strides = array<i32>} : memref<2x8192xf32, #tpu.memory_space<vmem>>, vector<16xf32>,
      tpu.vector_store %arg12[%parallel_loop3A_464, %parallel_loop3A_465], %parallel_loop3A_462 {strides = array<i32>} : memref<2x8192xf32, #tpu.memory_space<vmem>>, vector<16xf32>,
      %parallel_loop3A_467 = arith.subf %parallel_loop3A_459, %parallel_loop3A_456 : vector<16xf32>
      %parallel_loop3A_468 = arith.mulf %parallel_loop3A_332, %parallel_loop3A_467 : vector<16xf32>
      %parallel_loop3A_469 = arith.addf %parallel_loop3A_456, %parallel_loop3A_468 : vector<16xf32>
      %parallel_loop3A_470 = arith.constant 1 : i32
      %parallel_loop3A_471 = arith.index_cast %parallel_loop3A_470 : i32 to index
      %parallel_loop3A_472 = arith.index_cast %parallel_loop3A_312 : i32 to index
      %parallel_loop3A_473 = tpu.vector_load %arg12[%parallel_loop3A_471, %parallel_loop3A_472] {strides = array<i32>} : memref<2x8192xf32, #tpu.memory_space<vmem>>, vector<16xf32>,
      tpu.vector_store %arg12[%parallel_loop3A_471, %parallel_loop3A_472], %parallel_loop3A_469 {strides = array<i32>} : memref<2x8192xf32, #tpu.memory_space<vmem>>, vector<16xf32>,
    } {sc.loop_unroll_factor = 1 : i64, sc.parallel_access}
    %dma_start3A_79 = arith.constant 0 : i32
    %dma_start3A_80 = arith.constant 4 : i32
    %dma_start3A_81 = tpu.memref_slice %arg6[%dma_start3A_80, %mul3A_2] : memref<20x262144xf32, #tpu.memory_space<hbm>> -> memref<2x8192xf32, #tpu.memory_space<hbm>>
    %dma_start3A_82 = tpu.memref_slice %arg15[%dma_start3A_79] : memref<2x!tpu.dma_semaphore, #tpu.memory_space<semaphore_mem>> -> memref<1x!tpu.dma_semaphore, #tpu.memory_space<semaphore_mem>>
    %dma_start3A_83 = tpu.memref_squeeze %dma_start3A_82 : memref<1x!tpu.dma_semaphore, #tpu.memory_space<semaphore_mem>> -> memref<!tpu.dma_semaphore, #tpu.memory_space<semaphore_mem>>
    %dma_start3A_84 = arith.constant 4 : i32
    %dma_start3A_85 = tpu.memref_slice %arg6[%dma_start3A_84, %mul3A_2] : memref<20x262144xf32, #tpu.memory_space<hbm>> -> memref<2x8192xf32, #tpu.memory_space<hbm>>
    tpu.enqueue_dma source(%arg12 : memref<2x8192xf32, #tpu.memory_space<vmem>>) target(%dma_start3A_85 : memref<2x8192xf32, #tpu.memory_space<hbm>>) target_semaphore(%dma_start3A_83 : memref<!tpu.dma_semaphore, #tpu.memory_space<semaphore_mem>>)
    %dma_start3A_86 = arith.constant 0 : i32
    %dma_start3A_87 = arith.constant 131072 : i32
    %dma_start3A_88 = tpu.memref_slice %arg5[%dma_start3A_87] : memref<327680xf32, #tpu.memory_space<hbm>> -> memref<32768xf32, #tpu.memory_space<hbm>>
    %dma_start3A_89 = tpu.memref_slice %arg14[%dma_start3A_86] : memref<2x!tpu.dma_semaphore, #tpu.memory_space<semaphore_mem>> -> memref<1x!tpu.dma_semaphore, #tpu.memory_space<semaphore_mem>>
    %dma_start3A_90 = tpu.memref_squeeze %dma_start3A_89 : memref<1x!tpu.dma_semaphore, #tpu.memory_space<semaphore_mem>> -> memref<!tpu.dma_semaphore, #tpu.memory_space<semaphore_mem>>
    %dma_start3A_91 = arith.constant 131072 : i32
    %dma_start3A_92 = tpu.memref_slice %arg5[%dma_start3A_91] : memref<327680xf32, #tpu.memory_space<hbm>> -> memref<32768xf32, #tpu.memory_space<hbm>>
    tpu.enqueue_dma source(%dma_start3A_92 : memref<32768xf32, #tpu.memory_space<hbm>>) target(%arg10 : memref<32768xf32, #tpu.memory_space<vmem>>) target_semaphore(%dma_start3A_90 : memref<!tpu.dma_semaphore, #tpu.memory_space<semaphore_mem>>)
    %dma_wait3A_93 = arith.constant 1 : i32
    %dma_wait3A_94 = arith.constant 98304 : i32
    %dma_wait3A_95 = tpu.memref_slice %arg5[%dma_wait3A_94] : memref<327680xf32, #tpu.memory_space<hbm>> -> memref<32768xf32, #tpu.memory_space<hbm>>
    %dma_wait3A_96 = tpu.memref_slice %arg14[%dma_wait3A_93] : memref<2x!tpu.dma_semaphore, #tpu.memory_space<semaphore_mem>> -> memref<1x!tpu.dma_semaphore, #tpu.memory_space<semaphore_mem>>
    %dma_wait3A_97 = tpu.memref_squeeze %dma_wait3A_96 : memref<1x!tpu.dma_semaphore, #tpu.memory_space<semaphore_mem>> -> memref<!tpu.dma_semaphore, #tpu.memory_space<semaphore_mem>>
    %dma_wait3A_98 = arith.constant 98304 : i32
    %dma_wait3A_99 = tpu.memref_slice %arg5[%dma_wait3A_98] : memref<327680xf32, #tpu.memory_space<hbm>> -> memref<32768xf32, #tpu.memory_space<hbm>>
    tpu.wait_dma2 semaphore(%dma_wait3A_97 : memref<!tpu.dma_semaphore, #tpu.memory_space<semaphore_mem>>) src(%dma_wait3A_99 : memref<32768xf32, #tpu.memory_space<hbm>>) dst(%arg11 : memref<32768xf32, #tpu.memory_space<vmem>>)
    %dma_wait3A_100 = arith.constant 1 : i32
    %dma_wait3A_101 = arith.constant 2 : i32
    %dma_wait3A_102 = tpu.memref_slice %arg6[%dma_wait3A_101, %mul3A_2] : memref<20x262144xf32, #tpu.memory_space<hbm>> -> memref<2x8192xf32, #tpu.memory_space<hbm>>
    %dma_wait3A_103 = tpu.memref_slice %arg15[%dma_wait3A_100] : memref<2x!tpu.dma_semaphore, #tpu.memory_space<semaphore_mem>> -> memref<1x!tpu.dma_semaphore, #tpu.memory_space<semaphore_mem>>
    %dma_wait3A_104 = tpu.memref_squeeze %dma_wait3A_103 : memref<1x!tpu.dma_semaphore, #tpu.memory_space<semaphore_mem>> -> memref<!tpu.dma_semaphore, #tpu.memory_space<semaphore_mem>>
    %dma_wait3A_105 = arith.constant 2 : i32
    %dma_wait3A_106 = tpu.memref_slice %arg6[%dma_wait3A_105, %mul3A_2] : memref<20x262144xf32, #tpu.memory_space<hbm>> -> memref<2x8192xf32, #tpu.memory_space<hbm>>
    tpu.wait_dma2 semaphore(%dma_wait3A_104 : memref<!tpu.dma_semaphore, #tpu.memory_space<semaphore_mem>>) src(%arg13 : memref<2x8192xf32, #tpu.memory_space<vmem>>) dst(%dma_wait3A_106 : memref<2x8192xf32, #tpu.memory_space<hbm>>)
    %parallel_loop3A_107 = arith.constant 0 : i32
    %parallel_loop3A_108 = arith.constant 512 : i32
    %parallel_loop3A_109 = arith.constant 1 : i32
    scf.for %parallel_loop3A_310 = %parallel_loop3A_107 to %parallel_loop3A_108 step %parallel_loop3A_109  : i32 {
      %parallel_loop3A_311 = arith.constant 16 : i32
      %parallel_loop3A_312 = arith.muli %parallel_loop3A_310, %parallel_loop3A_311 : i32
      %parallel_loop3A_313 = arith.index_cast %parallel_loop3A_312 : i32 to index
      %parallel_loop3A_314 = tpu.vector_load %arg7[%parallel_loop3A_313] {strides = array<i32>} : memref<8192xf32, #tpu.memory_space<vmem>>, vector<16xf32>,
      %parallel_loop3A_315 = arith.index_cast %parallel_loop3A_312 : i32 to index
      %parallel_loop3A_316 = tpu.vector_load %arg8[%parallel_loop3A_315] {strides = array<i32>} : memref<8192xf32, #tpu.memory_space<vmem>>, vector<16xf32>,
      %parallel_loop3A_317 = arith.index_cast %parallel_loop3A_312 : i32 to index
      %parallel_loop3A_318 = tpu.vector_load %arg9[%parallel_loop3A_317] {strides = array<i32>} : memref<8192xf32, #tpu.memory_space<vmem>>, vector<16xf32>,
      %parallel_loop3A_319 = arith.constant 5.400000e+01 : f32
      %parallel_loop3A_320 = vector.broadcast %parallel_loop3A_319 : f32 to vector<16xf32>
      %parallel_loop3A_321 = arith.mulf %parallel_loop3A_314, %parallel_loop3A_320 : vector<16xf32>
      %parallel_loop3A_322 = arith.constant 5.400000e+01 : f32
      %parallel_loop3A_323 = vector.broadcast %parallel_loop3A_322 : f32 to vector<16xf32>
      %parallel_loop3A_324 = arith.mulf %parallel_loop3A_316, %parallel_loop3A_323 : vector<16xf32>
      %parallel_loop3A_325 = arith.constant 5.400000e+01 : f32
      %parallel_loop3A_326 = vector.broadcast %parallel_loop3A_325 : f32 to vector<16xf32>
      %parallel_loop3A_327 = arith.mulf %parallel_loop3A_318, %parallel_loop3A_326 : vector<16xf32>
      %parallel_loop3A_328 = arith.fptosi %parallel_loop3A_321 : vector<16xf32> to vector<16xi32>
      %parallel_loop3A_329 = arith.fptosi %parallel_loop3A_324 : vector<16xf32> to vector<16xi32>
      %parallel_loop3A_330 = arith.fptosi %parallel_loop3A_327 : vector<16xf32> to vector<16xi32>
      %parallel_loop3A_331 = arith.sitofp %parallel_loop3A_328 : vector<16xi32> to vector<16xf32>
      %parallel_loop3A_332 = arith.subf %parallel_loop3A_321, %parallel_loop3A_331 : vector<16xf32>
      %parallel_loop3A_333 = arith.sitofp %parallel_loop3A_329 : vector<16xi32> to vector<16xf32>
      %parallel_loop3A_334 = arith.subf %parallel_loop3A_324, %parallel_loop3A_333 : vector<16xf32>
      %parallel_loop3A_335 = arith.sitofp %parallel_loop3A_330 : vector<16xi32> to vector<16xf32>
      %parallel_loop3A_336 = arith.subf %parallel_loop3A_327, %parallel_loop3A_335 : vector<16xf32>
      %parallel_loop3A_337 = arith.constant 1 : i32
      %parallel_loop3A_338 = vector.broadcast %parallel_loop3A_337 : i32 to vector<16xi32>
      %parallel_loop3A_339 = arith.addi %parallel_loop3A_328, %parallel_loop3A_338 : vector<16xi32>
      %parallel_loop3A_340 = arith.constant -1640531535 : i32
      %parallel_loop3A_341 = vector.broadcast %parallel_loop3A_340 : i32 to vector<16xi32>
      %parallel_loop3A_342 = arith.muli %parallel_loop3A_329, %parallel_loop3A_341 : vector<16xi32>
      %parallel_loop3A_343 = arith.constant -1640531535 : i32
      %parallel_loop3A_344 = vector.broadcast %parallel_loop3A_343 : i32 to vector<16xi32>
      %parallel_loop3A_345 = arith.addi %parallel_loop3A_342, %parallel_loop3A_344 : vector<16xi32>
      %parallel_loop3A_346 = arith.constant 805459861 : i32
      %parallel_loop3A_347 = vector.broadcast %parallel_loop3A_346 : i32 to vector<16xi32>
      %parallel_loop3A_348 = arith.muli %parallel_loop3A_330, %parallel_loop3A_347 : vector<16xi32>
      %parallel_loop3A_349 = arith.constant 805459861 : i32
      %parallel_loop3A_350 = vector.broadcast %parallel_loop3A_349 : i32 to vector<16xi32>
      %parallel_loop3A_351 = arith.addi %parallel_loop3A_348, %parallel_loop3A_350 : vector<16xi32>
      %parallel_loop3A_352 = arith.xori %parallel_loop3A_328, %parallel_loop3A_342 : vector<16xi32>
      %parallel_loop3A_353 = arith.xori %parallel_loop3A_352, %parallel_loop3A_348 : vector<16xi32>
      %parallel_loop3A_354 = arith.constant 16383 : i32
      %parallel_loop3A_355 = vector.broadcast %parallel_loop3A_354 : i32 to vector<16xi32>
      %parallel_loop3A_356 = arith.andi %parallel_loop3A_353, %parallel_loop3A_355 : vector<16xi32>
      %parallel_loop3A_357 = arith.xori %parallel_loop3A_328, %parallel_loop3A_342 : vector<16xi32>
      %parallel_loop3A_358 = arith.xori %parallel_loop3A_357, %parallel_loop3A_351 : vector<16xi32>
      %parallel_loop3A_359 = arith.constant 16383 : i32
      %parallel_loop3A_360 = vector.broadcast %parallel_loop3A_359 : i32 to vector<16xi32>
      %parallel_loop3A_361 = arith.andi %parallel_loop3A_358, %parallel_loop3A_360 : vector<16xi32>
      %parallel_loop3A_362 = arith.xori %parallel_loop3A_328, %parallel_loop3A_345 : vector<16xi32>
      %parallel_loop3A_363 = arith.xori %parallel_loop3A_362, %parallel_loop3A_348 : vector<16xi32>
      %parallel_loop3A_364 = arith.constant 16383 : i32
      %parallel_loop3A_365 = vector.broadcast %parallel_loop3A_364 : i32 to vector<16xi32>
      %parallel_loop3A_366 = arith.andi %parallel_loop3A_363, %parallel_loop3A_365 : vector<16xi32>
      %parallel_loop3A_367 = arith.xori %parallel_loop3A_328, %parallel_loop3A_345 : vector<16xi32>
      %parallel_loop3A_368 = arith.xori %parallel_loop3A_367, %parallel_loop3A_351 : vector<16xi32>
      %parallel_loop3A_369 = arith.constant 16383 : i32
      %parallel_loop3A_370 = vector.broadcast %parallel_loop3A_369 : i32 to vector<16xi32>
      %parallel_loop3A_371 = arith.andi %parallel_loop3A_368, %parallel_loop3A_370 : vector<16xi32>
      %parallel_loop3A_372 = arith.xori %parallel_loop3A_339, %parallel_loop3A_342 : vector<16xi32>
      %parallel_loop3A_373 = arith.xori %parallel_loop3A_372, %parallel_loop3A_348 : vector<16xi32>
      %parallel_loop3A_374 = arith.constant 16383 : i32
      %parallel_loop3A_375 = vector.broadcast %parallel_loop3A_374 : i32 to vector<16xi32>
      %parallel_loop3A_376 = arith.andi %parallel_loop3A_373, %parallel_loop3A_375 : vector<16xi32>
      %parallel_loop3A_377 = arith.xori %parallel_loop3A_339, %parallel_loop3A_342 : vector<16xi32>
      %parallel_loop3A_378 = arith.xori %parallel_loop3A_377, %parallel_loop3A_351 : vector<16xi32>
      %parallel_loop3A_379 = arith.constant 16383 : i32
      %parallel_loop3A_380 = vector.broadcast %parallel_loop3A_379 : i32 to vector<16xi32>
      %parallel_loop3A_381 = arith.andi %parallel_loop3A_378, %parallel_loop3A_380 : vector<16xi32>
      %parallel_loop3A_382 = arith.xori %parallel_loop3A_339, %parallel_loop3A_345 : vector<16xi32>
      %parallel_loop3A_383 = arith.xori %parallel_loop3A_382, %parallel_loop3A_348 : vector<16xi32>
      %parallel_loop3A_384 = arith.constant 16383 : i32
      %parallel_loop3A_385 = vector.broadcast %parallel_loop3A_384 : i32 to vector<16xi32>
      %parallel_loop3A_386 = arith.andi %parallel_loop3A_383, %parallel_loop3A_385 : vector<16xi32>
      %parallel_loop3A_387 = arith.xori %parallel_loop3A_339, %parallel_loop3A_345 : vector<16xi32>
      %parallel_loop3A_388 = arith.xori %parallel_loop3A_387, %parallel_loop3A_351 : vector<16xi32>
      %parallel_loop3A_389 = arith.constant 16383 : i32
      %parallel_loop3A_390 = vector.broadcast %parallel_loop3A_389 : i32 to vector<16xi32>
      %parallel_loop3A_391 = arith.andi %parallel_loop3A_388, %parallel_loop3A_390 : vector<16xi32>
      %parallel_loop3A_392 = tpu.vector_load_idx %arg11[%parallel_loop3A_356] : memref<32768xf32, #tpu.memory_space<vmem>>[vector<16xi32>], vector<16xf32>,
      %parallel_loop3A_393 = arith.constant 16384 : i32
      %parallel_loop3A_394 = tpu.memref_slice %arg11[%parallel_loop3A_393] : memref<32768xf32, #tpu.memory_space<vmem>> -> memref<16384xf32, #tpu.memory_space<vmem>>
      %parallel_loop3A_395 = tpu.vector_load_idx %parallel_loop3A_394[%parallel_loop3A_356] : memref<16384xf32, #tpu.memory_space<vmem>>[vector<16xi32>], vector<16xf32>,
      %parallel_loop3A_396 = tpu.vector_load_idx %arg11[%parallel_loop3A_361] : memref<32768xf32, #tpu.memory_space<vmem>>[vector<16xi32>], vector<16xf32>,
      %parallel_loop3A_397 = arith.constant 16384 : i32
      %parallel_loop3A_398 = tpu.memref_slice %arg11[%parallel_loop3A_397] : memref<32768xf32, #tpu.memory_space<vmem>> -> memref<16384xf32, #tpu.memory_space<vmem>>
      %parallel_loop3A_399 = tpu.vector_load_idx %parallel_loop3A_398[%parallel_loop3A_361] : memref<16384xf32, #tpu.memory_space<vmem>>[vector<16xi32>], vector<16xf32>,
      %parallel_loop3A_400 = tpu.vector_load_idx %arg11[%parallel_loop3A_366] : memref<32768xf32, #tpu.memory_space<vmem>>[vector<16xi32>], vector<16xf32>,
      %parallel_loop3A_401 = arith.constant 16384 : i32
      %parallel_loop3A_402 = tpu.memref_slice %arg11[%parallel_loop3A_401] : memref<32768xf32, #tpu.memory_space<vmem>> -> memref<16384xf32, #tpu.memory_space<vmem>>
      %parallel_loop3A_403 = tpu.vector_load_idx %parallel_loop3A_402[%parallel_loop3A_366] : memref<16384xf32, #tpu.memory_space<vmem>>[vector<16xi32>], vector<16xf32>,
      %parallel_loop3A_404 = tpu.vector_load_idx %arg11[%parallel_loop3A_371] : memref<32768xf32, #tpu.memory_space<vmem>>[vector<16xi32>], vector<16xf32>,
      %parallel_loop3A_405 = arith.constant 16384 : i32
      %parallel_loop3A_406 = tpu.memref_slice %arg11[%parallel_loop3A_405] : memref<32768xf32, #tpu.memory_space<vmem>> -> memref<16384xf32, #tpu.memory_space<vmem>>
      %parallel_loop3A_407 = tpu.vector_load_idx %parallel_loop3A_406[%parallel_loop3A_371] : memref<16384xf32, #tpu.memory_space<vmem>>[vector<16xi32>], vector<16xf32>,
      %parallel_loop3A_408 = tpu.vector_load_idx %arg11[%parallel_loop3A_376] : memref<32768xf32, #tpu.memory_space<vmem>>[vector<16xi32>], vector<16xf32>,
      %parallel_loop3A_409 = arith.constant 16384 : i32
      %parallel_loop3A_410 = tpu.memref_slice %arg11[%parallel_loop3A_409] : memref<32768xf32, #tpu.memory_space<vmem>> -> memref<16384xf32, #tpu.memory_space<vmem>>
      %parallel_loop3A_411 = tpu.vector_load_idx %parallel_loop3A_410[%parallel_loop3A_376] : memref<16384xf32, #tpu.memory_space<vmem>>[vector<16xi32>], vector<16xf32>,
      %parallel_loop3A_412 = tpu.vector_load_idx %arg11[%parallel_loop3A_381] : memref<32768xf32, #tpu.memory_space<vmem>>[vector<16xi32>], vector<16xf32>,
      %parallel_loop3A_413 = arith.constant 16384 : i32
      %parallel_loop3A_414 = tpu.memref_slice %arg11[%parallel_loop3A_413] : memref<32768xf32, #tpu.memory_space<vmem>> -> memref<16384xf32, #tpu.memory_space<vmem>>
      %parallel_loop3A_415 = tpu.vector_load_idx %parallel_loop3A_414[%parallel_loop3A_381] : memref<16384xf32, #tpu.memory_space<vmem>>[vector<16xi32>], vector<16xf32>,
      %parallel_loop3A_416 = tpu.vector_load_idx %arg11[%parallel_loop3A_386] : memref<32768xf32, #tpu.memory_space<vmem>>[vector<16xi32>], vector<16xf32>,
      %parallel_loop3A_417 = arith.constant 16384 : i32
      %parallel_loop3A_418 = tpu.memref_slice %arg11[%parallel_loop3A_417] : memref<32768xf32, #tpu.memory_space<vmem>> -> memref<16384xf32, #tpu.memory_space<vmem>>
      %parallel_loop3A_419 = tpu.vector_load_idx %parallel_loop3A_418[%parallel_loop3A_386] : memref<16384xf32, #tpu.memory_space<vmem>>[vector<16xi32>], vector<16xf32>,
      %parallel_loop3A_420 = tpu.vector_load_idx %arg11[%parallel_loop3A_391] : memref<32768xf32, #tpu.memory_space<vmem>>[vector<16xi32>], vector<16xf32>,
      %parallel_loop3A_421 = arith.constant 16384 : i32
      %parallel_loop3A_422 = tpu.memref_slice %arg11[%parallel_loop3A_421] : memref<32768xf32, #tpu.memory_space<vmem>> -> memref<16384xf32, #tpu.memory_space<vmem>>
      %parallel_loop3A_423 = tpu.vector_load_idx %parallel_loop3A_422[%parallel_loop3A_391] : memref<16384xf32, #tpu.memory_space<vmem>>[vector<16xi32>], vector<16xf32>,
      %parallel_loop3A_424 = arith.subf %parallel_loop3A_396, %parallel_loop3A_392 : vector<16xf32>
      %parallel_loop3A_425 = arith.mulf %parallel_loop3A_336, %parallel_loop3A_424 : vector<16xf32>
      %parallel_loop3A_426 = arith.addf %parallel_loop3A_392, %parallel_loop3A_425 : vector<16xf32>
      %parallel_loop3A_427 = arith.subf %parallel_loop3A_404, %parallel_loop3A_400 : vector<16xf32>
      %parallel_loop3A_428 = arith.mulf %parallel_loop3A_336, %parallel_loop3A_427 : vector<16xf32>
      %parallel_loop3A_429 = arith.addf %parallel_loop3A_400, %parallel_loop3A_428 : vector<16xf32>
      %parallel_loop3A_430 = arith.subf %parallel_loop3A_412, %parallel_loop3A_408 : vector<16xf32>
      %parallel_loop3A_431 = arith.mulf %parallel_loop3A_336, %parallel_loop3A_430 : vector<16xf32>
      %parallel_loop3A_432 = arith.addf %parallel_loop3A_408, %parallel_loop3A_431 : vector<16xf32>
      %parallel_loop3A_433 = arith.subf %parallel_loop3A_420, %parallel_loop3A_416 : vector<16xf32>
      %parallel_loop3A_434 = arith.mulf %parallel_loop3A_336, %parallel_loop3A_433 : vector<16xf32>
      %parallel_loop3A_435 = arith.addf %parallel_loop3A_416, %parallel_loop3A_434 : vector<16xf32>
      %parallel_loop3A_436 = arith.subf %parallel_loop3A_399, %parallel_loop3A_395 : vector<16xf32>
      %parallel_loop3A_437 = arith.mulf %parallel_loop3A_336, %parallel_loop3A_436 : vector<16xf32>
      %parallel_loop3A_438 = arith.addf %parallel_loop3A_395, %parallel_loop3A_437 : vector<16xf32>
      %parallel_loop3A_439 = arith.subf %parallel_loop3A_407, %parallel_loop3A_403 : vector<16xf32>
      %parallel_loop3A_440 = arith.mulf %parallel_loop3A_336, %parallel_loop3A_439 : vector<16xf32>
      %parallel_loop3A_441 = arith.addf %parallel_loop3A_403, %parallel_loop3A_440 : vector<16xf32>
      %parallel_loop3A_442 = arith.subf %parallel_loop3A_415, %parallel_loop3A_411 : vector<16xf32>
      %parallel_loop3A_443 = arith.mulf %parallel_loop3A_336, %parallel_loop3A_442 : vector<16xf32>
      %parallel_loop3A_444 = arith.addf %parallel_loop3A_411, %parallel_loop3A_443 : vector<16xf32>
      %parallel_loop3A_445 = arith.subf %parallel_loop3A_423, %parallel_loop3A_419 : vector<16xf32>
      %parallel_loop3A_446 = arith.mulf %parallel_loop3A_336, %parallel_loop3A_445 : vector<16xf32>
      %parallel_loop3A_447 = arith.addf %parallel_loop3A_419, %parallel_loop3A_446 : vector<16xf32>
      %parallel_loop3A_448 = arith.subf %parallel_loop3A_429, %parallel_loop3A_426 : vector<16xf32>
      %parallel_loop3A_449 = arith.mulf %parallel_loop3A_334, %parallel_loop3A_448 : vector<16xf32>
      %parallel_loop3A_450 = arith.addf %parallel_loop3A_426, %parallel_loop3A_449 : vector<16xf32>
      %parallel_loop3A_451 = arith.subf %parallel_loop3A_435, %parallel_loop3A_432 : vector<16xf32>
      %parallel_loop3A_452 = arith.mulf %parallel_loop3A_334, %parallel_loop3A_451 : vector<16xf32>
      %parallel_loop3A_453 = arith.addf %parallel_loop3A_432, %parallel_loop3A_452 : vector<16xf32>
      %parallel_loop3A_454 = arith.subf %parallel_loop3A_441, %parallel_loop3A_438 : vector<16xf32>
      %parallel_loop3A_455 = arith.mulf %parallel_loop3A_334, %parallel_loop3A_454 : vector<16xf32>
      %parallel_loop3A_456 = arith.addf %parallel_loop3A_438, %parallel_loop3A_455 : vector<16xf32>
      %parallel_loop3A_457 = arith.subf %parallel_loop3A_447, %parallel_loop3A_444 : vector<16xf32>
      %parallel_loop3A_458 = arith.mulf %parallel_loop3A_334, %parallel_loop3A_457 : vector<16xf32>
      %parallel_loop3A_459 = arith.addf %parallel_loop3A_444, %parallel_loop3A_458 : vector<16xf32>
      %parallel_loop3A_460 = arith.subf %parallel_loop3A_453, %parallel_loop3A_450 : vector<16xf32>
      %parallel_loop3A_461 = arith.mulf %parallel_loop3A_332, %parallel_loop3A_460 : vector<16xf32>
      %parallel_loop3A_462 = arith.addf %parallel_loop3A_450, %parallel_loop3A_461 : vector<16xf32>
      %parallel_loop3A_463 = arith.constant 0 : i32
      %parallel_loop3A_464 = arith.index_cast %parallel_loop3A_463 : i32 to index
      %parallel_loop3A_465 = arith.index_cast %parallel_loop3A_312 : i32 to index
      %parallel_loop3A_466 = tpu.vector_load %arg13[%parallel_loop3A_464, %parallel_loop3A_465] {strides = array<i32>} : memref<2x8192xf32, #tpu.memory_space<vmem>>, vector<16xf32>,
      tpu.vector_store %arg13[%parallel_loop3A_464, %parallel_loop3A_465], %parallel_loop3A_462 {strides = array<i32>} : memref<2x8192xf32, #tpu.memory_space<vmem>>, vector<16xf32>,
      %parallel_loop3A_467 = arith.subf %parallel_loop3A_459, %parallel_loop3A_456 : vector<16xf32>
      %parallel_loop3A_468 = arith.mulf %parallel_loop3A_332, %parallel_loop3A_467 : vector<16xf32>
      %parallel_loop3A_469 = arith.addf %parallel_loop3A_456, %parallel_loop3A_468 : vector<16xf32>
      %parallel_loop3A_470 = arith.constant 1 : i32
      %parallel_loop3A_471 = arith.index_cast %parallel_loop3A_470 : i32 to index
      %parallel_loop3A_472 = arith.index_cast %parallel_loop3A_312 : i32 to index
      %parallel_loop3A_473 = tpu.vector_load %arg13[%parallel_loop3A_471, %parallel_loop3A_472] {strides = array<i32>} : memref<2x8192xf32, #tpu.memory_space<vmem>>, vector<16xf32>,
      tpu.vector_store %arg13[%parallel_loop3A_471, %parallel_loop3A_472], %parallel_loop3A_469 {strides = array<i32>} : memref<2x8192xf32, #tpu.memory_space<vmem>>, vector<16xf32>,
    } {sc.loop_unroll_factor = 1 : i64, sc.parallel_access}
    %dma_start3A_110 = arith.constant 1 : i32
    %dma_start3A_111 = arith.constant 6 : i32
    %dma_start3A_112 = tpu.memref_slice %arg6[%dma_start3A_111, %mul3A_2] : memref<20x262144xf32, #tpu.memory_space<hbm>> -> memref<2x8192xf32, #tpu.memory_space<hbm>>
    %dma_start3A_113 = tpu.memref_slice %arg15[%dma_start3A_110] : memref<2x!tpu.dma_semaphore, #tpu.memory_space<semaphore_mem>> -> memref<1x!tpu.dma_semaphore, #tpu.memory_space<semaphore_mem>>
    %dma_start3A_114 = tpu.memref_squeeze %dma_start3A_113 : memref<1x!tpu.dma_semaphore, #tpu.memory_space<semaphore_mem>> -> memref<!tpu.dma_semaphore, #tpu.memory_space<semaphore_mem>>
    %dma_start3A_115 = arith.constant 6 : i32
    %dma_start3A_116 = tpu.memref_slice %arg6[%dma_start3A_115, %mul3A_2] : memref<20x262144xf32, #tpu.memory_space<hbm>> -> memref<2x8192xf32, #tpu.memory_space<hbm>>
    tpu.enqueue_dma source(%arg13 : memref<2x8192xf32, #tpu.memory_space<vmem>>) target(%dma_start3A_116 : memref<2x8192xf32, #tpu.memory_space<hbm>>) target_semaphore(%dma_start3A_114 : memref<!tpu.dma_semaphore, #tpu.memory_space<semaphore_mem>>)
    %dma_start3A_117 = arith.constant 1 : i32
    %dma_start3A_118 = arith.constant 163840 : i32
    %dma_start3A_119 = tpu.memref_slice %arg5[%dma_start3A_118] : memref<327680xf32, #tpu.memory_space<hbm>> -> memref<32768xf32, #tpu.memory_space<hbm>>
    %dma_start3A_120 = tpu.memref_slice %arg14[%dma_start3A_117] : memref<2x!tpu.dma_semaphore, #tpu.memory_space<semaphore_mem>> -> memref<1x!tpu.dma_semaphore, #tpu.memory_space<semaphore_mem>>
    %dma_start3A_121 = tpu.memref_squeeze %dma_start3A_120 : memref<1x!tpu.dma_semaphore, #tpu.memory_space<semaphore_mem>> -> memref<!tpu.dma_semaphore, #tpu.memory_space<semaphore_mem>>
    %dma_start3A_122 = arith.constant 163840 : i32
    %dma_start3A_123 = tpu.memref_slice %arg5[%dma_start3A_122] : memref<327680xf32, #tpu.memory_space<hbm>> -> memref<32768xf32, #tpu.memory_space<hbm>>
    tpu.enqueue_dma source(%dma_start3A_123 : memref<32768xf32, #tpu.memory_space<hbm>>) target(%arg11 : memref<32768xf32, #tpu.memory_space<vmem>>) target_semaphore(%dma_start3A_121 : memref<!tpu.dma_semaphore, #tpu.memory_space<semaphore_mem>>)
    %dma_wait3A_124 = arith.constant 0 : i32
    %dma_wait3A_125 = arith.constant 131072 : i32
    %dma_wait3A_126 = tpu.memref_slice %arg5[%dma_wait3A_125] : memref<327680xf32, #tpu.memory_space<hbm>> -> memref<32768xf32, #tpu.memory_space<hbm>>
    %dma_wait3A_127 = tpu.memref_slice %arg14[%dma_wait3A_124] : memref<2x!tpu.dma_semaphore, #tpu.memory_space<semaphore_mem>> -> memref<1x!tpu.dma_semaphore, #tpu.memory_space<semaphore_mem>>
    %dma_wait3A_128 = tpu.memref_squeeze %dma_wait3A_127 : memref<1x!tpu.dma_semaphore, #tpu.memory_space<semaphore_mem>> -> memref<!tpu.dma_semaphore, #tpu.memory_space<semaphore_mem>>
    %dma_wait3A_129 = arith.constant 131072 : i32
    %dma_wait3A_130 = tpu.memref_slice %arg5[%dma_wait3A_129] : memref<327680xf32, #tpu.memory_space<hbm>> -> memref<32768xf32, #tpu.memory_space<hbm>>
    tpu.wait_dma2 semaphore(%dma_wait3A_128 : memref<!tpu.dma_semaphore, #tpu.memory_space<semaphore_mem>>) src(%dma_wait3A_130 : memref<32768xf32, #tpu.memory_space<hbm>>) dst(%arg10 : memref<32768xf32, #tpu.memory_space<vmem>>)
    %dma_wait3A_131 = arith.constant 0 : i32
    %dma_wait3A_132 = arith.constant 4 : i32
    %dma_wait3A_133 = tpu.memref_slice %arg6[%dma_wait3A_132, %mul3A_2] : memref<20x262144xf32, #tpu.memory_space<hbm>> -> memref<2x8192xf32, #tpu.memory_space<hbm>>
    %dma_wait3A_134 = tpu.memref_slice %arg15[%dma_wait3A_131] : memref<2x!tpu.dma_semaphore, #tpu.memory_space<semaphore_mem>> -> memref<1x!tpu.dma_semaphore, #tpu.memory_space<semaphore_mem>>
    %dma_wait3A_135 = tpu.memref_squeeze %dma_wait3A_134 : memref<1x!tpu.dma_semaphore, #tpu.memory_space<semaphore_mem>> -> memref<!tpu.dma_semaphore, #tpu.memory_space<semaphore_mem>>
    %dma_wait3A_136 = arith.constant 4 : i32
    %dma_wait3A_137 = tpu.memref_slice %arg6[%dma_wait3A_136, %mul3A_2] : memref<20x262144xf32, #tpu.memory_space<hbm>> -> memref<2x8192xf32, #tpu.memory_space<hbm>>
    tpu.wait_dma2 semaphore(%dma_wait3A_135 : memref<!tpu.dma_semaphore, #tpu.memory_space<semaphore_mem>>) src(%arg12 : memref<2x8192xf32, #tpu.memory_space<vmem>>) dst(%dma_wait3A_137 : memref<2x8192xf32, #tpu.memory_space<hbm>>)
    %parallel_loop3A_138 = arith.constant 0 : i32
    %parallel_loop3A_139 = arith.constant 512 : i32
    %parallel_loop3A_140 = arith.constant 1 : i32
    scf.for %parallel_loop3A_310 = %parallel_loop3A_138 to %parallel_loop3A_139 step %parallel_loop3A_140  : i32 {
      %parallel_loop3A_311 = arith.constant 16 : i32
      %parallel_loop3A_312 = arith.muli %parallel_loop3A_310, %parallel_loop3A_311 : i32
      %parallel_loop3A_313 = arith.index_cast %parallel_loop3A_312 : i32 to index
      %parallel_loop3A_314 = tpu.vector_load %arg7[%parallel_loop3A_313] {strides = array<i32>} : memref<8192xf32, #tpu.memory_space<vmem>>, vector<16xf32>,
      %parallel_loop3A_315 = arith.index_cast %parallel_loop3A_312 : i32 to index
      %parallel_loop3A_316 = tpu.vector_load %arg8[%parallel_loop3A_315] {strides = array<i32>} : memref<8192xf32, #tpu.memory_space<vmem>>, vector<16xf32>,
      %parallel_loop3A_317 = arith.index_cast %parallel_loop3A_312 : i32 to index
      %parallel_loop3A_318 = tpu.vector_load %arg9[%parallel_loop3A_317] {strides = array<i32>} : memref<8192xf32, #tpu.memory_space<vmem>>, vector<16xf32>,
      %parallel_loop3A_319 = arith.constant 8.100000e+01 : f32
      %parallel_loop3A_320 = vector.broadcast %parallel_loop3A_319 : f32 to vector<16xf32>
      %parallel_loop3A_321 = arith.mulf %parallel_loop3A_314, %parallel_loop3A_320 : vector<16xf32>
      %parallel_loop3A_322 = arith.constant 8.100000e+01 : f32
      %parallel_loop3A_323 = vector.broadcast %parallel_loop3A_322 : f32 to vector<16xf32>
      %parallel_loop3A_324 = arith.mulf %parallel_loop3A_316, %parallel_loop3A_323 : vector<16xf32>
      %parallel_loop3A_325 = arith.constant 8.100000e+01 : f32
      %parallel_loop3A_326 = vector.broadcast %parallel_loop3A_325 : f32 to vector<16xf32>
      %parallel_loop3A_327 = arith.mulf %parallel_loop3A_318, %parallel_loop3A_326 : vector<16xf32>
      %parallel_loop3A_328 = arith.fptosi %parallel_loop3A_321 : vector<16xf32> to vector<16xi32>
      %parallel_loop3A_329 = arith.fptosi %parallel_loop3A_324 : vector<16xf32> to vector<16xi32>
      %parallel_loop3A_330 = arith.fptosi %parallel_loop3A_327 : vector<16xf32> to vector<16xi32>
      %parallel_loop3A_331 = arith.sitofp %parallel_loop3A_328 : vector<16xi32> to vector<16xf32>
      %parallel_loop3A_332 = arith.subf %parallel_loop3A_321, %parallel_loop3A_331 : vector<16xf32>
      %parallel_loop3A_333 = arith.sitofp %parallel_loop3A_329 : vector<16xi32> to vector<16xf32>
      %parallel_loop3A_334 = arith.subf %parallel_loop3A_324, %parallel_loop3A_333 : vector<16xf32>
      %parallel_loop3A_335 = arith.sitofp %parallel_loop3A_330 : vector<16xi32> to vector<16xf32>
      %parallel_loop3A_336 = arith.subf %parallel_loop3A_327, %parallel_loop3A_335 : vector<16xf32>
      %parallel_loop3A_337 = arith.constant 1 : i32
      %parallel_loop3A_338 = vector.broadcast %parallel_loop3A_337 : i32 to vector<16xi32>
      %parallel_loop3A_339 = arith.addi %parallel_loop3A_328, %parallel_loop3A_338 : vector<16xi32>
      %parallel_loop3A_340 = arith.constant -1640531535 : i32
      %parallel_loop3A_341 = vector.broadcast %parallel_loop3A_340 : i32 to vector<16xi32>
      %parallel_loop3A_342 = arith.muli %parallel_loop3A_329, %parallel_loop3A_341 : vector<16xi32>
      %parallel_loop3A_343 = arith.constant -1640531535 : i32
      %parallel_loop3A_344 = vector.broadcast %parallel_loop3A_343 : i32 to vector<16xi32>
      %parallel_loop3A_345 = arith.addi %parallel_loop3A_342, %parallel_loop3A_344 : vector<16xi32>
      %parallel_loop3A_346 = arith.constant 805459861 : i32
      %parallel_loop3A_347 = vector.broadcast %parallel_loop3A_346 : i32 to vector<16xi32>
      %parallel_loop3A_348 = arith.muli %parallel_loop3A_330, %parallel_loop3A_347 : vector<16xi32>
      %parallel_loop3A_349 = arith.constant 805459861 : i32
      %parallel_loop3A_350 = vector.broadcast %parallel_loop3A_349 : i32 to vector<16xi32>
      %parallel_loop3A_351 = arith.addi %parallel_loop3A_348, %parallel_loop3A_350 : vector<16xi32>
      %parallel_loop3A_352 = arith.xori %parallel_loop3A_328, %parallel_loop3A_342 : vector<16xi32>
      %parallel_loop3A_353 = arith.xori %parallel_loop3A_352, %parallel_loop3A_348 : vector<16xi32>
      %parallel_loop3A_354 = arith.constant 16383 : i32
      %parallel_loop3A_355 = vector.broadcast %parallel_loop3A_354 : i32 to vector<16xi32>
      %parallel_loop3A_356 = arith.andi %parallel_loop3A_353, %parallel_loop3A_355 : vector<16xi32>
      %parallel_loop3A_357 = arith.xori %parallel_loop3A_328, %parallel_loop3A_342 : vector<16xi32>
      %parallel_loop3A_358 = arith.xori %parallel_loop3A_357, %parallel_loop3A_351 : vector<16xi32>
      %parallel_loop3A_359 = arith.constant 16383 : i32
      %parallel_loop3A_360 = vector.broadcast %parallel_loop3A_359 : i32 to vector<16xi32>
      %parallel_loop3A_361 = arith.andi %parallel_loop3A_358, %parallel_loop3A_360 : vector<16xi32>
      %parallel_loop3A_362 = arith.xori %parallel_loop3A_328, %parallel_loop3A_345 : vector<16xi32>
      %parallel_loop3A_363 = arith.xori %parallel_loop3A_362, %parallel_loop3A_348 : vector<16xi32>
      %parallel_loop3A_364 = arith.constant 16383 : i32
      %parallel_loop3A_365 = vector.broadcast %parallel_loop3A_364 : i32 to vector<16xi32>
      %parallel_loop3A_366 = arith.andi %parallel_loop3A_363, %parallel_loop3A_365 : vector<16xi32>
      %parallel_loop3A_367 = arith.xori %parallel_loop3A_328, %parallel_loop3A_345 : vector<16xi32>
      %parallel_loop3A_368 = arith.xori %parallel_loop3A_367, %parallel_loop3A_351 : vector<16xi32>
      %parallel_loop3A_369 = arith.constant 16383 : i32
      %parallel_loop3A_370 = vector.broadcast %parallel_loop3A_369 : i32 to vector<16xi32>
      %parallel_loop3A_371 = arith.andi %parallel_loop3A_368, %parallel_loop3A_370 : vector<16xi32>
      %parallel_loop3A_372 = arith.xori %parallel_loop3A_339, %parallel_loop3A_342 : vector<16xi32>
      %parallel_loop3A_373 = arith.xori %parallel_loop3A_372, %parallel_loop3A_348 : vector<16xi32>
      %parallel_loop3A_374 = arith.constant 16383 : i32
      %parallel_loop3A_375 = vector.broadcast %parallel_loop3A_374 : i32 to vector<16xi32>
      %parallel_loop3A_376 = arith.andi %parallel_loop3A_373, %parallel_loop3A_375 : vector<16xi32>
      %parallel_loop3A_377 = arith.xori %parallel_loop3A_339, %parallel_loop3A_342 : vector<16xi32>
      %parallel_loop3A_378 = arith.xori %parallel_loop3A_377, %parallel_loop3A_351 : vector<16xi32>
      %parallel_loop3A_379 = arith.constant 16383 : i32
      %parallel_loop3A_380 = vector.broadcast %parallel_loop3A_379 : i32 to vector<16xi32>
      %parallel_loop3A_381 = arith.andi %parallel_loop3A_378, %parallel_loop3A_380 : vector<16xi32>
      %parallel_loop3A_382 = arith.xori %parallel_loop3A_339, %parallel_loop3A_345 : vector<16xi32>
      %parallel_loop3A_383 = arith.xori %parallel_loop3A_382, %parallel_loop3A_348 : vector<16xi32>
      %parallel_loop3A_384 = arith.constant 16383 : i32
      %parallel_loop3A_385 = vector.broadcast %parallel_loop3A_384 : i32 to vector<16xi32>
      %parallel_loop3A_386 = arith.andi %parallel_loop3A_383, %parallel_loop3A_385 : vector<16xi32>
      %parallel_loop3A_387 = arith.xori %parallel_loop3A_339, %parallel_loop3A_345 : vector<16xi32>
      %parallel_loop3A_388 = arith.xori %parallel_loop3A_387, %parallel_loop3A_351 : vector<16xi32>
      %parallel_loop3A_389 = arith.constant 16383 : i32
      %parallel_loop3A_390 = vector.broadcast %parallel_loop3A_389 : i32 to vector<16xi32>
      %parallel_loop3A_391 = arith.andi %parallel_loop3A_388, %parallel_loop3A_390 : vector<16xi32>
      %parallel_loop3A_392 = tpu.vector_load_idx %arg10[%parallel_loop3A_356] : memref<32768xf32, #tpu.memory_space<vmem>>[vector<16xi32>], vector<16xf32>,
      %parallel_loop3A_393 = arith.constant 16384 : i32
      %parallel_loop3A_394 = tpu.memref_slice %arg10[%parallel_loop3A_393] : memref<32768xf32, #tpu.memory_space<vmem>> -> memref<16384xf32, #tpu.memory_space<vmem>>
      %parallel_loop3A_395 = tpu.vector_load_idx %parallel_loop3A_394[%parallel_loop3A_356] : memref<16384xf32, #tpu.memory_space<vmem>>[vector<16xi32>], vector<16xf32>,
      %parallel_loop3A_396 = tpu.vector_load_idx %arg10[%parallel_loop3A_361] : memref<32768xf32, #tpu.memory_space<vmem>>[vector<16xi32>], vector<16xf32>,
      %parallel_loop3A_397 = arith.constant 16384 : i32
      %parallel_loop3A_398 = tpu.memref_slice %arg10[%parallel_loop3A_397] : memref<32768xf32, #tpu.memory_space<vmem>> -> memref<16384xf32, #tpu.memory_space<vmem>>
      %parallel_loop3A_399 = tpu.vector_load_idx %parallel_loop3A_398[%parallel_loop3A_361] : memref<16384xf32, #tpu.memory_space<vmem>>[vector<16xi32>], vector<16xf32>,
      %parallel_loop3A_400 = tpu.vector_load_idx %arg10[%parallel_loop3A_366] : memref<32768xf32, #tpu.memory_space<vmem>>[vector<16xi32>], vector<16xf32>,
      %parallel_loop3A_401 = arith.constant 16384 : i32
      %parallel_loop3A_402 = tpu.memref_slice %arg10[%parallel_loop3A_401] : memref<32768xf32, #tpu.memory_space<vmem>> -> memref<16384xf32, #tpu.memory_space<vmem>>
      %parallel_loop3A_403 = tpu.vector_load_idx %parallel_loop3A_402[%parallel_loop3A_366] : memref<16384xf32, #tpu.memory_space<vmem>>[vector<16xi32>], vector<16xf32>,
      %parallel_loop3A_404 = tpu.vector_load_idx %arg10[%parallel_loop3A_371] : memref<32768xf32, #tpu.memory_space<vmem>>[vector<16xi32>], vector<16xf32>,
      %parallel_loop3A_405 = arith.constant 16384 : i32
      %parallel_loop3A_406 = tpu.memref_slice %arg10[%parallel_loop3A_405] : memref<32768xf32, #tpu.memory_space<vmem>> -> memref<16384xf32, #tpu.memory_space<vmem>>
      %parallel_loop3A_407 = tpu.vector_load_idx %parallel_loop3A_406[%parallel_loop3A_371] : memref<16384xf32, #tpu.memory_space<vmem>>[vector<16xi32>], vector<16xf32>,
      %parallel_loop3A_408 = tpu.vector_load_idx %arg10[%parallel_loop3A_376] : memref<32768xf32, #tpu.memory_space<vmem>>[vector<16xi32>], vector<16xf32>,
      %parallel_loop3A_409 = arith.constant 16384 : i32
      %parallel_loop3A_410 = tpu.memref_slice %arg10[%parallel_loop3A_409] : memref<32768xf32, #tpu.memory_space<vmem>> -> memref<16384xf32, #tpu.memory_space<vmem>>
      %parallel_loop3A_411 = tpu.vector_load_idx %parallel_loop3A_410[%parallel_loop3A_376] : memref<16384xf32, #tpu.memory_space<vmem>>[vector<16xi32>], vector<16xf32>,
      %parallel_loop3A_412 = tpu.vector_load_idx %arg10[%parallel_loop3A_381] : memref<32768xf32, #tpu.memory_space<vmem>>[vector<16xi32>], vector<16xf32>,
      %parallel_loop3A_413 = arith.constant 16384 : i32
      %parallel_loop3A_414 = tpu.memref_slice %arg10[%parallel_loop3A_413] : memref<32768xf32, #tpu.memory_space<vmem>> -> memref<16384xf32, #tpu.memory_space<vmem>>
      %parallel_loop3A_415 = tpu.vector_load_idx %parallel_loop3A_414[%parallel_loop3A_381] : memref<16384xf32, #tpu.memory_space<vmem>>[vector<16xi32>], vector<16xf32>,
      %parallel_loop3A_416 = tpu.vector_load_idx %arg10[%parallel_loop3A_386] : memref<32768xf32, #tpu.memory_space<vmem>>[vector<16xi32>], vector<16xf32>,
      %parallel_loop3A_417 = arith.constant 16384 : i32
      %parallel_loop3A_418 = tpu.memref_slice %arg10[%parallel_loop3A_417] : memref<32768xf32, #tpu.memory_space<vmem>> -> memref<16384xf32, #tpu.memory_space<vmem>>
      %parallel_loop3A_419 = tpu.vector_load_idx %parallel_loop3A_418[%parallel_loop3A_386] : memref<16384xf32, #tpu.memory_space<vmem>>[vector<16xi32>], vector<16xf32>,
      %parallel_loop3A_420 = tpu.vector_load_idx %arg10[%parallel_loop3A_391] : memref<32768xf32, #tpu.memory_space<vmem>>[vector<16xi32>], vector<16xf32>,
      %parallel_loop3A_421 = arith.constant 16384 : i32
      %parallel_loop3A_422 = tpu.memref_slice %arg10[%parallel_loop3A_421] : memref<32768xf32, #tpu.memory_space<vmem>> -> memref<16384xf32, #tpu.memory_space<vmem>>
      %parallel_loop3A_423 = tpu.vector_load_idx %parallel_loop3A_422[%parallel_loop3A_391] : memref<16384xf32, #tpu.memory_space<vmem>>[vector<16xi32>], vector<16xf32>,
      %parallel_loop3A_424 = arith.subf %parallel_loop3A_396, %parallel_loop3A_392 : vector<16xf32>
      %parallel_loop3A_425 = arith.mulf %parallel_loop3A_336, %parallel_loop3A_424 : vector<16xf32>
      %parallel_loop3A_426 = arith.addf %parallel_loop3A_392, %parallel_loop3A_425 : vector<16xf32>
      %parallel_loop3A_427 = arith.subf %parallel_loop3A_404, %parallel_loop3A_400 : vector<16xf32>
      %parallel_loop3A_428 = arith.mulf %parallel_loop3A_336, %parallel_loop3A_427 : vector<16xf32>
      %parallel_loop3A_429 = arith.addf %parallel_loop3A_400, %parallel_loop3A_428 : vector<16xf32>
      %parallel_loop3A_430 = arith.subf %parallel_loop3A_412, %parallel_loop3A_408 : vector<16xf32>
      %parallel_loop3A_431 = arith.mulf %parallel_loop3A_336, %parallel_loop3A_430 : vector<16xf32>
      %parallel_loop3A_432 = arith.addf %parallel_loop3A_408, %parallel_loop3A_431 : vector<16xf32>
      %parallel_loop3A_433 = arith.subf %parallel_loop3A_420, %parallel_loop3A_416 : vector<16xf32>
      %parallel_loop3A_434 = arith.mulf %parallel_loop3A_336, %parallel_loop3A_433 : vector<16xf32>
      %parallel_loop3A_435 = arith.addf %parallel_loop3A_416, %parallel_loop3A_434 : vector<16xf32>
      %parallel_loop3A_436 = arith.subf %parallel_loop3A_399, %parallel_loop3A_395 : vector<16xf32>
      %parallel_loop3A_437 = arith.mulf %parallel_loop3A_336, %parallel_loop3A_436 : vector<16xf32>
      %parallel_loop3A_438 = arith.addf %parallel_loop3A_395, %parallel_loop3A_437 : vector<16xf32>
      %parallel_loop3A_439 = arith.subf %parallel_loop3A_407, %parallel_loop3A_403 : vector<16xf32>
      %parallel_loop3A_440 = arith.mulf %parallel_loop3A_336, %parallel_loop3A_439 : vector<16xf32>
      %parallel_loop3A_441 = arith.addf %parallel_loop3A_403, %parallel_loop3A_440 : vector<16xf32>
      %parallel_loop3A_442 = arith.subf %parallel_loop3A_415, %parallel_loop3A_411 : vector<16xf32>
      %parallel_loop3A_443 = arith.mulf %parallel_loop3A_336, %parallel_loop3A_442 : vector<16xf32>
      %parallel_loop3A_444 = arith.addf %parallel_loop3A_411, %parallel_loop3A_443 : vector<16xf32>
      %parallel_loop3A_445 = arith.subf %parallel_loop3A_423, %parallel_loop3A_419 : vector<16xf32>
      %parallel_loop3A_446 = arith.mulf %parallel_loop3A_336, %parallel_loop3A_445 : vector<16xf32>
      %parallel_loop3A_447 = arith.addf %parallel_loop3A_419, %parallel_loop3A_446 : vector<16xf32>
      %parallel_loop3A_448 = arith.subf %parallel_loop3A_429, %parallel_loop3A_426 : vector<16xf32>
      %parallel_loop3A_449 = arith.mulf %parallel_loop3A_334, %parallel_loop3A_448 : vector<16xf32>
      %parallel_loop3A_450 = arith.addf %parallel_loop3A_426, %parallel_loop3A_449 : vector<16xf32>
      %parallel_loop3A_451 = arith.subf %parallel_loop3A_435, %parallel_loop3A_432 : vector<16xf32>
      %parallel_loop3A_452 = arith.mulf %parallel_loop3A_334, %parallel_loop3A_451 : vector<16xf32>
      %parallel_loop3A_453 = arith.addf %parallel_loop3A_432, %parallel_loop3A_452 : vector<16xf32>
      %parallel_loop3A_454 = arith.subf %parallel_loop3A_441, %parallel_loop3A_438 : vector<16xf32>
      %parallel_loop3A_455 = arith.mulf %parallel_loop3A_334, %parallel_loop3A_454 : vector<16xf32>
      %parallel_loop3A_456 = arith.addf %parallel_loop3A_438, %parallel_loop3A_455 : vector<16xf32>
      %parallel_loop3A_457 = arith.subf %parallel_loop3A_447, %parallel_loop3A_444 : vector<16xf32>
      %parallel_loop3A_458 = arith.mulf %parallel_loop3A_334, %parallel_loop3A_457 : vector<16xf32>
      %parallel_loop3A_459 = arith.addf %parallel_loop3A_444, %parallel_loop3A_458 : vector<16xf32>
      %parallel_loop3A_460 = arith.subf %parallel_loop3A_453, %parallel_loop3A_450 : vector<16xf32>
      %parallel_loop3A_461 = arith.mulf %parallel_loop3A_332, %parallel_loop3A_460 : vector<16xf32>
      %parallel_loop3A_462 = arith.addf %parallel_loop3A_450, %parallel_loop3A_461 : vector<16xf32>
      %parallel_loop3A_463 = arith.constant 0 : i32
      %parallel_loop3A_464 = arith.index_cast %parallel_loop3A_463 : i32 to index
      %parallel_loop3A_465 = arith.index_cast %parallel_loop3A_312 : i32 to index
      %parallel_loop3A_466 = tpu.vector_load %arg12[%parallel_loop3A_464, %parallel_loop3A_465] {strides = array<i32>} : memref<2x8192xf32, #tpu.memory_space<vmem>>, vector<16xf32>,
      tpu.vector_store %arg12[%parallel_loop3A_464, %parallel_loop3A_465], %parallel_loop3A_462 {strides = array<i32>} : memref<2x8192xf32, #tpu.memory_space<vmem>>, vector<16xf32>,
      %parallel_loop3A_467 = arith.subf %parallel_loop3A_459, %parallel_loop3A_456 : vector<16xf32>
      %parallel_loop3A_468 = arith.mulf %parallel_loop3A_332, %parallel_loop3A_467 : vector<16xf32>
      %parallel_loop3A_469 = arith.addf %parallel_loop3A_456, %parallel_loop3A_468 : vector<16xf32>
      %parallel_loop3A_470 = arith.constant 1 : i32
      %parallel_loop3A_471 = arith.index_cast %parallel_loop3A_470 : i32 to index
      %parallel_loop3A_472 = arith.index_cast %parallel_loop3A_312 : i32 to index
      %parallel_loop3A_473 = tpu.vector_load %arg12[%parallel_loop3A_471, %parallel_loop3A_472] {strides = array<i32>} : memref<2x8192xf32, #tpu.memory_space<vmem>>, vector<16xf32>,
      tpu.vector_store %arg12[%parallel_loop3A_471, %parallel_loop3A_472], %parallel_loop3A_469 {strides = array<i32>} : memref<2x8192xf32, #tpu.memory_space<vmem>>, vector<16xf32>,
    } {sc.loop_unroll_factor = 1 : i64, sc.parallel_access}
    %dma_start3A_141 = arith.constant 0 : i32
    %dma_start3A_142 = arith.constant 8 : i32
    %dma_start3A_143 = tpu.memref_slice %arg6[%dma_start3A_142, %mul3A_2] : memref<20x262144xf32, #tpu.memory_space<hbm>> -> memref<2x8192xf32, #tpu.memory_space<hbm>>
    %dma_start3A_144 = tpu.memref_slice %arg15[%dma_start3A_141] : memref<2x!tpu.dma_semaphore, #tpu.memory_space<semaphore_mem>> -> memref<1x!tpu.dma_semaphore, #tpu.memory_space<semaphore_mem>>
    %dma_start3A_145 = tpu.memref_squeeze %dma_start3A_144 : memref<1x!tpu.dma_semaphore, #tpu.memory_space<semaphore_mem>> -> memref<!tpu.dma_semaphore, #tpu.memory_space<semaphore_mem>>
    %dma_start3A_146 = arith.constant 8 : i32
    %dma_start3A_147 = tpu.memref_slice %arg6[%dma_start3A_146, %mul3A_2] : memref<20x262144xf32, #tpu.memory_space<hbm>> -> memref<2x8192xf32, #tpu.memory_space<hbm>>
    tpu.enqueue_dma source(%arg12 : memref<2x8192xf32, #tpu.memory_space<vmem>>) target(%dma_start3A_147 : memref<2x8192xf32, #tpu.memory_space<hbm>>) target_semaphore(%dma_start3A_145 : memref<!tpu.dma_semaphore, #tpu.memory_space<semaphore_mem>>)
    %dma_start3A_148 = arith.constant 0 : i32
    %dma_start3A_149 = arith.constant 196608 : i32
    %dma_start3A_150 = tpu.memref_slice %arg5[%dma_start3A_149] : memref<327680xf32, #tpu.memory_space<hbm>> -> memref<32768xf32, #tpu.memory_space<hbm>>
    %dma_start3A_151 = tpu.memref_slice %arg14[%dma_start3A_148] : memref<2x!tpu.dma_semaphore, #tpu.memory_space<semaphore_mem>> -> memref<1x!tpu.dma_semaphore, #tpu.memory_space<semaphore_mem>>
    %dma_start3A_152 = tpu.memref_squeeze %dma_start3A_151 : memref<1x!tpu.dma_semaphore, #tpu.memory_space<semaphore_mem>> -> memref<!tpu.dma_semaphore, #tpu.memory_space<semaphore_mem>>
    %dma_start3A_153 = arith.constant 196608 : i32
    %dma_start3A_154 = tpu.memref_slice %arg5[%dma_start3A_153] : memref<327680xf32, #tpu.memory_space<hbm>> -> memref<32768xf32, #tpu.memory_space<hbm>>
    tpu.enqueue_dma source(%dma_start3A_154 : memref<32768xf32, #tpu.memory_space<hbm>>) target(%arg10 : memref<32768xf32, #tpu.memory_space<vmem>>) target_semaphore(%dma_start3A_152 : memref<!tpu.dma_semaphore, #tpu.memory_space<semaphore_mem>>)
    %dma_wait3A_155 = arith.constant 1 : i32
    %dma_wait3A_156 = arith.constant 163840 : i32
    %dma_wait3A_157 = tpu.memref_slice %arg5[%dma_wait3A_156] : memref<327680xf32, #tpu.memory_space<hbm>> -> memref<32768xf32, #tpu.memory_space<hbm>>
    %dma_wait3A_158 = tpu.memref_slice %arg14[%dma_wait3A_155] : memref<2x!tpu.dma_semaphore, #tpu.memory_space<semaphore_mem>> -> memref<1x!tpu.dma_semaphore, #tpu.memory_space<semaphore_mem>>
    %dma_wait3A_159 = tpu.memref_squeeze %dma_wait3A_158 : memref<1x!tpu.dma_semaphore, #tpu.memory_space<semaphore_mem>> -> memref<!tpu.dma_semaphore, #tpu.memory_space<semaphore_mem>>
    %dma_wait3A_160 = arith.constant 163840 : i32
    %dma_wait3A_161 = tpu.memref_slice %arg5[%dma_wait3A_160] : memref<327680xf32, #tpu.memory_space<hbm>> -> memref<32768xf32, #tpu.memory_space<hbm>>
    tpu.wait_dma2 semaphore(%dma_wait3A_159 : memref<!tpu.dma_semaphore, #tpu.memory_space<semaphore_mem>>) src(%dma_wait3A_161 : memref<32768xf32, #tpu.memory_space<hbm>>) dst(%arg11 : memref<32768xf32, #tpu.memory_space<vmem>>)
    %dma_wait3A_162 = arith.constant 1 : i32
    %dma_wait3A_163 = arith.constant 6 : i32
    %dma_wait3A_164 = tpu.memref_slice %arg6[%dma_wait3A_163, %mul3A_2] : memref<20x262144xf32, #tpu.memory_space<hbm>> -> memref<2x8192xf32, #tpu.memory_space<hbm>>
    %dma_wait3A_165 = tpu.memref_slice %arg15[%dma_wait3A_162] : memref<2x!tpu.dma_semaphore, #tpu.memory_space<semaphore_mem>> -> memref<1x!tpu.dma_semaphore, #tpu.memory_space<semaphore_mem>>
    %dma_wait3A_166 = tpu.memref_squeeze %dma_wait3A_165 : memref<1x!tpu.dma_semaphore, #tpu.memory_space<semaphore_mem>> -> memref<!tpu.dma_semaphore, #tpu.memory_space<semaphore_mem>>
    %dma_wait3A_167 = arith.constant 6 : i32
    %dma_wait3A_168 = tpu.memref_slice %arg6[%dma_wait3A_167, %mul3A_2] : memref<20x262144xf32, #tpu.memory_space<hbm>> -> memref<2x8192xf32, #tpu.memory_space<hbm>>
    tpu.wait_dma2 semaphore(%dma_wait3A_166 : memref<!tpu.dma_semaphore, #tpu.memory_space<semaphore_mem>>) src(%arg13 : memref<2x8192xf32, #tpu.memory_space<vmem>>) dst(%dma_wait3A_168 : memref<2x8192xf32, #tpu.memory_space<hbm>>)
    %parallel_loop3A_169 = arith.constant 0 : i32
    %parallel_loop3A_170 = arith.constant 512 : i32
    %parallel_loop3A_171 = arith.constant 1 : i32
    scf.for %parallel_loop3A_310 = %parallel_loop3A_169 to %parallel_loop3A_170 step %parallel_loop3A_171  : i32 {
      %parallel_loop3A_311 = arith.constant 16 : i32
      %parallel_loop3A_312 = arith.muli %parallel_loop3A_310, %parallel_loop3A_311 : i32
      %parallel_loop3A_313 = arith.index_cast %parallel_loop3A_312 : i32 to index
      %parallel_loop3A_314 = tpu.vector_load %arg7[%parallel_loop3A_313] {strides = array<i32>} : memref<8192xf32, #tpu.memory_space<vmem>>, vector<16xf32>,
      %parallel_loop3A_315 = arith.index_cast %parallel_loop3A_312 : i32 to index
      %parallel_loop3A_316 = tpu.vector_load %arg8[%parallel_loop3A_315] {strides = array<i32>} : memref<8192xf32, #tpu.memory_space<vmem>>, vector<16xf32>,
      %parallel_loop3A_317 = arith.index_cast %parallel_loop3A_312 : i32 to index
      %parallel_loop3A_318 = tpu.vector_load %arg9[%parallel_loop3A_317] {strides = array<i32>} : memref<8192xf32, #tpu.memory_space<vmem>>, vector<16xf32>,
      %parallel_loop3A_319 = arith.constant 1.210000e+02 : f32
      %parallel_loop3A_320 = vector.broadcast %parallel_loop3A_319 : f32 to vector<16xf32>
      %parallel_loop3A_321 = arith.mulf %parallel_loop3A_314, %parallel_loop3A_320 : vector<16xf32>
      %parallel_loop3A_322 = arith.constant 1.210000e+02 : f32
      %parallel_loop3A_323 = vector.broadcast %parallel_loop3A_322 : f32 to vector<16xf32>
      %parallel_loop3A_324 = arith.mulf %parallel_loop3A_316, %parallel_loop3A_323 : vector<16xf32>
      %parallel_loop3A_325 = arith.constant 1.210000e+02 : f32
      %parallel_loop3A_326 = vector.broadcast %parallel_loop3A_325 : f32 to vector<16xf32>
      %parallel_loop3A_327 = arith.mulf %parallel_loop3A_318, %parallel_loop3A_326 : vector<16xf32>
      %parallel_loop3A_328 = arith.fptosi %parallel_loop3A_321 : vector<16xf32> to vector<16xi32>
      %parallel_loop3A_329 = arith.fptosi %parallel_loop3A_324 : vector<16xf32> to vector<16xi32>
      %parallel_loop3A_330 = arith.fptosi %parallel_loop3A_327 : vector<16xf32> to vector<16xi32>
      %parallel_loop3A_331 = arith.sitofp %parallel_loop3A_328 : vector<16xi32> to vector<16xf32>
      %parallel_loop3A_332 = arith.subf %parallel_loop3A_321, %parallel_loop3A_331 : vector<16xf32>
      %parallel_loop3A_333 = arith.sitofp %parallel_loop3A_329 : vector<16xi32> to vector<16xf32>
      %parallel_loop3A_334 = arith.subf %parallel_loop3A_324, %parallel_loop3A_333 : vector<16xf32>
      %parallel_loop3A_335 = arith.sitofp %parallel_loop3A_330 : vector<16xi32> to vector<16xf32>
      %parallel_loop3A_336 = arith.subf %parallel_loop3A_327, %parallel_loop3A_335 : vector<16xf32>
      %parallel_loop3A_337 = arith.constant 1 : i32
      %parallel_loop3A_338 = vector.broadcast %parallel_loop3A_337 : i32 to vector<16xi32>
      %parallel_loop3A_339 = arith.addi %parallel_loop3A_328, %parallel_loop3A_338 : vector<16xi32>
      %parallel_loop3A_340 = arith.constant -1640531535 : i32
      %parallel_loop3A_341 = vector.broadcast %parallel_loop3A_340 : i32 to vector<16xi32>
      %parallel_loop3A_342 = arith.muli %parallel_loop3A_329, %parallel_loop3A_341 : vector<16xi32>
      %parallel_loop3A_343 = arith.constant -1640531535 : i32
      %parallel_loop3A_344 = vector.broadcast %parallel_loop3A_343 : i32 to vector<16xi32>
      %parallel_loop3A_345 = arith.addi %parallel_loop3A_342, %parallel_loop3A_344 : vector<16xi32>
      %parallel_loop3A_346 = arith.constant 805459861 : i32
      %parallel_loop3A_347 = vector.broadcast %parallel_loop3A_346 : i32 to vector<16xi32>
      %parallel_loop3A_348 = arith.muli %parallel_loop3A_330, %parallel_loop3A_347 : vector<16xi32>
      %parallel_loop3A_349 = arith.constant 805459861 : i32
      %parallel_loop3A_350 = vector.broadcast %parallel_loop3A_349 : i32 to vector<16xi32>
      %parallel_loop3A_351 = arith.addi %parallel_loop3A_348, %parallel_loop3A_350 : vector<16xi32>
      %parallel_loop3A_352 = arith.xori %parallel_loop3A_328, %parallel_loop3A_342 : vector<16xi32>
      %parallel_loop3A_353 = arith.xori %parallel_loop3A_352, %parallel_loop3A_348 : vector<16xi32>
      %parallel_loop3A_354 = arith.constant 16383 : i32
      %parallel_loop3A_355 = vector.broadcast %parallel_loop3A_354 : i32 to vector<16xi32>
      %parallel_loop3A_356 = arith.andi %parallel_loop3A_353, %parallel_loop3A_355 : vector<16xi32>
      %parallel_loop3A_357 = arith.xori %parallel_loop3A_328, %parallel_loop3A_342 : vector<16xi32>
      %parallel_loop3A_358 = arith.xori %parallel_loop3A_357, %parallel_loop3A_351 : vector<16xi32>
      %parallel_loop3A_359 = arith.constant 16383 : i32
      %parallel_loop3A_360 = vector.broadcast %parallel_loop3A_359 : i32 to vector<16xi32>
      %parallel_loop3A_361 = arith.andi %parallel_loop3A_358, %parallel_loop3A_360 : vector<16xi32>
      %parallel_loop3A_362 = arith.xori %parallel_loop3A_328, %parallel_loop3A_345 : vector<16xi32>
      %parallel_loop3A_363 = arith.xori %parallel_loop3A_362, %parallel_loop3A_348 : vector<16xi32>
      %parallel_loop3A_364 = arith.constant 16383 : i32
      %parallel_loop3A_365 = vector.broadcast %parallel_loop3A_364 : i32 to vector<16xi32>
      %parallel_loop3A_366 = arith.andi %parallel_loop3A_363, %parallel_loop3A_365 : vector<16xi32>
      %parallel_loop3A_367 = arith.xori %parallel_loop3A_328, %parallel_loop3A_345 : vector<16xi32>
      %parallel_loop3A_368 = arith.xori %parallel_loop3A_367, %parallel_loop3A_351 : vector<16xi32>
      %parallel_loop3A_369 = arith.constant 16383 : i32
      %parallel_loop3A_370 = vector.broadcast %parallel_loop3A_369 : i32 to vector<16xi32>
      %parallel_loop3A_371 = arith.andi %parallel_loop3A_368, %parallel_loop3A_370 : vector<16xi32>
      %parallel_loop3A_372 = arith.xori %parallel_loop3A_339, %parallel_loop3A_342 : vector<16xi32>
      %parallel_loop3A_373 = arith.xori %parallel_loop3A_372, %parallel_loop3A_348 : vector<16xi32>
      %parallel_loop3A_374 = arith.constant 16383 : i32
      %parallel_loop3A_375 = vector.broadcast %parallel_loop3A_374 : i32 to vector<16xi32>
      %parallel_loop3A_376 = arith.andi %parallel_loop3A_373, %parallel_loop3A_375 : vector<16xi32>
      %parallel_loop3A_377 = arith.xori %parallel_loop3A_339, %parallel_loop3A_342 : vector<16xi32>
      %parallel_loop3A_378 = arith.xori %parallel_loop3A_377, %parallel_loop3A_351 : vector<16xi32>
      %parallel_loop3A_379 = arith.constant 16383 : i32
      %parallel_loop3A_380 = vector.broadcast %parallel_loop3A_379 : i32 to vector<16xi32>
      %parallel_loop3A_381 = arith.andi %parallel_loop3A_378, %parallel_loop3A_380 : vector<16xi32>
      %parallel_loop3A_382 = arith.xori %parallel_loop3A_339, %parallel_loop3A_345 : vector<16xi32>
      %parallel_loop3A_383 = arith.xori %parallel_loop3A_382, %parallel_loop3A_348 : vector<16xi32>
      %parallel_loop3A_384 = arith.constant 16383 : i32
      %parallel_loop3A_385 = vector.broadcast %parallel_loop3A_384 : i32 to vector<16xi32>
      %parallel_loop3A_386 = arith.andi %parallel_loop3A_383, %parallel_loop3A_385 : vector<16xi32>
      %parallel_loop3A_387 = arith.xori %parallel_loop3A_339, %parallel_loop3A_345 : vector<16xi32>
      %parallel_loop3A_388 = arith.xori %parallel_loop3A_387, %parallel_loop3A_351 : vector<16xi32>
      %parallel_loop3A_389 = arith.constant 16383 : i32
      %parallel_loop3A_390 = vector.broadcast %parallel_loop3A_389 : i32 to vector<16xi32>
      %parallel_loop3A_391 = arith.andi %parallel_loop3A_388, %parallel_loop3A_390 : vector<16xi32>
      %parallel_loop3A_392 = tpu.vector_load_idx %arg11[%parallel_loop3A_356] : memref<32768xf32, #tpu.memory_space<vmem>>[vector<16xi32>], vector<16xf32>,
      %parallel_loop3A_393 = arith.constant 16384 : i32
      %parallel_loop3A_394 = tpu.memref_slice %arg11[%parallel_loop3A_393] : memref<32768xf32, #tpu.memory_space<vmem>> -> memref<16384xf32, #tpu.memory_space<vmem>>
      %parallel_loop3A_395 = tpu.vector_load_idx %parallel_loop3A_394[%parallel_loop3A_356] : memref<16384xf32, #tpu.memory_space<vmem>>[vector<16xi32>], vector<16xf32>,
      %parallel_loop3A_396 = tpu.vector_load_idx %arg11[%parallel_loop3A_361] : memref<32768xf32, #tpu.memory_space<vmem>>[vector<16xi32>], vector<16xf32>,
      %parallel_loop3A_397 = arith.constant 16384 : i32
      %parallel_loop3A_398 = tpu.memref_slice %arg11[%parallel_loop3A_397] : memref<32768xf32, #tpu.memory_space<vmem>> -> memref<16384xf32, #tpu.memory_space<vmem>>
      %parallel_loop3A_399 = tpu.vector_load_idx %parallel_loop3A_398[%parallel_loop3A_361] : memref<16384xf32, #tpu.memory_space<vmem>>[vector<16xi32>], vector<16xf32>,
      %parallel_loop3A_400 = tpu.vector_load_idx %arg11[%parallel_loop3A_366] : memref<32768xf32, #tpu.memory_space<vmem>>[vector<16xi32>], vector<16xf32>,
      %parallel_loop3A_401 = arith.constant 16384 : i32
      %parallel_loop3A_402 = tpu.memref_slice %arg11[%parallel_loop3A_401] : memref<32768xf32, #tpu.memory_space<vmem>> -> memref<16384xf32, #tpu.memory_space<vmem>>
      %parallel_loop3A_403 = tpu.vector_load_idx %parallel_loop3A_402[%parallel_loop3A_366] : memref<16384xf32, #tpu.memory_space<vmem>>[vector<16xi32>], vector<16xf32>,
      %parallel_loop3A_404 = tpu.vector_load_idx %arg11[%parallel_loop3A_371] : memref<32768xf32, #tpu.memory_space<vmem>>[vector<16xi32>], vector<16xf32>,
      %parallel_loop3A_405 = arith.constant 16384 : i32
      %parallel_loop3A_406 = tpu.memref_slice %arg11[%parallel_loop3A_405] : memref<32768xf32, #tpu.memory_space<vmem>> -> memref<16384xf32, #tpu.memory_space<vmem>>
      %parallel_loop3A_407 = tpu.vector_load_idx %parallel_loop3A_406[%parallel_loop3A_371] : memref<16384xf32, #tpu.memory_space<vmem>>[vector<16xi32>], vector<16xf32>,
      %parallel_loop3A_408 = tpu.vector_load_idx %arg11[%parallel_loop3A_376] : memref<32768xf32, #tpu.memory_space<vmem>>[vector<16xi32>], vector<16xf32>,
      %parallel_loop3A_409 = arith.constant 16384 : i32
      %parallel_loop3A_410 = tpu.memref_slice %arg11[%parallel_loop3A_409] : memref<32768xf32, #tpu.memory_space<vmem>> -> memref<16384xf32, #tpu.memory_space<vmem>>
      %parallel_loop3A_411 = tpu.vector_load_idx %parallel_loop3A_410[%parallel_loop3A_376] : memref<16384xf32, #tpu.memory_space<vmem>>[vector<16xi32>], vector<16xf32>,
      %parallel_loop3A_412 = tpu.vector_load_idx %arg11[%parallel_loop3A_381] : memref<32768xf32, #tpu.memory_space<vmem>>[vector<16xi32>], vector<16xf32>,
      %parallel_loop3A_413 = arith.constant 16384 : i32
      %parallel_loop3A_414 = tpu.memref_slice %arg11[%parallel_loop3A_413] : memref<32768xf32, #tpu.memory_space<vmem>> -> memref<16384xf32, #tpu.memory_space<vmem>>
      %parallel_loop3A_415 = tpu.vector_load_idx %parallel_loop3A_414[%parallel_loop3A_381] : memref<16384xf32, #tpu.memory_space<vmem>>[vector<16xi32>], vector<16xf32>,
      %parallel_loop3A_416 = tpu.vector_load_idx %arg11[%parallel_loop3A_386] : memref<32768xf32, #tpu.memory_space<vmem>>[vector<16xi32>], vector<16xf32>,
      %parallel_loop3A_417 = arith.constant 16384 : i32
      %parallel_loop3A_418 = tpu.memref_slice %arg11[%parallel_loop3A_417] : memref<32768xf32, #tpu.memory_space<vmem>> -> memref<16384xf32, #tpu.memory_space<vmem>>
      %parallel_loop3A_419 = tpu.vector_load_idx %parallel_loop3A_418[%parallel_loop3A_386] : memref<16384xf32, #tpu.memory_space<vmem>>[vector<16xi32>], vector<16xf32>,
      %parallel_loop3A_420 = tpu.vector_load_idx %arg11[%parallel_loop3A_391] : memref<32768xf32, #tpu.memory_space<vmem>>[vector<16xi32>], vector<16xf32>,
      %parallel_loop3A_421 = arith.constant 16384 : i32
      %parallel_loop3A_422 = tpu.memref_slice %arg11[%parallel_loop3A_421] : memref<32768xf32, #tpu.memory_space<vmem>> -> memref<16384xf32, #tpu.memory_space<vmem>>
      %parallel_loop3A_423 = tpu.vector_load_idx %parallel_loop3A_422[%parallel_loop3A_391] : memref<16384xf32, #tpu.memory_space<vmem>>[vector<16xi32>], vector<16xf32>,
      %parallel_loop3A_424 = arith.subf %parallel_loop3A_396, %parallel_loop3A_392 : vector<16xf32>
      %parallel_loop3A_425 = arith.mulf %parallel_loop3A_336, %parallel_loop3A_424 : vector<16xf32>
      %parallel_loop3A_426 = arith.addf %parallel_loop3A_392, %parallel_loop3A_425 : vector<16xf32>
      %parallel_loop3A_427 = arith.subf %parallel_loop3A_404, %parallel_loop3A_400 : vector<16xf32>
      %parallel_loop3A_428 = arith.mulf %parallel_loop3A_336, %parallel_loop3A_427 : vector<16xf32>
      %parallel_loop3A_429 = arith.addf %parallel_loop3A_400, %parallel_loop3A_428 : vector<16xf32>
      %parallel_loop3A_430 = arith.subf %parallel_loop3A_412, %parallel_loop3A_408 : vector<16xf32>
      %parallel_loop3A_431 = arith.mulf %parallel_loop3A_336, %parallel_loop3A_430 : vector<16xf32>
      %parallel_loop3A_432 = arith.addf %parallel_loop3A_408, %parallel_loop3A_431 : vector<16xf32>
      %parallel_loop3A_433 = arith.subf %parallel_loop3A_420, %parallel_loop3A_416 : vector<16xf32>
      %parallel_loop3A_434 = arith.mulf %parallel_loop3A_336, %parallel_loop3A_433 : vector<16xf32>
      %parallel_loop3A_435 = arith.addf %parallel_loop3A_416, %parallel_loop3A_434 : vector<16xf32>
      %parallel_loop3A_436 = arith.subf %parallel_loop3A_399, %parallel_loop3A_395 : vector<16xf32>
      %parallel_loop3A_437 = arith.mulf %parallel_loop3A_336, %parallel_loop3A_436 : vector<16xf32>
      %parallel_loop3A_438 = arith.addf %parallel_loop3A_395, %parallel_loop3A_437 : vector<16xf32>
      %parallel_loop3A_439 = arith.subf %parallel_loop3A_407, %parallel_loop3A_403 : vector<16xf32>
      %parallel_loop3A_440 = arith.mulf %parallel_loop3A_336, %parallel_loop3A_439 : vector<16xf32>
      %parallel_loop3A_441 = arith.addf %parallel_loop3A_403, %parallel_loop3A_440 : vector<16xf32>
      %parallel_loop3A_442 = arith.subf %parallel_loop3A_415, %parallel_loop3A_411 : vector<16xf32>
      %parallel_loop3A_443 = arith.mulf %parallel_loop3A_336, %parallel_loop3A_442 : vector<16xf32>
      %parallel_loop3A_444 = arith.addf %parallel_loop3A_411, %parallel_loop3A_443 : vector<16xf32>
      %parallel_loop3A_445 = arith.subf %parallel_loop3A_423, %parallel_loop3A_419 : vector<16xf32>
      %parallel_loop3A_446 = arith.mulf %parallel_loop3A_336, %parallel_loop3A_445 : vector<16xf32>
      %parallel_loop3A_447 = arith.addf %parallel_loop3A_419, %parallel_loop3A_446 : vector<16xf32>
      %parallel_loop3A_448 = arith.subf %parallel_loop3A_429, %parallel_loop3A_426 : vector<16xf32>
      %parallel_loop3A_449 = arith.mulf %parallel_loop3A_334, %parallel_loop3A_448 : vector<16xf32>
      %parallel_loop3A_450 = arith.addf %parallel_loop3A_426, %parallel_loop3A_449 : vector<16xf32>
      %parallel_loop3A_451 = arith.subf %parallel_loop3A_435, %parallel_loop3A_432 : vector<16xf32>
      %parallel_loop3A_452 = arith.mulf %parallel_loop3A_334, %parallel_loop3A_451 : vector<16xf32>
      %parallel_loop3A_453 = arith.addf %parallel_loop3A_432, %parallel_loop3A_452 : vector<16xf32>
      %parallel_loop3A_454 = arith.subf %parallel_loop3A_441, %parallel_loop3A_438 : vector<16xf32>
      %parallel_loop3A_455 = arith.mulf %parallel_loop3A_334, %parallel_loop3A_454 : vector<16xf32>
      %parallel_loop3A_456 = arith.addf %parallel_loop3A_438, %parallel_loop3A_455 : vector<16xf32>
      %parallel_loop3A_457 = arith.subf %parallel_loop3A_447, %parallel_loop3A_444 : vector<16xf32>
      %parallel_loop3A_458 = arith.mulf %parallel_loop3A_334, %parallel_loop3A_457 : vector<16xf32>
      %parallel_loop3A_459 = arith.addf %parallel_loop3A_444, %parallel_loop3A_458 : vector<16xf32>
      %parallel_loop3A_460 = arith.subf %parallel_loop3A_453, %parallel_loop3A_450 : vector<16xf32>
      %parallel_loop3A_461 = arith.mulf %parallel_loop3A_332, %parallel_loop3A_460 : vector<16xf32>
      %parallel_loop3A_462 = arith.addf %parallel_loop3A_450, %parallel_loop3A_461 : vector<16xf32>
      %parallel_loop3A_463 = arith.constant 0 : i32
      %parallel_loop3A_464 = arith.index_cast %parallel_loop3A_463 : i32 to index
      %parallel_loop3A_465 = arith.index_cast %parallel_loop3A_312 : i32 to index
      %parallel_loop3A_466 = tpu.vector_load %arg13[%parallel_loop3A_464, %parallel_loop3A_465] {strides = array<i32>} : memref<2x8192xf32, #tpu.memory_space<vmem>>, vector<16xf32>,
      tpu.vector_store %arg13[%parallel_loop3A_464, %parallel_loop3A_465], %parallel_loop3A_462 {strides = array<i32>} : memref<2x8192xf32, #tpu.memory_space<vmem>>, vector<16xf32>,
      %parallel_loop3A_467 = arith.subf %parallel_loop3A_459, %parallel_loop3A_456 : vector<16xf32>
      %parallel_loop3A_468 = arith.mulf %parallel_loop3A_332, %parallel_loop3A_467 : vector<16xf32>
      %parallel_loop3A_469 = arith.addf %parallel_loop3A_456, %parallel_loop3A_468 : vector<16xf32>
      %parallel_loop3A_470 = arith.constant 1 : i32
      %parallel_loop3A_471 = arith.index_cast %parallel_loop3A_470 : i32 to index
      %parallel_loop3A_472 = arith.index_cast %parallel_loop3A_312 : i32 to index
      %parallel_loop3A_473 = tpu.vector_load %arg13[%parallel_loop3A_471, %parallel_loop3A_472] {strides = array<i32>} : memref<2x8192xf32, #tpu.memory_space<vmem>>, vector<16xf32>,
      tpu.vector_store %arg13[%parallel_loop3A_471, %parallel_loop3A_472], %parallel_loop3A_469 {strides = array<i32>} : memref<2x8192xf32, #tpu.memory_space<vmem>>, vector<16xf32>,
    } {sc.loop_unroll_factor = 1 : i64, sc.parallel_access}
    %dma_start3A_172 = arith.constant 1 : i32
    %dma_start3A_173 = arith.constant 10 : i32
    %dma_start3A_174 = tpu.memref_slice %arg6[%dma_start3A_173, %mul3A_2] : memref<20x262144xf32, #tpu.memory_space<hbm>> -> memref<2x8192xf32, #tpu.memory_space<hbm>>
    %dma_start3A_175 = tpu.memref_slice %arg15[%dma_start3A_172] : memref<2x!tpu.dma_semaphore, #tpu.memory_space<semaphore_mem>> -> memref<1x!tpu.dma_semaphore, #tpu.memory_space<semaphore_mem>>
    %dma_start3A_176 = tpu.memref_squeeze %dma_start3A_175 : memref<1x!tpu.dma_semaphore, #tpu.memory_space<semaphore_mem>> -> memref<!tpu.dma_semaphore, #tpu.memory_space<semaphore_mem>>
    %dma_start3A_177 = arith.constant 10 : i32
    %dma_start3A_178 = tpu.memref_slice %arg6[%dma_start3A_177, %mul3A_2] : memref<20x262144xf32, #tpu.memory_space<hbm>> -> memref<2x8192xf32, #tpu.memory_space<hbm>>
    tpu.enqueue_dma source(%arg13 : memref<2x8192xf32, #tpu.memory_space<vmem>>) target(%dma_start3A_178 : memref<2x8192xf32, #tpu.memory_space<hbm>>) target_semaphore(%dma_start3A_176 : memref<!tpu.dma_semaphore, #tpu.memory_space<semaphore_mem>>)
    %dma_start3A_179 = arith.constant 1 : i32
    %dma_start3A_180 = arith.constant 229376 : i32
    %dma_start3A_181 = tpu.memref_slice %arg5[%dma_start3A_180] : memref<327680xf32, #tpu.memory_space<hbm>> -> memref<32768xf32, #tpu.memory_space<hbm>>
    %dma_start3A_182 = tpu.memref_slice %arg14[%dma_start3A_179] : memref<2x!tpu.dma_semaphore, #tpu.memory_space<semaphore_mem>> -> memref<1x!tpu.dma_semaphore, #tpu.memory_space<semaphore_mem>>
    %dma_start3A_183 = tpu.memref_squeeze %dma_start3A_182 : memref<1x!tpu.dma_semaphore, #tpu.memory_space<semaphore_mem>> -> memref<!tpu.dma_semaphore, #tpu.memory_space<semaphore_mem>>
    %dma_start3A_184 = arith.constant 229376 : i32
    %dma_start3A_185 = tpu.memref_slice %arg5[%dma_start3A_184] : memref<327680xf32, #tpu.memory_space<hbm>> -> memref<32768xf32, #tpu.memory_space<hbm>>
    tpu.enqueue_dma source(%dma_start3A_185 : memref<32768xf32, #tpu.memory_space<hbm>>) target(%arg11 : memref<32768xf32, #tpu.memory_space<vmem>>) target_semaphore(%dma_start3A_183 : memref<!tpu.dma_semaphore, #tpu.memory_space<semaphore_mem>>)
    %dma_wait3A_186 = arith.constant 0 : i32
    %dma_wait3A_187 = arith.constant 196608 : i32
    %dma_wait3A_188 = tpu.memref_slice %arg5[%dma_wait3A_187] : memref<327680xf32, #tpu.memory_space<hbm>> -> memref<32768xf32, #tpu.memory_space<hbm>>
    %dma_wait3A_189 = tpu.memref_slice %arg14[%dma_wait3A_186] : memref<2x!tpu.dma_semaphore, #tpu.memory_space<semaphore_mem>> -> memref<1x!tpu.dma_semaphore, #tpu.memory_space<semaphore_mem>>
    %dma_wait3A_190 = tpu.memref_squeeze %dma_wait3A_189 : memref<1x!tpu.dma_semaphore, #tpu.memory_space<semaphore_mem>> -> memref<!tpu.dma_semaphore, #tpu.memory_space<semaphore_mem>>
    %dma_wait3A_191 = arith.constant 196608 : i32
    %dma_wait3A_192 = tpu.memref_slice %arg5[%dma_wait3A_191] : memref<327680xf32, #tpu.memory_space<hbm>> -> memref<32768xf32, #tpu.memory_space<hbm>>
    tpu.wait_dma2 semaphore(%dma_wait3A_190 : memref<!tpu.dma_semaphore, #tpu.memory_space<semaphore_mem>>) src(%dma_wait3A_192 : memref<32768xf32, #tpu.memory_space<hbm>>) dst(%arg10 : memref<32768xf32, #tpu.memory_space<vmem>>)
    %dma_wait3A_193 = arith.constant 0 : i32
    %dma_wait3A_194 = arith.constant 8 : i32
    %dma_wait3A_195 = tpu.memref_slice %arg6[%dma_wait3A_194, %mul3A_2] : memref<20x262144xf32, #tpu.memory_space<hbm>> -> memref<2x8192xf32, #tpu.memory_space<hbm>>
    %dma_wait3A_196 = tpu.memref_slice %arg15[%dma_wait3A_193] : memref<2x!tpu.dma_semaphore, #tpu.memory_space<semaphore_mem>> -> memref<1x!tpu.dma_semaphore, #tpu.memory_space<semaphore_mem>>
    %dma_wait3A_197 = tpu.memref_squeeze %dma_wait3A_196 : memref<1x!tpu.dma_semaphore, #tpu.memory_space<semaphore_mem>> -> memref<!tpu.dma_semaphore, #tpu.memory_space<semaphore_mem>>
    %dma_wait3A_198 = arith.constant 8 : i32
    %dma_wait3A_199 = tpu.memref_slice %arg6[%dma_wait3A_198, %mul3A_2] : memref<20x262144xf32, #tpu.memory_space<hbm>> -> memref<2x8192xf32, #tpu.memory_space<hbm>>
    tpu.wait_dma2 semaphore(%dma_wait3A_197 : memref<!tpu.dma_semaphore, #tpu.memory_space<semaphore_mem>>) src(%arg12 : memref<2x8192xf32, #tpu.memory_space<vmem>>) dst(%dma_wait3A_199 : memref<2x8192xf32, #tpu.memory_space<hbm>>)
    %parallel_loop3A_200 = arith.constant 0 : i32
    %parallel_loop3A_201 = arith.constant 512 : i32
    %parallel_loop3A_202 = arith.constant 1 : i32
    scf.for %parallel_loop3A_310 = %parallel_loop3A_200 to %parallel_loop3A_201 step %parallel_loop3A_202  : i32 {
      %parallel_loop3A_311 = arith.constant 16 : i32
      %parallel_loop3A_312 = arith.muli %parallel_loop3A_310, %parallel_loop3A_311 : i32
      %parallel_loop3A_313 = arith.index_cast %parallel_loop3A_312 : i32 to index
      %parallel_loop3A_314 = tpu.vector_load %arg7[%parallel_loop3A_313] {strides = array<i32>} : memref<8192xf32, #tpu.memory_space<vmem>>, vector<16xf32>,
      %parallel_loop3A_315 = arith.index_cast %parallel_loop3A_312 : i32 to index
      %parallel_loop3A_316 = tpu.vector_load %arg8[%parallel_loop3A_315] {strides = array<i32>} : memref<8192xf32, #tpu.memory_space<vmem>>, vector<16xf32>,
      %parallel_loop3A_317 = arith.index_cast %parallel_loop3A_312 : i32 to index
      %parallel_loop3A_318 = tpu.vector_load %arg9[%parallel_loop3A_317] {strides = array<i32>} : memref<8192xf32, #tpu.memory_space<vmem>>, vector<16xf32>,
      %parallel_loop3A_319 = arith.constant 1.820000e+02 : f32
      %parallel_loop3A_320 = vector.broadcast %parallel_loop3A_319 : f32 to vector<16xf32>
      %parallel_loop3A_321 = arith.mulf %parallel_loop3A_314, %parallel_loop3A_320 : vector<16xf32>
      %parallel_loop3A_322 = arith.constant 1.820000e+02 : f32
      %parallel_loop3A_323 = vector.broadcast %parallel_loop3A_322 : f32 to vector<16xf32>
      %parallel_loop3A_324 = arith.mulf %parallel_loop3A_316, %parallel_loop3A_323 : vector<16xf32>
      %parallel_loop3A_325 = arith.constant 1.820000e+02 : f32
      %parallel_loop3A_326 = vector.broadcast %parallel_loop3A_325 : f32 to vector<16xf32>
      %parallel_loop3A_327 = arith.mulf %parallel_loop3A_318, %parallel_loop3A_326 : vector<16xf32>
      %parallel_loop3A_328 = arith.fptosi %parallel_loop3A_321 : vector<16xf32> to vector<16xi32>
      %parallel_loop3A_329 = arith.fptosi %parallel_loop3A_324 : vector<16xf32> to vector<16xi32>
      %parallel_loop3A_330 = arith.fptosi %parallel_loop3A_327 : vector<16xf32> to vector<16xi32>
      %parallel_loop3A_331 = arith.sitofp %parallel_loop3A_328 : vector<16xi32> to vector<16xf32>
      %parallel_loop3A_332 = arith.subf %parallel_loop3A_321, %parallel_loop3A_331 : vector<16xf32>
      %parallel_loop3A_333 = arith.sitofp %parallel_loop3A_329 : vector<16xi32> to vector<16xf32>
      %parallel_loop3A_334 = arith.subf %parallel_loop3A_324, %parallel_loop3A_333 : vector<16xf32>
      %parallel_loop3A_335 = arith.sitofp %parallel_loop3A_330 : vector<16xi32> to vector<16xf32>
      %parallel_loop3A_336 = arith.subf %parallel_loop3A_327, %parallel_loop3A_335 : vector<16xf32>
      %parallel_loop3A_337 = arith.constant 1 : i32
      %parallel_loop3A_338 = vector.broadcast %parallel_loop3A_337 : i32 to vector<16xi32>
      %parallel_loop3A_339 = arith.addi %parallel_loop3A_328, %parallel_loop3A_338 : vector<16xi32>
      %parallel_loop3A_340 = arith.constant -1640531535 : i32
      %parallel_loop3A_341 = vector.broadcast %parallel_loop3A_340 : i32 to vector<16xi32>
      %parallel_loop3A_342 = arith.muli %parallel_loop3A_329, %parallel_loop3A_341 : vector<16xi32>
      %parallel_loop3A_343 = arith.constant -1640531535 : i32
      %parallel_loop3A_344 = vector.broadcast %parallel_loop3A_343 : i32 to vector<16xi32>
      %parallel_loop3A_345 = arith.addi %parallel_loop3A_342, %parallel_loop3A_344 : vector<16xi32>
      %parallel_loop3A_346 = arith.constant 805459861 : i32
      %parallel_loop3A_347 = vector.broadcast %parallel_loop3A_346 : i32 to vector<16xi32>
      %parallel_loop3A_348 = arith.muli %parallel_loop3A_330, %parallel_loop3A_347 : vector<16xi32>
      %parallel_loop3A_349 = arith.constant 805459861 : i32
      %parallel_loop3A_350 = vector.broadcast %parallel_loop3A_349 : i32 to vector<16xi32>
      %parallel_loop3A_351 = arith.addi %parallel_loop3A_348, %parallel_loop3A_350 : vector<16xi32>
      %parallel_loop3A_352 = arith.xori %parallel_loop3A_328, %parallel_loop3A_342 : vector<16xi32>
      %parallel_loop3A_353 = arith.xori %parallel_loop3A_352, %parallel_loop3A_348 : vector<16xi32>
      %parallel_loop3A_354 = arith.constant 16383 : i32
      %parallel_loop3A_355 = vector.broadcast %parallel_loop3A_354 : i32 to vector<16xi32>
      %parallel_loop3A_356 = arith.andi %parallel_loop3A_353, %parallel_loop3A_355 : vector<16xi32>
      %parallel_loop3A_357 = arith.xori %parallel_loop3A_328, %parallel_loop3A_342 : vector<16xi32>
      %parallel_loop3A_358 = arith.xori %parallel_loop3A_357, %parallel_loop3A_351 : vector<16xi32>
      %parallel_loop3A_359 = arith.constant 16383 : i32
      %parallel_loop3A_360 = vector.broadcast %parallel_loop3A_359 : i32 to vector<16xi32>
      %parallel_loop3A_361 = arith.andi %parallel_loop3A_358, %parallel_loop3A_360 : vector<16xi32>
      %parallel_loop3A_362 = arith.xori %parallel_loop3A_328, %parallel_loop3A_345 : vector<16xi32>
      %parallel_loop3A_363 = arith.xori %parallel_loop3A_362, %parallel_loop3A_348 : vector<16xi32>
      %parallel_loop3A_364 = arith.constant 16383 : i32
      %parallel_loop3A_365 = vector.broadcast %parallel_loop3A_364 : i32 to vector<16xi32>
      %parallel_loop3A_366 = arith.andi %parallel_loop3A_363, %parallel_loop3A_365 : vector<16xi32>
      %parallel_loop3A_367 = arith.xori %parallel_loop3A_328, %parallel_loop3A_345 : vector<16xi32>
      %parallel_loop3A_368 = arith.xori %parallel_loop3A_367, %parallel_loop3A_351 : vector<16xi32>
      %parallel_loop3A_369 = arith.constant 16383 : i32
      %parallel_loop3A_370 = vector.broadcast %parallel_loop3A_369 : i32 to vector<16xi32>
      %parallel_loop3A_371 = arith.andi %parallel_loop3A_368, %parallel_loop3A_370 : vector<16xi32>
      %parallel_loop3A_372 = arith.xori %parallel_loop3A_339, %parallel_loop3A_342 : vector<16xi32>
      %parallel_loop3A_373 = arith.xori %parallel_loop3A_372, %parallel_loop3A_348 : vector<16xi32>
      %parallel_loop3A_374 = arith.constant 16383 : i32
      %parallel_loop3A_375 = vector.broadcast %parallel_loop3A_374 : i32 to vector<16xi32>
      %parallel_loop3A_376 = arith.andi %parallel_loop3A_373, %parallel_loop3A_375 : vector<16xi32>
      %parallel_loop3A_377 = arith.xori %parallel_loop3A_339, %parallel_loop3A_342 : vector<16xi32>
      %parallel_loop3A_378 = arith.xori %parallel_loop3A_377, %parallel_loop3A_351 : vector<16xi32>
      %parallel_loop3A_379 = arith.constant 16383 : i32
      %parallel_loop3A_380 = vector.broadcast %parallel_loop3A_379 : i32 to vector<16xi32>
      %parallel_loop3A_381 = arith.andi %parallel_loop3A_378, %parallel_loop3A_380 : vector<16xi32>
      %parallel_loop3A_382 = arith.xori %parallel_loop3A_339, %parallel_loop3A_345 : vector<16xi32>
      %parallel_loop3A_383 = arith.xori %parallel_loop3A_382, %parallel_loop3A_348 : vector<16xi32>
      %parallel_loop3A_384 = arith.constant 16383 : i32
      %parallel_loop3A_385 = vector.broadcast %parallel_loop3A_384 : i32 to vector<16xi32>
      %parallel_loop3A_386 = arith.andi %parallel_loop3A_383, %parallel_loop3A_385 : vector<16xi32>
      %parallel_loop3A_387 = arith.xori %parallel_loop3A_339, %parallel_loop3A_345 : vector<16xi32>
      %parallel_loop3A_388 = arith.xori %parallel_loop3A_387, %parallel_loop3A_351 : vector<16xi32>
      %parallel_loop3A_389 = arith.constant 16383 : i32
      %parallel_loop3A_390 = vector.broadcast %parallel_loop3A_389 : i32 to vector<16xi32>
      %parallel_loop3A_391 = arith.andi %parallel_loop3A_388, %parallel_loop3A_390 : vector<16xi32>
      %parallel_loop3A_392 = tpu.vector_load_idx %arg10[%parallel_loop3A_356] : memref<32768xf32, #tpu.memory_space<vmem>>[vector<16xi32>], vector<16xf32>,
      %parallel_loop3A_393 = arith.constant 16384 : i32
      %parallel_loop3A_394 = tpu.memref_slice %arg10[%parallel_loop3A_393] : memref<32768xf32, #tpu.memory_space<vmem>> -> memref<16384xf32, #tpu.memory_space<vmem>>
      %parallel_loop3A_395 = tpu.vector_load_idx %parallel_loop3A_394[%parallel_loop3A_356] : memref<16384xf32, #tpu.memory_space<vmem>>[vector<16xi32>], vector<16xf32>,
      %parallel_loop3A_396 = tpu.vector_load_idx %arg10[%parallel_loop3A_361] : memref<32768xf32, #tpu.memory_space<vmem>>[vector<16xi32>], vector<16xf32>,
      %parallel_loop3A_397 = arith.constant 16384 : i32
      %parallel_loop3A_398 = tpu.memref_slice %arg10[%parallel_loop3A_397] : memref<32768xf32, #tpu.memory_space<vmem>> -> memref<16384xf32, #tpu.memory_space<vmem>>
      %parallel_loop3A_399 = tpu.vector_load_idx %parallel_loop3A_398[%parallel_loop3A_361] : memref<16384xf32, #tpu.memory_space<vmem>>[vector<16xi32>], vector<16xf32>,
      %parallel_loop3A_400 = tpu.vector_load_idx %arg10[%parallel_loop3A_366] : memref<32768xf32, #tpu.memory_space<vmem>>[vector<16xi32>], vector<16xf32>,
      %parallel_loop3A_401 = arith.constant 16384 : i32
      %parallel_loop3A_402 = tpu.memref_slice %arg10[%parallel_loop3A_401] : memref<32768xf32, #tpu.memory_space<vmem>> -> memref<16384xf32, #tpu.memory_space<vmem>>
      %parallel_loop3A_403 = tpu.vector_load_idx %parallel_loop3A_402[%parallel_loop3A_366] : memref<16384xf32, #tpu.memory_space<vmem>>[vector<16xi32>], vector<16xf32>,
      %parallel_loop3A_404 = tpu.vector_load_idx %arg10[%parallel_loop3A_371] : memref<32768xf32, #tpu.memory_space<vmem>>[vector<16xi32>], vector<16xf32>,
      %parallel_loop3A_405 = arith.constant 16384 : i32
      %parallel_loop3A_406 = tpu.memref_slice %arg10[%parallel_loop3A_405] : memref<32768xf32, #tpu.memory_space<vmem>> -> memref<16384xf32, #tpu.memory_space<vmem>>
      %parallel_loop3A_407 = tpu.vector_load_idx %parallel_loop3A_406[%parallel_loop3A_371] : memref<16384xf32, #tpu.memory_space<vmem>>[vector<16xi32>], vector<16xf32>,
      %parallel_loop3A_408 = tpu.vector_load_idx %arg10[%parallel_loop3A_376] : memref<32768xf32, #tpu.memory_space<vmem>>[vector<16xi32>], vector<16xf32>,
      %parallel_loop3A_409 = arith.constant 16384 : i32
      %parallel_loop3A_410 = tpu.memref_slice %arg10[%parallel_loop3A_409] : memref<32768xf32, #tpu.memory_space<vmem>> -> memref<16384xf32, #tpu.memory_space<vmem>>
      %parallel_loop3A_411 = tpu.vector_load_idx %parallel_loop3A_410[%parallel_loop3A_376] : memref<16384xf32, #tpu.memory_space<vmem>>[vector<16xi32>], vector<16xf32>,
      %parallel_loop3A_412 = tpu.vector_load_idx %arg10[%parallel_loop3A_381] : memref<32768xf32, #tpu.memory_space<vmem>>[vector<16xi32>], vector<16xf32>,
      %parallel_loop3A_413 = arith.constant 16384 : i32
      %parallel_loop3A_414 = tpu.memref_slice %arg10[%parallel_loop3A_413] : memref<32768xf32, #tpu.memory_space<vmem>> -> memref<16384xf32, #tpu.memory_space<vmem>>
      %parallel_loop3A_415 = tpu.vector_load_idx %parallel_loop3A_414[%parallel_loop3A_381] : memref<16384xf32, #tpu.memory_space<vmem>>[vector<16xi32>], vector<16xf32>,
      %parallel_loop3A_416 = tpu.vector_load_idx %arg10[%parallel_loop3A_386] : memref<32768xf32, #tpu.memory_space<vmem>>[vector<16xi32>], vector<16xf32>,
      %parallel_loop3A_417 = arith.constant 16384 : i32
      %parallel_loop3A_418 = tpu.memref_slice %arg10[%parallel_loop3A_417] : memref<32768xf32, #tpu.memory_space<vmem>> -> memref<16384xf32, #tpu.memory_space<vmem>>
      %parallel_loop3A_419 = tpu.vector_load_idx %parallel_loop3A_418[%parallel_loop3A_386] : memref<16384xf32, #tpu.memory_space<vmem>>[vector<16xi32>], vector<16xf32>,
      %parallel_loop3A_420 = tpu.vector_load_idx %arg10[%parallel_loop3A_391] : memref<32768xf32, #tpu.memory_space<vmem>>[vector<16xi32>], vector<16xf32>,
      %parallel_loop3A_421 = arith.constant 16384 : i32
      %parallel_loop3A_422 = tpu.memref_slice %arg10[%parallel_loop3A_421] : memref<32768xf32, #tpu.memory_space<vmem>> -> memref<16384xf32, #tpu.memory_space<vmem>>
      %parallel_loop3A_423 = tpu.vector_load_idx %parallel_loop3A_422[%parallel_loop3A_391] : memref<16384xf32, #tpu.memory_space<vmem>>[vector<16xi32>], vector<16xf32>,
      %parallel_loop3A_424 = arith.subf %parallel_loop3A_396, %parallel_loop3A_392 : vector<16xf32>
      %parallel_loop3A_425 = arith.mulf %parallel_loop3A_336, %parallel_loop3A_424 : vector<16xf32>
      %parallel_loop3A_426 = arith.addf %parallel_loop3A_392, %parallel_loop3A_425 : vector<16xf32>
      %parallel_loop3A_427 = arith.subf %parallel_loop3A_404, %parallel_loop3A_400 : vector<16xf32>
      %parallel_loop3A_428 = arith.mulf %parallel_loop3A_336, %parallel_loop3A_427 : vector<16xf32>
      %parallel_loop3A_429 = arith.addf %parallel_loop3A_400, %parallel_loop3A_428 : vector<16xf32>
      %parallel_loop3A_430 = arith.subf %parallel_loop3A_412, %parallel_loop3A_408 : vector<16xf32>
      %parallel_loop3A_431 = arith.mulf %parallel_loop3A_336, %parallel_loop3A_430 : vector<16xf32>
      %parallel_loop3A_432 = arith.addf %parallel_loop3A_408, %parallel_loop3A_431 : vector<16xf32>
      %parallel_loop3A_433 = arith.subf %parallel_loop3A_420, %parallel_loop3A_416 : vector<16xf32>
      %parallel_loop3A_434 = arith.mulf %parallel_loop3A_336, %parallel_loop3A_433 : vector<16xf32>
      %parallel_loop3A_435 = arith.addf %parallel_loop3A_416, %parallel_loop3A_434 : vector<16xf32>
      %parallel_loop3A_436 = arith.subf %parallel_loop3A_399, %parallel_loop3A_395 : vector<16xf32>
      %parallel_loop3A_437 = arith.mulf %parallel_loop3A_336, %parallel_loop3A_436 : vector<16xf32>
      %parallel_loop3A_438 = arith.addf %parallel_loop3A_395, %parallel_loop3A_437 : vector<16xf32>
      %parallel_loop3A_439 = arith.subf %parallel_loop3A_407, %parallel_loop3A_403 : vector<16xf32>
      %parallel_loop3A_440 = arith.mulf %parallel_loop3A_336, %parallel_loop3A_439 : vector<16xf32>
      %parallel_loop3A_441 = arith.addf %parallel_loop3A_403, %parallel_loop3A_440 : vector<16xf32>
      %parallel_loop3A_442 = arith.subf %parallel_loop3A_415, %parallel_loop3A_411 : vector<16xf32>
      %parallel_loop3A_443 = arith.mulf %parallel_loop3A_336, %parallel_loop3A_442 : vector<16xf32>
      %parallel_loop3A_444 = arith.addf %parallel_loop3A_411, %parallel_loop3A_443 : vector<16xf32>
      %parallel_loop3A_445 = arith.subf %parallel_loop3A_423, %parallel_loop3A_419 : vector<16xf32>
      %parallel_loop3A_446 = arith.mulf %parallel_loop3A_336, %parallel_loop3A_445 : vector<16xf32>
      %parallel_loop3A_447 = arith.addf %parallel_loop3A_419, %parallel_loop3A_446 : vector<16xf32>
      %parallel_loop3A_448 = arith.subf %parallel_loop3A_429, %parallel_loop3A_426 : vector<16xf32>
      %parallel_loop3A_449 = arith.mulf %parallel_loop3A_334, %parallel_loop3A_448 : vector<16xf32>
      %parallel_loop3A_450 = arith.addf %parallel_loop3A_426, %parallel_loop3A_449 : vector<16xf32>
      %parallel_loop3A_451 = arith.subf %parallel_loop3A_435, %parallel_loop3A_432 : vector<16xf32>
      %parallel_loop3A_452 = arith.mulf %parallel_loop3A_334, %parallel_loop3A_451 : vector<16xf32>
      %parallel_loop3A_453 = arith.addf %parallel_loop3A_432, %parallel_loop3A_452 : vector<16xf32>
      %parallel_loop3A_454 = arith.subf %parallel_loop3A_441, %parallel_loop3A_438 : vector<16xf32>
      %parallel_loop3A_455 = arith.mulf %parallel_loop3A_334, %parallel_loop3A_454 : vector<16xf32>
      %parallel_loop3A_456 = arith.addf %parallel_loop3A_438, %parallel_loop3A_455 : vector<16xf32>
      %parallel_loop3A_457 = arith.subf %parallel_loop3A_447, %parallel_loop3A_444 : vector<16xf32>
      %parallel_loop3A_458 = arith.mulf %parallel_loop3A_334, %parallel_loop3A_457 : vector<16xf32>
      %parallel_loop3A_459 = arith.addf %parallel_loop3A_444, %parallel_loop3A_458 : vector<16xf32>
      %parallel_loop3A_460 = arith.subf %parallel_loop3A_453, %parallel_loop3A_450 : vector<16xf32>
      %parallel_loop3A_461 = arith.mulf %parallel_loop3A_332, %parallel_loop3A_460 : vector<16xf32>
      %parallel_loop3A_462 = arith.addf %parallel_loop3A_450, %parallel_loop3A_461 : vector<16xf32>
      %parallel_loop3A_463 = arith.constant 0 : i32
      %parallel_loop3A_464 = arith.index_cast %parallel_loop3A_463 : i32 to index
      %parallel_loop3A_465 = arith.index_cast %parallel_loop3A_312 : i32 to index
      %parallel_loop3A_466 = tpu.vector_load %arg12[%parallel_loop3A_464, %parallel_loop3A_465] {strides = array<i32>} : memref<2x8192xf32, #tpu.memory_space<vmem>>, vector<16xf32>,
      tpu.vector_store %arg12[%parallel_loop3A_464, %parallel_loop3A_465], %parallel_loop3A_462 {strides = array<i32>} : memref<2x8192xf32, #tpu.memory_space<vmem>>, vector<16xf32>,
      %parallel_loop3A_467 = arith.subf %parallel_loop3A_459, %parallel_loop3A_456 : vector<16xf32>
      %parallel_loop3A_468 = arith.mulf %parallel_loop3A_332, %parallel_loop3A_467 : vector<16xf32>
      %parallel_loop3A_469 = arith.addf %parallel_loop3A_456, %parallel_loop3A_468 : vector<16xf32>
      %parallel_loop3A_470 = arith.constant 1 : i32
      %parallel_loop3A_471 = arith.index_cast %parallel_loop3A_470 : i32 to index
      %parallel_loop3A_472 = arith.index_cast %parallel_loop3A_312 : i32 to index
      %parallel_loop3A_473 = tpu.vector_load %arg12[%parallel_loop3A_471, %parallel_loop3A_472] {strides = array<i32>} : memref<2x8192xf32, #tpu.memory_space<vmem>>, vector<16xf32>,
      tpu.vector_store %arg12[%parallel_loop3A_471, %parallel_loop3A_472], %parallel_loop3A_469 {strides = array<i32>} : memref<2x8192xf32, #tpu.memory_space<vmem>>, vector<16xf32>,
    } {sc.loop_unroll_factor = 1 : i64, sc.parallel_access}
    %dma_start3A_203 = arith.constant 0 : i32
    %dma_start3A_204 = arith.constant 12 : i32
    %dma_start3A_205 = tpu.memref_slice %arg6[%dma_start3A_204, %mul3A_2] : memref<20x262144xf32, #tpu.memory_space<hbm>> -> memref<2x8192xf32, #tpu.memory_space<hbm>>
    %dma_start3A_206 = tpu.memref_slice %arg15[%dma_start3A_203] : memref<2x!tpu.dma_semaphore, #tpu.memory_space<semaphore_mem>> -> memref<1x!tpu.dma_semaphore, #tpu.memory_space<semaphore_mem>>
    %dma_start3A_207 = tpu.memref_squeeze %dma_start3A_206 : memref<1x!tpu.dma_semaphore, #tpu.memory_space<semaphore_mem>> -> memref<!tpu.dma_semaphore, #tpu.memory_space<semaphore_mem>>
    %dma_start3A_208 = arith.constant 12 : i32
    %dma_start3A_209 = tpu.memref_slice %arg6[%dma_start3A_208, %mul3A_2] : memref<20x262144xf32, #tpu.memory_space<hbm>> -> memref<2x8192xf32, #tpu.memory_space<hbm>>
    tpu.enqueue_dma source(%arg12 : memref<2x8192xf32, #tpu.memory_space<vmem>>) target(%dma_start3A_209 : memref<2x8192xf32, #tpu.memory_space<hbm>>) target_semaphore(%dma_start3A_207 : memref<!tpu.dma_semaphore, #tpu.memory_space<semaphore_mem>>)
    %dma_start3A_210 = arith.constant 0 : i32
    %dma_start3A_211 = arith.constant 262144 : i32
    %dma_start3A_212 = tpu.memref_slice %arg5[%dma_start3A_211] : memref<327680xf32, #tpu.memory_space<hbm>> -> memref<32768xf32, #tpu.memory_space<hbm>>
    %dma_start3A_213 = tpu.memref_slice %arg14[%dma_start3A_210] : memref<2x!tpu.dma_semaphore, #tpu.memory_space<semaphore_mem>> -> memref<1x!tpu.dma_semaphore, #tpu.memory_space<semaphore_mem>>
    %dma_start3A_214 = tpu.memref_squeeze %dma_start3A_213 : memref<1x!tpu.dma_semaphore, #tpu.memory_space<semaphore_mem>> -> memref<!tpu.dma_semaphore, #tpu.memory_space<semaphore_mem>>
    %dma_start3A_215 = arith.constant 262144 : i32
    %dma_start3A_216 = tpu.memref_slice %arg5[%dma_start3A_215] : memref<327680xf32, #tpu.memory_space<hbm>> -> memref<32768xf32, #tpu.memory_space<hbm>>
    tpu.enqueue_dma source(%dma_start3A_216 : memref<32768xf32, #tpu.memory_space<hbm>>) target(%arg10 : memref<32768xf32, #tpu.memory_space<vmem>>) target_semaphore(%dma_start3A_214 : memref<!tpu.dma_semaphore, #tpu.memory_space<semaphore_mem>>)
    %dma_wait3A_217 = arith.constant 1 : i32
    %dma_wait3A_218 = arith.constant 229376 : i32
    %dma_wait3A_219 = tpu.memref_slice %arg5[%dma_wait3A_218] : memref<327680xf32, #tpu.memory_space<hbm>> -> memref<32768xf32, #tpu.memory_space<hbm>>
    %dma_wait3A_220 = tpu.memref_slice %arg14[%dma_wait3A_217] : memref<2x!tpu.dma_semaphore, #tpu.memory_space<semaphore_mem>> -> memref<1x!tpu.dma_semaphore, #tpu.memory_space<semaphore_mem>>
    %dma_wait3A_221 = tpu.memref_squeeze %dma_wait3A_220 : memref<1x!tpu.dma_semaphore, #tpu.memory_space<semaphore_mem>> -> memref<!tpu.dma_semaphore, #tpu.memory_space<semaphore_mem>>
    %dma_wait3A_222 = arith.constant 229376 : i32
    %dma_wait3A_223 = tpu.memref_slice %arg5[%dma_wait3A_222] : memref<327680xf32, #tpu.memory_space<hbm>> -> memref<32768xf32, #tpu.memory_space<hbm>>
    tpu.wait_dma2 semaphore(%dma_wait3A_221 : memref<!tpu.dma_semaphore, #tpu.memory_space<semaphore_mem>>) src(%dma_wait3A_223 : memref<32768xf32, #tpu.memory_space<hbm>>) dst(%arg11 : memref<32768xf32, #tpu.memory_space<vmem>>)
    %dma_wait3A_224 = arith.constant 1 : i32
    %dma_wait3A_225 = arith.constant 10 : i32
    %dma_wait3A_226 = tpu.memref_slice %arg6[%dma_wait3A_225, %mul3A_2] : memref<20x262144xf32, #tpu.memory_space<hbm>> -> memref<2x8192xf32, #tpu.memory_space<hbm>>
    %dma_wait3A_227 = tpu.memref_slice %arg15[%dma_wait3A_224] : memref<2x!tpu.dma_semaphore, #tpu.memory_space<semaphore_mem>> -> memref<1x!tpu.dma_semaphore, #tpu.memory_space<semaphore_mem>>
    %dma_wait3A_228 = tpu.memref_squeeze %dma_wait3A_227 : memref<1x!tpu.dma_semaphore, #tpu.memory_space<semaphore_mem>> -> memref<!tpu.dma_semaphore, #tpu.memory_space<semaphore_mem>>
    %dma_wait3A_229 = arith.constant 10 : i32
    %dma_wait3A_230 = tpu.memref_slice %arg6[%dma_wait3A_229, %mul3A_2] : memref<20x262144xf32, #tpu.memory_space<hbm>> -> memref<2x8192xf32, #tpu.memory_space<hbm>>
    tpu.wait_dma2 semaphore(%dma_wait3A_228 : memref<!tpu.dma_semaphore, #tpu.memory_space<semaphore_mem>>) src(%arg13 : memref<2x8192xf32, #tpu.memory_space<vmem>>) dst(%dma_wait3A_230 : memref<2x8192xf32, #tpu.memory_space<hbm>>)
    %parallel_loop3A_231 = arith.constant 0 : i32
    %parallel_loop3A_232 = arith.constant 512 : i32
    %parallel_loop3A_233 = arith.constant 1 : i32
    scf.for %parallel_loop3A_310 = %parallel_loop3A_231 to %parallel_loop3A_232 step %parallel_loop3A_233  : i32 {
      %parallel_loop3A_311 = arith.constant 16 : i32
      %parallel_loop3A_312 = arith.muli %parallel_loop3A_310, %parallel_loop3A_311 : i32
      %parallel_loop3A_313 = arith.index_cast %parallel_loop3A_312 : i32 to index
      %parallel_loop3A_314 = tpu.vector_load %arg7[%parallel_loop3A_313] {strides = array<i32>} : memref<8192xf32, #tpu.memory_space<vmem>>, vector<16xf32>,
      %parallel_loop3A_315 = arith.index_cast %parallel_loop3A_312 : i32 to index
      %parallel_loop3A_316 = tpu.vector_load %arg8[%parallel_loop3A_315] {strides = array<i32>} : memref<8192xf32, #tpu.memory_space<vmem>>, vector<16xf32>,
      %parallel_loop3A_317 = arith.index_cast %parallel_loop3A_312 : i32 to index
      %parallel_loop3A_318 = tpu.vector_load %arg9[%parallel_loop3A_317] {strides = array<i32>} : memref<8192xf32, #tpu.memory_space<vmem>>, vector<16xf32>,
      %parallel_loop3A_319 = arith.constant 2.730000e+02 : f32
      %parallel_loop3A_320 = vector.broadcast %parallel_loop3A_319 : f32 to vector<16xf32>
      %parallel_loop3A_321 = arith.mulf %parallel_loop3A_314, %parallel_loop3A_320 : vector<16xf32>
      %parallel_loop3A_322 = arith.constant 2.730000e+02 : f32
      %parallel_loop3A_323 = vector.broadcast %parallel_loop3A_322 : f32 to vector<16xf32>
      %parallel_loop3A_324 = arith.mulf %parallel_loop3A_316, %parallel_loop3A_323 : vector<16xf32>
      %parallel_loop3A_325 = arith.constant 2.730000e+02 : f32
      %parallel_loop3A_326 = vector.broadcast %parallel_loop3A_325 : f32 to vector<16xf32>
      %parallel_loop3A_327 = arith.mulf %parallel_loop3A_318, %parallel_loop3A_326 : vector<16xf32>
      %parallel_loop3A_328 = arith.fptosi %parallel_loop3A_321 : vector<16xf32> to vector<16xi32>
      %parallel_loop3A_329 = arith.fptosi %parallel_loop3A_324 : vector<16xf32> to vector<16xi32>
      %parallel_loop3A_330 = arith.fptosi %parallel_loop3A_327 : vector<16xf32> to vector<16xi32>
      %parallel_loop3A_331 = arith.sitofp %parallel_loop3A_328 : vector<16xi32> to vector<16xf32>
      %parallel_loop3A_332 = arith.subf %parallel_loop3A_321, %parallel_loop3A_331 : vector<16xf32>
      %parallel_loop3A_333 = arith.sitofp %parallel_loop3A_329 : vector<16xi32> to vector<16xf32>
      %parallel_loop3A_334 = arith.subf %parallel_loop3A_324, %parallel_loop3A_333 : vector<16xf32>
      %parallel_loop3A_335 = arith.sitofp %parallel_loop3A_330 : vector<16xi32> to vector<16xf32>
      %parallel_loop3A_336 = arith.subf %parallel_loop3A_327, %parallel_loop3A_335 : vector<16xf32>
      %parallel_loop3A_337 = arith.constant 1 : i32
      %parallel_loop3A_338 = vector.broadcast %parallel_loop3A_337 : i32 to vector<16xi32>
      %parallel_loop3A_339 = arith.addi %parallel_loop3A_328, %parallel_loop3A_338 : vector<16xi32>
      %parallel_loop3A_340 = arith.constant -1640531535 : i32
      %parallel_loop3A_341 = vector.broadcast %parallel_loop3A_340 : i32 to vector<16xi32>
      %parallel_loop3A_342 = arith.muli %parallel_loop3A_329, %parallel_loop3A_341 : vector<16xi32>
      %parallel_loop3A_343 = arith.constant -1640531535 : i32
      %parallel_loop3A_344 = vector.broadcast %parallel_loop3A_343 : i32 to vector<16xi32>
      %parallel_loop3A_345 = arith.addi %parallel_loop3A_342, %parallel_loop3A_344 : vector<16xi32>
      %parallel_loop3A_346 = arith.constant 805459861 : i32
      %parallel_loop3A_347 = vector.broadcast %parallel_loop3A_346 : i32 to vector<16xi32>
      %parallel_loop3A_348 = arith.muli %parallel_loop3A_330, %parallel_loop3A_347 : vector<16xi32>
      %parallel_loop3A_349 = arith.constant 805459861 : i32
      %parallel_loop3A_350 = vector.broadcast %parallel_loop3A_349 : i32 to vector<16xi32>
      %parallel_loop3A_351 = arith.addi %parallel_loop3A_348, %parallel_loop3A_350 : vector<16xi32>
      %parallel_loop3A_352 = arith.xori %parallel_loop3A_328, %parallel_loop3A_342 : vector<16xi32>
      %parallel_loop3A_353 = arith.xori %parallel_loop3A_352, %parallel_loop3A_348 : vector<16xi32>
      %parallel_loop3A_354 = arith.constant 16383 : i32
      %parallel_loop3A_355 = vector.broadcast %parallel_loop3A_354 : i32 to vector<16xi32>
      %parallel_loop3A_356 = arith.andi %parallel_loop3A_353, %parallel_loop3A_355 : vector<16xi32>
      %parallel_loop3A_357 = arith.xori %parallel_loop3A_328, %parallel_loop3A_342 : vector<16xi32>
      %parallel_loop3A_358 = arith.xori %parallel_loop3A_357, %parallel_loop3A_351 : vector<16xi32>
      %parallel_loop3A_359 = arith.constant 16383 : i32
      %parallel_loop3A_360 = vector.broadcast %parallel_loop3A_359 : i32 to vector<16xi32>
      %parallel_loop3A_361 = arith.andi %parallel_loop3A_358, %parallel_loop3A_360 : vector<16xi32>
      %parallel_loop3A_362 = arith.xori %parallel_loop3A_328, %parallel_loop3A_345 : vector<16xi32>
      %parallel_loop3A_363 = arith.xori %parallel_loop3A_362, %parallel_loop3A_348 : vector<16xi32>
      %parallel_loop3A_364 = arith.constant 16383 : i32
      %parallel_loop3A_365 = vector.broadcast %parallel_loop3A_364 : i32 to vector<16xi32>
      %parallel_loop3A_366 = arith.andi %parallel_loop3A_363, %parallel_loop3A_365 : vector<16xi32>
      %parallel_loop3A_367 = arith.xori %parallel_loop3A_328, %parallel_loop3A_345 : vector<16xi32>
      %parallel_loop3A_368 = arith.xori %parallel_loop3A_367, %parallel_loop3A_351 : vector<16xi32>
      %parallel_loop3A_369 = arith.constant 16383 : i32
      %parallel_loop3A_370 = vector.broadcast %parallel_loop3A_369 : i32 to vector<16xi32>
      %parallel_loop3A_371 = arith.andi %parallel_loop3A_368, %parallel_loop3A_370 : vector<16xi32>
      %parallel_loop3A_372 = arith.xori %parallel_loop3A_339, %parallel_loop3A_342 : vector<16xi32>
      %parallel_loop3A_373 = arith.xori %parallel_loop3A_372, %parallel_loop3A_348 : vector<16xi32>
      %parallel_loop3A_374 = arith.constant 16383 : i32
      %parallel_loop3A_375 = vector.broadcast %parallel_loop3A_374 : i32 to vector<16xi32>
      %parallel_loop3A_376 = arith.andi %parallel_loop3A_373, %parallel_loop3A_375 : vector<16xi32>
      %parallel_loop3A_377 = arith.xori %parallel_loop3A_339, %parallel_loop3A_342 : vector<16xi32>
      %parallel_loop3A_378 = arith.xori %parallel_loop3A_377, %parallel_loop3A_351 : vector<16xi32>
      %parallel_loop3A_379 = arith.constant 16383 : i32
      %parallel_loop3A_380 = vector.broadcast %parallel_loop3A_379 : i32 to vector<16xi32>
      %parallel_loop3A_381 = arith.andi %parallel_loop3A_378, %parallel_loop3A_380 : vector<16xi32>
      %parallel_loop3A_382 = arith.xori %parallel_loop3A_339, %parallel_loop3A_345 : vector<16xi32>
      %parallel_loop3A_383 = arith.xori %parallel_loop3A_382, %parallel_loop3A_348 : vector<16xi32>
      %parallel_loop3A_384 = arith.constant 16383 : i32
      %parallel_loop3A_385 = vector.broadcast %parallel_loop3A_384 : i32 to vector<16xi32>
      %parallel_loop3A_386 = arith.andi %parallel_loop3A_383, %parallel_loop3A_385 : vector<16xi32>
      %parallel_loop3A_387 = arith.xori %parallel_loop3A_339, %parallel_loop3A_345 : vector<16xi32>
      %parallel_loop3A_388 = arith.xori %parallel_loop3A_387, %parallel_loop3A_351 : vector<16xi32>
      %parallel_loop3A_389 = arith.constant 16383 : i32
      %parallel_loop3A_390 = vector.broadcast %parallel_loop3A_389 : i32 to vector<16xi32>
      %parallel_loop3A_391 = arith.andi %parallel_loop3A_388, %parallel_loop3A_390 : vector<16xi32>
      %parallel_loop3A_392 = tpu.vector_load_idx %arg11[%parallel_loop3A_356] : memref<32768xf32, #tpu.memory_space<vmem>>[vector<16xi32>], vector<16xf32>,
      %parallel_loop3A_393 = arith.constant 16384 : i32
      %parallel_loop3A_394 = tpu.memref_slice %arg11[%parallel_loop3A_393] : memref<32768xf32, #tpu.memory_space<vmem>> -> memref<16384xf32, #tpu.memory_space<vmem>>
      %parallel_loop3A_395 = tpu.vector_load_idx %parallel_loop3A_394[%parallel_loop3A_356] : memref<16384xf32, #tpu.memory_space<vmem>>[vector<16xi32>], vector<16xf32>,
      %parallel_loop3A_396 = tpu.vector_load_idx %arg11[%parallel_loop3A_361] : memref<32768xf32, #tpu.memory_space<vmem>>[vector<16xi32>], vector<16xf32>,
      %parallel_loop3A_397 = arith.constant 16384 : i32
      %parallel_loop3A_398 = tpu.memref_slice %arg11[%parallel_loop3A_397] : memref<32768xf32, #tpu.memory_space<vmem>> -> memref<16384xf32, #tpu.memory_space<vmem>>
      %parallel_loop3A_399 = tpu.vector_load_idx %parallel_loop3A_398[%parallel_loop3A_361] : memref<16384xf32, #tpu.memory_space<vmem>>[vector<16xi32>], vector<16xf32>,
      %parallel_loop3A_400 = tpu.vector_load_idx %arg11[%parallel_loop3A_366] : memref<32768xf32, #tpu.memory_space<vmem>>[vector<16xi32>], vector<16xf32>,
      %parallel_loop3A_401 = arith.constant 16384 : i32
      %parallel_loop3A_402 = tpu.memref_slice %arg11[%parallel_loop3A_401] : memref<32768xf32, #tpu.memory_space<vmem>> -> memref<16384xf32, #tpu.memory_space<vmem>>
      %parallel_loop3A_403 = tpu.vector_load_idx %parallel_loop3A_402[%parallel_loop3A_366] : memref<16384xf32, #tpu.memory_space<vmem>>[vector<16xi32>], vector<16xf32>,
      %parallel_loop3A_404 = tpu.vector_load_idx %arg11[%parallel_loop3A_371] : memref<32768xf32, #tpu.memory_space<vmem>>[vector<16xi32>], vector<16xf32>,
      %parallel_loop3A_405 = arith.constant 16384 : i32
      %parallel_loop3A_406 = tpu.memref_slice %arg11[%parallel_loop3A_405] : memref<32768xf32, #tpu.memory_space<vmem>> -> memref<16384xf32, #tpu.memory_space<vmem>>
      %parallel_loop3A_407 = tpu.vector_load_idx %parallel_loop3A_406[%parallel_loop3A_371] : memref<16384xf32, #tpu.memory_space<vmem>>[vector<16xi32>], vector<16xf32>,
      %parallel_loop3A_408 = tpu.vector_load_idx %arg11[%parallel_loop3A_376] : memref<32768xf32, #tpu.memory_space<vmem>>[vector<16xi32>], vector<16xf32>,
      %parallel_loop3A_409 = arith.constant 16384 : i32
      %parallel_loop3A_410 = tpu.memref_slice %arg11[%parallel_loop3A_409] : memref<32768xf32, #tpu.memory_space<vmem>> -> memref<16384xf32, #tpu.memory_space<vmem>>
      %parallel_loop3A_411 = tpu.vector_load_idx %parallel_loop3A_410[%parallel_loop3A_376] : memref<16384xf32, #tpu.memory_space<vmem>>[vector<16xi32>], vector<16xf32>,
      %parallel_loop3A_412 = tpu.vector_load_idx %arg11[%parallel_loop3A_381] : memref<32768xf32, #tpu.memory_space<vmem>>[vector<16xi32>], vector<16xf32>,
      %parallel_loop3A_413 = arith.constant 16384 : i32
      %parallel_loop3A_414 = tpu.memref_slice %arg11[%parallel_loop3A_413] : memref<32768xf32, #tpu.memory_space<vmem>> -> memref<16384xf32, #tpu.memory_space<vmem>>
      %parallel_loop3A_415 = tpu.vector_load_idx %parallel_loop3A_414[%parallel_loop3A_381] : memref<16384xf32, #tpu.memory_space<vmem>>[vector<16xi32>], vector<16xf32>,
      %parallel_loop3A_416 = tpu.vector_load_idx %arg11[%parallel_loop3A_386] : memref<32768xf32, #tpu.memory_space<vmem>>[vector<16xi32>], vector<16xf32>,
      %parallel_loop3A_417 = arith.constant 16384 : i32
      %parallel_loop3A_418 = tpu.memref_slice %arg11[%parallel_loop3A_417] : memref<32768xf32, #tpu.memory_space<vmem>> -> memref<16384xf32, #tpu.memory_space<vmem>>
      %parallel_loop3A_419 = tpu.vector_load_idx %parallel_loop3A_418[%parallel_loop3A_386] : memref<16384xf32, #tpu.memory_space<vmem>>[vector<16xi32>], vector<16xf32>,
      %parallel_loop3A_420 = tpu.vector_load_idx %arg11[%parallel_loop3A_391] : memref<32768xf32, #tpu.memory_space<vmem>>[vector<16xi32>], vector<16xf32>,
      %parallel_loop3A_421 = arith.constant 16384 : i32
      %parallel_loop3A_422 = tpu.memref_slice %arg11[%parallel_loop3A_421] : memref<32768xf32, #tpu.memory_space<vmem>> -> memref<16384xf32, #tpu.memory_space<vmem>>
      %parallel_loop3A_423 = tpu.vector_load_idx %parallel_loop3A_422[%parallel_loop3A_391] : memref<16384xf32, #tpu.memory_space<vmem>>[vector<16xi32>], vector<16xf32>,
      %parallel_loop3A_424 = arith.subf %parallel_loop3A_396, %parallel_loop3A_392 : vector<16xf32>
      %parallel_loop3A_425 = arith.mulf %parallel_loop3A_336, %parallel_loop3A_424 : vector<16xf32>
      %parallel_loop3A_426 = arith.addf %parallel_loop3A_392, %parallel_loop3A_425 : vector<16xf32>
      %parallel_loop3A_427 = arith.subf %parallel_loop3A_404, %parallel_loop3A_400 : vector<16xf32>
      %parallel_loop3A_428 = arith.mulf %parallel_loop3A_336, %parallel_loop3A_427 : vector<16xf32>
      %parallel_loop3A_429 = arith.addf %parallel_loop3A_400, %parallel_loop3A_428 : vector<16xf32>
      %parallel_loop3A_430 = arith.subf %parallel_loop3A_412, %parallel_loop3A_408 : vector<16xf32>
      %parallel_loop3A_431 = arith.mulf %parallel_loop3A_336, %parallel_loop3A_430 : vector<16xf32>
      %parallel_loop3A_432 = arith.addf %parallel_loop3A_408, %parallel_loop3A_431 : vector<16xf32>
      %parallel_loop3A_433 = arith.subf %parallel_loop3A_420, %parallel_loop3A_416 : vector<16xf32>
      %parallel_loop3A_434 = arith.mulf %parallel_loop3A_336, %parallel_loop3A_433 : vector<16xf32>
      %parallel_loop3A_435 = arith.addf %parallel_loop3A_416, %parallel_loop3A_434 : vector<16xf32>
      %parallel_loop3A_436 = arith.subf %parallel_loop3A_399, %parallel_loop3A_395 : vector<16xf32>
      %parallel_loop3A_437 = arith.mulf %parallel_loop3A_336, %parallel_loop3A_436 : vector<16xf32>
      %parallel_loop3A_438 = arith.addf %parallel_loop3A_395, %parallel_loop3A_437 : vector<16xf32>
      %parallel_loop3A_439 = arith.subf %parallel_loop3A_407, %parallel_loop3A_403 : vector<16xf32>
      %parallel_loop3A_440 = arith.mulf %parallel_loop3A_336, %parallel_loop3A_439 : vector<16xf32>
      %parallel_loop3A_441 = arith.addf %parallel_loop3A_403, %parallel_loop3A_440 : vector<16xf32>
      %parallel_loop3A_442 = arith.subf %parallel_loop3A_415, %parallel_loop3A_411 : vector<16xf32>
      %parallel_loop3A_443 = arith.mulf %parallel_loop3A_336, %parallel_loop3A_442 : vector<16xf32>
      %parallel_loop3A_444 = arith.addf %parallel_loop3A_411, %parallel_loop3A_443 : vector<16xf32>
      %parallel_loop3A_445 = arith.subf %parallel_loop3A_423, %parallel_loop3A_419 : vector<16xf32>
      %parallel_loop3A_446 = arith.mulf %parallel_loop3A_336, %parallel_loop3A_445 : vector<16xf32>
      %parallel_loop3A_447 = arith.addf %parallel_loop3A_419, %parallel_loop3A_446 : vector<16xf32>
      %parallel_loop3A_448 = arith.subf %parallel_loop3A_429, %parallel_loop3A_426 : vector<16xf32>
      %parallel_loop3A_449 = arith.mulf %parallel_loop3A_334, %parallel_loop3A_448 : vector<16xf32>
      %parallel_loop3A_450 = arith.addf %parallel_loop3A_426, %parallel_loop3A_449 : vector<16xf32>
      %parallel_loop3A_451 = arith.subf %parallel_loop3A_435, %parallel_loop3A_432 : vector<16xf32>
      %parallel_loop3A_452 = arith.mulf %parallel_loop3A_334, %parallel_loop3A_451 : vector<16xf32>
      %parallel_loop3A_453 = arith.addf %parallel_loop3A_432, %parallel_loop3A_452 : vector<16xf32>
      %parallel_loop3A_454 = arith.subf %parallel_loop3A_441, %parallel_loop3A_438 : vector<16xf32>
      %parallel_loop3A_455 = arith.mulf %parallel_loop3A_334, %parallel_loop3A_454 : vector<16xf32>
      %parallel_loop3A_456 = arith.addf %parallel_loop3A_438, %parallel_loop3A_455 : vector<16xf32>
      %parallel_loop3A_457 = arith.subf %parallel_loop3A_447, %parallel_loop3A_444 : vector<16xf32>
      %parallel_loop3A_458 = arith.mulf %parallel_loop3A_334, %parallel_loop3A_457 : vector<16xf32>
      %parallel_loop3A_459 = arith.addf %parallel_loop3A_444, %parallel_loop3A_458 : vector<16xf32>
      %parallel_loop3A_460 = arith.subf %parallel_loop3A_453, %parallel_loop3A_450 : vector<16xf32>
      %parallel_loop3A_461 = arith.mulf %parallel_loop3A_332, %parallel_loop3A_460 : vector<16xf32>
      %parallel_loop3A_462 = arith.addf %parallel_loop3A_450, %parallel_loop3A_461 : vector<16xf32>
      %parallel_loop3A_463 = arith.constant 0 : i32
      %parallel_loop3A_464 = arith.index_cast %parallel_loop3A_463 : i32 to index
      %parallel_loop3A_465 = arith.index_cast %parallel_loop3A_312 : i32 to index
      %parallel_loop3A_466 = tpu.vector_load %arg13[%parallel_loop3A_464, %parallel_loop3A_465] {strides = array<i32>} : memref<2x8192xf32, #tpu.memory_space<vmem>>, vector<16xf32>,
      tpu.vector_store %arg13[%parallel_loop3A_464, %parallel_loop3A_465], %parallel_loop3A_462 {strides = array<i32>} : memref<2x8192xf32, #tpu.memory_space<vmem>>, vector<16xf32>,
      %parallel_loop3A_467 = arith.subf %parallel_loop3A_459, %parallel_loop3A_456 : vector<16xf32>
      %parallel_loop3A_468 = arith.mulf %parallel_loop3A_332, %parallel_loop3A_467 : vector<16xf32>
      %parallel_loop3A_469 = arith.addf %parallel_loop3A_456, %parallel_loop3A_468 : vector<16xf32>
      %parallel_loop3A_470 = arith.constant 1 : i32
      %parallel_loop3A_471 = arith.index_cast %parallel_loop3A_470 : i32 to index
      %parallel_loop3A_472 = arith.index_cast %parallel_loop3A_312 : i32 to index
      %parallel_loop3A_473 = tpu.vector_load %arg13[%parallel_loop3A_471, %parallel_loop3A_472] {strides = array<i32>} : memref<2x8192xf32, #tpu.memory_space<vmem>>, vector<16xf32>,
      tpu.vector_store %arg13[%parallel_loop3A_471, %parallel_loop3A_472], %parallel_loop3A_469 {strides = array<i32>} : memref<2x8192xf32, #tpu.memory_space<vmem>>, vector<16xf32>,
    } {sc.loop_unroll_factor = 1 : i64, sc.parallel_access}
    %dma_start3A_234 = arith.constant 1 : i32
    %dma_start3A_235 = arith.constant 14 : i32
    %dma_start3A_236 = tpu.memref_slice %arg6[%dma_start3A_235, %mul3A_2] : memref<20x262144xf32, #tpu.memory_space<hbm>> -> memref<2x8192xf32, #tpu.memory_space<hbm>>
    %dma_start3A_237 = tpu.memref_slice %arg15[%dma_start3A_234] : memref<2x!tpu.dma_semaphore, #tpu.memory_space<semaphore_mem>> -> memref<1x!tpu.dma_semaphore, #tpu.memory_space<semaphore_mem>>
    %dma_start3A_238 = tpu.memref_squeeze %dma_start3A_237 : memref<1x!tpu.dma_semaphore, #tpu.memory_space<semaphore_mem>> -> memref<!tpu.dma_semaphore, #tpu.memory_space<semaphore_mem>>
    %dma_start3A_239 = arith.constant 14 : i32
    %dma_start3A_240 = tpu.memref_slice %arg6[%dma_start3A_239, %mul3A_2] : memref<20x262144xf32, #tpu.memory_space<hbm>> -> memref<2x8192xf32, #tpu.memory_space<hbm>>
    tpu.enqueue_dma source(%arg13 : memref<2x8192xf32, #tpu.memory_space<vmem>>) target(%dma_start3A_240 : memref<2x8192xf32, #tpu.memory_space<hbm>>) target_semaphore(%dma_start3A_238 : memref<!tpu.dma_semaphore, #tpu.memory_space<semaphore_mem>>)
    %dma_start3A_241 = arith.constant 1 : i32
    %dma_start3A_242 = arith.constant 294912 : i32
    %dma_start3A_243 = tpu.memref_slice %arg5[%dma_start3A_242] : memref<327680xf32, #tpu.memory_space<hbm>> -> memref<32768xf32, #tpu.memory_space<hbm>>
    %dma_start3A_244 = tpu.memref_slice %arg14[%dma_start3A_241] : memref<2x!tpu.dma_semaphore, #tpu.memory_space<semaphore_mem>> -> memref<1x!tpu.dma_semaphore, #tpu.memory_space<semaphore_mem>>
    %dma_start3A_245 = tpu.memref_squeeze %dma_start3A_244 : memref<1x!tpu.dma_semaphore, #tpu.memory_space<semaphore_mem>> -> memref<!tpu.dma_semaphore, #tpu.memory_space<semaphore_mem>>
    %dma_start3A_246 = arith.constant 294912 : i32
    %dma_start3A_247 = tpu.memref_slice %arg5[%dma_start3A_246] : memref<327680xf32, #tpu.memory_space<hbm>> -> memref<32768xf32, #tpu.memory_space<hbm>>
    tpu.enqueue_dma source(%dma_start3A_247 : memref<32768xf32, #tpu.memory_space<hbm>>) target(%arg11 : memref<32768xf32, #tpu.memory_space<vmem>>) target_semaphore(%dma_start3A_245 : memref<!tpu.dma_semaphore, #tpu.memory_space<semaphore_mem>>)
    %dma_wait3A_248 = arith.constant 0 : i32
    %dma_wait3A_249 = arith.constant 262144 : i32
    %dma_wait3A_250 = tpu.memref_slice %arg5[%dma_wait3A_249] : memref<327680xf32, #tpu.memory_space<hbm>> -> memref<32768xf32, #tpu.memory_space<hbm>>
    %dma_wait3A_251 = tpu.memref_slice %arg14[%dma_wait3A_248] : memref<2x!tpu.dma_semaphore, #tpu.memory_space<semaphore_mem>> -> memref<1x!tpu.dma_semaphore, #tpu.memory_space<semaphore_mem>>
    %dma_wait3A_252 = tpu.memref_squeeze %dma_wait3A_251 : memref<1x!tpu.dma_semaphore, #tpu.memory_space<semaphore_mem>> -> memref<!tpu.dma_semaphore, #tpu.memory_space<semaphore_mem>>
    %dma_wait3A_253 = arith.constant 262144 : i32
    %dma_wait3A_254 = tpu.memref_slice %arg5[%dma_wait3A_253] : memref<327680xf32, #tpu.memory_space<hbm>> -> memref<32768xf32, #tpu.memory_space<hbm>>
    tpu.wait_dma2 semaphore(%dma_wait3A_252 : memref<!tpu.dma_semaphore, #tpu.memory_space<semaphore_mem>>) src(%dma_wait3A_254 : memref<32768xf32, #tpu.memory_space<hbm>>) dst(%arg10 : memref<32768xf32, #tpu.memory_space<vmem>>)
    %dma_wait3A_255 = arith.constant 0 : i32
    %dma_wait3A_256 = arith.constant 12 : i32
    %dma_wait3A_257 = tpu.memref_slice %arg6[%dma_wait3A_256, %mul3A_2] : memref<20x262144xf32, #tpu.memory_space<hbm>> -> memref<2x8192xf32, #tpu.memory_space<hbm>>
    %dma_wait3A_258 = tpu.memref_slice %arg15[%dma_wait3A_255] : memref<2x!tpu.dma_semaphore, #tpu.memory_space<semaphore_mem>> -> memref<1x!tpu.dma_semaphore, #tpu.memory_space<semaphore_mem>>
    %dma_wait3A_259 = tpu.memref_squeeze %dma_wait3A_258 : memref<1x!tpu.dma_semaphore, #tpu.memory_space<semaphore_mem>> -> memref<!tpu.dma_semaphore, #tpu.memory_space<semaphore_mem>>
    %dma_wait3A_260 = arith.constant 12 : i32
    %dma_wait3A_261 = tpu.memref_slice %arg6[%dma_wait3A_260, %mul3A_2] : memref<20x262144xf32, #tpu.memory_space<hbm>> -> memref<2x8192xf32, #tpu.memory_space<hbm>>
    tpu.wait_dma2 semaphore(%dma_wait3A_259 : memref<!tpu.dma_semaphore, #tpu.memory_space<semaphore_mem>>) src(%arg12 : memref<2x8192xf32, #tpu.memory_space<vmem>>) dst(%dma_wait3A_261 : memref<2x8192xf32, #tpu.memory_space<hbm>>)
    %parallel_loop3A_262 = arith.constant 0 : i32
    %parallel_loop3A_263 = arith.constant 512 : i32
    %parallel_loop3A_264 = arith.constant 1 : i32
    scf.for %parallel_loop3A_310 = %parallel_loop3A_262 to %parallel_loop3A_263 step %parallel_loop3A_264  : i32 {
      %parallel_loop3A_311 = arith.constant 16 : i32
      %parallel_loop3A_312 = arith.muli %parallel_loop3A_310, %parallel_loop3A_311 : i32
      %parallel_loop3A_313 = arith.index_cast %parallel_loop3A_312 : i32 to index
      %parallel_loop3A_314 = tpu.vector_load %arg7[%parallel_loop3A_313] {strides = array<i32>} : memref<8192xf32, #tpu.memory_space<vmem>>, vector<16xf32>,
      %parallel_loop3A_315 = arith.index_cast %parallel_loop3A_312 : i32 to index
      %parallel_loop3A_316 = tpu.vector_load %arg8[%parallel_loop3A_315] {strides = array<i32>} : memref<8192xf32, #tpu.memory_space<vmem>>, vector<16xf32>,
      %parallel_loop3A_317 = arith.index_cast %parallel_loop3A_312 : i32 to index
      %parallel_loop3A_318 = tpu.vector_load %arg9[%parallel_loop3A_317] {strides = array<i32>} : memref<8192xf32, #tpu.memory_space<vmem>>, vector<16xf32>,
      %parallel_loop3A_319 = arith.constant 4.100000e+02 : f32
      %parallel_loop3A_320 = vector.broadcast %parallel_loop3A_319 : f32 to vector<16xf32>
      %parallel_loop3A_321 = arith.mulf %parallel_loop3A_314, %parallel_loop3A_320 : vector<16xf32>
      %parallel_loop3A_322 = arith.constant 4.100000e+02 : f32
      %parallel_loop3A_323 = vector.broadcast %parallel_loop3A_322 : f32 to vector<16xf32>
      %parallel_loop3A_324 = arith.mulf %parallel_loop3A_316, %parallel_loop3A_323 : vector<16xf32>
      %parallel_loop3A_325 = arith.constant 4.100000e+02 : f32
      %parallel_loop3A_326 = vector.broadcast %parallel_loop3A_325 : f32 to vector<16xf32>
      %parallel_loop3A_327 = arith.mulf %parallel_loop3A_318, %parallel_loop3A_326 : vector<16xf32>
      %parallel_loop3A_328 = arith.fptosi %parallel_loop3A_321 : vector<16xf32> to vector<16xi32>
      %parallel_loop3A_329 = arith.fptosi %parallel_loop3A_324 : vector<16xf32> to vector<16xi32>
      %parallel_loop3A_330 = arith.fptosi %parallel_loop3A_327 : vector<16xf32> to vector<16xi32>
      %parallel_loop3A_331 = arith.sitofp %parallel_loop3A_328 : vector<16xi32> to vector<16xf32>
      %parallel_loop3A_332 = arith.subf %parallel_loop3A_321, %parallel_loop3A_331 : vector<16xf32>
      %parallel_loop3A_333 = arith.sitofp %parallel_loop3A_329 : vector<16xi32> to vector<16xf32>
      %parallel_loop3A_334 = arith.subf %parallel_loop3A_324, %parallel_loop3A_333 : vector<16xf32>
      %parallel_loop3A_335 = arith.sitofp %parallel_loop3A_330 : vector<16xi32> to vector<16xf32>
      %parallel_loop3A_336 = arith.subf %parallel_loop3A_327, %parallel_loop3A_335 : vector<16xf32>
      %parallel_loop3A_337 = arith.constant 1 : i32
      %parallel_loop3A_338 = vector.broadcast %parallel_loop3A_337 : i32 to vector<16xi32>
      %parallel_loop3A_339 = arith.addi %parallel_loop3A_328, %parallel_loop3A_338 : vector<16xi32>
      %parallel_loop3A_340 = arith.constant -1640531535 : i32
      %parallel_loop3A_341 = vector.broadcast %parallel_loop3A_340 : i32 to vector<16xi32>
      %parallel_loop3A_342 = arith.muli %parallel_loop3A_329, %parallel_loop3A_341 : vector<16xi32>
      %parallel_loop3A_343 = arith.constant -1640531535 : i32
      %parallel_loop3A_344 = vector.broadcast %parallel_loop3A_343 : i32 to vector<16xi32>
      %parallel_loop3A_345 = arith.addi %parallel_loop3A_342, %parallel_loop3A_344 : vector<16xi32>
      %parallel_loop3A_346 = arith.constant 805459861 : i32
      %parallel_loop3A_347 = vector.broadcast %parallel_loop3A_346 : i32 to vector<16xi32>
      %parallel_loop3A_348 = arith.muli %parallel_loop3A_330, %parallel_loop3A_347 : vector<16xi32>
      %parallel_loop3A_349 = arith.constant 805459861 : i32
      %parallel_loop3A_350 = vector.broadcast %parallel_loop3A_349 : i32 to vector<16xi32>
      %parallel_loop3A_351 = arith.addi %parallel_loop3A_348, %parallel_loop3A_350 : vector<16xi32>
      %parallel_loop3A_352 = arith.xori %parallel_loop3A_328, %parallel_loop3A_342 : vector<16xi32>
      %parallel_loop3A_353 = arith.xori %parallel_loop3A_352, %parallel_loop3A_348 : vector<16xi32>
      %parallel_loop3A_354 = arith.constant 16383 : i32
      %parallel_loop3A_355 = vector.broadcast %parallel_loop3A_354 : i32 to vector<16xi32>
      %parallel_loop3A_356 = arith.andi %parallel_loop3A_353, %parallel_loop3A_355 : vector<16xi32>
      %parallel_loop3A_357 = arith.xori %parallel_loop3A_328, %parallel_loop3A_342 : vector<16xi32>
      %parallel_loop3A_358 = arith.xori %parallel_loop3A_357, %parallel_loop3A_351 : vector<16xi32>
      %parallel_loop3A_359 = arith.constant 16383 : i32
      %parallel_loop3A_360 = vector.broadcast %parallel_loop3A_359 : i32 to vector<16xi32>
      %parallel_loop3A_361 = arith.andi %parallel_loop3A_358, %parallel_loop3A_360 : vector<16xi32>
      %parallel_loop3A_362 = arith.xori %parallel_loop3A_328, %parallel_loop3A_345 : vector<16xi32>
      %parallel_loop3A_363 = arith.xori %parallel_loop3A_362, %parallel_loop3A_348 : vector<16xi32>
      %parallel_loop3A_364 = arith.constant 16383 : i32
      %parallel_loop3A_365 = vector.broadcast %parallel_loop3A_364 : i32 to vector<16xi32>
      %parallel_loop3A_366 = arith.andi %parallel_loop3A_363, %parallel_loop3A_365 : vector<16xi32>
      %parallel_loop3A_367 = arith.xori %parallel_loop3A_328, %parallel_loop3A_345 : vector<16xi32>
      %parallel_loop3A_368 = arith.xori %parallel_loop3A_367, %parallel_loop3A_351 : vector<16xi32>
      %parallel_loop3A_369 = arith.constant 16383 : i32
      %parallel_loop3A_370 = vector.broadcast %parallel_loop3A_369 : i32 to vector<16xi32>
      %parallel_loop3A_371 = arith.andi %parallel_loop3A_368, %parallel_loop3A_370 : vector<16xi32>
      %parallel_loop3A_372 = arith.xori %parallel_loop3A_339, %parallel_loop3A_342 : vector<16xi32>
      %parallel_loop3A_373 = arith.xori %parallel_loop3A_372, %parallel_loop3A_348 : vector<16xi32>
      %parallel_loop3A_374 = arith.constant 16383 : i32
      %parallel_loop3A_375 = vector.broadcast %parallel_loop3A_374 : i32 to vector<16xi32>
      %parallel_loop3A_376 = arith.andi %parallel_loop3A_373, %parallel_loop3A_375 : vector<16xi32>
      %parallel_loop3A_377 = arith.xori %parallel_loop3A_339, %parallel_loop3A_342 : vector<16xi32>
      %parallel_loop3A_378 = arith.xori %parallel_loop3A_377, %parallel_loop3A_351 : vector<16xi32>
      %parallel_loop3A_379 = arith.constant 16383 : i32
      %parallel_loop3A_380 = vector.broadcast %parallel_loop3A_379 : i32 to vector<16xi32>
      %parallel_loop3A_381 = arith.andi %parallel_loop3A_378, %parallel_loop3A_380 : vector<16xi32>
      %parallel_loop3A_382 = arith.xori %parallel_loop3A_339, %parallel_loop3A_345 : vector<16xi32>
      %parallel_loop3A_383 = arith.xori %parallel_loop3A_382, %parallel_loop3A_348 : vector<16xi32>
      %parallel_loop3A_384 = arith.constant 16383 : i32
      %parallel_loop3A_385 = vector.broadcast %parallel_loop3A_384 : i32 to vector<16xi32>
      %parallel_loop3A_386 = arith.andi %parallel_loop3A_383, %parallel_loop3A_385 : vector<16xi32>
      %parallel_loop3A_387 = arith.xori %parallel_loop3A_339, %parallel_loop3A_345 : vector<16xi32>
      %parallel_loop3A_388 = arith.xori %parallel_loop3A_387, %parallel_loop3A_351 : vector<16xi32>
      %parallel_loop3A_389 = arith.constant 16383 : i32
      %parallel_loop3A_390 = vector.broadcast %parallel_loop3A_389 : i32 to vector<16xi32>
      %parallel_loop3A_391 = arith.andi %parallel_loop3A_388, %parallel_loop3A_390 : vector<16xi32>
      %parallel_loop3A_392 = tpu.vector_load_idx %arg10[%parallel_loop3A_356] : memref<32768xf32, #tpu.memory_space<vmem>>[vector<16xi32>], vector<16xf32>,
      %parallel_loop3A_393 = arith.constant 16384 : i32
      %parallel_loop3A_394 = tpu.memref_slice %arg10[%parallel_loop3A_393] : memref<32768xf32, #tpu.memory_space<vmem>> -> memref<16384xf32, #tpu.memory_space<vmem>>
      %parallel_loop3A_395 = tpu.vector_load_idx %parallel_loop3A_394[%parallel_loop3A_356] : memref<16384xf32, #tpu.memory_space<vmem>>[vector<16xi32>], vector<16xf32>,
      %parallel_loop3A_396 = tpu.vector_load_idx %arg10[%parallel_loop3A_361] : memref<32768xf32, #tpu.memory_space<vmem>>[vector<16xi32>], vector<16xf32>,
      %parallel_loop3A_397 = arith.constant 16384 : i32
      %parallel_loop3A_398 = tpu.memref_slice %arg10[%parallel_loop3A_397] : memref<32768xf32, #tpu.memory_space<vmem>> -> memref<16384xf32, #tpu.memory_space<vmem>>
      %parallel_loop3A_399 = tpu.vector_load_idx %parallel_loop3A_398[%parallel_loop3A_361] : memref<16384xf32, #tpu.memory_space<vmem>>[vector<16xi32>], vector<16xf32>,
      %parallel_loop3A_400 = tpu.vector_load_idx %arg10[%parallel_loop3A_366] : memref<32768xf32, #tpu.memory_space<vmem>>[vector<16xi32>], vector<16xf32>,
      %parallel_loop3A_401 = arith.constant 16384 : i32
      %parallel_loop3A_402 = tpu.memref_slice %arg10[%parallel_loop3A_401] : memref<32768xf32, #tpu.memory_space<vmem>> -> memref<16384xf32, #tpu.memory_space<vmem>>
      %parallel_loop3A_403 = tpu.vector_load_idx %parallel_loop3A_402[%parallel_loop3A_366] : memref<16384xf32, #tpu.memory_space<vmem>>[vector<16xi32>], vector<16xf32>,
      %parallel_loop3A_404 = tpu.vector_load_idx %arg10[%parallel_loop3A_371] : memref<32768xf32, #tpu.memory_space<vmem>>[vector<16xi32>], vector<16xf32>,
      %parallel_loop3A_405 = arith.constant 16384 : i32
      %parallel_loop3A_406 = tpu.memref_slice %arg10[%parallel_loop3A_405] : memref<32768xf32, #tpu.memory_space<vmem>> -> memref<16384xf32, #tpu.memory_space<vmem>>
      %parallel_loop3A_407 = tpu.vector_load_idx %parallel_loop3A_406[%parallel_loop3A_371] : memref<16384xf32, #tpu.memory_space<vmem>>[vector<16xi32>], vector<16xf32>,
      %parallel_loop3A_408 = tpu.vector_load_idx %arg10[%parallel_loop3A_376] : memref<32768xf32, #tpu.memory_space<vmem>>[vector<16xi32>], vector<16xf32>,
      %parallel_loop3A_409 = arith.constant 16384 : i32
      %parallel_loop3A_410 = tpu.memref_slice %arg10[%parallel_loop3A_409] : memref<32768xf32, #tpu.memory_space<vmem>> -> memref<16384xf32, #tpu.memory_space<vmem>>
      %parallel_loop3A_411 = tpu.vector_load_idx %parallel_loop3A_410[%parallel_loop3A_376] : memref<16384xf32, #tpu.memory_space<vmem>>[vector<16xi32>], vector<16xf32>,
      %parallel_loop3A_412 = tpu.vector_load_idx %arg10[%parallel_loop3A_381] : memref<32768xf32, #tpu.memory_space<vmem>>[vector<16xi32>], vector<16xf32>,
      %parallel_loop3A_413 = arith.constant 16384 : i32
      %parallel_loop3A_414 = tpu.memref_slice %arg10[%parallel_loop3A_413] : memref<32768xf32, #tpu.memory_space<vmem>> -> memref<16384xf32, #tpu.memory_space<vmem>>
      %parallel_loop3A_415 = tpu.vector_load_idx %parallel_loop3A_414[%parallel_loop3A_381] : memref<16384xf32, #tpu.memory_space<vmem>>[vector<16xi32>], vector<16xf32>,
      %parallel_loop3A_416 = tpu.vector_load_idx %arg10[%parallel_loop3A_386] : memref<32768xf32, #tpu.memory_space<vmem>>[vector<16xi32>], vector<16xf32>,
      %parallel_loop3A_417 = arith.constant 16384 : i32
      %parallel_loop3A_418 = tpu.memref_slice %arg10[%parallel_loop3A_417] : memref<32768xf32, #tpu.memory_space<vmem>> -> memref<16384xf32, #tpu.memory_space<vmem>>
      %parallel_loop3A_419 = tpu.vector_load_idx %parallel_loop3A_418[%parallel_loop3A_386] : memref<16384xf32, #tpu.memory_space<vmem>>[vector<16xi32>], vector<16xf32>,
      %parallel_loop3A_420 = tpu.vector_load_idx %arg10[%parallel_loop3A_391] : memref<32768xf32, #tpu.memory_space<vmem>>[vector<16xi32>], vector<16xf32>,
      %parallel_loop3A_421 = arith.constant 16384 : i32
      %parallel_loop3A_422 = tpu.memref_slice %arg10[%parallel_loop3A_421] : memref<32768xf32, #tpu.memory_space<vmem>> -> memref<16384xf32, #tpu.memory_space<vmem>>
      %parallel_loop3A_423 = tpu.vector_load_idx %parallel_loop3A_422[%parallel_loop3A_391] : memref<16384xf32, #tpu.memory_space<vmem>>[vector<16xi32>], vector<16xf32>,
      %parallel_loop3A_424 = arith.subf %parallel_loop3A_396, %parallel_loop3A_392 : vector<16xf32>
      %parallel_loop3A_425 = arith.mulf %parallel_loop3A_336, %parallel_loop3A_424 : vector<16xf32>
      %parallel_loop3A_426 = arith.addf %parallel_loop3A_392, %parallel_loop3A_425 : vector<16xf32>
      %parallel_loop3A_427 = arith.subf %parallel_loop3A_404, %parallel_loop3A_400 : vector<16xf32>
      %parallel_loop3A_428 = arith.mulf %parallel_loop3A_336, %parallel_loop3A_427 : vector<16xf32>
      %parallel_loop3A_429 = arith.addf %parallel_loop3A_400, %parallel_loop3A_428 : vector<16xf32>
      %parallel_loop3A_430 = arith.subf %parallel_loop3A_412, %parallel_loop3A_408 : vector<16xf32>
      %parallel_loop3A_431 = arith.mulf %parallel_loop3A_336, %parallel_loop3A_430 : vector<16xf32>
      %parallel_loop3A_432 = arith.addf %parallel_loop3A_408, %parallel_loop3A_431 : vector<16xf32>
      %parallel_loop3A_433 = arith.subf %parallel_loop3A_420, %parallel_loop3A_416 : vector<16xf32>
      %parallel_loop3A_434 = arith.mulf %parallel_loop3A_336, %parallel_loop3A_433 : vector<16xf32>
      %parallel_loop3A_435 = arith.addf %parallel_loop3A_416, %parallel_loop3A_434 : vector<16xf32>
      %parallel_loop3A_436 = arith.subf %parallel_loop3A_399, %parallel_loop3A_395 : vector<16xf32>
      %parallel_loop3A_437 = arith.mulf %parallel_loop3A_336, %parallel_loop3A_436 : vector<16xf32>
      %parallel_loop3A_438 = arith.addf %parallel_loop3A_395, %parallel_loop3A_437 : vector<16xf32>
      %parallel_loop3A_439 = arith.subf %parallel_loop3A_407, %parallel_loop3A_403 : vector<16xf32>
      %parallel_loop3A_440 = arith.mulf %parallel_loop3A_336, %parallel_loop3A_439 : vector<16xf32>
      %parallel_loop3A_441 = arith.addf %parallel_loop3A_403, %parallel_loop3A_440 : vector<16xf32>
      %parallel_loop3A_442 = arith.subf %parallel_loop3A_415, %parallel_loop3A_411 : vector<16xf32>
      %parallel_loop3A_443 = arith.mulf %parallel_loop3A_336, %parallel_loop3A_442 : vector<16xf32>
      %parallel_loop3A_444 = arith.addf %parallel_loop3A_411, %parallel_loop3A_443 : vector<16xf32>
      %parallel_loop3A_445 = arith.subf %parallel_loop3A_423, %parallel_loop3A_419 : vector<16xf32>
      %parallel_loop3A_446 = arith.mulf %parallel_loop3A_336, %parallel_loop3A_445 : vector<16xf32>
      %parallel_loop3A_447 = arith.addf %parallel_loop3A_419, %parallel_loop3A_446 : vector<16xf32>
      %parallel_loop3A_448 = arith.subf %parallel_loop3A_429, %parallel_loop3A_426 : vector<16xf32>
      %parallel_loop3A_449 = arith.mulf %parallel_loop3A_334, %parallel_loop3A_448 : vector<16xf32>
      %parallel_loop3A_450 = arith.addf %parallel_loop3A_426, %parallel_loop3A_449 : vector<16xf32>
      %parallel_loop3A_451 = arith.subf %parallel_loop3A_435, %parallel_loop3A_432 : vector<16xf32>
      %parallel_loop3A_452 = arith.mulf %parallel_loop3A_334, %parallel_loop3A_451 : vector<16xf32>
      %parallel_loop3A_453 = arith.addf %parallel_loop3A_432, %parallel_loop3A_452 : vector<16xf32>
      %parallel_loop3A_454 = arith.subf %parallel_loop3A_441, %parallel_loop3A_438 : vector<16xf32>
      %parallel_loop3A_455 = arith.mulf %parallel_loop3A_334, %parallel_loop3A_454 : vector<16xf32>
      %parallel_loop3A_456 = arith.addf %parallel_loop3A_438, %parallel_loop3A_455 : vector<16xf32>
      %parallel_loop3A_457 = arith.subf %parallel_loop3A_447, %parallel_loop3A_444 : vector<16xf32>
      %parallel_loop3A_458 = arith.mulf %parallel_loop3A_334, %parallel_loop3A_457 : vector<16xf32>
      %parallel_loop3A_459 = arith.addf %parallel_loop3A_444, %parallel_loop3A_458 : vector<16xf32>
      %parallel_loop3A_460 = arith.subf %parallel_loop3A_453, %parallel_loop3A_450 : vector<16xf32>
      %parallel_loop3A_461 = arith.mulf %parallel_loop3A_332, %parallel_loop3A_460 : vector<16xf32>
      %parallel_loop3A_462 = arith.addf %parallel_loop3A_450, %parallel_loop3A_461 : vector<16xf32>
      %parallel_loop3A_463 = arith.constant 0 : i32
      %parallel_loop3A_464 = arith.index_cast %parallel_loop3A_463 : i32 to index
      %parallel_loop3A_465 = arith.index_cast %parallel_loop3A_312 : i32 to index
      %parallel_loop3A_466 = tpu.vector_load %arg12[%parallel_loop3A_464, %parallel_loop3A_465] {strides = array<i32>} : memref<2x8192xf32, #tpu.memory_space<vmem>>, vector<16xf32>,
      tpu.vector_store %arg12[%parallel_loop3A_464, %parallel_loop3A_465], %parallel_loop3A_462 {strides = array<i32>} : memref<2x8192xf32, #tpu.memory_space<vmem>>, vector<16xf32>,
      %parallel_loop3A_467 = arith.subf %parallel_loop3A_459, %parallel_loop3A_456 : vector<16xf32>
      %parallel_loop3A_468 = arith.mulf %parallel_loop3A_332, %parallel_loop3A_467 : vector<16xf32>
      %parallel_loop3A_469 = arith.addf %parallel_loop3A_456, %parallel_loop3A_468 : vector<16xf32>
      %parallel_loop3A_470 = arith.constant 1 : i32
      %parallel_loop3A_471 = arith.index_cast %parallel_loop3A_470 : i32 to index
      %parallel_loop3A_472 = arith.index_cast %parallel_loop3A_312 : i32 to index
      %parallel_loop3A_473 = tpu.vector_load %arg12[%parallel_loop3A_471, %parallel_loop3A_472] {strides = array<i32>} : memref<2x8192xf32, #tpu.memory_space<vmem>>, vector<16xf32>,
      tpu.vector_store %arg12[%parallel_loop3A_471, %parallel_loop3A_472], %parallel_loop3A_469 {strides = array<i32>} : memref<2x8192xf32, #tpu.memory_space<vmem>>, vector<16xf32>,
    } {sc.loop_unroll_factor = 1 : i64, sc.parallel_access}
    %dma_start3A_265 = arith.constant 0 : i32
    %dma_start3A_266 = arith.constant 16 : i32
    %dma_start3A_267 = tpu.memref_slice %arg6[%dma_start3A_266, %mul3A_2] : memref<20x262144xf32, #tpu.memory_space<hbm>> -> memref<2x8192xf32, #tpu.memory_space<hbm>>
    %dma_start3A_268 = tpu.memref_slice %arg15[%dma_start3A_265] : memref<2x!tpu.dma_semaphore, #tpu.memory_space<semaphore_mem>> -> memref<1x!tpu.dma_semaphore, #tpu.memory_space<semaphore_mem>>
    %dma_start3A_269 = tpu.memref_squeeze %dma_start3A_268 : memref<1x!tpu.dma_semaphore, #tpu.memory_space<semaphore_mem>> -> memref<!tpu.dma_semaphore, #tpu.memory_space<semaphore_mem>>
    %dma_start3A_270 = arith.constant 16 : i32
    %dma_start3A_271 = tpu.memref_slice %arg6[%dma_start3A_270, %mul3A_2] : memref<20x262144xf32, #tpu.memory_space<hbm>> -> memref<2x8192xf32, #tpu.memory_space<hbm>>
    tpu.enqueue_dma source(%arg12 : memref<2x8192xf32, #tpu.memory_space<vmem>>) target(%dma_start3A_271 : memref<2x8192xf32, #tpu.memory_space<hbm>>) target_semaphore(%dma_start3A_269 : memref<!tpu.dma_semaphore, #tpu.memory_space<semaphore_mem>>)
    %dma_wait3A_272 = arith.constant 1 : i32
    %dma_wait3A_273 = arith.constant 294912 : i32
    %dma_wait3A_274 = tpu.memref_slice %arg5[%dma_wait3A_273] : memref<327680xf32, #tpu.memory_space<hbm>> -> memref<32768xf32, #tpu.memory_space<hbm>>
    %dma_wait3A_275 = tpu.memref_slice %arg14[%dma_wait3A_272] : memref<2x!tpu.dma_semaphore, #tpu.memory_space<semaphore_mem>> -> memref<1x!tpu.dma_semaphore, #tpu.memory_space<semaphore_mem>>
    %dma_wait3A_276 = tpu.memref_squeeze %dma_wait3A_275 : memref<1x!tpu.dma_semaphore, #tpu.memory_space<semaphore_mem>> -> memref<!tpu.dma_semaphore, #tpu.memory_space<semaphore_mem>>
    %dma_wait3A_277 = arith.constant 294912 : i32
    %dma_wait3A_278 = tpu.memref_slice %arg5[%dma_wait3A_277] : memref<327680xf32, #tpu.memory_space<hbm>> -> memref<32768xf32, #tpu.memory_space<hbm>>
    tpu.wait_dma2 semaphore(%dma_wait3A_276 : memref<!tpu.dma_semaphore, #tpu.memory_space<semaphore_mem>>) src(%dma_wait3A_278 : memref<32768xf32, #tpu.memory_space<hbm>>) dst(%arg11 : memref<32768xf32, #tpu.memory_space<vmem>>)
    %dma_wait3A_279 = arith.constant 1 : i32
    %dma_wait3A_280 = arith.constant 14 : i32
    %dma_wait3A_281 = tpu.memref_slice %arg6[%dma_wait3A_280, %mul3A_2] : memref<20x262144xf32, #tpu.memory_space<hbm>> -> memref<2x8192xf32, #tpu.memory_space<hbm>>
    %dma_wait3A_282 = tpu.memref_slice %arg15[%dma_wait3A_279] : memref<2x!tpu.dma_semaphore, #tpu.memory_space<semaphore_mem>> -> memref<1x!tpu.dma_semaphore, #tpu.memory_space<semaphore_mem>>
    %dma_wait3A_283 = tpu.memref_squeeze %dma_wait3A_282 : memref<1x!tpu.dma_semaphore, #tpu.memory_space<semaphore_mem>> -> memref<!tpu.dma_semaphore, #tpu.memory_space<semaphore_mem>>
    %dma_wait3A_284 = arith.constant 14 : i32
    %dma_wait3A_285 = tpu.memref_slice %arg6[%dma_wait3A_284, %mul3A_2] : memref<20x262144xf32, #tpu.memory_space<hbm>> -> memref<2x8192xf32, #tpu.memory_space<hbm>>
    tpu.wait_dma2 semaphore(%dma_wait3A_283 : memref<!tpu.dma_semaphore, #tpu.memory_space<semaphore_mem>>) src(%arg13 : memref<2x8192xf32, #tpu.memory_space<vmem>>) dst(%dma_wait3A_285 : memref<2x8192xf32, #tpu.memory_space<hbm>>)
    %parallel_loop3A_286 = arith.constant 0 : i32
    %parallel_loop3A_287 = arith.constant 512 : i32
    %parallel_loop3A_288 = arith.constant 1 : i32
    scf.for %parallel_loop3A_310 = %parallel_loop3A_286 to %parallel_loop3A_287 step %parallel_loop3A_288  : i32 {
      %parallel_loop3A_311 = arith.constant 16 : i32
      %parallel_loop3A_312 = arith.muli %parallel_loop3A_310, %parallel_loop3A_311 : i32
      %parallel_loop3A_313 = arith.index_cast %parallel_loop3A_312 : i32 to index
      %parallel_loop3A_314 = tpu.vector_load %arg7[%parallel_loop3A_313] {strides = array<i32>} : memref<8192xf32, #tpu.memory_space<vmem>>, vector<16xf32>,
      %parallel_loop3A_315 = arith.index_cast %parallel_loop3A_312 : i32 to index
      %parallel_loop3A_316 = tpu.vector_load %arg8[%parallel_loop3A_315] {strides = array<i32>} : memref<8192xf32, #tpu.memory_space<vmem>>, vector<16xf32>,
      %parallel_loop3A_317 = arith.index_cast %parallel_loop3A_312 : i32 to index
      %parallel_loop3A_318 = tpu.vector_load %arg9[%parallel_loop3A_317] {strides = array<i32>} : memref<8192xf32, #tpu.memory_space<vmem>>, vector<16xf32>,
      %parallel_loop3A_319 = arith.constant 6.150000e+02 : f32
      %parallel_loop3A_320 = vector.broadcast %parallel_loop3A_319 : f32 to vector<16xf32>
      %parallel_loop3A_321 = arith.mulf %parallel_loop3A_314, %parallel_loop3A_320 : vector<16xf32>
      %parallel_loop3A_322 = arith.constant 6.150000e+02 : f32
      %parallel_loop3A_323 = vector.broadcast %parallel_loop3A_322 : f32 to vector<16xf32>
      %parallel_loop3A_324 = arith.mulf %parallel_loop3A_316, %parallel_loop3A_323 : vector<16xf32>
      %parallel_loop3A_325 = arith.constant 6.150000e+02 : f32
      %parallel_loop3A_326 = vector.broadcast %parallel_loop3A_325 : f32 to vector<16xf32>
      %parallel_loop3A_327 = arith.mulf %parallel_loop3A_318, %parallel_loop3A_326 : vector<16xf32>
      %parallel_loop3A_328 = arith.fptosi %parallel_loop3A_321 : vector<16xf32> to vector<16xi32>
      %parallel_loop3A_329 = arith.fptosi %parallel_loop3A_324 : vector<16xf32> to vector<16xi32>
      %parallel_loop3A_330 = arith.fptosi %parallel_loop3A_327 : vector<16xf32> to vector<16xi32>
      %parallel_loop3A_331 = arith.sitofp %parallel_loop3A_328 : vector<16xi32> to vector<16xf32>
      %parallel_loop3A_332 = arith.subf %parallel_loop3A_321, %parallel_loop3A_331 : vector<16xf32>
      %parallel_loop3A_333 = arith.sitofp %parallel_loop3A_329 : vector<16xi32> to vector<16xf32>
      %parallel_loop3A_334 = arith.subf %parallel_loop3A_324, %parallel_loop3A_333 : vector<16xf32>
      %parallel_loop3A_335 = arith.sitofp %parallel_loop3A_330 : vector<16xi32> to vector<16xf32>
      %parallel_loop3A_336 = arith.subf %parallel_loop3A_327, %parallel_loop3A_335 : vector<16xf32>
      %parallel_loop3A_337 = arith.constant 1 : i32
      %parallel_loop3A_338 = vector.broadcast %parallel_loop3A_337 : i32 to vector<16xi32>
      %parallel_loop3A_339 = arith.addi %parallel_loop3A_328, %parallel_loop3A_338 : vector<16xi32>
      %parallel_loop3A_340 = arith.constant -1640531535 : i32
      %parallel_loop3A_341 = vector.broadcast %parallel_loop3A_340 : i32 to vector<16xi32>
      %parallel_loop3A_342 = arith.muli %parallel_loop3A_329, %parallel_loop3A_341 : vector<16xi32>
      %parallel_loop3A_343 = arith.constant -1640531535 : i32
      %parallel_loop3A_344 = vector.broadcast %parallel_loop3A_343 : i32 to vector<16xi32>
      %parallel_loop3A_345 = arith.addi %parallel_loop3A_342, %parallel_loop3A_344 : vector<16xi32>
      %parallel_loop3A_346 = arith.constant 805459861 : i32
      %parallel_loop3A_347 = vector.broadcast %parallel_loop3A_346 : i32 to vector<16xi32>
      %parallel_loop3A_348 = arith.muli %parallel_loop3A_330, %parallel_loop3A_347 : vector<16xi32>
      %parallel_loop3A_349 = arith.constant 805459861 : i32
      %parallel_loop3A_350 = vector.broadcast %parallel_loop3A_349 : i32 to vector<16xi32>
      %parallel_loop3A_351 = arith.addi %parallel_loop3A_348, %parallel_loop3A_350 : vector<16xi32>
      %parallel_loop3A_352 = arith.xori %parallel_loop3A_328, %parallel_loop3A_342 : vector<16xi32>
      %parallel_loop3A_353 = arith.xori %parallel_loop3A_352, %parallel_loop3A_348 : vector<16xi32>
      %parallel_loop3A_354 = arith.constant 16383 : i32
      %parallel_loop3A_355 = vector.broadcast %parallel_loop3A_354 : i32 to vector<16xi32>
      %parallel_loop3A_356 = arith.andi %parallel_loop3A_353, %parallel_loop3A_355 : vector<16xi32>
      %parallel_loop3A_357 = arith.xori %parallel_loop3A_328, %parallel_loop3A_342 : vector<16xi32>
      %parallel_loop3A_358 = arith.xori %parallel_loop3A_357, %parallel_loop3A_351 : vector<16xi32>
      %parallel_loop3A_359 = arith.constant 16383 : i32
      %parallel_loop3A_360 = vector.broadcast %parallel_loop3A_359 : i32 to vector<16xi32>
      %parallel_loop3A_361 = arith.andi %parallel_loop3A_358, %parallel_loop3A_360 : vector<16xi32>
      %parallel_loop3A_362 = arith.xori %parallel_loop3A_328, %parallel_loop3A_345 : vector<16xi32>
      %parallel_loop3A_363 = arith.xori %parallel_loop3A_362, %parallel_loop3A_348 : vector<16xi32>
      %parallel_loop3A_364 = arith.constant 16383 : i32
      %parallel_loop3A_365 = vector.broadcast %parallel_loop3A_364 : i32 to vector<16xi32>
      %parallel_loop3A_366 = arith.andi %parallel_loop3A_363, %parallel_loop3A_365 : vector<16xi32>
      %parallel_loop3A_367 = arith.xori %parallel_loop3A_328, %parallel_loop3A_345 : vector<16xi32>
      %parallel_loop3A_368 = arith.xori %parallel_loop3A_367, %parallel_loop3A_351 : vector<16xi32>
      %parallel_loop3A_369 = arith.constant 16383 : i32
      %parallel_loop3A_370 = vector.broadcast %parallel_loop3A_369 : i32 to vector<16xi32>
      %parallel_loop3A_371 = arith.andi %parallel_loop3A_368, %parallel_loop3A_370 : vector<16xi32>
      %parallel_loop3A_372 = arith.xori %parallel_loop3A_339, %parallel_loop3A_342 : vector<16xi32>
      %parallel_loop3A_373 = arith.xori %parallel_loop3A_372, %parallel_loop3A_348 : vector<16xi32>
      %parallel_loop3A_374 = arith.constant 16383 : i32
      %parallel_loop3A_375 = vector.broadcast %parallel_loop3A_374 : i32 to vector<16xi32>
      %parallel_loop3A_376 = arith.andi %parallel_loop3A_373, %parallel_loop3A_375 : vector<16xi32>
      %parallel_loop3A_377 = arith.xori %parallel_loop3A_339, %parallel_loop3A_342 : vector<16xi32>
      %parallel_loop3A_378 = arith.xori %parallel_loop3A_377, %parallel_loop3A_351 : vector<16xi32>
      %parallel_loop3A_379 = arith.constant 16383 : i32
      %parallel_loop3A_380 = vector.broadcast %parallel_loop3A_379 : i32 to vector<16xi32>
      %parallel_loop3A_381 = arith.andi %parallel_loop3A_378, %parallel_loop3A_380 : vector<16xi32>
      %parallel_loop3A_382 = arith.xori %parallel_loop3A_339, %parallel_loop3A_345 : vector<16xi32>
      %parallel_loop3A_383 = arith.xori %parallel_loop3A_382, %parallel_loop3A_348 : vector<16xi32>
      %parallel_loop3A_384 = arith.constant 16383 : i32
      %parallel_loop3A_385 = vector.broadcast %parallel_loop3A_384 : i32 to vector<16xi32>
      %parallel_loop3A_386 = arith.andi %parallel_loop3A_383, %parallel_loop3A_385 : vector<16xi32>
      %parallel_loop3A_387 = arith.xori %parallel_loop3A_339, %parallel_loop3A_345 : vector<16xi32>
      %parallel_loop3A_388 = arith.xori %parallel_loop3A_387, %parallel_loop3A_351 : vector<16xi32>
      %parallel_loop3A_389 = arith.constant 16383 : i32
      %parallel_loop3A_390 = vector.broadcast %parallel_loop3A_389 : i32 to vector<16xi32>
      %parallel_loop3A_391 = arith.andi %parallel_loop3A_388, %parallel_loop3A_390 : vector<16xi32>
      %parallel_loop3A_392 = tpu.vector_load_idx %arg11[%parallel_loop3A_356] : memref<32768xf32, #tpu.memory_space<vmem>>[vector<16xi32>], vector<16xf32>,
      %parallel_loop3A_393 = arith.constant 16384 : i32
      %parallel_loop3A_394 = tpu.memref_slice %arg11[%parallel_loop3A_393] : memref<32768xf32, #tpu.memory_space<vmem>> -> memref<16384xf32, #tpu.memory_space<vmem>>
      %parallel_loop3A_395 = tpu.vector_load_idx %parallel_loop3A_394[%parallel_loop3A_356] : memref<16384xf32, #tpu.memory_space<vmem>>[vector<16xi32>], vector<16xf32>,
      %parallel_loop3A_396 = tpu.vector_load_idx %arg11[%parallel_loop3A_361] : memref<32768xf32, #tpu.memory_space<vmem>>[vector<16xi32>], vector<16xf32>,
      %parallel_loop3A_397 = arith.constant 16384 : i32
      %parallel_loop3A_398 = tpu.memref_slice %arg11[%parallel_loop3A_397] : memref<32768xf32, #tpu.memory_space<vmem>> -> memref<16384xf32, #tpu.memory_space<vmem>>
      %parallel_loop3A_399 = tpu.vector_load_idx %parallel_loop3A_398[%parallel_loop3A_361] : memref<16384xf32, #tpu.memory_space<vmem>>[vector<16xi32>], vector<16xf32>,
      %parallel_loop3A_400 = tpu.vector_load_idx %arg11[%parallel_loop3A_366] : memref<32768xf32, #tpu.memory_space<vmem>>[vector<16xi32>], vector<16xf32>,
      %parallel_loop3A_401 = arith.constant 16384 : i32
      %parallel_loop3A_402 = tpu.memref_slice %arg11[%parallel_loop3A_401] : memref<32768xf32, #tpu.memory_space<vmem>> -> memref<16384xf32, #tpu.memory_space<vmem>>
      %parallel_loop3A_403 = tpu.vector_load_idx %parallel_loop3A_402[%parallel_loop3A_366] : memref<16384xf32, #tpu.memory_space<vmem>>[vector<16xi32>], vector<16xf32>,
      %parallel_loop3A_404 = tpu.vector_load_idx %arg11[%parallel_loop3A_371] : memref<32768xf32, #tpu.memory_space<vmem>>[vector<16xi32>], vector<16xf32>,
      %parallel_loop3A_405 = arith.constant 16384 : i32
      %parallel_loop3A_406 = tpu.memref_slice %arg11[%parallel_loop3A_405] : memref<32768xf32, #tpu.memory_space<vmem>> -> memref<16384xf32, #tpu.memory_space<vmem>>
      %parallel_loop3A_407 = tpu.vector_load_idx %parallel_loop3A_406[%parallel_loop3A_371] : memref<16384xf32, #tpu.memory_space<vmem>>[vector<16xi32>], vector<16xf32>,
      %parallel_loop3A_408 = tpu.vector_load_idx %arg11[%parallel_loop3A_376] : memref<32768xf32, #tpu.memory_space<vmem>>[vector<16xi32>], vector<16xf32>,
      %parallel_loop3A_409 = arith.constant 16384 : i32
      %parallel_loop3A_410 = tpu.memref_slice %arg11[%parallel_loop3A_409] : memref<32768xf32, #tpu.memory_space<vmem>> -> memref<16384xf32, #tpu.memory_space<vmem>>
      %parallel_loop3A_411 = tpu.vector_load_idx %parallel_loop3A_410[%parallel_loop3A_376] : memref<16384xf32, #tpu.memory_space<vmem>>[vector<16xi32>], vector<16xf32>,
      %parallel_loop3A_412 = tpu.vector_load_idx %arg11[%parallel_loop3A_381] : memref<32768xf32, #tpu.memory_space<vmem>>[vector<16xi32>], vector<16xf32>,
      %parallel_loop3A_413 = arith.constant 16384 : i32
      %parallel_loop3A_414 = tpu.memref_slice %arg11[%parallel_loop3A_413] : memref<32768xf32, #tpu.memory_space<vmem>> -> memref<16384xf32, #tpu.memory_space<vmem>>
      %parallel_loop3A_415 = tpu.vector_load_idx %parallel_loop3A_414[%parallel_loop3A_381] : memref<16384xf32, #tpu.memory_space<vmem>>[vector<16xi32>], vector<16xf32>,
      %parallel_loop3A_416 = tpu.vector_load_idx %arg11[%parallel_loop3A_386] : memref<32768xf32, #tpu.memory_space<vmem>>[vector<16xi32>], vector<16xf32>,
      %parallel_loop3A_417 = arith.constant 16384 : i32
      %parallel_loop3A_418 = tpu.memref_slice %arg11[%parallel_loop3A_417] : memref<32768xf32, #tpu.memory_space<vmem>> -> memref<16384xf32, #tpu.memory_space<vmem>>
      %parallel_loop3A_419 = tpu.vector_load_idx %parallel_loop3A_418[%parallel_loop3A_386] : memref<16384xf32, #tpu.memory_space<vmem>>[vector<16xi32>], vector<16xf32>,
      %parallel_loop3A_420 = tpu.vector_load_idx %arg11[%parallel_loop3A_391] : memref<32768xf32, #tpu.memory_space<vmem>>[vector<16xi32>], vector<16xf32>,
      %parallel_loop3A_421 = arith.constant 16384 : i32
      %parallel_loop3A_422 = tpu.memref_slice %arg11[%parallel_loop3A_421] : memref<32768xf32, #tpu.memory_space<vmem>> -> memref<16384xf32, #tpu.memory_space<vmem>>
      %parallel_loop3A_423 = tpu.vector_load_idx %parallel_loop3A_422[%parallel_loop3A_391] : memref<16384xf32, #tpu.memory_space<vmem>>[vector<16xi32>], vector<16xf32>,
      %parallel_loop3A_424 = arith.subf %parallel_loop3A_396, %parallel_loop3A_392 : vector<16xf32>
      %parallel_loop3A_425 = arith.mulf %parallel_loop3A_336, %parallel_loop3A_424 : vector<16xf32>
      %parallel_loop3A_426 = arith.addf %parallel_loop3A_392, %parallel_loop3A_425 : vector<16xf32>
      %parallel_loop3A_427 = arith.subf %parallel_loop3A_404, %parallel_loop3A_400 : vector<16xf32>
      %parallel_loop3A_428 = arith.mulf %parallel_loop3A_336, %parallel_loop3A_427 : vector<16xf32>
      %parallel_loop3A_429 = arith.addf %parallel_loop3A_400, %parallel_loop3A_428 : vector<16xf32>
      %parallel_loop3A_430 = arith.subf %parallel_loop3A_412, %parallel_loop3A_408 : vector<16xf32>
      %parallel_loop3A_431 = arith.mulf %parallel_loop3A_336, %parallel_loop3A_430 : vector<16xf32>
      %parallel_loop3A_432 = arith.addf %parallel_loop3A_408, %parallel_loop3A_431 : vector<16xf32>
      %parallel_loop3A_433 = arith.subf %parallel_loop3A_420, %parallel_loop3A_416 : vector<16xf32>
      %parallel_loop3A_434 = arith.mulf %parallel_loop3A_336, %parallel_loop3A_433 : vector<16xf32>
      %parallel_loop3A_435 = arith.addf %parallel_loop3A_416, %parallel_loop3A_434 : vector<16xf32>
      %parallel_loop3A_436 = arith.subf %parallel_loop3A_399, %parallel_loop3A_395 : vector<16xf32>
      %parallel_loop3A_437 = arith.mulf %parallel_loop3A_336, %parallel_loop3A_436 : vector<16xf32>
      %parallel_loop3A_438 = arith.addf %parallel_loop3A_395, %parallel_loop3A_437 : vector<16xf32>
      %parallel_loop3A_439 = arith.subf %parallel_loop3A_407, %parallel_loop3A_403 : vector<16xf32>
      %parallel_loop3A_440 = arith.mulf %parallel_loop3A_336, %parallel_loop3A_439 : vector<16xf32>
      %parallel_loop3A_441 = arith.addf %parallel_loop3A_403, %parallel_loop3A_440 : vector<16xf32>
      %parallel_loop3A_442 = arith.subf %parallel_loop3A_415, %parallel_loop3A_411 : vector<16xf32>
      %parallel_loop3A_443 = arith.mulf %parallel_loop3A_336, %parallel_loop3A_442 : vector<16xf32>
      %parallel_loop3A_444 = arith.addf %parallel_loop3A_411, %parallel_loop3A_443 : vector<16xf32>
      %parallel_loop3A_445 = arith.subf %parallel_loop3A_423, %parallel_loop3A_419 : vector<16xf32>
      %parallel_loop3A_446 = arith.mulf %parallel_loop3A_336, %parallel_loop3A_445 : vector<16xf32>
      %parallel_loop3A_447 = arith.addf %parallel_loop3A_419, %parallel_loop3A_446 : vector<16xf32>
      %parallel_loop3A_448 = arith.subf %parallel_loop3A_429, %parallel_loop3A_426 : vector<16xf32>
      %parallel_loop3A_449 = arith.mulf %parallel_loop3A_334, %parallel_loop3A_448 : vector<16xf32>
      %parallel_loop3A_450 = arith.addf %parallel_loop3A_426, %parallel_loop3A_449 : vector<16xf32>
      %parallel_loop3A_451 = arith.subf %parallel_loop3A_435, %parallel_loop3A_432 : vector<16xf32>
      %parallel_loop3A_452 = arith.mulf %parallel_loop3A_334, %parallel_loop3A_451 : vector<16xf32>
      %parallel_loop3A_453 = arith.addf %parallel_loop3A_432, %parallel_loop3A_452 : vector<16xf32>
      %parallel_loop3A_454 = arith.subf %parallel_loop3A_441, %parallel_loop3A_438 : vector<16xf32>
      %parallel_loop3A_455 = arith.mulf %parallel_loop3A_334, %parallel_loop3A_454 : vector<16xf32>
      %parallel_loop3A_456 = arith.addf %parallel_loop3A_438, %parallel_loop3A_455 : vector<16xf32>
      %parallel_loop3A_457 = arith.subf %parallel_loop3A_447, %parallel_loop3A_444 : vector<16xf32>
      %parallel_loop3A_458 = arith.mulf %parallel_loop3A_334, %parallel_loop3A_457 : vector<16xf32>
      %parallel_loop3A_459 = arith.addf %parallel_loop3A_444, %parallel_loop3A_458 : vector<16xf32>
      %parallel_loop3A_460 = arith.subf %parallel_loop3A_453, %parallel_loop3A_450 : vector<16xf32>
      %parallel_loop3A_461 = arith.mulf %parallel_loop3A_332, %parallel_loop3A_460 : vector<16xf32>
      %parallel_loop3A_462 = arith.addf %parallel_loop3A_450, %parallel_loop3A_461 : vector<16xf32>
      %parallel_loop3A_463 = arith.constant 0 : i32
      %parallel_loop3A_464 = arith.index_cast %parallel_loop3A_463 : i32 to index
      %parallel_loop3A_465 = arith.index_cast %parallel_loop3A_312 : i32 to index
      %parallel_loop3A_466 = tpu.vector_load %arg13[%parallel_loop3A_464, %parallel_loop3A_465] {strides = array<i32>} : memref<2x8192xf32, #tpu.memory_space<vmem>>, vector<16xf32>,
      tpu.vector_store %arg13[%parallel_loop3A_464, %parallel_loop3A_465], %parallel_loop3A_462 {strides = array<i32>} : memref<2x8192xf32, #tpu.memory_space<vmem>>, vector<16xf32>,
      %parallel_loop3A_467 = arith.subf %parallel_loop3A_459, %parallel_loop3A_456 : vector<16xf32>
      %parallel_loop3A_468 = arith.mulf %parallel_loop3A_332, %parallel_loop3A_467 : vector<16xf32>
      %parallel_loop3A_469 = arith.addf %parallel_loop3A_456, %parallel_loop3A_468 : vector<16xf32>
      %parallel_loop3A_470 = arith.constant 1 : i32
      %parallel_loop3A_471 = arith.index_cast %parallel_loop3A_470 : i32 to index
      %parallel_loop3A_472 = arith.index_cast %parallel_loop3A_312 : i32 to index
      %parallel_loop3A_473 = tpu.vector_load %arg13[%parallel_loop3A_471, %parallel_loop3A_472] {strides = array<i32>} : memref<2x8192xf32, #tpu.memory_space<vmem>>, vector<16xf32>,
      tpu.vector_store %arg13[%parallel_loop3A_471, %parallel_loop3A_472], %parallel_loop3A_469 {strides = array<i32>} : memref<2x8192xf32, #tpu.memory_space<vmem>>, vector<16xf32>,
    } {sc.loop_unroll_factor = 1 : i64, sc.parallel_access}
    %dma_start3A_289 = arith.constant 1 : i32
    %dma_start3A_290 = arith.constant 18 : i32
    %dma_start3A_291 = tpu.memref_slice %arg6[%dma_start3A_290, %mul3A_2] : memref<20x262144xf32, #tpu.memory_space<hbm>> -> memref<2x8192xf32, #tpu.memory_space<hbm>>
    %dma_start3A_292 = tpu.memref_slice %arg15[%dma_start3A_289] : memref<2x!tpu.dma_semaphore, #tpu.memory_space<semaphore_mem>> -> memref<1x!tpu.dma_semaphore, #tpu.memory_space<semaphore_mem>>
    %dma_start3A_293 = tpu.memref_squeeze %dma_start3A_292 : memref<1x!tpu.dma_semaphore, #tpu.memory_space<semaphore_mem>> -> memref<!tpu.dma_semaphore, #tpu.memory_space<semaphore_mem>>
    %dma_start3A_294 = arith.constant 18 : i32
    %dma_start3A_295 = tpu.memref_slice %arg6[%dma_start3A_294, %mul3A_2] : memref<20x262144xf32, #tpu.memory_space<hbm>> -> memref<2x8192xf32, #tpu.memory_space<hbm>>
    tpu.enqueue_dma source(%arg13 : memref<2x8192xf32, #tpu.memory_space<vmem>>) target(%dma_start3A_295 : memref<2x8192xf32, #tpu.memory_space<hbm>>) target_semaphore(%dma_start3A_293 : memref<!tpu.dma_semaphore, #tpu.memory_space<semaphore_mem>>)
    %dma_wait3A_296 = arith.constant 0 : i32
    %dma_wait3A_297 = arith.constant 16 : i32
    %dma_wait3A_298 = tpu.memref_slice %arg6[%dma_wait3A_297, %mul3A_2] : memref<20x262144xf32, #tpu.memory_space<hbm>> -> memref<2x8192xf32, #tpu.memory_space<hbm>>
    %dma_wait3A_299 = tpu.memref_slice %arg15[%dma_wait3A_296] : memref<2x!tpu.dma_semaphore, #tpu.memory_space<semaphore_mem>> -> memref<1x!tpu.dma_semaphore, #tpu.memory_space<semaphore_mem>>
    %dma_wait3A_300 = tpu.memref_squeeze %dma_wait3A_299 : memref<1x!tpu.dma_semaphore, #tpu.memory_space<semaphore_mem>> -> memref<!tpu.dma_semaphore, #tpu.memory_space<semaphore_mem>>
    %dma_wait3A_301 = arith.constant 16 : i32
    %dma_wait3A_302 = tpu.memref_slice %arg6[%dma_wait3A_301, %mul3A_2] : memref<20x262144xf32, #tpu.memory_space<hbm>> -> memref<2x8192xf32, #tpu.memory_space<hbm>>
    tpu.wait_dma2 semaphore(%dma_wait3A_300 : memref<!tpu.dma_semaphore, #tpu.memory_space<semaphore_mem>>) src(%arg12 : memref<2x8192xf32, #tpu.memory_space<vmem>>) dst(%dma_wait3A_302 : memref<2x8192xf32, #tpu.memory_space<hbm>>)
    %dma_wait3A_303 = arith.constant 1 : i32
    %dma_wait3A_304 = arith.constant 18 : i32
    %dma_wait3A_305 = tpu.memref_slice %arg6[%dma_wait3A_304, %mul3A_2] : memref<20x262144xf32, #tpu.memory_space<hbm>> -> memref<2x8192xf32, #tpu.memory_space<hbm>>
    %dma_wait3A_306 = tpu.memref_slice %arg15[%dma_wait3A_303] : memref<2x!tpu.dma_semaphore, #tpu.memory_space<semaphore_mem>> -> memref<1x!tpu.dma_semaphore, #tpu.memory_space<semaphore_mem>>
    %dma_wait3A_307 = tpu.memref_squeeze %dma_wait3A_306 : memref<1x!tpu.dma_semaphore, #tpu.memory_space<semaphore_mem>> -> memref<!tpu.dma_semaphore, #tpu.memory_space<semaphore_mem>>
    %dma_wait3A_308 = arith.constant 18 : i32
    %dma_wait3A_309 = tpu.memref_slice %arg6[%dma_wait3A_308, %mul3A_2] : memref<20x262144xf32, #tpu.memory_space<hbm>> -> memref<2x8192xf32, #tpu.memory_space<hbm>>
    tpu.wait_dma2 semaphore(%dma_wait3A_307 : memref<!tpu.dma_semaphore, #tpu.memory_space<semaphore_mem>>) src(%arg13 : memref<2x8192xf32, #tpu.memory_space<vmem>>) dst(%dma_wait3A_309 : memref<2x8192xf32, #tpu.memory_space<hbm>>)
    return
  }
}

module attributes {stable_mosaic.version = 14 : i64} {
  func.func @_mlp_body(%arg0: i32, %arg1: memref<20x32768xf32, #tpu.memory_space<vmem>>, %arg2: memref<64x20xf32, #tpu.memory_space<vmem>>, %arg3: memref<64x64xf32, #tpu.memory_space<vmem>>, %arg4: memref<1x64xf32, #tpu.memory_space<vmem>>, %arg5: memref<1x32768xf32, #tpu.memory_space<vmem>>) attributes {dimension_semantics = [#tpu.dimension_semantics<arbitrary>], iteration_bounds = array<i64: 8>, scalar_prefetch = 0 : i64, scratch_operands = 0 : i64, tpu.core_type = #tpu.core_type<tc>, window_params = [{transform_indices = @transform_0, window_bounds = array<i64: 20, 32768>}, {pipeline_mode = #tpu.pipeline_mode<synchronous>, transform_indices = @transform_1, window_bounds = array<i64: 64, 20>}, {pipeline_mode = #tpu.pipeline_mode<synchronous>, transform_indices = @transform_2, window_bounds = array<i64: 64, 64>}, {pipeline_mode = #tpu.pipeline_mode<synchronous>, transform_indices = @transform_3, window_bounds = array<i64: 1, 64>}, {transform_indices = @transform_4, window_bounds = array<i64: 1, 32768>}]} {
    %get3A = arith.constant 0 : index
    %get3A_0 = arith.constant 0 : index
    %get3A_1 = vector.load %arg1[%get3A, %get3A_0] : memref<20x32768xf32, #tpu.memory_space<vmem>>, vector<20x32768xf32>
    %get3A_2 = arith.constant 0 : index
    %get3A_3 = arith.constant 0 : index
    %get3A_4 = vector.load %arg2[%get3A_2, %get3A_3] : memref<64x20xf32, #tpu.memory_space<vmem>>, vector<64x20xf32>
    %dot_general3A = arith.constant dense<0.000000e+00> : vector<64x32768xf32>
    %dot_general3A_5 = tpu.matmul %get3A_4, %get3A_1, %dot_general3A {dimension_numbers = #tpu.dot_dimension_numbers<[1], [0], [0], [1], [0, 0, 1, 1], [], []>, transpose_lhs_hint = false} : vector<64x20xf32>, vector<20x32768xf32>, vector<64x32768xf32> -> vector<64x32768xf32>
    %max3A = arith.constant 0.000000e+00 : f32
    %max3A_6 = vector.broadcast %max3A : f32 to vector<64x32768xf32>
    %max3A_7 = arith.maximumf %dot_general3A_5, %max3A_6 : vector<64x32768xf32>
    %get3A_8 = arith.constant 0 : index
    %get3A_9 = arith.constant 0 : index
    %get3A_10 = vector.load %arg3[%get3A_8, %get3A_9] : memref<64x64xf32, #tpu.memory_space<vmem>>, vector<64x64xf32>
    %dot_general3A_11 = arith.constant dense<0.000000e+00> : vector<64x32768xf32>
    %dot_general3A_12 = tpu.matmul %get3A_10, %max3A_7, %dot_general3A_11 {dimension_numbers = #tpu.dot_dimension_numbers<[1], [0], [0], [1], [0, 0, 1, 1], [], []>, transpose_lhs_hint = false} : vector<64x64xf32>, vector<64x32768xf32>, vector<64x32768xf32> -> vector<64x32768xf32>
    %max3A_13 = arith.constant 0.000000e+00 : f32
    %max3A_14 = vector.broadcast %max3A_13 : f32 to vector<64x32768xf32>
    %max3A_15 = arith.maximumf %dot_general3A_12, %max3A_14 : vector<64x32768xf32>
    %get3A_16 = arith.constant 0 : index
    %get3A_17 = arith.constant 0 : index
    %get3A_18 = vector.load %arg4[%get3A_16, %get3A_17] : memref<1x64xf32, #tpu.memory_space<vmem>>, vector<1x64xf32>
    %dot_general3A_19 = arith.constant dense<0.000000e+00> : vector<1x32768xf32>
    %dot_general3A_20 = tpu.matmul %get3A_18, %max3A_15, %dot_general3A_19 {dimension_numbers = #tpu.dot_dimension_numbers<[1], [0], [0], [1], [0, 0, 1, 1], [], []>, transpose_lhs_hint = false} : vector<1x64xf32>, vector<64x32768xf32>, vector<1x32768xf32> -> vector<1x32768xf32>
    %jit3A = arith.constant 0.000000e+00 : f32
    %jit3A_21 = arith.constant 1.000000e+00 : f32
    %max3A_22 = vector.broadcast %jit3A : f32 to vector<1x32768xf32>
    %max3A_23 = arith.maximumf %max3A_22, %dot_general3A_20 : vector<1x32768xf32>
    %min3A = vector.broadcast %jit3A_21 : f32 to vector<1x32768xf32>
    %min3A_24 = arith.minimumf %min3A, %max3A_23 : vector<1x32768xf32>
    %swap3A = arith.constant 0 : index
    %swap3A_25 = arith.constant 0 : index
    %swap3A_26 = vector.load %arg5[%swap3A, %swap3A_25] : memref<1x32768xf32, #tpu.memory_space<vmem>>, vector<1x32768xf32>
    tpu.vector_store %arg5[%swap3A, %swap3A_25], %min3A_24 {strides = array<i32>} : memref<1x32768xf32, #tpu.memory_space<vmem>>, vector<1x32768xf32>,
    return
  }
  func.func @transform_0(%arg0: i32) -> (i32, i32) {
    %c0_i32 = arith.constant 0 : i32
    %c0_i32_0 = arith.constant 0 : i32
    return %c0_i32, %arg0 : i32, i32
  }
  func.func @transform_1(%arg0: i32) -> (i32, i32) {
    %c0_i32 = arith.constant 0 : i32
    %c0_i32_0 = arith.constant 0 : i32
    %c0_i32_1 = arith.constant 0 : i32
    return %c0_i32, %c0_i32_0 : i32, i32
  }
  func.func @transform_2(%arg0: i32) -> (i32, i32) {
    %c0_i32 = arith.constant 0 : i32
    %c0_i32_0 = arith.constant 0 : i32
    %c0_i32_1 = arith.constant 0 : i32
    return %c0_i32, %c0_i32_0 : i32, i32
  }
  func.func @transform_3(%arg0: i32) -> (i32, i32) {
    %c0_i32 = arith.constant 0 : i32
    %c0_i32_0 = arith.constant 0 : i32
    %c0_i32_1 = arith.constant 0 : i32
    return %c0_i32, %c0_i32_0 : i32, i32
  }
  func.func @transform_4(%arg0: i32) -> (i32, i32) {
    %c0_i32 = arith.constant 0 : i32
    %c0_i32_0 = arith.constant 0 : i32
    return %c0_i32, %arg0 : i32, i32
  }
}

</mosaic_0001>

<sc_bundles>
// kernel: _impl.4.cloned.1.call-start
scs
__scs_entry_jumppad:
0x0: {  	(pc) =	sbr.rel $0x88, $3  }
0x1: {  	(tag) =	ssettag $0x0;
	lr =	simm.s32 $0x1  }
0x2: {  	[smem:$0x3F9C] =	sst lr;
	_ =	strace $0xD0000000  }
0x3: {  	_ = 	snop  }
0x4: {  	_ = 	snop  }
0x5: {  	_ = 	snop  }
0x6: {  	_ = 	snop  }
0x7: {  	_ = 	snop  }
__scs_overlays_trampoline_lowered:
0x8: {  	[smem:$0x3FAB] =	sst s0  }
0x9: {  	[smem:$0x3FAC] =	sst s1  }
0xa: {  	[smem:$0x3FAD] =	sst s2  }
0xb: {  	[smem:$0x3FAE] =	sst s3  }
0xc: {  	[smem:$0x3FAF] =	sst s4  }
0xd: {  	[smem:$0x3FB0] =	sst s5  }
0xe: {  	[smem:$0x3FB1] =	sst s6  }
0xf: {  	[smem:$0x3FB2] =	sst s7  }
0x10: {  	[smem:$0x3FB3] =	sst s8  }
0x11: {  	[smem:$0x3FB4] =	sst s9;
	s0 =	simm.s32 @!p0 $0x0  }
0x12: {  	s1 =	sld [smem:$0x3F9A];
	s0 =	simm.s32 @p0 $0x1  }
0x13: {  	[smem:$0x3FB5] =	sst s0;
	s0 =	simm.s32 @!p1 $0x0  }
0x14: {  	s2 =	sld [smem:$0x3F99];
	s0 =	simm.s32 @p1 $0x1  }
0x15: {  	[smem:$0x3FB6] =	sst s0;
	s0 =	simm.s32 @!p2 $0x0  }
0x16: {  	s3 =	sld [smem:$0x3FDB];
	s0 =	simm.s32 @p2 $0x1  }
0x17: {  	s4 =	simm.s32 $0x1BF5;
	[smem:$0x3FB8] =	sst s0  }
0x18: {  	s0 =	sld [smem:$0x3F9B];
	_ =	swait.ge [sflag:s4], $0x0  }
0x19: {  	s7 =	sld [smem:$0x3F9C]  }
0x1a: {  	s8 =	sadd.s32 $0xFFFFE003, lr  }
0x1b: {  	s9 =	sadd.s32 $0xFFFFFEF7, lr;
	s5 =	simm.s32 $0xFFFFFFFF;
	p2 =	slt.u32 s8, $0xFFFFF086  }
0x1c: {  	p1 =	slt.u32 s9, $0xF7A;
	s5 =	simm.s32 @!p2 $0x0  }
0x1d: {  	s5 =	simm.s32 @p1 $0x1;
	p0 =	seq.s32 s7, s2  }
0x1e: {  	s7 =	smul.u32 @!p0 $0xF7A, s2;
	p2 =	seq.s32 @!p0 s5, $0x0  }
0x1f: {  	s9 =	smul.u32 $0xF7A, s1;
	s8 =	simm.s32 @!p0 $0x1BF5;
	p2 =	por !p2, p0  }
0x20: {  	[sflag:s8] =	ssyncset.s32 @!p0 $0xFFFFF086;
	s6 =	sadd.s32 @!p0 s3, s7;
	s7 =	simm.s32 @!p0 $0x108  }
0x21: {  	s3 =	sadd.s32 s3, s9;
	s6 =	sadd.s32 @!p0 $0x88, s6;
	s7 =	simm.s32 @p2 $0x1082  }
0x22: {  	[simem:s7], [sflag:s8] =	dma.local @!p0 [hbm:s6], $0xF7A  }
0x23: {  	s9 =	sor.u32 $0xD0000000, s2;
	s6 =	simm.s32 $0x108;
	_ =	swait.ge @!p0 [sflag:s8], $0x0  }
0x24: {  	s3 =	sadd.s32 $0x88, s3;
	s6 =	simm.s32 @!p1 $0x1082;
	[sflag:s4] =	ssyncset.s32 $0xFFFFF086  }
0x25: {  	[simem:s6], [sflag:s4] =	dma.local [hbm:s3], $0xF7A  }
0x26: {  	[smem:$0x3F9C] =	sst s1;
	(tag) =	ssettag s2;
	_ =	strace s9  }
0x27: {  	s1 =	sld [smem:$0x3FAC]  }
0x28: {  	s2 =	sld [smem:$0x3FAD]  }
0x29: {  	s4 =	sld [smem:$0x3FAF]  }
0x2a: {  	p0 =	seq.s32 s5, $0x0;
	s5 =	sld [smem:$0x3FB0]  }
0x2b: {  	s6 =	sld [smem:$0x3FB1]  }
0x2c: {  	s7 =	sld [smem:$0x3FB2]  }
0x2d: {  	s3 =	simm.s32 $0x108;
	s8 =	sld [smem:$0x3FB3]  }
0x2e: {  	s3 =	simm.s32 @!p0 $0x1082;
	s9 =	sld [smem:$0x3FB4]  }
0x2f: {  	lr =	sadd.s32 s0, s3;
	s0 =	sld [smem:$0x3FAB]  }
0x30: {  	s3 =	sld [smem:$0x3FAE]  }
0x31: {  	[smem:$0x3FB7] =	sst s10  }
0x32: {  	s10 =	sld [smem:$0x3FB5];
	_ =	sdelay $0x3  }
0x33: {  	p0 =	seq.s32 s10, $0x1;
	s10 =	sld [smem:$0x3FB7];
	_ =	sdelay $0x3  }
0x34: {  	[smem:$0x3FB7] =	sst s10  }
0x35: {  	s10 =	sld [smem:$0x3FB6];
	_ =	sdelay $0x3  }
0x36: {  	p1 =	seq.s32 s10, $0x1;
	s10 =	sld [smem:$0x3FB7];
	_ =	sdelay $0x3  }
0x37: {  	[smem:$0x3FB7] =	sst s10  }
0x38: {  	s10 =	sld [smem:$0x3FB8]  }
0x39: {  	_ = 	snop;
	(pc) =	sbr.ind lr, $3  }
0x3a: {  	_ = 	snop  }
0x3b: {  	_ = 	snop  }
0x3c: {  	p2 =	seq.s32 s10, $0x1;
	s10 =	sld [smem:$0x3FB7]  }
0x3d: {  	_ =	shalt  }
0x3e: {  	_ =	shalt  }
0x3f: {  	_ =	shalt  }
0x40: {  	_ =	shalt  }
0x41: {  	_ =	shalt  }
0x42: {  	_ =	shalt  }
0x43: {  	_ =	shalt  }
0x44: {  	_ =	shalt  }
0x45: {  	_ =	shalt  }
0x46: {  	_ =	shalt  }
0x47: {  	_ =	shalt  }
0x48: {  	_ =	shalt  }
0x49: {  	_ =	shalt  }
0x4a: {  	_ =	shalt  }
0x4b: {  	_ =	shalt  }
0x4c: {  	_ =	shalt  }
0x4d: {  	_ =	shalt  }
0x4e: {  	_ =	shalt  }
0x4f: {  	_ =	shalt  }
0x50: {  	_ =	shalt  }
0x51: {  	_ =	shalt  }
0x52: {  	_ =	shalt  }
0x53: {  	_ =	shalt  }
0x54: {  	_ =	shalt  }
0x55: {  	_ =	shalt  }
0x56: {  	_ =	shalt  }
0x57: {  	_ =	shalt  }
0x58: {  	_ =	shalt  }
0x59: {  	_ =	shalt  }
0x5a: {  	_ =	shalt  }
0x5b: {  	_ =	shalt  }
0x5c: {  	_ =	shalt  }
0x5d: {  	_ =	shalt  }
0x5e: {  	_ =	shalt  }
0x5f: {  	_ =	shalt  }
0x60: {  	_ =	shalt  }
0x61: {  	_ =	shalt  }
0x62: {  	_ =	shalt  }
0x63: {  	_ =	shalt  }
0x64: {  	_ =	shalt  }
0x65: {  	_ =	shalt  }
0x66: {  	_ =	shalt  }
0x67: {  	_ =	shalt  }
0x68: {  	_ =	shalt  }
0x69: {  	_ =	shalt  }
0x6a: {  	_ =	shalt  }
0x6b: {  	_ =	shalt  }
0x6c: {  	_ =	shalt  }
0x6d: {  	_ =	shalt  }
0x6e: {  	_ =	shalt  }
0x6f: {  	_ =	shalt  }
0x70: {  	_ =	shalt  }
0x71: {  	_ =	shalt  }
0x72: {  	_ =	shalt  }
0x73: {  	_ =	shalt  }
0x74: {  	_ =	shalt  }
0x75: {  	_ =	shalt  }
0x76: {  	_ =	shalt  }
0x77: {  	_ =	shalt  }
0x78: {  	_ =	shalt  }
0x79: {  	_ =	shalt  }
0x7a: {  	_ =	shalt  }
0x7b: {  	_ =	shalt  }
0x7c: {  	_ =	shalt  }
0x7d: {  	_ =	shalt  }
0x7e: {  	_ =	shalt  }
0x7f: {  	_ =	shalt  }
0x80: {  	_ =	shalt  }
0x81: {  	_ =	shalt  }
0x82: {  	_ =	shalt  }
0x83: {  	_ =	shalt  }
0x84: {  	_ =	shalt  }
0x85: {  	_ =	shalt  }
0x86: {  	_ =	shalt  }
0x87: {  	_ =	shalt  }
.Lfunc_end0:
.L_simem_size_0:
called_computation_lowered:
.L_overlay_start_0:
0x88: {  	s2 =	sld [smem:$0x3FD9]  }
0x89: {  	s3 =	sld [smem:$0x3FFE];
	_ =	sdelay $0x1  }
0x8a: {  	s1 =	srdreg.scid  }
0x8b: {  	s0 =	sand.u32 $0x1, s1  }
0x8c: {  	s17 =	sshll.u32 s0, $0xA;
	s2 =	sadd.s32 s3, s2  }
0x8d: {  	s2 =	sadd.s32 s2, s17  }
0x8e: {  	[smem:$0x3FC3] =	sst s2  }
0x8f: {  	_ = 	snop  }
0x90: {  	s2 =	sld [smem:$0x3FD0];
	(tm) =	ssettm $0x1  }
0x91: {  	s18 =	sld [smem:$0x3FFB];
	_ =	sdelay $0x3  }
0x92: {  	_ =	strace s18  }
0x93: {  	s3 =	sld [smem:$0x3FFC];
	_ =	sdelay $0x3  }
0x94: {  	_ =	strace s3  }
0x95: {  	s3 =	sld [smem:$0x3FFD];
	_ =	sdelay $0x3  }
0x96: {  	_ =	strace s3  }
0x97: {  	_ =	strace $0x8FFFFFFF  }
0x98: {  	s19 =	sld [smem:$0x3FDB];
	_ =	sdelay $0x1  }
0x99: {  	s4 =	simm.s32 $_scs_section_size  }
0x9a: {  	s5 =	simm.s32 $_size__tile_overlayer_lowered;
	s6 =	simm.s32 $_tile_overlayer_lowered  }
0x9b: {  	s22 =	simm.s32 $0x1BFF;
	s21 =	sshll.u32 s6, $0x1;
	s3 =	sadd.s32 s4, s19  }
0x9c: {  	s7 =	simm.s32 $0x0;
	s20 =	sshll.u32 s5, $0x1;
	s5 =	sadd.s32 s21, s3  }
0x9d: {  	[timem:s7], [sflag:s22] =	dma.local [hbm:s5], s20  }
0x9e: {  	_ =	swait.ge [sflag:s22], s20  }
0x9f: {  	s4 =	ssub.s32 $0x0, s20;
	[sflag:s22] =	ssyncset.done $0x0  }
0xa0: {  	[sflag:s22] =	ssyncadd.s32 s4;
	_ =	sdelay $0x1  }
0xa1: {  	s23 =	simm.s32 $0x1B8B  }
0xa2: {  	_ =	swait.ge [sflag:s23], $0x1  }
0xa3: {  	[sflag:s23] =	ssyncset.done $0x0  }
0xa4: {  	s25 =	simm.s32 $0x1B8E;
	s24 =	sld [smem:$0x3FFE];
	[sflag:s23] =	ssyncadd.s32 $0xFFFFFFFF  }
0xa5: {  	s26 =	simm.s32 $execute0_lowered;
	[smem:$0x3FD2] =	sst s25  }
0xa6: {  	s5 =	sshll.u32 s26, $0x1;
	_ =	strace $0x80000046;
	[dreg:$0x1] =	wrdreg $0xFFFFFFFF  }
0xa7: {  	s28 =	simm.s32 $_size_execute0_lowered;
	s3 =	sadd.s32 s3, s5;
	[dreg:$0x0] =	wrdreg $0x0  }
0xa8: {  	s5 =	sshll.u32 s28, $0x1;
	[dreg:$0x2] =	wrdreg s3  }
0xa9: {  	[dreg:$0x3] =	wrdreg s5  }
0xaa: {  	[dreg:$0x4] =	wrdreg $0xC0  }
0xab: {  	_ =	task [dreg:s7], $0x5FFFF  }
0xac: {  	[dreg:$0x1] =	wrdreg $0xFFFFFFFF  }
0xad: {  	[dreg:$0x0] =	wrdreg $0x60  }
0xae: {  	[dreg:$0x2] =	wrdreg s24  }
0xaf: {  	[dreg:$0x3] =	wrdreg s2  }
0xb0: {  	[dreg:$0x4] =	wrdreg $0x9  }
0xb1: {  	_ =	task.clear_ibuf [dreg:s7], $0x5FFFF;
	_ =	strace $0x90000046  }
0xb2: {  	s29 =	simm.s32 $0x9;
	_ =	strace $0x80000048  }
0xb3: {  	_ =	swait.ge [sflag:s29], $0x1  }
0xb4: {  	[sflag:s29] =	ssyncadd.s32 $0xFFFFFFFF  }
0xb5: {  	_ =	strace $0x90000048  }
0xb6: {  	_ =	sfence  }
0xb7: {  	s30 =	sld [smem:$0x0];
	_ =	sdelay $0x2  }
0xb8: {  	s31 =	sshll.u32 s1, $0xD;
	s1 =	sshrl.u32 s1, $0x2  }
0xb9: {  	s3 =	sand.u32 $0x4000, s31;
	s1 =	sadd.s32 s1, s30  }
0xba: {  	s0 =	sor.u32 s3, s0;
	s1 =	sshll.u32 s1, $0x11  }
0xbb: {  	s0 =	sor.u32 s1, s0  }
0xbc: {  	s0 =	sadd.s32 $0x8F2B, s0  }
0xbd: {  	[sflag:s0] =	ssyncadd.remote.s32 $0x1  }
0xbe: {  	_ =	sfence.sel $0xFFFF  }
0xbf: {  	[dreg:$0x0] =	wrdreg $0xFFFFFFFF;
	(pc) =	sbr.abs _section_cstart, $3  }
0xc0: {  	[dreg:$0x1] =	wrdreg $0xFFFFFFFF  }
0xc1: {  	_ =	task.clear_ibuf [dreg:s7], $0x2FFFF;
	_ =	strace $0x9FFFFFFF  }
0xc2: {  	(tm) =	ssettm $0x7FFFFFFF  }
0xc3: {  	_ =	shalt  }
tec
execute0_lowered:
.L_overlay_start_1:
0x0: {  	(tag) =	ssettag $0x1  }
0x1: {  	s0 =	rddreg [dreg:$0x0]  }
0x2: {  	s1 =	rddreg [dreg:$0x1]  }
0x3: {  	s2 =	srdreg.scid;
	s4 =	stileid.u32  }
0x4: {  	s28 =	simm.s32 $0x6000;
	s3 =	sand.u32 $0x1, s2;
	s2 =	simm.s32 $0x0  }
0x5: {  	s29 =	simm.s32 $0x5;
	s7 =	sadd.s32 $0x10E00, s0;
	[smem:$0x7FF] =	sst s2  }
0x6: {  	s11 =	sadd.s32 $0x11E00, s0;
	_ =	strace $0x80000047;
	[dreg:$0x3] =	wrdreg s7  }
0x7: {  	s30 =	simm.s32 $0xE000;
	s13 =	sadd.s32 $0x12E00, s0;
	[dreg:$0x7] =	wrdreg s11  }
0x8: {  	s31 =	simm.s32 $0x1;
	s15 =	sadd.s32 $0x13E00, s0;
	[dreg:$0x9] =	wrdreg s13  }
0x9: {  	s8 =	simm.s32 $0x3;
	s17 =	sadd.s32 $0x14E00, s0;
	[dreg:$0xb] =	wrdreg s15  }
0xa: {  	s4 =	sshll.u32 s4, $0xE;
	s19 =	sadd.s32 $0x15E00, s0;
	[dreg:$0xd] =	wrdreg s17  }
0xb: {  	s21 =	sadd.s32 $0x16E00, s0;
	s5 =	sshll.u32 s3, $0xD;
	[dreg:$0xf] =	wrdreg s19  }
0xc: {  	s23 =	sadd.s32 $0x17E00, s0;
	s4 =	sor.u32 s5, s4;
	[dreg:$0x11] =	wrdreg s21  }
0xd: {  	s25 =	sadd.s32 $0x18E00, s0;
	[dreg:$0x13] =	wrdreg s23;
	s5 =	sshrl.u32 s4, $0x3  }
0xe: {  	[dreg:$0x15] =	wrdreg s25;
	s4 =	sadd.s32 s4, s0;
	s1 =	sadd.s32 s1, s5  }
0xf: {  	s3 =	ssub.s32 $0x2, s3;
	s12 =	sadd.s32 $0x1AE00, s4;
	[dreg:$0x6] =	wrdreg s1  }
0x10: {  	s9 =	sshrl.u32 s3, $0x1;
	s14 =	sadd.s32 $0x1AE20, s4;
	[dreg:$0x8] =	wrdreg s12  }
0x11: {  	s7 =	simm.s32 $0x1A000;
	s16 =	sadd.s32 $0x1AE40, s4;
	[dreg:$0xa] =	wrdreg s14  }
0x12: {  	s3 =	ssub.s32 s3, s9;
	s18 =	sadd.s32 $0x1AE60, s4;
	[dreg:$0xc] =	wrdreg s16  }
0x13: {  	s9 =	simm.s32 $0x4;
	s20 =	sadd.s32 $0x5AE00, s4;
	[dreg:$0xe] =	wrdreg s18  }
0x14: {  	s6 =	sadd.s32 s5, s0;
	s22 =	sadd.s32 $0x5AE20, s4;
	[dreg:$0x10] =	wrdreg s20  }
0x15: {  	s24 =	sadd.s32 $0x5AE40, s4;
	s26 =	sadd.s32 $0x5AE60, s4;
	[dreg:$0x12] =	wrdreg s22  }
0x16: {  	s0 =	sadd.s32 $0x19E00, s0;
	s25 =	sadd.s32 $0x9AE20, s4;
	[dreg:$0x14] =	wrdreg s24  }
0x17: {  	s5 =	simm.s32 $0x2;
	s10 =	sadd.s32 $0x8E00, s6;
	[dreg:$0x16] =	wrdreg s26  }
0x18: {  	s6 =	sadd.s32 $0xE00, s6;
	[dreg:$0x17] =	wrdreg s0;
	s24 =	sadd.s32 $0x9AE00, s4  }
0x19: {  	s26 =	smax.u32 s3, $0x1;
	s0 =	simm.s32 $0xA000;
	s1 =	simm.s32 $0x100  }
0x1a: {  	s3 =	simm.s32 $0x400;
	s4 =	simm.s32 $0x16000;
	[dreg:$0x4] =	wrdreg s10  }
0x1b: {  	[dreg:$0x5] =	wrdreg s6;
	s6 =	simm.s32 $0x12000;
	s10 =	simm.s32 $0x0  }
.LBB2_1:
0x1c: {  	s11 =	rddreg [dreg:$0x3]  }
0x1d: {  	[tilespmem:s28], [sflag:$0x1] =	stream.linear.gather [hbm4b:s11+s2], $0x8000, $0x38;
	[tilespmem:$0x1E000] =	vst v63  }
0x1e: {  	s17 =	rddreg [dreg:$0x4]  }
0x1f: {  	[tilespmem:s2], [sflag:$0x5] =	stream.linear.gather [hbm4b:s17+s2], $0x2000, $0x38;
	[tilespmem:$0x1E000] =	vst v63  }
0x20: {  	_ =	swait.ge [sflag:s29], $0x2000  }
0x21: {  	[sflag:s29] =	ssyncset.done $0x0  }
0x22: {  	s18 =	simm.s32 $0x2000;
	s12 =	rddreg [dreg:$0x5];
	[sflag:s29] =	ssyncadd.s32 $0xFFFFE000  }
0x23: {  	[tilespmem:s18], [sflag:$0x5] =	stream.linear.gather [hbm4b:s12+s2], $0x2000, $0x38;
	[tilespmem:$0x1E000] =	vst v63  }
0x24: {  	_ =	swait.ge [sflag:s29], $0x2000  }
0x25: {  	[sflag:s29] =	ssyncset.done $0x0  }
0x26: {  	s19 =	simm.s32 $0x4000;
	s13 =	rddreg [dreg:$0x6];
	[sflag:s29] =	ssyncadd.s32 $0xFFFFE000  }
0x27: {  	[tilespmem:s19], [sflag:$0x5] =	stream.linear.gather [hbm4b:s13+s2], $0x2000, $0x38;
	[tilespmem:$0x1E000] =	vst v63  }
0x28: {  	_ =	swait.ge [sflag:s29], $0x2000  }
0x29: {  	[sflag:s29] =	ssyncset.done $0x0  }
0x2a: {  	s20 =	rddreg [dreg:$0x7];
	[sflag:s29] =	ssyncadd.s32 $0xFFFFE000  }
0x2b: {  	[tilespmem:s30], [sflag:$0x2] =	stream.linear.gather [hbm4b:s20+s2], $0x8000, $0x38;
	[tilespmem:$0x1E000] =	vst v63  }
0x2c: {  	_ =	swait.ge [sflag:s31], $0x8000  }
0x2d: {  	[sflag:s31] =	ssyncset.done $0x0  }
0x2e: {  	[sflag:s31] =	ssyncadd.s32 $0xFFFF8000  }
0x2f: {  	v0 =	vld [tilespmem:s2+$0x0];
	_ =	sdelay $0x1  }
0x30: {  	v1 =	vld [tilespmem:s18+$0x0];
	_ =	sdelay $0x2  }
0x31: {  	v2 =	vld [tilespmem:s19+$0x0];
	v4 =	vmul.f32 $1.600000000e+01, v0;
	_ =	sdelay $0x1  }
0x32: {  	v1 =	vmul.f32 $1.600000000e+01, v1;
	v0 =	vtrunc.f32 v4  }
0x33: {  	v3 =	vcvt.f32.s32 v0  }
0x34: {  	v0 =	vtrunc.f32 v1  }
0x35: {  	v2 =	vmul.f32 $1.600000000e+01, v2;
	v6 =	vcvt.f32.s32 v0;
	v5 =	vmul.u32 $0x11, v3;
	_ =	sdelay $0x1  }
0x36: {  	v0 =	vtrunc.f32 v2;
	v5 =	vadd.s32 v6, v5  }
0x37: {  	v7 =	vcvt.f32.s32 v0;
	v0 =	vmul.u32 $0x11, v5;
	_ =	sdelay $0x1  }
0x38: {  	v5 =	vadd.s32 v7, v0  }
0x39: {  	s21 =	simm.s32 $0x4010  }
0x3a: {  	s22 =	simm.s32 $0x2010;
	v10 =	vld [tilespmem:s21+$0x0];
	v8 =	vadd.s32 $0x1, v5  }
0x3b: {  	s11 =	simm.s32 $0x10;
	v13 =	vld [tilespmem:s22+$0x0];
	v9 =	vadd.s32 $0x11, v5  }
0x3c: {  	v0 =	vld [tilespmem:s11+$0x0];
	v11 =	vadd.s32 $0x132, v5  }
0x3d: {  	v12 =	vadd.s32 $0x122, v5;
	v14 =	vld.idx.msk [tilespmem:v5+s28+$0x0], $0xffff  }
0x3e: {  	v15 =	vadd.s32 $0x121, v5;
	v17 =	vadd.s32 $0x12, v5;
	v22 =	vadd.s32 $0x133, v5;
	v5 =	vld.idx.msk [tilespmem:v5+s0+$0x0], $0xffff  }
0x3f: {  	v16 =	vld.idx.msk [tilespmem:v8+s28+$0x0], $0xffff  }
0x40: {  	v18 =	vld.idx.msk [tilespmem:v9+s0+$0x0], $0xffff  }
0x41: {  	v19 =	vld.idx.msk [tilespmem:v11+s0+$0x0], $0xffff  }
0x42: {  	v0 =	vmul.f32 $1.600000000e+01, v0;
	v20 =	vld.idx.msk [tilespmem:v12+s28+$0x0], $0xffff  }
0x43: {  	v25 =	vmul.f32 $1.600000000e+01, v13;
	v12 =	vld.idx.msk [tilespmem:v12+s0+$0x0], $0xffff  }
0x44: {  	v7 =	vcvt.s32.f32 v7;
	v21 =	vld.idx.msk [tilespmem:v15+s0+$0x0], $0xffff;
	v24 =	vtrunc.f32 v0  }
0x45: {  	v6 =	vcvt.s32.f32 v6;
	v23 =	vld.idx.msk [tilespmem:v17+s28+$0x0], $0xffff;
	v13 =	vcvt.f32.s32 v24  }
0x46: {  	v2 =	vsub.f32 v2, v7;
	v9 =	vld.idx.msk [tilespmem:v9+s28+$0x0], $0xffff;
	v24 =	vmul.f32 $1.600000000e+01, v10;
	v10 =	vtrunc.f32 v25  }
0x47: {  	v7 =	vld.idx.msk [tilespmem:v15+s28+$0x0], $0xffff;
	v10 =	vcvt.f32.s32 v10;
	v15 =	vsub.f32 v16, v14;
	v16 =	vmul.u32 $0x11, v13  }
0x48: {  	v27 =	vcvt.s32.f32 v3;
	v28 =	vsub.f32 v1, v6;
	v3 =	vld.idx.msk [tilespmem:v22+s0+$0x0], $0xffff  }
0x49: {  	v11 =	vld.idx.msk [tilespmem:v11+s28+$0x0], $0xffff;
	v1 =	vtrunc.f32 v24;
	v6 =	vmul.f32 v15, v2;
	v15 =	vadd.s32 v10, v16  }
0x4a: {  	v8 =	vld.idx.msk [tilespmem:v8+s0+$0x0], $0xffff;
	v1 =	vcvt.f32.s32 v1;
	v15 =	vmul.u32 $0x11, v15  }
0x4b: {  	v17 =	vld.idx.msk [tilespmem:v17+s0+$0x0], $0xffff  }
0x4c: {  	v26 =	vld.idx.msk [tilespmem:v22+s28+$0x0], $0xffff;
	v12 =	vsub.f32 v12, v21;
	v16 =	vsub.f32 v23, v9;
	v15 =	vadd.s32 v1, v15  }
0x4d: {  	s23 =	simm.s32 $0x4020;
	v22 =	vcvt.s32.f32 v10;
	v3 =	vsub.f32 v3, v19;
	v30 =	vadd.s32 $0x1, v15  }
0x4e: {  	s14 =	simm.s32 $0x2020;
	v31 =	vld [tilespmem:s23+$0x0];
	v10 =	vmul.f32 v16, v2;
	v16 =	vsub.f32 v20, v7;
	v20 =	vadd.s32 $0x11, v15  }
0x4f: {  	s12 =	simm.s32 $0x20;
	v33 =	vld [tilespmem:s14+$0x0];
	v8 =	vsub.f32 v8, v5;
	v6 =	vadd.f32 v6, v14;
	v32 =	vadd.s32 $0x132, v15  }
0x50: {  	v23 =	vld [tilespmem:s12+$0x0];
	v14 =	vcvt.s32.f32 v1;
	v1 =	vsub.f32 v17, v18;
	v29 =	vadd.s32 $0x122, v15  }
0x51: {  	v3 =	vmul.f32 v3, v2;
	v17 =	vsub.f32 v26, v11;
	v9 =	vadd.f32 v10, v9;
	v35 =	vld.idx.msk [tilespmem:v15+s28+$0x0], $0xffff  }
0x52: {  	v26 =	vadd.s32 $0x121, v15;
	v10 =	vmul.f32 v16, v2;
	v1 =	vmul.f32 v1, v2;
	v16 =	vld.idx.msk [tilespmem:v30+s28+$0x0], $0xffff  }
0x53: {  	v12 =	vmul.f32 v12, v2;
	v8 =	vmul.f32 v8, v2;
	v36 =	vsub.f32 v9, v6;
	v9 =	vld.idx.msk [tilespmem:v20+s0+$0x0], $0xffff  }
0x54: {  	v2 =	vmul.f32 v17, v2;
	v1 =	vadd.f32 v1, v18;
	v18 =	vadd.f32 v10, v7;
	v10 =	vld.idx.msk [tilespmem:v32+s0+$0x0], $0xffff  }
0x55: {  	v37 =	vadd.f32 v8, v5;
	v5 =	vmul.f32 $1.600000000e+01, v31;
	v34 =	vadd.s32 $0x133, v15;
	v31 =	vld.idx.msk [tilespmem:v29+s28+$0x0], $0xffff  }
0x56: {  	v7 =	vadd.f32 v2, v11;
	v2 =	vmul.f32 $1.600000000e+01, v23;
	v23 =	vld.idx.msk [tilespmem:v29+s0+$0x0], $0xffff  }
0x57: {  	v17 =	vadd.s32 $0x12, v15;
	v11 =	vld.idx.msk [tilespmem:v26+s0+$0x0], $0xffff  }
0x58: {  	v4 =	vsub.f32 v4, v27;
	v8 =	vmul.f32 v36, v28;
	v29 =	vadd.f32 v12, v21;
	v21 =	vld.idx.msk [tilespmem:v20+s28+$0x0], $0xffff  }
0x59: {  	v19 =	vadd.f32 v3, v19;
	v3 =	vsub.f32 v1, v37;
	v20 =	vld.idx.msk [tilespmem:v26+s28+$0x0], $0xffff  }
0x5a: {  	v26 =	vld.idx.msk [tilespmem:v34+s28+$0x0], $0xffff;
	v1 =	vadd.f32 v8, v6;
	v6 =	vsub.f32 v7, v18;
	v7 =	vtrunc.f32 v2  }
0x5b: {  	v14 =	vsub.f32 v24, v14;
	v62 =	vld.idx.msk [tilespmem:v34+s0+$0x0], $0xffff;
	v61 =	vmul.f32 v3, v28;
	v3 =	vcvt.f32.s32 v7  }
0x5c: {  	v8 =	vcvt.s32.f32 v13;
	v24 =	vld.idx.msk [tilespmem:v17+s28+$0x0], $0xffff;
	v19 =	vsub.f32 v19, v29;
	v12 =	vmul.f32 v6, v28  }
0x5d: {  	v7 =	vmul.f32 $1.600000000e+01, v33;
	v6 =	vsub.f32 v25, v22;
	v25 =	vld.idx.msk [tilespmem:v17+s0+$0x0], $0xffff;
	v17 =	vmul.u32 $0x11, v3  }
0x5e: {  	v13 =	vld.idx.msk [tilespmem:v32+s28+$0x0], $0xffff;
	v19 =	vmul.f32 v19, v28;
	v16 =	vsub.f32 v16, v35;
	v12 =	vadd.f32 v12, v18  }
0x5f: {  	v18 =	vtrunc.f32 v7;
	v22 =	vsub.f32 v23, v11;
	v23 =	vadd.f32 v61, v37  }
0x60: {  	v32 =	vsub.f32 v62, v10;
	v27 =	vcvt.f32.s32 v18;
	v16 =	vmul.f32 v16, v14  }
0x61: {  	v18 =	vtrunc.f32 v5;
	v63 =	vadd.f32 v19, v29;
	v24 =	vsub.f32 v24, v21  }
0x62: {  	v28 =	vcvt.f32.s32 v18;
	v18 =	vadd.f32 v16, v35;
	v16 =	vadd.s32 v27, v17  }
0x63: {  	v26 =	vsub.f32 v26, v13;
	v29 =	vmul.f32 v24, v14;
	v16 =	vmul.u32 $0x11, v16  }
0x64: {  	s15 =	sand.u32 $0x3F00, s2;
	s16 =	simm.s32 $0x0;
	v30 =	vld.idx.msk [tilespmem:v30+s0+$0x0], $0xffff;
	v12 =	vsub.f32 v12, v1;
	v17 =	vcvt.s32.f32 v27;
	v19 =	vcvt.s32.f32 v28  }
0x65: {  	s17 =	simm.s32 $0x30;
	s13 =	simm.s32 $0x20;
	s20 =	simm.s32 $0x4030;
	v27 =	vsub.f32 v31, v20;
	v31 =	vsub.f32 v25, v9;
	v25 =	vld.idx.msk [tilespmem:v15+s0+$0x0], $0xffff;
	v16 =	vadd.s32 v28, v16  }
0x66: {  	s14 =	sand.u32 $0x3F00, s13;
	s18 =	simm.s32 $0x30;
	s19 =	simm.s32 $0x2030;
	v28 =	vsub.f32 v63, v23;
	v15 =	vadd.s32 $0x1, v16;
	v24 =	vadd.s32 $0x11, v16  }
.LBB2_2:
0x67: {  	p0 =	sne.s32 s17, $0x1FF0  }
0x68: {  	v33 =	vld [tilespmem:s18+$0x0];
	v34 =	vadd.s32 $0x121, v16;
	v35 =	vadd.s32 $0x122, v16;
	v31 =	vmul.f32 v31, v14;
	s13 =	sadd.s32 $0x20, s13;
	s21 =	smov.u32 s17;
	s17 =	sadd.s32 $0x10, s17  }
0x69: {  	v37 =	vadd.s32 $0x132, v16;
	v38 =	vadd.s32 $0x133, v16;
	v36 =	vld [tilespmem:s20+$0x0];
	s22 =	sand.u32 $0x3F00, s13;
	v32 =	vmul.f32 v32, v14  }
0x6a: {  	v21 =	vadd.f32 v29, v21;
	v22 =	vmul.f32 v22, v14;
	v29 =	vsub.f32 v30, v25;
	v39 =	vld [tilespmem:s19+$0x0]  }
0x6b: {  	v27 =	vmul.f32 v27, v14;
	v28 =	vmul.f32 v28, v4;
	v31 =	vadd.f32 v31, v9;
	v30 =	vld.idx.msk [tilespmem:v16+s28+$0x0], $0xffff  }
0x6c: {  	v21 =	vsub.f32 v21, v18;
	v29 =	vmul.f32 v29, v14;
	v32 =	vadd.f32 v32, v10;
	v40 =	vld.idx.msk [tilespmem:v15+s28+$0x0], $0xffff  }
0x6d: {  	v41 =	vadd.s32 $0x12, v16;
	s23 =	sand.u32 $0x70, s16;
	s16 =	smov.u32 s11;
	s11 =	smov.u32 s12;
	v27 =	vadd.f32 v27, v20;
	v14 =	vmul.f32 v26, v14;
	v9 =	vld.idx.msk [tilespmem:v24+s0+$0x0], $0xffff  }
0x6e: {  	v4 =	vmul.f32 v12, v4;
	s23 =	sor.u32 s23, s15;
	s12 =	smov.u32 s21;
	s15 =	smov.u32 s14;
	v12 =	vadd.f32 v28, v23;
	v26 =	vadd.f32 v29, v25;
	v10 =	vld.idx.msk [tilespmem:v37+s0+$0x0], $0xffff  }
0x6f: {  	s21 =	sadd.s32 $0x16000, s23;
	s14 =	smov.u32 s22;
	v13 =	vadd.f32 v14, v13;
	v14 =	vmul.f32 v21, v6;
	v20 =	vmul.f32 $1.600000000e+01, v36;
	v28 =	vld.idx.msk [tilespmem:v35+s28+$0x0], $0xffff  }
0x70: {  	v4 =	vadd.f32 v4, v1;
	v23 =	vmul.f32 $1.600000000e+01, v33;
	v21 =	vsub.f32 v31, v26;
	v25 =	vld.idx.msk [tilespmem:v35+s0+$0x0], $0xffff;
	[tilespmem:s21+$0x80] =	vst v12  }
0x71: {  	v1 =	vadd.f32 v14, v18;
	v18 =	vsub.f32 v13, v27;
	v12 =	vcvt.s32.f32 v3;
	v29 =	vld.idx.msk [tilespmem:v34+s0+$0x0], $0xffff  }
0x72: {  	v14 =	vsub.f32 v5, v19;
	v5 =	vmov v20;
	v31 =	vsub.f32 v40, v30;
	v19 =	vld.idx.msk [tilespmem:v41+s28+$0x0], $0xffff;
	[tilespmem:s23+$0x16000] =	vst v4  }
0x73: {  	v33 =	vadd.f32 v22, v11;
	v3 =	vtrunc.f32 v23;
	v35 =	vmul.f32 v21, v6;
	v13 =	vld.idx.msk [tilespmem:v37+s28+$0x0], $0xffff  }
0x74: {  	v3 =	vcvt.f32.s32 v3;
	v22 =	vmul.f32 v18, v6;
	v4 =	vsub.f32 v0, v8;
	v0 =	vmovc v2;
	v21 =	vld.idx.msk [tilespmem:v24+s28+$0x0], $0xffff  }
0x75: {  	v17 =	vsub.f32 v7, v17;
	v7 =	vmul.f32 $1.600000000e+01, v39;
	v36 =	vsub.f32 v32, v33;
	v2 =	vmovc v23;
	v24 =	vld.idx.msk [tilespmem:v41+s0+$0x0], $0xffff  }
0x76: {  	v8 =	vmovc v12;
	v23 =	vmul.u32 $0x11, v3;
	v18 =	vmul.f32 v31, v14;
	v27 =	vadd.f32 v22, v27;
	v20 =	vld.idx.msk [tilespmem:v34+s28+$0x0], $0xffff  }
0x77: {  	v12 =	vtrunc.f32 v7;
	v22 =	vsub.f32 v25, v29;
	v25 =	vmul.f32 v36, v6;
	v11 =	vmovc v29;
	v32 =	vld.idx.msk [tilespmem:v38+s28+$0x0], $0xffff  }
0x78: {  	v31 =	vtrunc.f32 v5;
	v29 =	vcvt.f32.s32 v12;
	v12 =	vsub.f32 v27, v1;
	v6 =	vmovc v17;
	v34 =	vld.idx.msk [tilespmem:v38+s0+$0x0], $0xffff  }
0x79: {  	v18 =	vadd.f32 v18, v30;
	v36 =	vcvt.f32.s32 v31;
	v33 =	vadd.f32 v25, v33  }
.Ltmp0:
0x7a: {  	v27 =	vadd.s32 v29, v23;
	v23 =	vadd.f32 v35, v26;
	v25 =	vld.idx.msk [tilespmem:v16+s0+$0x0], $0xffff;
	v16 =	vsub.f32 v19, v21;
	(pc) =	sbr.rel @p0 .LBB2_2-.Ltmp0, $4  }
0x7b: {  	v17 =	vcvt.s32.f32 v29;
	v26 =	vmul.u32 $0x11, v27;
	v19 =	vcvt.s32.f32 v36;
	v30 =	vld.idx.msk [tilespmem:v15+s0+$0x0], $0xffff  }
0x7c: {  	v31 =	vsub.f32 v24, v9;
	v27 =	vsub.f32 v28, v20;
	v29 =	vmul.f32 v16, v14  }
0x7d: {  	v28 =	vsub.f32 v33, v23;
	v16 =	vadd.s32 v36, v26;
	v26 =	vsub.f32 v32, v13  }
0x7e: {  	s18 =	sadd.s32 $0x10, s18;
	s20 =	sadd.s32 $0x10, s20;
	s19 =	sadd.s32 $0x10, s19;
	v15 =	vadd.s32 $0x1, v16;
	v24 =	vadd.s32 $0x11, v16;
	v32 =	vsub.f32 v34, v10  }
0x7f: {  	_ =	sdelay $0x3  }
0x80: {  	v35 =	vld.idx.msk [tilespmem:v16+s28+$0x0], $0xffff  }
0x81: {  	v33 =	vadd.s32 $0x132, v16;
	v34 =	vadd.s32 $0x122, v16;
	v37 =	vld.idx.msk [tilespmem:v15+s28+$0x0], $0xffff  }
0x82: {  	v36 =	vadd.s32 $0x121, v16;
	v38 =	vadd.s32 $0x12, v16;
	v39 =	vld.idx.msk [tilespmem:v24+s0+$0x0], $0xffff;
	v31 =	vmul.f32 v31, v14  }
0x83: {  	v27 =	vmul.f32 v27, v14;
	v54 =	vadd.s32 $0x133, v16;
	v16 =	vld.idx.msk [tilespmem:v16+s0+$0x0], $0xffff;
	v30 =	vsub.f32 v30, v25  }
0x84: {  	v26 =	vmul.f32 v26, v14;
	v15 =	vld.idx.msk [tilespmem:v15+s0+$0x0], $0xffff;
	v32 =	vmul.f32 v32, v14  }
0x85: {  	v30 =	vmul.f32 v30, v14;
	v14 =	vmul.f32 v22, v14;
	v22 =	vld.idx.msk [tilespmem:v24+s28+$0x0], $0xffff  }
0x86: {  	v21 =	vadd.f32 v29, v21;
	v5 =	vsub.f32 v5, v19;
	v40 =	vld.idx.msk [tilespmem:v33+s0+$0x0], $0xffff  }
0x87: {  	v0 =	vsub.f32 v0, v8;
	v7 =	vsub.f32 v7, v17;
	v41 =	vld.idx.msk [tilespmem:v34+s28+$0x0], $0xffff  }
0x88: {  	v3 =	vcvt.s32.f32 v3;
	v9 =	vadd.f32 v31, v9;
	v20 =	vadd.f32 v27, v20;
	v29 =	vld.idx.msk [tilespmem:v34+s0+$0x0], $0xffff  }
0x89: {  	v13 =	vadd.f32 v26, v13;
	v21 =	vsub.f32 v21, v18;
	v31 =	vld.idx.msk [tilespmem:v36+s0+$0x0], $0xffff  }
0x8a: {  	v27 =	vmul.f32 v28, v4;
	v2 =	vsub.f32 v2, v3;
	v10 =	vadd.f32 v32, v10;
	v55 =	vld.idx.msk [tilespmem:v38+s28+$0x0], $0xffff  }
0x8b: {  	v21 =	vmul.f32 v21, v6;
	v13 =	vsub.f32 v13, v20;
	v28 =	vld.idx.msk [tilespmem:v33+s28+$0x0], $0xffff;
	v11 =	vadd.f32 v14, v11  }
0x8c: {  	v14 =	vld.idx.msk [tilespmem:v36+s28+$0x0], $0xffff;
	v19 =	vsub.f32 v37, v35;
	v15 =	vsub.f32 v15, v16  }
0x8d: {  	v25 =	vadd.f32 v30, v25;
	v26 =	vld.idx.msk [tilespmem:v54+s0+$0x0], $0xffff;
	v18 =	vadd.f32 v21, v18;
	v13 =	vmul.f32 v13, v6  }
0x8e: {  	v24 =	vld.idx.msk [tilespmem:v38+s0+$0x0], $0xffff;
	v10 =	vsub.f32 v10, v11;
	v8 =	vmul.f32 v19, v5;
	v15 =	vmul.f32 v15, v5  }
0x8f: {  	v17 =	vld.idx.msk [tilespmem:v54+s28+$0x0], $0xffff;
	v9 =	vsub.f32 v9, v25;
	v13 =	vadd.f32 v13, v20  }
0x90: {  	v10 =	vmul.f32 v10, v6;
	v8 =	vadd.f32 v8, v35;
	v15 =	vadd.f32 v15, v16  }
0x91: {  	v6 =	vmul.f32 v9, v6;
	v19 =	vsub.f32 v29, v31;
	v9 =	vsub.f32 v55, v22  }
0x92: {  	v20 =	vsub.f32 v26, v40;
	v21 =	vsub.f32 v41, v14  }
0x93: {  	v10 =	vadd.f32 v10, v11;
	v11 =	vsub.f32 v24, v39;
	v9 =	vmul.f32 v9, v5  }
0x94: {  	v17 =	vsub.f32 v17, v28;
	v20 =	vmul.f32 v20, v5;
	v19 =	vmul.f32 v19, v5  }
0x95: {  	v6 =	vadd.f32 v6, v25;
	v21 =	vmul.f32 v21, v5;
	v11 =	vmul.f32 v11, v5  }
0x96: {  	v5 =	vmul.f32 v17, v5;
	v9 =	vadd.f32 v9, v22;
	v20 =	vadd.f32 v20, v40  }
0x97: {  	v16 =	vadd.f32 v19, v31;
	v11 =	vadd.f32 v11, v39  }
0x98: {  	v14 =	vadd.f32 v21, v14;
	v5 =	vadd.f32 v5, v28  }
0x99: {  	v17 =	vsub.f32 v20, v16;
	v11 =	vsub.f32 v11, v15  }
0x9a: {  	v9 =	vsub.f32 v9, v8;
	v5 =	vsub.f32 v5, v14  }
0x9b: {  	v13 =	vsub.f32 v13, v18;
	v17 =	vmul.f32 v17, v7;
	v11 =	vmul.f32 v11, v7  }
0x9c: {  	v10 =	vsub.f32 v10, v6;
	v9 =	vmul.f32 v9, v7;
	v5 =	vmul.f32 v5, v7  }
0x9d: {  	v7 =	vadd.f32 v17, v16;
	v11 =	vadd.f32 v11, v15  }
0x9e: {  	s16 =	sand.u32 $0x70, s16;
	v4 =	vmul.f32 v12, v4;
	v8 =	vadd.f32 v9, v8;
	v5 =	vadd.f32 v5, v14  }
0x9f: {  	s15 =	sor.u32 s16, s15;
	v23 =	vadd.f32 v27, v23;
	v9 =	vmul.f32 v10, v0;
	v3 =	vsub.f32 v7, v11  }
0xa0: {  	s11 =	sand.u32 $0x70, s11;
	s16 =	sadd.s32 $0x16000, s15;
	v1 =	vadd.f32 v4, v1;
	v0 =	vmul.f32 v13, v0;
	v4 =	vsub.f32 v5, v8  }
0xa1: {  	s13 =	sadd.s32 $0x20, s13;
	s11 =	sor.u32 s11, s14;
	[tilespmem:s16+$0x80] =	vst v23;
	v5 =	vadd.f32 v9, v6;
	v3 =	vmul.f32 v3, v2  }
0xa2: {  	s12 =	sand.u32 $0x70, s12;
	s13 =	sand.u32 $0x3F00, s13;
	s14 =	sadd.s32 $0x16000, s11;
	[tilespmem:s15+$0x16000] =	vst v1;
	v0 =	vadd.f32 v0, v18;
	v1 =	vmul.f32 v4, v2  }
0xa3: {  	s12 =	sor.u32 s12, s13;
	[tilespmem:s14+$0x80] =	vst v5;
	v2 =	vadd.f32 v3, v11  }
0xa4: {  	s17 =	sadd.s32 $0x16000, s12;
	[tilespmem:s11+$0x16000] =	vst v0;
	v0 =	vadd.f32 v1, v8  }
0xa5: {  	[tilespmem:s17+$0x80] =	vst v2  }
0xa6: {  	[tilespmem:s12+$0x16000] =	vst v0  }
0xa7: {  	s11 =	rddreg [dreg:$0x8]  }
0xa8: {  	[hbm4b:s11+s1] =	stream.strided.scatter [tilespmem:s4], [sflag:$0x3], $0x4000, s3, s1, $0x38;
	[tilespmem:$0x1E000] =	vst v63  }
0xa9: {  	s12 =	rddreg [dreg:$0x9];
	s11 =	simm.s32 $0x0  }
0xaa: {  	[tilespmem:s28], [sflag:$0x1] =	stream.linear.gather [hbm4b:s12+s11], $0x8000, $0x38;
	[tilespmem:$0x1E000] =	vst v63  }
0xab: {  	_ =	swait.ge [sflag:s5], $0x8000  }
0xac: {  	[sflag:s5] =	ssyncset.done $0x0  }
0xad: {  	[sflag:s5] =	ssyncadd.s32 $0xFFFF8000  }
0xae: {  	v0 =	vld [tilespmem:s11+$0x0]  }
0xaf: {  	s18 =	simm.s32 $0x2000  }
0xb0: {  	v1 =	vld [tilespmem:s18+$0x0];
	_ =	sdelay $0x1  }
0xb1: {  	s19 =	simm.s32 $0x4000  }
0xb2: {  	v2 =	vld [tilespmem:s19+$0x0];
	v4 =	vmul.f32 $2.400000000e+01, v0;
	_ =	sdelay $0x1  }
0xb3: {  	v1 =	vmul.f32 $2.400000000e+01, v1;
	v0 =	vtrunc.f32 v4  }
0xb4: {  	v3 =	vcvt.f32.s32 v0  }
0xb5: {  	v0 =	vtrunc.f32 v1  }
0xb6: {  	v2 =	vmul.f32 $2.400000000e+01, v2;
	v6 =	vcvt.f32.s32 v0;
	v5 =	vmul.u32 $0x19, v3;
	_ =	sdelay $0x1  }
0xb7: {  	v0 =	vtrunc.f32 v2;
	v5 =	vadd.s32 v6, v5  }
0xb8: {  	v7 =	vcvt.f32.s32 v0;
	v0 =	vmul.u32 $0x19, v5;
	_ =	sdelay $0x1  }
0xb9: {  	v5 =	vadd.s32 v7, v0  }
0xba: {  	s20 =	simm.s32 $0x4010  }
0xbb: {  	s21 =	simm.s32 $0x2010;
	v10 =	vld [tilespmem:s20+$0x0];
	v8 =	vadd.s32 $0x1, v5  }
0xbc: {  	s12 =	simm.s32 $0x10;
	v13 =	vld [tilespmem:s21+$0x0];
	v9 =	vadd.s32 $0x19, v5  }
0xbd: {  	v0 =	vld [tilespmem:s12+$0x0];
	v11 =	vadd.s32 $0x28A, v5  }
0xbe: {  	v12 =	vadd.s32 $0x272, v5;
	v14 =	vld.idx.msk [tilespmem:v5+s30+$0x0], $0xffff  }
0xbf: {  	v15 =	vadd.s32 $0x271, v5;
	v17 =	vadd.s32 $0x1A, v5;
	v22 =	vadd.s32 $0x28B, v5;
	v5 =	vld.idx.msk [tilespmem:v5+s6+$0x0], $0xffff  }
0xc0: {  	v16 =	vld.idx.msk [tilespmem:v8+s30+$0x0], $0xffff  }
0xc1: {  	v18 =	vld.idx.msk [tilespmem:v9+s6+$0x0], $0xffff  }
0xc2: {  	v19 =	vld.idx.msk [tilespmem:v11+s6+$0x0], $0xffff  }
0xc3: {  	v20 =	vld.idx.msk [tilespmem:v12+s30+$0x0], $0xffff  }
0xc4: {  	v0 =	vmul.f32 $2.400000000e+01, v0;
	v12 =	vld.idx.msk [tilespmem:v12+s6+$0x0], $0xffff  }
0xc5: {  	v25 =	vmul.f32 $2.400000000e+01, v13;
	v27 =	vcvt.s32.f32 v3;
	v21 =	vld.idx.msk [tilespmem:v15+s6+$0x0], $0xffff  }
0xc6: {  	v7 =	vcvt.s32.f32 v7;
	v23 =	vld.idx.msk [tilespmem:v17+s30+$0x0], $0xffff;
	v24 =	vtrunc.f32 v0  }
0xc7: {  	v6 =	vcvt.s32.f32 v6;
	v9 =	vld.idx.msk [tilespmem:v9+s30+$0x0], $0xffff;
	v13 =	vcvt.f32.s32 v24  }
0xc8: {  	v2 =	vsub.f32 v2, v7;
	v3 =	vld.idx.msk [tilespmem:v22+s6+$0x0], $0xffff;
	v24 =	vmul.f32 $2.400000000e+01, v10;
	v10 =	vtrunc.f32 v25  }
0xc9: {  	v7 =	vld.idx.msk [tilespmem:v15+s30+$0x0], $0xffff;
	v10 =	vcvt.f32.s32 v10;
	v15 =	vsub.f32 v16, v14;
	v16 =	vmul.u32 $0x19, v13  }
0xca: {  	v28 =	vsub.f32 v1, v6;
	v8 =	vld.idx.msk [tilespmem:v8+s6+$0x0], $0xffff  }
0xcb: {  	v11 =	vld.idx.msk [tilespmem:v11+s30+$0x0], $0xffff;
	v1 =	vtrunc.f32 v24;
	v6 =	vmul.f32 v15, v2;
	v15 =	vadd.s32 v10, v16  }
0xcc: {  	v4 =	vsub.f32 v4, v27;
	v17 =	vld.idx.msk [tilespmem:v17+s6+$0x0], $0xffff;
	v1 =	vcvt.f32.s32 v1;
	v15 =	vmul.u32 $0x19, v15  }
0xcd: {  	v26 =	vld.idx.msk [tilespmem:v22+s30+$0x0], $0xffff;
	v12 =	vsub.f32 v12, v21;
	v3 =	vsub.f32 v3, v19  }
0xce: {  	v22 =	vcvt.s32.f32 v10;
	v16 =	vsub.f32 v23, v9;
	v15 =	vadd.s32 v1, v15  }
0xcf: {  	s22 =	simm.s32 $0x4020;
	v8 =	vsub.f32 v8, v5;
	v3 =	vmul.f32 v3, v2;
	v23 =	vadd.s32 $0x1, v15  }
0xd0: {  	s23 =	simm.s32 $0x2020;
	v31 =	vld [tilespmem:s22+$0x0];
	v10 =	vmul.f32 v16, v2;
	v16 =	vsub.f32 v20, v7;
	v20 =	vadd.s32 $0x19, v15  }
0xd1: {  	s13 =	simm.s32 $0x20;
	v57 =	vld [tilespmem:s23+$0x0];
	v6 =	vadd.f32 v6, v14;
	v14 =	vcvt.s32.f32 v1;
	v56 =	vadd.s32 $0x28A, v15  }
0xd2: {  	v1 =	vsub.f32 v17, v18;
	v17 =	vsub.f32 v26, v11;
	v26 =	vld [tilespmem:s13+$0x0];
	v30 =	vadd.s32 $0x272, v15  }
0xd3: {  	v12 =	vmul.f32 v12, v2;
	v8 =	vmul.f32 v8, v2;
	v9 =	vadd.f32 v10, v9;
	v59 =	vld.idx.msk [tilespmem:v15+s30+$0x0], $0xffff  }
0xd4: {  	v29 =	vadd.s32 $0x271, v15;
	v10 =	vmul.f32 v16, v2;
	v1 =	vmul.f32 v1, v2;
	v16 =	vld.idx.msk [tilespmem:v23+s30+$0x0], $0xffff  }
0xd5: {  	v61 =	vadd.f32 v8, v5;
	v58 =	vadd.s32 $0x28B, v15;
	v60 =	vsub.f32 v9, v6;
	v9 =	vld.idx.msk [tilespmem:v20+s6+$0x0], $0xffff  }
0xd6: {  	v2 =	vmul.f32 v17, v2;
	v1 =	vadd.f32 v1, v18;
	v18 =	vadd.f32 v10, v7;
	v10 =	vld.idx.msk [tilespmem:v56+s6+$0x0], $0xffff  }
0xd7: {  	v19 =	vadd.f32 v3, v19;
	v5 =	vmul.f32 $2.400000000e+01, v31;
	v17 =	vadd.s32 $0x1A, v15;
	v31 =	vld.idx.msk [tilespmem:v30+s30+$0x0], $0xffff  }
0xd8: {  	v7 =	vadd.f32 v2, v11;
	v8 =	vmul.f32 v60, v28;
	v2 =	vmul.f32 $2.400000000e+01, v26;
	v26 =	vld.idx.msk [tilespmem:v30+s6+$0x0], $0xffff  }
0xd9: {  	v3 =	vsub.f32 v1, v61;
	v11 =	vld.idx.msk [tilespmem:v29+s6+$0x0], $0xffff;
	v30 =	vadd.f32 v12, v21  }
0xda: {  	v63 =	vld.idx.msk [tilespmem:v58+s6+$0x0], $0xffff;
	v1 =	vadd.f32 v8, v6;
	v6 =	vsub.f32 v7, v18;
	v7 =	vtrunc.f32 v2  }
0xdb: {  	v14 =	vsub.f32 v24, v14;
	v21 =	vld.idx.msk [tilespmem:v20+s30+$0x0], $0xffff;
	v62 =	vmul.f32 v3, v28;
	v3 =	vcvt.f32.s32 v7  }
0xdc: {  	v8 =	vcvt.s32.f32 v13;
	v24 =	vld.idx.msk [tilespmem:v17+s30+$0x0], $0xffff;
	v20 =	vsub.f32 v19, v30;
	v12 =	vmul.f32 v6, v28  }
0xdd: {  	v7 =	vmul.f32 $2.400000000e+01, v57;
	v6 =	vsub.f32 v25, v22;
	v25 =	vld.idx.msk [tilespmem:v17+s6+$0x0], $0xffff;
	v17 =	vmul.u32 $0x19, v3  }
0xde: {  	v20 =	vmul.f32 v20, v28;
	v16 =	vsub.f32 v16, v59;
	v12 =	vadd.f32 v12, v18  }
0xdf: {  	v19 =	vld.idx.msk [tilespmem:v29+s30+$0x0], $0xffff;
	v18 =	vtrunc.f32 v7;
	v22 =	vsub.f32 v26, v11;
	v32 =	vsub.f32 v63, v10  }
0xe0: {  	v13 =	vld.idx.msk [tilespmem:v56+s30+$0x0], $0xffff;
	v27 =	vcvt.f32.s32 v18;
	v30 =	vadd.f32 v20, v30;
	v16 =	vmul.f32 v16, v14  }
0xe1: {  	v26 =	vld.idx.msk [tilespmem:v58+s30+$0x0], $0xffff;
	v18 =	vtrunc.f32 v5;
	v28 =	vsub.f32 v24, v21;
	v24 =	vadd.f32 v62, v61  }
0xe2: {  	v29 =	vcvt.f32.s32 v18;
	v18 =	vadd.f32 v16, v59;
	v16 =	vadd.s32 v27, v17  }
0xe3: {  	v12 =	vsub.f32 v12, v1;
	v28 =	vmul.f32 v28, v14;
	v16 =	vmul.u32 $0x19, v16  }
0xe4: {  	s14 =	simm.s32 $0x20;
	v17 =	vcvt.s32.f32 v27;
	v27 =	vsub.f32 v31, v19;
	v31 =	vsub.f32 v25, v9;
	v25 =	vld.idx.msk [tilespmem:v15+s6+$0x0], $0xffff  }
0xe5: {  	s15 =	sand.u32 $0x3F00, s14;
	s17 =	simm.s32 $0x30;
	s16 =	sand.u32 $0x3F00, s11;
	v20 =	vcvt.s32.f32 v29;
	v16 =	vadd.s32 v29, v16;
	v29 =	vsub.f32 v30, v24;
	v30 =	vld.idx.msk [tilespmem:v23+s6+$0x0], $0xffff  }
0xe6: {  	s18 =	simm.s32 $0x30;
	s19 =	simm.s32 $0x2030;
	s20 =	simm.s32 $0x4030;
	v26 =	vsub.f32 v26, v13;
	v15 =	vadd.s32 $0x1, v16;
	v23 =	vadd.s32 $0x19, v16  }
.LBB2_4:
0xe7: {  	p0 =	sne.s32 s17, $0x1FF0  }
0xe8: {  	v33 =	vld [tilespmem:s18+$0x0];
	v34 =	vadd.s32 $0x271, v16;
	v35 =	vadd.s32 $0x272, v16;
	v31 =	vmul.f32 v31, v14;
	s14 =	sadd.s32 $0x20, s14;
	s21 =	smov.u32 s17;
	s17 =	sadd.s32 $0x10, s17  }
0xe9: {  	v37 =	vadd.s32 $0x28A, v16;
	v38 =	vadd.s32 $0x28B, v16;
	v36 =	vld [tilespmem:s20+$0x0];
	s22 =	sand.u32 $0x3F00, s14;
	v32 =	vmul.f32 v32, v14  }
0xea: {  	v21 =	vadd.f32 v28, v21;
	v22 =	vmul.f32 v22, v14;
	v28 =	vsub.f32 v30, v25;
	v39 =	vld [tilespmem:s19+$0x0]  }
0xeb: {  	v27 =	vmul.f32 v27, v14;
	v29 =	vmul.f32 v29, v4;
	v31 =	vadd.f32 v31, v9;
	v30 =	vld.idx.msk [tilespmem:v16+s30+$0x0], $0xffff  }
0xec: {  	v21 =	vsub.f32 v21, v18;
	v28 =	vmul.f32 v28, v14;
	v32 =	vadd.f32 v32, v10;
	v40 =	vld.idx.msk [tilespmem:v15+s30+$0x0], $0xffff  }
0xed: {  	v41 =	vadd.s32 $0x1A, v16;
	s23 =	sand.u32 $0x70, s11;
	s11 =	smov.u32 s12;
	s12 =	smov.u32 s13;
	v27 =	vadd.f32 v27, v19;
	v14 =	vmul.f32 v26, v14;
	v9 =	vld.idx.msk [tilespmem:v23+s6+$0x0], $0xffff  }
0xee: {  	v4 =	vmul.f32 v12, v4;
	s23 =	sor.u32 s23, s16;
	s13 =	smov.u32 s21;
	s16 =	smov.u32 s15;
	v12 =	vadd.f32 v29, v24;
	v26 =	vadd.f32 v28, v25;
	v10 =	vld.idx.msk [tilespmem:v37+s6+$0x0], $0xffff  }
0xef: {  	s21 =	sadd.s32 $0x1A000, s23;
	s15 =	smov.u32 s22;
	v13 =	vadd.f32 v14, v13;
	v14 =	vmul.f32 v21, v6;
	v19 =	vmul.f32 $2.400000000e+01, v36;
	v29 =	vld.idx.msk [tilespmem:v35+s30+$0x0], $0xffff  }
0xf0: {  	v4 =	vadd.f32 v4, v1;
	v24 =	vmul.f32 $2.400000000e+01, v33;
	v21 =	vsub.f32 v31, v26;
	v25 =	vld.idx.msk [tilespmem:v35+s6+$0x0], $0xffff;
	[tilespmem:s21+$0x80] =	vst v12  }
0xf1: {  	v1 =	vadd.f32 v14, v18;
	v18 =	vsub.f32 v13, v27;
	v12 =	vcvt.s32.f32 v3;
	v28 =	vld.idx.msk [tilespmem:v34+s6+$0x0], $0xffff  }
0xf2: {  	v14 =	vsub.f32 v5, v20;
	v5 =	vmov v19;
	v31 =	vsub.f32 v40, v30;
	v20 =	vld.idx.msk [tilespmem:v41+s30+$0x0], $0xffff;
	[tilespmem:s23+$0x1A000] =	vst v4  }
0xf3: {  	v33 =	vadd.f32 v22, v11;
	v3 =	vtrunc.f32 v24;
	v35 =	vmul.f32 v21, v6;
	v13 =	vld.idx.msk [tilespmem:v37+s30+$0x0], $0xffff  }
0xf4: {  	v3 =	vcvt.f32.s32 v3;
	v22 =	vmul.f32 v18, v6;
	v4 =	vsub.f32 v0, v8;
	v0 =	vmovc v2;
	v21 =	vld.idx.msk [tilespmem:v23+s30+$0x0], $0xffff  }
0xf5: {  	v17 =	vsub.f32 v7, v17;
	v7 =	vmul.f32 $2.400000000e+01, v39;
	v36 =	vsub.f32 v32, v33;
	v2 =	vmovc v24;
	v23 =	vld.idx.msk [tilespmem:v41+s6+$0x0], $0xffff  }
0xf6: {  	v8 =	vmovc v12;
	v24 =	vmul.u32 $0x19, v3;
	v18 =	vmul.f32 v31, v14;
	v27 =	vadd.f32 v22, v27;
	v19 =	vld.idx.msk [tilespmem:v34+s30+$0x0], $0xffff  }
0xf7: {  	v12 =	vtrunc.f32 v7;
	v22 =	vsub.f32 v25, v28;
	v25 =	vmul.f32 v36, v6;
	v11 =	vmovc v28;
	v32 =	vld.idx.msk [tilespmem:v38+s30+$0x0], $0xffff  }
0xf8: {  	v31 =	vtrunc.f32 v5;
	v28 =	vcvt.f32.s32 v12;
	v12 =	vsub.f32 v27, v1;
	v6 =	vmovc v17;
	v34 =	vld.idx.msk [tilespmem:v38+s6+$0x0], $0xffff  }
0xf9: {  	v18 =	vadd.f32 v18, v30;
	v36 =	vcvt.f32.s32 v31;
	v33 =	vadd.f32 v25, v33  }
.Ltmp1:
0xfa: {  	v27 =	vadd.s32 v28, v24;
	v24 =	vadd.f32 v35, v26;
	v25 =	vld.idx.msk [tilespmem:v16+s6+$0x0], $0xffff;
	v16 =	vsub.f32 v20, v21;
	(pc) =	sbr.rel @p0 .LBB2_4-.Ltmp1, $4  }
0xfb: {  	v17 =	vcvt.s32.f32 v28;
	v26 =	vmul.u32 $0x19, v27;
	v20 =	vcvt.s32.f32 v36;
	v30 =	vld.idx.msk [tilespmem:v15+s6+$0x0], $0xffff  }
0xfc: {  	v31 =	vsub.f32 v23, v9;
	v27 =	vsub.f32 v29, v19;
	v28 =	vmul.f32 v16, v14  }
0xfd: {  	v29 =	vsub.f32 v33, v24;
	v16 =	vadd.s32 v36, v26;
	v26 =	vsub.f32 v32, v13  }
0xfe: {  	s18 =	sadd.s32 $0x10, s18;
	s20 =	sadd.s32 $0x10, s20;
	s19 =	sadd.s32 $0x10, s19;
	v15 =	vadd.s32 $0x1, v16;
	v23 =	vadd.s32 $0x19, v16;
	v32 =	vsub.f32 v34, v10  }
0xff: {  	_ =	sdelay $0x3  }
0x100: {  	v35 =	vld.idx.msk [tilespmem:v16+s30+$0x0], $0xffff  }
0x101: {  	v33 =	vadd.s32 $0x28A, v16;
	v34 =	vadd.s32 $0x272, v16;
	v37 =	vld.idx.msk [tilespmem:v15+s30+$0x0], $0xffff  }
0x102: {  	v36 =	vadd.s32 $0x271, v16;
	v38 =	vadd.s32 $0x1A, v16;
	v39 =	vld.idx.msk [tilespmem:v23+s6+$0x0], $0xffff;
	v31 =	vmul.f32 v31, v14  }
0x103: {  	v42 =	vadd.s32 $0x28B, v16;
	v27 =	vmul.f32 v27, v14;
	v16 =	vld.idx.msk [tilespmem:v16+s6+$0x0], $0xffff;
	v30 =	vsub.f32 v30, v25  }
0x104: {  	v26 =	vmul.f32 v26, v14;
	v15 =	vld.idx.msk [tilespmem:v15+s6+$0x0], $0xffff;
	v32 =	vmul.f32 v32, v14  }
0x105: {  	v21 =	vadd.f32 v28, v21;
	v28 =	vmul.f32 v30, v14;
	v14 =	vmul.f32 v22, v14;
	v22 =	vld.idx.msk [tilespmem:v23+s30+$0x0], $0xffff  }
0x106: {  	v5 =	vsub.f32 v5, v20;
	v40 =	vld.idx.msk [tilespmem:v33+s6+$0x0], $0xffff  }
0x107: {  	v0 =	vsub.f32 v0, v8;
	v7 =	vsub.f32 v7, v17;
	v41 =	vld.idx.msk [tilespmem:v34+s30+$0x0], $0xffff  }
0x108: {  	v19 =	vadd.f32 v27, v19;
	v13 =	vadd.f32 v26, v13;
	v34 =	vld.idx.msk [tilespmem:v34+s6+$0x0], $0xffff  }
0x109: {  	v9 =	vadd.f32 v31, v9;
	v21 =	vsub.f32 v21, v18;
	v30 =	vld.idx.msk [tilespmem:v36+s6+$0x0], $0xffff  }
0x10a: {  	v29 =	vmul.f32 v29, v4;
	v10 =	vadd.f32 v32, v10;
	v13 =	vsub.f32 v13, v19;
	v31 =	vld.idx.msk [tilespmem:v38+s30+$0x0], $0xffff  }
0x10b: {  	v21 =	vmul.f32 v21, v6;
	v25 =	vadd.f32 v28, v25;
	v28 =	vld.idx.msk [tilespmem:v33+s30+$0x0], $0xffff;
	v11 =	vadd.f32 v14, v11  }
0x10c: {  	v14 =	vld.idx.msk [tilespmem:v36+s30+$0x0], $0xffff;
	v20 =	vsub.f32 v37, v35;
	v15 =	vsub.f32 v15, v16  }
0x10d: {  	v23 =	vadd.f32 v29, v24;
	v26 =	vld.idx.msk [tilespmem:v42+s6+$0x0], $0xffff;
	v18 =	vadd.f32 v21, v18;
	v13 =	vmul.f32 v13, v6  }
0x10e: {  	v24 =	vld.idx.msk [tilespmem:v38+s6+$0x0], $0xffff;
	v10 =	vsub.f32 v10, v11;
	v8 =	vmul.f32 v20, v5;
	v15 =	vmul.f32 v15, v5  }
0x10f: {  	v17 =	vld.idx.msk [tilespmem:v42+s30+$0x0], $0xffff;
	v9 =	vsub.f32 v9, v25;
	v13 =	vadd.f32 v13, v19  }
0x110: {  	v10 =	vmul.f32 v10, v6;
	v8 =	vadd.f32 v8, v35;
	v15 =	vadd.f32 v15, v16  }
0x111: {  	v6 =	vmul.f32 v9, v6;
	v19 =	vsub.f32 v34, v30;
	v9 =	vsub.f32 v31, v22  }
0x112: {  	v20 =	vsub.f32 v26, v40;
	v21 =	vsub.f32 v41, v14  }
0x113: {  	v10 =	vadd.f32 v10, v11;
	v11 =	vsub.f32 v24, v39;
	v9 =	vmul.f32 v9, v5  }
0x114: {  	v17 =	vsub.f32 v17, v28;
	v20 =	vmul.f32 v20, v5;
	v19 =	vmul.f32 v19, v5  }
0x115: {  	v6 =	vadd.f32 v6, v25;
	v21 =	vmul.f32 v21, v5;
	v11 =	vmul.f32 v11, v5  }
0x116: {  	v5 =	vmul.f32 v17, v5;
	v9 =	vadd.f32 v9, v22;
	v20 =	vadd.f32 v20, v40  }
0x117: {  	v16 =	vadd.f32 v19, v30;
	v11 =	vadd.f32 v11, v39  }
0x118: {  	v14 =	vadd.f32 v21, v14;
	v5 =	vadd.f32 v5, v28  }
0x119: {  	v17 =	vsub.f32 v20, v16;
	v11 =	vsub.f32 v11, v15  }
0x11a: {  	v9 =	vsub.f32 v9, v8;
	v5 =	vsub.f32 v5, v14  }
0x11b: {  	v13 =	vsub.f32 v13, v18;
	v17 =	vmul.f32 v17, v7;
	v11 =	vmul.f32 v11, v7  }
0x11c: {  	v10 =	vsub.f32 v10, v6;
	v9 =	vmul.f32 v9, v7;
	v5 =	vmul.f32 v5, v7  }
0x11d: {  	v3 =	vcvt.s32.f32 v3;
	v7 =	vadd.f32 v17, v16;
	v11 =	vadd.f32 v11, v15  }
0x11e: {  	s11 =	sand.u32 $0x70, s11;
	v4 =	vmul.f32 v12, v4;
	v8 =	vadd.f32 v9, v8;
	v5 =	vadd.f32 v5, v14  }
0x11f: {  	s11 =	sor.u32 s11, s16;
	v2 =	vsub.f32 v2, v3;
	v9 =	vmul.f32 v10, v0;
	v3 =	vsub.f32 v7, v11  }
0x120: {  	s12 =	sand.u32 $0x70, s12;
	s16 =	sadd.s32 $0x1A000, s11;
	v1 =	vadd.f32 v4, v1;
	v0 =	vmul.f32 v13, v0;
	v4 =	vsub.f32 v5, v8  }
0x121: {  	s14 =	sadd.s32 $0x20, s14;
	s12 =	sor.u32 s12, s15;
	[tilespmem:s16+$0x80] =	vst v23;
	v5 =	vadd.f32 v9, v6;
	v3 =	vmul.f32 v3, v2  }
0x122: {  	s13 =	sand.u32 $0x70, s13;
	s14 =	sand.u32 $0x3F00, s14;
	s23 =	sadd.s32 $0x1A000, s12;
	[tilespmem:s11+$0x1A000] =	vst v1;
	v0 =	vadd.f32 v0, v18;
	v1 =	vmul.f32 v4, v2  }
0x123: {  	s13 =	sor.u32 s13, s14;
	[tilespmem:s23+$0x80] =	vst v5;
	v2 =	vadd.f32 v3, v11  }
0x124: {  	s14 =	sadd.s32 $0x1A000, s13;
	[tilespmem:s12+$0x1A000] =	vst v0;
	v0 =	vadd.f32 v1, v8  }
0x125: {  	[tilespmem:s14+$0x80] =	vst v2  }
0x126: {  	[tilespmem:s13+$0x1A000] =	vst v0  }
0x127: {  	s11 =	rddreg [dreg:$0xa]  }
0x128: {  	[hbm4b:s11+s1] =	stream.strided.scatter [tilespmem:s7], [sflag:$0x4], $0x4000, s3, s1, $0x38;
	[tilespmem:$0x1E000] =	vst v63  }
0x129: {  	s15 =	simm.s32 $0x0;
	s20 =	rddreg [dreg:$0xb]  }
0x12a: {  	[tilespmem:s30], [sflag:$0x2] =	stream.linear.gather [hbm4b:s20+s15], $0x8000, $0x38;
	[tilespmem:$0x1E000] =	vst v63  }
0x12b: {  	_ =	swait.ge [sflag:s31], $0x8000  }
0x12c: {  	[sflag:s31] =	ssyncset.done $0x0  }
0x12d: {  	[sflag:s31] =	ssyncadd.s32 $0xFFFF8000  }
0x12e: {  	_ =	swait.ge [sflag:s8], $0x4000  }
0x12f: {  	[sflag:s8] =	ssyncset.done $0x0  }
0x130: {  	s21 =	simm.s32 $0x2000;
	[sflag:s8] =	ssyncadd.s32 $0xFFFFC000  }
0x131: {  	s22 =	simm.s32 $0x4000;
	v0 =	vld [tilespmem:s21+$0x0]  }
0x132: {  	v1 =	vld [tilespmem:s22+$0x0]  }
0x133: {  	v2 =	vld [tilespmem:s15+$0x0];
	_ =	sdelay $0x2  }
0x134: {  	v0 =	vmul.f32 $3.600000000e+01, v0  }
0x135: {  	v3 =	vmul.f32 $3.600000000e+01, v1  }
0x136: {  	v5 =	vmul.f32 $3.600000000e+01, v2;
	v1 =	vtrunc.f32 v0  }
0x137: {  	v2 =	vtrunc.f32 v3;
	v4 =	vcvt.f32.s32 v1  }
0x138: {  	v1 =	vtrunc.f32 v5;
	v7 =	vcvt.f32.s32 v2  }
0x139: {  	v9 =	vcvt.f32.s32 v1;
	v1 =	vmul.u32 $0x9E3779B1, v4  }
0x13a: {  	v2 =	vmul.u32 $0x30025795, v7  }
0x13b: {  	v6 =	vxor.u32 v9, v1  }
0x13c: {  	v8 =	vadd.s32 $0x1, v9;
	v10 =	vadd.s32 $0x30025795, v2;
	v11 =	vxor.u32 v2, v6  }
0x13d: {  	v12 =	vxor.u32 v8, v1;
	v6 =	vxor.u32 v6, v10;
	v11 =	vand.u32 $0x3FFF, v11  }
0x13e: {  	s23 =	simm.s32 $0x10;
	v1 =	vadd.s32 $0x9E3779B1, v1;
	v13 =	vand.u32 $0x3FFF, v6;
	v6 =	vxor.u32 v2, v12  }
0x13f: {  	s18 =	simm.s32 $0x4010;
	v14 =	vld [tilespmem:s23+$0x0];
	v15 =	vand.u32 $0x3FFF, v6;
	v6 =	vxor.u32 v12, v10;
	v12 =	vxor.u32 v9, v1  }
0x140: {  	s19 =	simm.s32 $0x2010;
	v16 =	vld [tilespmem:s18+$0x0];
	v17 =	vand.u32 $0x3FFF, v6;
	v6 =	vxor.u32 v2, v12  }
0x141: {  	v18 =	vld [tilespmem:s19+$0x0];
	v1 =	vxor.u32 v8, v1;
	v8 =	vxor.u32 v10, v12;
	v12 =	vand.u32 $0x3FFF, v6  }
0x142: {  	v2 =	vxor.u32 v2, v1;
	v20 =	vand.u32 $0x3FFF, v8;
	v19 =	vld.idx.msk [tilespmem:v11+s0+$0x0], $0xffff  }
0x143: {  	v1 =	vxor.u32 v10, v1;
	v10 =	vand.u32 $0x3FFF, v2;
	v21 =	vld.idx.msk [tilespmem:v13+s0+$0x0], $0xffff  }
0x144: {  	v23 =	vand.u32 $0x3FFF, v1;
	v22 =	vld.idx.msk [tilespmem:v15+s0+$0x0], $0xffff  }
0x145: {  	v24 =	vld.idx.msk [tilespmem:v17+s0+$0x0], $0xffff  }
0x146: {  	v7 =	vcvt.s32.f32 v7;
	v25 =	vld.idx.msk [tilespmem:v12+s0+$0x0], $0xffff  }
0x147: {  	v1 =	vmul.f32 $3.600000000e+01, v14;
	v14 =	vmul.f32 $3.600000000e+01, v16;
	v16 =	vld.idx.msk [tilespmem:v20+s0+$0x0], $0xffff  }
0x148: {  	v4 =	vcvt.s32.f32 v4;
	v6 =	vmul.f32 $3.600000000e+01, v18;
	v18 =	vld.idx.msk [tilespmem:v10+s0+$0x0], $0xffff  }
0x149: {  	v2 =	vtrunc.f32 v1;
	v8 =	vtrunc.f32 v14;
	v26 =	vld.idx.msk [tilespmem:v23+s0+$0x0], $0xffff  }
0x14a: {  	v27 =	vtrunc.f32 v6;
	v2 =	vcvt.f32.s32 v2  }
0x14b: {  	v4 =	vsub.f32 v0, v4;
	v28 =	vcvt.f32.s32 v8;
	v27 =	vcvt.f32.s32 v27  }
0x14c: {  	v8 =	vsub.f32 v3, v7;
	v29 =	vadd.s32 $0x1, v2;
	v7 =	vsub.f32 v21, v19  }
0x14d: {  	v3 =	vmul.u32 $0x9E3779B1, v27;
	v21 =	vsub.f32 v24, v22;
	v16 =	vsub.f32 v16, v25  }
0x14e: {  	v24 =	vmul.u32 $0x30025795, v28;
	v7 =	vmul.f32 v7, v8;
	v26 =	vsub.f32 v26, v18  }
0x14f: {  	v30 =	vxor.u32 v2, v3;
	v21 =	vmul.f32 v21, v8;
	v16 =	vmul.f32 v16, v8  }
0x150: {  	s21 =	simm.s32 $0x2020;
	v31 =	vxor.u32 v24, v30;
	v7 =	vadd.f32 v7, v19;
	v26 =	vmul.f32 v26, v8  }
0x151: {  	v58 =	vld [tilespmem:s21+$0x0];
	v19 =	vadd.f32 v21, v22;
	v21 =	vadd.s32 $0x30025795, v24;
	v16 =	vadd.f32 v16, v25  }
0x152: {  	v11 =	vld.idx.msk [tilespmem:v11+s28+$0x0], $0xffff;
	v31 =	vand.u32 $0x3FFF, v31;
	v18 =	vadd.f32 v26, v18;
	v25 =	vxor.u32 v30, v21  }
0x153: {  	v13 =	vld.idx.msk [tilespmem:v13+s28+$0x0], $0xffff;
	v30 =	vxor.u32 v29, v3;
	v3 =	vadd.s32 $0x9E3779B1, v3;
	v16 =	vsub.f32 v16, v7  }
0x154: {  	v15 =	vld.idx.msk [tilespmem:v15+s28+$0x0], $0xffff;
	v0 =	vxor.u32 v24, v30;
	v25 =	vand.u32 $0x3FFF, v25;
	v18 =	vsub.f32 v18, v19  }
0x155: {  	v17 =	vld.idx.msk [tilespmem:v17+s28+$0x0], $0xffff;
	v59 =	vand.u32 $0x3FFF, v0;
	v0 =	vxor.u32 v30, v21;
	v16 =	vmul.f32 v16, v4  }
0x156: {  	s20 =	simm.s32 $0x4020;
	v12 =	vld.idx.msk [tilespmem:v12+s28+$0x0], $0xffff;
	v60 =	vand.u32 $0x3FFF, v0;
	v0 =	vcvt.s32.f32 v9;
	v18 =	vmul.f32 v18, v4  }
0x157: {  	s11 =	simm.s32 $0x20;
	v26 =	vld [tilespmem:s20+$0x0];
	v9 =	vadd.f32 v16, v7;
	v7 =	vxor.u32 v2, v3  }
0x158: {  	v22 =	vld [tilespmem:s11+$0x0];
	v0 =	vsub.f32 v5, v0;
	v16 =	vadd.f32 v18, v19;
	v5 =	vxor.u32 v24, v7  }
0x159: {  	v30 =	vld.idx.msk [tilespmem:v31+s0+$0x0], $0xffff;
	v3 =	vxor.u32 v29, v3;
	v7 =	vxor.u32 v21, v7;
	v19 =	vand.u32 $0x3FFF, v5  }
0x15a: {  	v18 =	vld.idx.msk [tilespmem:v25+s0+$0x0], $0xffff;
	v5 =	vsub.f32 v16, v9;
	v16 =	vxor.u32 v24, v3;
	v24 =	vand.u32 $0x3FFF, v7  }
0x15b: {  	v29 =	vld.idx.msk [tilespmem:v59+s0+$0x0], $0xffff;
	v7 =	vsub.f32 v13, v11;
	v3 =	vxor.u32 v21, v3;
	v16 =	vand.u32 $0x3FFF, v16  }
0x15c: {  	v63 =	vmul.f32 $3.600000000e+01, v26;
	v61 =	vld.idx.msk [tilespmem:v60+s0+$0x0], $0xffff;
	v62 =	vand.u32 $0x3FFF, v3;
	v3 =	vmul.f32 v5, v0  }
0x15d: {  	v17 =	vsub.f32 v17, v15;
	v13 =	vld.idx.msk [tilespmem:v20+s28+$0x0], $0xffff;
	v20 =	vmul.f32 v7, v8;
	v7 =	vmul.f32 $3.600000000e+01, v22  }
0x15e: {  	v2 =	vcvt.s32.f32 v2;
	v5 =	vmul.f32 $3.600000000e+01, v58;
	v21 =	vld.idx.msk [tilespmem:v19+s0+$0x0], $0xffff  }
0x15f: {  	v17 =	vmul.f32 v17, v8;
	v48 =	vadd.f32 v3, v9;
	v3 =	vtrunc.f32 v7;
	v22 =	vld.idx.msk [tilespmem:v24+s0+$0x0], $0xffff  }
0x160: {  	v1 =	vsub.f32 v1, v2;
	v9 =	vtrunc.f32 v63;
	v26 =	vtrunc.f32 v5;
	v49 =	vld.idx.msk [tilespmem:v16+s0+$0x0], $0xffff  }
0x161: {  	v11 =	vadd.f32 v20, v11;
	v3 =	vcvt.f32.s32 v3;
	v51 =	vcvt.f32.s32 v9;
	v20 =	vld.idx.msk [tilespmem:v62+s0+$0x0], $0xffff  }
0x162: {  	v50 =	vsub.f32 v13, v12;
	v9 =	vcvt.s32.f32 v28;
	v52 =	vcvt.f32.s32 v26  }
0x163: {  	v28 =	vadd.f32 v17, v15;
	v13 =	vcvt.s32.f32 v27;
	v15 =	vadd.s32 $0x1, v3  }
0x164: {  	v27 =	vmul.u32 $0x30025795, v51;
	v26 =	vsub.f32 v14, v9;
	v17 =	vmul.u32 $0x9E3779B1, v52  }
0x165: {  	v9 =	vsub.f32 v18, v30;
	v14 =	vsub.f32 v61, v29;
	v39 =	vmul.f32 v50, v8  }
0x166: {  	v53 =	vadd.s32 $0x30025795, v27;
	v18 =	vsub.f32 v22, v21;
	v20 =	vsub.f32 v20, v49  }
0x167: {  	v54 =	vmul.f32 v9, v26;
	v14 =	vmul.f32 v14, v26;
	v22 =	vld.idx.msk [tilespmem:v10+s28+$0x0], $0xffff;
	v10 =	vxor.u32 v3, v17  }
0x168: {  	s16 =	simm.s32 $0x30;
	v23 =	vld.idx.msk [tilespmem:v23+s28+$0x0], $0xffff;
	v9 =	vxor.u32 v27, v10;
	v18 =	vmul.f32 v18, v26;
	v20 =	vmul.f32 v20, v26  }
0x169: {  	v55 =	vld [tilespmem:s16+$0x0];
	s18 =	simm.s32 $0x2030;
	v30 =	vadd.f32 v54, v30;
	v29 =	vadd.f32 v14, v29;
	v10 =	vxor.u32 v10, v53  }
0x16a: {  	v43 =	vld [tilespmem:s18+$0x0];
	v9 =	vand.u32 $0x3FFF, v9;
	v14 =	vadd.f32 v18, v21;
	v18 =	vadd.f32 v20, v49  }
0x16b: {  	v31 =	vld.idx.msk [tilespmem:v31+s28+$0x0], $0xffff;
	v6 =	vsub.f32 v6, v13;
	v12 =	vadd.f32 v39, v12;
	v10 =	vand.u32 $0x3FFF, v10  }
0x16c: {  	v57 =	vld.idx.msk [tilespmem:v60+s28+$0x0], $0xffff;
	v21 =	vxor.u32 v15, v17;
	v14 =	vsub.f32 v14, v30;
	v18 =	vsub.f32 v18, v29  }
0x16d: {  	s17 =	simm.s32 $0x4030;
	v24 =	vld.idx.msk [tilespmem:v24+s28+$0x0], $0xffff;
	v13 =	vxor.u32 v27, v21;
	v56 =	vsub.f32 v23, v22;
	v21 =	vxor.u32 v21, v53  }
0x16e: {  	v20 =	vld [tilespmem:s17+$0x0];
	v13 =	vand.u32 $0x3FFF, v13;
	v44 =	vmul.f32 v14, v6;
	v18 =	vmul.f32 v18, v6  }
0x16f: {  	v12 =	vsub.f32 v12, v11;
	v17 =	vadd.s32 $0x9E3779B1, v17;
	v23 =	vld.idx.msk [tilespmem:v9+s0+$0x0], $0xffff;
	v14 =	vand.u32 $0x3FFF, v21  }
0x170: {  	v8 =	vmul.f32 v56, v8;
	v21 =	vld.idx.msk [tilespmem:v25+s28+$0x0], $0xffff;
	v30 =	vadd.f32 v44, v30;
	v18 =	vadd.f32 v18, v29  }
0x171: {  	v40 =	vcvt.s32.f32 v51;
	v12 =	vmul.f32 v12, v4;
	v45 =	vld.idx.msk [tilespmem:v10+s0+$0x0], $0xffff;
	v25 =	vxor.u32 v3, v17  }
0x172: {  	v8 =	vadd.f32 v8, v22;
	v22 =	vld.idx.msk [tilespmem:v59+s28+$0x0], $0xffff;
	v2 =	vsub.f32 v18, v30;
	v18 =	vxor.u32 v27, v25  }
0x173: {  	v15 =	vxor.u32 v15, v17;
	v29 =	vld.idx.msk [tilespmem:v13+s0+$0x0], $0xffff;
	v25 =	vxor.u32 v53, v25;
	v17 =	vand.u32 $0x3FFF, v18  }
0x174: {  	v8 =	vsub.f32 v8, v28;
	v58 =	vld.idx.msk [tilespmem:v14+s0+$0x0], $0xffff;
	v27 =	vxor.u32 v27, v15;
	v18 =	vand.u32 $0x3FFF, v25  }
0x175: {  	v15 =	vxor.u32 v53, v15;
	v25 =	vld.idx.msk [tilespmem:v19+s28+$0x0], $0xffff;
	v19 =	vsub.f32 v21, v31;
	v21 =	vand.u32 $0x3FFF, v27  }
0x176: {  	v8 =	vmul.f32 v8, v4;
	v15 =	vand.u32 $0x3FFF, v15;
	v27 =	vld.idx.msk [tilespmem:v16+s28+$0x0], $0xffff;
	v2 =	vmul.f32 v2, v1  }
0x177: {  	v61 =	vsub.f32 v45, v23;
	v4 =	vmul.f32 $3.600000000e+01, v55;
	v16 =	vmul.f32 v19, v26;
	v19 =	vld.idx.msk [tilespmem:v62+s28+$0x0], $0xffff  }
0x178: {  	v8 =	vadd.f32 v8, v28;
	v28 =	vmul.f32 $3.600000000e+01, v43;
	v46 =	vadd.f32 v2, v30;
	v32 =	vld.idx.msk [tilespmem:v17+s0+$0x0], $0xffff  }
0x179: {  	v2 =	vadd.f32 v12, v11;
	v12 =	vsub.f32 v57, v22;
	v11 =	vmul.f32 $3.600000000e+01, v20;
	v59 =	vld.idx.msk [tilespmem:v18+s0+$0x0], $0xffff  }
0x17a: {  	v20 =	vtrunc.f32 v4;
	v16 =	vadd.f32 v16, v31;
	v31 =	vtrunc.f32 v28;
	v36 =	vld.idx.msk [tilespmem:v21+s0+$0x0], $0xffff  }
0x17b: {  	v62 =	vsub.f32 v58, v29;
	v12 =	vmul.f32 v12, v26;
	v30 =	vtrunc.f32 v11;
	v60 =	vld.idx.msk [tilespmem:v15+s0+$0x0], $0xffff  }
0x17c: {  	v35 =	vsub.f32 v24, v25;
	v24 =	vcvt.f32.s32 v20;
	v8 =	vsub.f32 v8, v2  }
0x17d: {  	v20 =	vcvt.f32.s32 v30;
	v22 =	vadd.f32 v12, v22;
	v12 =	vcvt.f32.s32 v31  }
0x17e: {  	s12 =	sand.u32 $0x3F00, s15;
	s14 =	simm.s32 $0x20;
	s22 =	sand.u32 $0x70, s15;
	v39 =	vcvt.s32.f32 v52;
	v37 =	vsub.f32 v19, v27;
	v19 =	vsub.f32 v63, v40  }
0x17f: {  	s13 =	sand.u32 $0x70, s23;
	s23 =	sand.u32 $0x3F00, s14;
	s12 =	sor.u32 s22, s12;
	v34 =	vadd.s32 $0x1, v24;
	v30 =	vmul.u32 $0x30025795, v20;
	v38 =	vmul.u32 $0x9E3779B1, v12  }
0x180: {  	s13 =	sor.u32 s13, s23;
	s19 =	sadd.s32 $0x16000, s12;
	v33 =	vmul.f32 v61, v19;
	v42 =	vsub.f32 v59, v32;
	v63 =	vsub.f32 v60, v36  }
0x181: {  	s15 =	sadd.s32 $0x16000, s13;
	[tilespmem:s19+$0x80] =	vst v48;
	v40 =	vmul.f32 v62, v19;
	v31 =	vadd.s32 $0x30025795, v30;
	v43 =	vxor.u32 v24, v38  }
0x182: {  	s19 =	simm.s32 $0x40;
	[tilespmem:s15+$0x80] =	vst v46;
	s15 =	simm.s32 $0x30;
	v44 =	vxor.u32 v30, v43;
	v41 =	vmul.f32 v42, v19;
	v42 =	vmul.f32 v63, v19  }
.LBB2_6:
0x183: {  	p0 =	sne.s32 s19, $0x1FF0;
	v44 =	vand.u32 $0x3FFF, v44;
	s16 =	sadd.s32 $0x10, s16;
	v33 =	vadd.f32 v33, v23;
	v29 =	vadd.f32 v40, v29  }
0x184: {  	v23 =	vxor.u32 v43, v31;
	s17 =	sadd.s32 $0x10, s17;
	v40 =	vld [tilespmem:s16+$0x0];
	v32 =	vadd.f32 v41, v32;
	v36 =	vadd.f32 v42, v36  }
0x185: {  	s18 =	sadd.s32 $0x10, s18;
	v39 =	vsub.f32 v5, v39;
	v5 =	vmovc v28;
	v42 =	vxor.u32 v34, v38;
	v43 =	vand.u32 $0x3FFF, v23;
	v41 =	vld [tilespmem:s17+$0x0]  }
0x186: {  	v23 =	vxor.u32 v30, v42;
	v28 =	vld [tilespmem:s18+$0x0];
	v32 =	vsub.f32 v32, v33;
	v36 =	vsub.f32 v36, v29  }
0x187: {  	v35 =	vmul.f32 v35, v26;
	v26 =	vmul.f32 v37, v26;
	v45 =	vand.u32 $0x3FFF, v23;
	v46 =	vld.idx.msk [tilespmem:v9+s28+$0x0], $0xffff;
	v9 =	vmovc v44  }
0x188: {  	v37 =	vxor.u32 v42, v31;
	v23 =	vld.idx.msk [tilespmem:v44+s0+$0x0], $0xffff;
	v32 =	vmul.f32 v32, v39;
	v36 =	vmul.f32 v36, v39  }
0x189: {  	v25 =	vadd.f32 v35, v25;
	v26 =	vadd.f32 v26, v27;
	v37 =	vand.u32 $0x3FFF, v37;
	v42 =	vld.idx.msk [tilespmem:v10+s28+$0x0], $0xffff;
	v10 =	vmovc v43  }
0x18a: {  	v27 =	vcvt.s32.f32 v3;
	v3 =	vmovc v24;
	v43 =	vld.idx.msk [tilespmem:v43+s0+$0x0], $0xffff;
	v32 =	vadd.f32 v32, v33;
	v33 =	vadd.f32 v36, v29  }
0x18b: {  	v24 =	vadd.s32 $0x9E3779B1, v38;
	v25 =	vsub.f32 v25, v16;
	v26 =	vsub.f32 v26, v22;
	v38 =	vld.idx.msk [tilespmem:v13+s28+$0x0], $0xffff;
	v13 =	vmovc v45  }
0x18c: {  	v35 =	vxor.u32 v3, v24;
	v7 =	vsub.f32 v7, v27;
	v29 =	vld.idx.msk [tilespmem:v45+s0+$0x0], $0xffff;
	v27 =	vsub.f32 v33, v32  }
0x18d: {  	v24 =	vxor.u32 v34, v24;
	v36 =	vmul.f32 v25, v6;
	v33 =	vxor.u32 v30, v35;
	v34 =	vld.idx.msk [tilespmem:v14+s28+$0x0], $0xffff  }
0x18e: {  	s14 =	sadd.s32 $0x20, s14;
	v25 =	vxor.u32 v31, v35;
	v33 =	vand.u32 $0x3FFF, v33;
	v14 =	vmovc v37;
	v44 =	vld.idx.msk [tilespmem:v37+s0+$0x0], $0xffff;
	v27 =	vmul.f32 v27, v7  }
0x18f: {  	s20 =	sand.u32 $0x70, s11;
	s11 =	smov.u32 s15;
	s21 =	sand.u32 $0x3F00, s14;
	v30 =	vxor.u32 v30, v24;
	v35 =	vand.u32 $0x3FFF, v25;
	v37 =	vsub.f32 v42, v46;
	v25 =	vld.idx.msk [tilespmem:v17+s28+$0x0], $0xffff;
	v17 =	vmovc v33  }
0x190: {  	s15 =	smov.u32 s19;
	s20 =	sor.u32 s20, s21;
	v24 =	vxor.u32 v31, v24;
	v30 =	vand.u32 $0x3FFF, v30;
	v31 =	vld.idx.msk [tilespmem:v18+s28+$0x0], $0xffff;
	v32 =	vadd.f32 v27, v32;
	v18 =	vmovc v35  }
0x191: {  	s21 =	sadd.s32 $0x16000, s20;
	v26 =	vmul.f32 v26, v6;
	v6 =	vmovc v39;
	v24 =	vand.u32 $0x3FFF, v24;
	v42 =	vmul.f32 v37, v19;
	v27 =	vld.idx.msk [tilespmem:v21+s28+$0x0], $0xffff  }
0x192: {  	v8 =	vmul.f32 v8, v0;
	v0 =	vmov v1;
	v39 =	vadd.f32 v36, v16;
	v37 =	vld.idx.msk [tilespmem:v15+s28+$0x0], $0xffff;
	[tilespmem:s21+$0x80] =	vst v32  }
0x193: {  	v1 =	vmovc v7;
	v21 =	vmov v30;
	v16 =	vadd.f32 v42, v46;
	v32 =	vld.idx.msk [tilespmem:v33+s0+$0x0], $0xffff;
	v33 =	vsub.f32 v34, v38  }
0x194: {  	v41 =	vmul.f32 $3.600000000e+01, v41;
	v7 =	vmovc v4;
	v4 =	vmul.f32 $3.600000000e+01, v40;
	v15 =	vmovc v24;
	v34 =	vadd.f32 v26, v22;
	v42 =	vld.idx.msk [tilespmem:v35+s0+$0x0], $0xffff  }
0x195: {  	v8 =	vadd.f32 v8, v2;
	v28 =	vmul.f32 $3.600000000e+01, v28;
	v2 =	vmovc v39;
	v36 =	vld.idx.msk [tilespmem:v30+s0+$0x0], $0xffff;
	v22 =	vmul.f32 v33, v19  }
0x196: {  	v26 =	vmovc v19;
	v30 =	vtrunc.f32 v4;
	v33 =	vtrunc.f32 v41;
	v35 =	vsub.f32 v31, v25;
	v40 =	vld.idx.msk [tilespmem:v24+s0+$0x0], $0xffff  }
0x197: {  	v19 =	vtrunc.f32 v28;
	v24 =	vcvt.f32.s32 v30;
	v22 =	vadd.f32 v22, v38;
	[tilespmem:s12+$0x16000] =	vst v8;
	s12 =	smov.u32 s13;
	s13 =	smov.u32 s20  }
0x198: {  	v31 =	vcvt.s32.f32 v20;
	v20 =	vcvt.f32.s32 v33;
	v37 =	vsub.f32 v37, v27  }
0x199: {  	v39 =	vcvt.s32.f32 v12;
	v12 =	vcvt.f32.s32 v19;
	v8 =	vsub.f32 v34, v2  }
.Ltmp2:
0x19a: {  	v19 =	vsub.f32 v11, v31;
	v11 =	vmovc v41;
	v34 =	vadd.s32 $0x1, v24;
	v30 =	vmul.u32 $0x30025795, v20;
	(pc) =	sbr.rel @p0 .LBB2_6-.Ltmp2, $4  }
0x19b: {  	v33 =	vsub.f32 v43, v23;
	v41 =	vsub.f32 v44, v29;
	v38 =	vmul.u32 $0x9E3779B1, v12  }
0x19c: {  	v42 =	vsub.f32 v42, v32;
	v31 =	vadd.s32 $0x30025795, v30;
	v45 =	vsub.f32 v40, v36  }
0x19d: {  	v33 =	vmul.f32 v33, v19;
	v43 =	vxor.u32 v24, v38;
	v40 =	vmul.f32 v41, v19  }
0x19e: {  	s19 =	sadd.s32 $0x10, s19;
	v44 =	vxor.u32 v30, v43;
	v41 =	vmul.f32 v42, v19;
	v42 =	vmul.f32 v45, v19  }
0x19f: {  	_ =	sdelay $0x2  }
0x1a0: {  	v44 =	vand.u32 $0x3FFF, v44;
	v43 =	vxor.u32 v43, v31;
	v45 =	vxor.u32 v34, v38  }
0x1a1: {  	v9 =	vld.idx.msk [tilespmem:v9+s28+$0x0], $0xffff;
	v23 =	vadd.f32 v33, v23;
	v29 =	vadd.f32 v40, v29;
	v35 =	vmul.f32 v35, v26  }
0x1a2: {  	v10 =	vld.idx.msk [tilespmem:v10+s28+$0x0], $0xffff;
	v5 =	vsub.f32 v5, v39;
	v26 =	vmul.f32 v37, v26;
	v3 =	vcvt.s32.f32 v3  }
0x1a3: {  	v13 =	vld.idx.msk [tilespmem:v13+s28+$0x0], $0xffff;
	v12 =	vcvt.s32.f32 v12;
	v0 =	vmul.f32 v8, v0;
	v46 =	vxor.u32 v30, v45  }
0x1a4: {  	v14 =	vld.idx.msk [tilespmem:v14+s28+$0x0], $0xffff;
	v45 =	vxor.u32 v45, v31;
	v36 =	vadd.f32 v42, v36;
	v42 =	vadd.s32 $0x9E3779B1, v38  }
0x1a5: {  	v17 =	vld.idx.msk [tilespmem:v17+s28+$0x0], $0xffff;
	v43 =	vand.u32 $0x3FFF, v43;
	v62 =	vand.u32 $0x3FFF, v45;
	v45 =	vxor.u32 v24, v42  }
0x1a6: {  	v18 =	vld.idx.msk [tilespmem:v18+s28+$0x0], $0xffff;
	v32 =	vadd.f32 v41, v32;
	v46 =	vand.u32 $0x3FFF, v46;
	v50 =	vxor.u32 v30, v45  }
0x1a7: {  	v21 =	vld.idx.msk [tilespmem:v21+s28+$0x0], $0xffff;
	v49 =	vxor.u32 v34, v42;
	v39 =	vxor.u32 v31, v45;
	v38 =	vand.u32 $0x3FFF, v50  }
0x1a8: {  	v15 =	vld.idx.msk [tilespmem:v15+s28+$0x0], $0xffff;
	v25 =	vadd.f32 v35, v25;
	v30 =	vxor.u32 v30, v49;
	v39 =	vand.u32 $0x3FFF, v39  }
0x1a9: {  	v26 =	vadd.f32 v26, v27;
	v31 =	vxor.u32 v31, v49;
	v30 =	vand.u32 $0x3FFF, v30;
	v47 =	vld.idx.msk [tilespmem:v44+s0+$0x0], $0xffff  }
0x1aa: {  	v3 =	vsub.f32 v7, v3;
	v12 =	vsub.f32 v28, v12;
	v31 =	vand.u32 $0x3FFF, v31;
	v63 =	vld.idx.msk [tilespmem:v43+s0+$0x0], $0xffff  }
0x1ab: {  	v0 =	vadd.f32 v0, v2;
	v25 =	vsub.f32 v25, v16;
	v48 =	vld.idx.msk [tilespmem:v46+s0+$0x0], $0xffff  }
0x1ac: {  	v32 =	vsub.f32 v32, v23;
	v10 =	vsub.f32 v10, v9;
	v27 =	vld.idx.msk [tilespmem:v38+s0+$0x0], $0xffff  }
0x1ad: {  	v36 =	vsub.f32 v36, v29;
	v26 =	vsub.f32 v26, v22;
	v25 =	vmul.f32 v25, v6;
	v53 =	vld.idx.msk [tilespmem:v39+s0+$0x0], $0xffff  }
0x1ae: {  	v32 =	vmul.f32 v32, v5;
	v7 =	vmul.f32 v10, v19;
	v10 =	vsub.f32 v14, v13;
	v14 =	vld.idx.msk [tilespmem:v30+s0+$0x0], $0xffff  }
0x1af: {  	v52 =	vmul.f32 v36, v5;
	v18 =	vsub.f32 v18, v17;
	v16 =	vadd.f32 v25, v16;
	v25 =	vld.idx.msk [tilespmem:v31+s0+$0x0], $0xffff  }
0x1b0: {  	v15 =	vsub.f32 v15, v21;
	v51 =	vld.idx.msk [tilespmem:v62+s0+$0x0], $0xffff;
	v7 =	vadd.f32 v7, v9;
	v9 =	vmul.f32 v10, v19  }
0x1b1: {  	v6 =	vmul.f32 v26, v6;
	v23 =	vadd.f32 v32, v23;
	v26 =	vld.idx.msk [tilespmem:v46+s28+$0x0], $0xffff;
	v10 =	vcvt.s32.f32 v20  }
0x1b2: {  	v29 =	vadd.f32 v52, v29;
	v33 =	vld.idx.msk [tilespmem:v62+s28+$0x0], $0xffff;
	v9 =	vadd.f32 v9, v13  }
0x1b3: {  	v20 =	vld.idx.msk [tilespmem:v44+s28+$0x0], $0xffff;
	v10 =	vsub.f32 v11, v10;
	v13 =	vsub.f32 v63, v47  }
0x1b4: {  	v54 =	vld.idx.msk [tilespmem:v38+s28+$0x0], $0xffff;
	v32 =	vsub.f32 v53, v27;
	v25 =	vsub.f32 v25, v14  }
0x1b5: {  	v18 =	vmul.f32 v18, v19;
	v6 =	vadd.f32 v6, v22;
	v55 =	vld.idx.msk [tilespmem:v39+s28+$0x0], $0xffff;
	v13 =	vmul.f32 v13, v10  }
0x1b6: {  	v29 =	vsub.f32 v29, v23;
	v30 =	vld.idx.msk [tilespmem:v30+s28+$0x0], $0xffff;
	v32 =	vmul.f32 v32, v10;
	v25 =	vmul.f32 v25, v10  }
0x1b7: {  	v15 =	vmul.f32 v15, v19;
	v17 =	vadd.f32 v18, v17;
	v11 =	vld.idx.msk [tilespmem:v43+s28+$0x0], $0xffff;
	v13 =	vadd.f32 v13, v47  }
0x1b8: {  	v27 =	vadd.f32 v32, v27;
	v14 =	vadd.f32 v25, v14;
	v25 =	vld.idx.msk [tilespmem:v31+s28+$0x0], $0xffff  }
0x1b9: {  	v15 =	vadd.f32 v15, v21;
	v22 =	vsub.f32 v51, v48  }
0x1ba: {  	v17 =	vsub.f32 v17, v7;
	v19 =	vsub.f32 v27, v13  }
0x1bb: {  	v15 =	vsub.f32 v15, v9;
	v22 =	vmul.f32 v22, v10;
	v21 =	vsub.f32 v55, v54  }
0x1bc: {  	v11 =	vsub.f32 v11, v20;
	v18 =	vmul.f32 v19, v12;
	v19 =	vsub.f32 v33, v26  }
0x1bd: {  	v22 =	vadd.f32 v22, v48;
	v25 =	vsub.f32 v25, v30  }
0x1be: {  	v11 =	vmul.f32 v11, v10;
	v13 =	vadd.f32 v18, v13;
	v18 =	vmul.f32 v19, v10  }
0x1bf: {  	v14 =	vsub.f32 v14, v22;
	v19 =	vmul.f32 v21, v10;
	v10 =	vmul.f32 v25, v10  }
0x1c0: {  	v11 =	vadd.f32 v11, v20;
	v18 =	vadd.f32 v18, v26  }
0x1c1: {  	v19 =	vadd.f32 v19, v54;
	v10 =	vadd.f32 v10, v30  }
0x1c2: {  	v6 =	vsub.f32 v6, v16;
	v17 =	vmul.f32 v17, v5;
	v14 =	vmul.f32 v14, v12  }
0x1c3: {  	v5 =	vmul.f32 v15, v5;
	v19 =	vsub.f32 v19, v11;
	v10 =	vsub.f32 v10, v18  }
0x1c4: {  	v7 =	vadd.f32 v17, v7;
	v20 =	vcvt.s32.f32 v24;
	v14 =	vadd.f32 v14, v22  }
0x1c5: {  	v5 =	vadd.f32 v5, v9;
	v15 =	vmul.f32 v19, v12;
	v10 =	vmul.f32 v10, v12  }
0x1c6: {  	v4 =	vsub.f32 v4, v20;
	v14 =	vsub.f32 v14, v13  }
0x1c7: {  	v1 =	vmul.f32 v6, v1;
	v8 =	vadd.f32 v15, v11;
	v9 =	vadd.f32 v10, v18  }
0x1c8: {  	s14 =	sadd.s32 $0x20, s14;
	v5 =	vsub.f32 v5, v7;
	v12 =	vmul.f32 v29, v3  }
0x1c9: {  	s11 =	sand.u32 $0x70, s11;
	s16 =	sand.u32 $0x3F00, s14;
	s14 =	sadd.s32 $0x20, s14;
	[tilespmem:s12+$0x16000] =	vst v0;
	v0 =	vadd.f32 v1, v16;
	v11 =	vmul.f32 v14, v4;
	v2 =	vsub.f32 v9, v8  }
0x1ca: {  	s15 =	sand.u32 $0x70, s15;
	s11 =	sor.u32 s11, s16;
	s14 =	sand.u32 $0x3F00, s14;
	v3 =	vmul.f32 v5, v3;
	v10 =	vadd.f32 v12, v23  }
0x1cb: {  	s16 =	sadd.s32 $0x16000, s11;
	s14 =	sor.u32 s15, s14;
	[tilespmem:s13+$0x16000] =	vst v0;
	v6 =	vadd.f32 v11, v13;
	v1 =	vmul.f32 v2, v4  }
0x1cc: {  	s23 =	sadd.s32 $0x16000, s14;
	[tilespmem:s16+$0x80] =	vst v10;
	v2 =	vadd.f32 v3, v7  }
0x1cd: {  	[tilespmem:s23+$0x80] =	vst v6;
	v0 =	vadd.f32 v1, v8  }
0x1ce: {  	[tilespmem:s11+$0x16000] =	vst v2  }
0x1cf: {  	[tilespmem:s14+$0x16000] =	vst v0  }
0x1d0: {  	s11 =	rddreg [dreg:$0xc]  }
0x1d1: {  	[hbm4b:s11+s1] =	stream.strided.scatter [tilespmem:s4], [sflag:$0x3], $0x4000, s3, s1, $0x38;
	[tilespmem:$0x1E000] =	vst v63  }
0x1d2: {  	s15 =	simm.s32 $0x0;
	s20 =	rddreg [dreg:$0xd]  }
0x1d3: {  	[tilespmem:s28], [sflag:$0x1] =	stream.linear.gather [hbm4b:s20+s15], $0x8000, $0x38;
	[tilespmem:$0x1E000] =	vst v63  }
0x1d4: {  	_ =	swait.ge [sflag:s5], $0x8000  }
0x1d5: {  	[sflag:s5] =	ssyncset.done $0x0  }
0x1d6: {  	[sflag:s5] =	ssyncadd.s32 $0xFFFF8000  }
0x1d7: {  	_ =	swait.ge [sflag:s9], $0x4000  }
0x1d8: {  	[sflag:s9] =	ssyncset.done $0x0  }
0x1d9: {  	s21 =	simm.s32 $0x2000;
	[sflag:s9] =	ssyncadd.s32 $0xFFFFC000  }
0x1da: {  	s22 =	simm.s32 $0x4000;
	v0 =	vld [tilespmem:s21+$0x0]  }
0x1db: {  	v1 =	vld [tilespmem:s22+$0x0]  }
0x1dc: {  	v2 =	vld [tilespmem:s15+$0x0];
	_ =	sdelay $0x2  }
0x1dd: {  	v0 =	vmul.f32 $5.400000000e+01, v0  }
0x1de: {  	v3 =	vmul.f32 $5.400000000e+01, v1  }
0x1df: {  	v5 =	vmul.f32 $5.400000000e+01, v2;
	v1 =	vtrunc.f32 v0  }
0x1e0: {  	v2 =	vtrunc.f32 v3;
	v4 =	vcvt.f32.s32 v1  }
0x1e1: {  	v1 =	vtrunc.f32 v5;
	v7 =	vcvt.f32.s32 v2  }
0x1e2: {  	v9 =	vcvt.f32.s32 v1;
	v1 =	vmul.u32 $0x9E3779B1, v4  }
0x1e3: {  	v2 =	vmul.u32 $0x30025795, v7  }
0x1e4: {  	v6 =	vxor.u32 v9, v1  }
0x1e5: {  	v8 =	vadd.s32 $0x1, v9;
	v10 =	vadd.s32 $0x30025795, v2;
	v11 =	vxor.u32 v2, v6  }
0x1e6: {  	v12 =	vxor.u32 v8, v1;
	v6 =	vxor.u32 v6, v10;
	v11 =	vand.u32 $0x3FFF, v11  }
0x1e7: {  	s23 =	simm.s32 $0x10;
	v1 =	vadd.s32 $0x9E3779B1, v1;
	v13 =	vand.u32 $0x3FFF, v6;
	v6 =	vxor.u32 v2, v12  }
0x1e8: {  	s18 =	simm.s32 $0x4010;
	v14 =	vld [tilespmem:s23+$0x0];
	v15 =	vand.u32 $0x3FFF, v6;
	v6 =	vxor.u32 v12, v10;
	v12 =	vxor.u32 v9, v1  }
0x1e9: {  	s19 =	simm.s32 $0x2010;
	v16 =	vld [tilespmem:s18+$0x0];
	v17 =	vand.u32 $0x3FFF, v6;
	v6 =	vxor.u32 v2, v12  }
0x1ea: {  	v18 =	vld [tilespmem:s19+$0x0];
	v1 =	vxor.u32 v8, v1;
	v8 =	vxor.u32 v10, v12;
	v12 =	vand.u32 $0x3FFF, v6  }
0x1eb: {  	v2 =	vxor.u32 v2, v1;
	v20 =	vand.u32 $0x3FFF, v8;
	v19 =	vld.idx.msk [tilespmem:v11+s6+$0x0], $0xffff  }
0x1ec: {  	v1 =	vxor.u32 v10, v1;
	v10 =	vand.u32 $0x3FFF, v2;
	v21 =	vld.idx.msk [tilespmem:v13+s6+$0x0], $0xffff  }
0x1ed: {  	v23 =	vand.u32 $0x3FFF, v1;
	v22 =	vld.idx.msk [tilespmem:v15+s6+$0x0], $0xffff  }
0x1ee: {  	v24 =	vld.idx.msk [tilespmem:v17+s6+$0x0], $0xffff  }
0x1ef: {  	v7 =	vcvt.s32.f32 v7;
	v25 =	vld.idx.msk [tilespmem:v12+s6+$0x0], $0xffff  }
0x1f0: {  	v1 =	vmul.f32 $5.400000000e+01, v14;
	v14 =	vmul.f32 $5.400000000e+01, v16;
	v16 =	vld.idx.msk [tilespmem:v20+s6+$0x0], $0xffff  }
0x1f1: {  	v4 =	vcvt.s32.f32 v4;
	v6 =	vmul.f32 $5.400000000e+01, v18;
	v18 =	vld.idx.msk [tilespmem:v10+s6+$0x0], $0xffff  }
0x1f2: {  	v2 =	vtrunc.f32 v1;
	v8 =	vtrunc.f32 v14;
	v26 =	vld.idx.msk [tilespmem:v23+s6+$0x0], $0xffff  }
0x1f3: {  	v27 =	vtrunc.f32 v6;
	v2 =	vcvt.f32.s32 v2  }
0x1f4: {  	v4 =	vsub.f32 v0, v4;
	v28 =	vcvt.f32.s32 v8;
	v27 =	vcvt.f32.s32 v27  }
0x1f5: {  	v8 =	vsub.f32 v3, v7;
	v29 =	vadd.s32 $0x1, v2;
	v7 =	vsub.f32 v21, v19  }
0x1f6: {  	v3 =	vmul.u32 $0x9E3779B1, v27;
	v21 =	vsub.f32 v24, v22;
	v16 =	vsub.f32 v16, v25  }
0x1f7: {  	v24 =	vmul.u32 $0x30025795, v28;
	v7 =	vmul.f32 v7, v8;
	v26 =	vsub.f32 v26, v18  }
0x1f8: {  	v30 =	vxor.u32 v2, v3;
	v21 =	vmul.f32 v21, v8;
	v16 =	vmul.f32 v16, v8  }
0x1f9: {  	s21 =	simm.s32 $0x2020;
	v31 =	vxor.u32 v24, v30;
	v7 =	vadd.f32 v7, v19;
	v26 =	vmul.f32 v26, v8  }
0x1fa: {  	v56 =	vld [tilespmem:s21+$0x0];
	v19 =	vadd.f32 v21, v22;
	v21 =	vadd.s32 $0x30025795, v24;
	v16 =	vadd.f32 v16, v25  }
0x1fb: {  	v11 =	vld.idx.msk [tilespmem:v11+s30+$0x0], $0xffff;
	v31 =	vand.u32 $0x3FFF, v31;
	v18 =	vadd.f32 v26, v18;
	v25 =	vxor.u32 v30, v21  }
0x1fc: {  	v13 =	vld.idx.msk [tilespmem:v13+s30+$0x0], $0xffff;
	v30 =	vxor.u32 v29, v3;
	v3 =	vadd.s32 $0x9E3779B1, v3;
	v16 =	vsub.f32 v16, v7  }
0x1fd: {  	v15 =	vld.idx.msk [tilespmem:v15+s30+$0x0], $0xffff;
	v0 =	vxor.u32 v24, v30;
	v25 =	vand.u32 $0x3FFF, v25;
	v18 =	vsub.f32 v18, v19  }
0x1fe: {  	v17 =	vld.idx.msk [tilespmem:v17+s30+$0x0], $0xffff;
	v57 =	vand.u32 $0x3FFF, v0;
	v0 =	vxor.u32 v30, v21;
	v16 =	vmul.f32 v16, v4  }
0x1ff: {  	s20 =	simm.s32 $0x4020;
	v12 =	vld.idx.msk [tilespmem:v12+s30+$0x0], $0xffff;
	v58 =	vand.u32 $0x3FFF, v0;
	v0 =	vcvt.s32.f32 v9;
	v18 =	vmul.f32 v18, v4  }
0x200: {  	s11 =	simm.s32 $0x20;
	v26 =	vld [tilespmem:s20+$0x0];
	v9 =	vadd.f32 v16, v7;
	v7 =	vxor.u32 v2, v3  }
0x201: {  	v22 =	vld [tilespmem:s11+$0x0];
	v0 =	vsub.f32 v5, v0;
	v16 =	vadd.f32 v18, v19;
	v5 =	vxor.u32 v24, v7  }
0x202: {  	v30 =	vld.idx.msk [tilespmem:v31+s6+$0x0], $0xffff;
	v3 =	vxor.u32 v29, v3;
	v7 =	vxor.u32 v21, v7;
	v19 =	vand.u32 $0x3FFF, v5  }
0x203: {  	v18 =	vld.idx.msk [tilespmem:v25+s6+$0x0], $0xffff;
	v5 =	vsub.f32 v16, v9;
	v16 =	vxor.u32 v24, v3;
	v24 =	vand.u32 $0x3FFF, v7  }
0x204: {  	v29 =	vld.idx.msk [tilespmem:v57+s6+$0x0], $0xffff;
	v7 =	vsub.f32 v13, v11;
	v3 =	vxor.u32 v21, v3;
	v16 =	vand.u32 $0x3FFF, v16  }
0x205: {  	v38 =	vmul.f32 $5.400000000e+01, v26;
	v59 =	vld.idx.msk [tilespmem:v58+s6+$0x0], $0xffff;
	v60 =	vand.u32 $0x3FFF, v3;
	v3 =	vmul.f32 v5, v0  }
0x206: {  	v17 =	vsub.f32 v17, v15;
	v13 =	vld.idx.msk [tilespmem:v20+s30+$0x0], $0xffff;
	v20 =	vmul.f32 v7, v8;
	v7 =	vmul.f32 $5.400000000e+01, v22  }
0x207: {  	v2 =	vcvt.s32.f32 v2;
	v5 =	vmul.f32 $5.400000000e+01, v56;
	v21 =	vld.idx.msk [tilespmem:v19+s6+$0x0], $0xffff  }
0x208: {  	v17 =	vmul.f32 v17, v8;
	v33 =	vadd.f32 v3, v9;
	v3 =	vtrunc.f32 v7;
	v22 =	vld.idx.msk [tilespmem:v24+s6+$0x0], $0xffff  }
0x209: {  	v1 =	vsub.f32 v1, v2;
	v9 =	vtrunc.f32 v38;
	v26 =	vtrunc.f32 v5;
	v61 =	vld.idx.msk [tilespmem:v16+s6+$0x0], $0xffff  }
0x20a: {  	v11 =	vadd.f32 v20, v11;
	v3 =	vcvt.f32.s32 v3;
	v63 =	vcvt.f32.s32 v9;
	v20 =	vld.idx.msk [tilespmem:v60+s6+$0x0], $0xffff  }
0x20b: {  	v62 =	vsub.f32 v13, v12;
	v9 =	vcvt.s32.f32 v28;
	v48 =	vcvt.f32.s32 v26  }
0x20c: {  	v28 =	vadd.f32 v17, v15;
	v13 =	vcvt.s32.f32 v27;
	v15 =	vadd.s32 $0x1, v3  }
0x20d: {  	v27 =	vmul.u32 $0x30025795, v63;
	v26 =	vsub.f32 v14, v9;
	v17 =	vmul.u32 $0x9E3779B1, v48  }
0x20e: {  	v9 =	vsub.f32 v18, v30;
	v14 =	vsub.f32 v59, v29;
	v39 =	vmul.f32 v62, v8  }
0x20f: {  	v49 =	vadd.s32 $0x30025795, v27;
	v18 =	vsub.f32 v22, v21;
	v20 =	vsub.f32 v20, v61  }
0x210: {  	v50 =	vmul.f32 v9, v26;
	v14 =	vmul.f32 v14, v26;
	v22 =	vld.idx.msk [tilespmem:v10+s30+$0x0], $0xffff;
	v10 =	vxor.u32 v3, v17  }
0x211: {  	s16 =	simm.s32 $0x30;
	v23 =	vld.idx.msk [tilespmem:v23+s30+$0x0], $0xffff;
	v9 =	vxor.u32 v27, v10;
	v18 =	vmul.f32 v18, v26;
	v20 =	vmul.f32 v20, v26  }
0x212: {  	v51 =	vld [tilespmem:s16+$0x0];
	s18 =	simm.s32 $0x2030;
	v30 =	vadd.f32 v50, v30;
	v29 =	vadd.f32 v14, v29;
	v10 =	vxor.u32 v10, v49  }
0x213: {  	v52 =	vld [tilespmem:s18+$0x0];
	v9 =	vand.u32 $0x3FFF, v9;
	v14 =	vadd.f32 v18, v21;
	v18 =	vadd.f32 v20, v61  }
0x214: {  	v31 =	vld.idx.msk [tilespmem:v31+s30+$0x0], $0xffff;
	v6 =	vsub.f32 v6, v13;
	v12 =	vadd.f32 v39, v12;
	v10 =	vand.u32 $0x3FFF, v10  }
0x215: {  	v56 =	vld.idx.msk [tilespmem:v58+s30+$0x0], $0xffff;
	v21 =	vxor.u32 v15, v17;
	v14 =	vsub.f32 v14, v30;
	v18 =	vsub.f32 v18, v29  }
0x216: {  	s17 =	simm.s32 $0x4030;
	v24 =	vld.idx.msk [tilespmem:v24+s30+$0x0], $0xffff;
	v13 =	vxor.u32 v27, v21;
	v53 =	vsub.f32 v23, v22;
	v21 =	vxor.u32 v21, v49  }
0x217: {  	v20 =	vld [tilespmem:s17+$0x0];
	v13 =	vand.u32 $0x3FFF, v13;
	v54 =	vmul.f32 v14, v6;
	v18 =	vmul.f32 v18, v6  }
0x218: {  	v12 =	vsub.f32 v12, v11;
	v17 =	vadd.s32 $0x9E3779B1, v17;
	v23 =	vld.idx.msk [tilespmem:v9+s6+$0x0], $0xffff;
	v14 =	vand.u32 $0x3FFF, v21  }
0x219: {  	v8 =	vmul.f32 v53, v8;
	v21 =	vld.idx.msk [tilespmem:v25+s30+$0x0], $0xffff;
	v30 =	vadd.f32 v54, v30;
	v18 =	vadd.f32 v18, v29  }
0x21a: {  	v40 =	vcvt.s32.f32 v63;
	v12 =	vmul.f32 v12, v4;
	v55 =	vld.idx.msk [tilespmem:v10+s6+$0x0], $0xffff;
	v25 =	vxor.u32 v3, v17  }
0x21b: {  	v8 =	vadd.f32 v8, v22;
	v22 =	vld.idx.msk [tilespmem:v57+s30+$0x0], $0xffff;
	v2 =	vsub.f32 v18, v30;
	v18 =	vxor.u32 v27, v25  }
0x21c: {  	v15 =	vxor.u32 v15, v17;
	v29 =	vld.idx.msk [tilespmem:v13+s6+$0x0], $0xffff;
	v25 =	vxor.u32 v49, v25;
	v17 =	vand.u32 $0x3FFF, v18  }
0x21d: {  	v8 =	vsub.f32 v8, v28;
	v57 =	vld.idx.msk [tilespmem:v14+s6+$0x0], $0xffff;
	v27 =	vxor.u32 v27, v15;
	v18 =	vand.u32 $0x3FFF, v25  }
0x21e: {  	v15 =	vxor.u32 v49, v15;
	v25 =	vld.idx.msk [tilespmem:v19+s30+$0x0], $0xffff;
	v19 =	vsub.f32 v21, v31;
	v21 =	vand.u32 $0x3FFF, v27  }
0x21f: {  	v8 =	vmul.f32 v8, v4;
	v15 =	vand.u32 $0x3FFF, v15;
	v27 =	vld.idx.msk [tilespmem:v16+s30+$0x0], $0xffff;
	v2 =	vmul.f32 v2, v1  }
0x220: {  	v61 =	vsub.f32 v55, v23;
	v4 =	vmul.f32 $5.400000000e+01, v51;
	v16 =	vmul.f32 v19, v26;
	v19 =	vld.idx.msk [tilespmem:v60+s30+$0x0], $0xffff  }
0x221: {  	v8 =	vadd.f32 v8, v28;
	v28 =	vmul.f32 $5.400000000e+01, v52;
	v58 =	vadd.f32 v2, v30;
	v32 =	vld.idx.msk [tilespmem:v17+s6+$0x0], $0xffff  }
0x222: {  	v2 =	vadd.f32 v12, v11;
	v12 =	vsub.f32 v56, v22;
	v11 =	vmul.f32 $5.400000000e+01, v20;
	v59 =	vld.idx.msk [tilespmem:v18+s6+$0x0], $0xffff  }
0x223: {  	v20 =	vtrunc.f32 v4;
	v16 =	vadd.f32 v16, v31;
	v31 =	vtrunc.f32 v28;
	v36 =	vld.idx.msk [tilespmem:v21+s6+$0x0], $0xffff  }
0x224: {  	v62 =	vsub.f32 v57, v29;
	v12 =	vmul.f32 v12, v26;
	v30 =	vtrunc.f32 v11;
	v60 =	vld.idx.msk [tilespmem:v15+s6+$0x0], $0xffff  }
0x225: {  	v35 =	vsub.f32 v24, v25;
	v24 =	vcvt.f32.s32 v20;
	v8 =	vsub.f32 v8, v2  }
0x226: {  	s12 =	sand.u32 $0x3F00, s15;
	s22 =	sand.u32 $0x70, s15;
	v20 =	vcvt.f32.s32 v30;
	v22 =	vadd.f32 v12, v22;
	v12 =	vcvt.f32.s32 v31  }
0x227: {  	s13 =	sand.u32 $0x70, s23;
	s14 =	simm.s32 $0x20;
	s12 =	sor.u32 s22, s12;
	v39 =	vcvt.s32.f32 v48;
	v37 =	vsub.f32 v19, v27;
	v19 =	vsub.f32 v38, v40  }
0x228: {  	s23 =	sand.u32 $0x3F00, s14;
	s19 =	sadd.s32 $0x1A000, s12;
	v34 =	vadd.s32 $0x1, v24;
	v30 =	vmul.u32 $0x30025795, v20;
	v38 =	vmul.u32 $0x9E3779B1, v12  }
0x229: {  	s13 =	sor.u32 s13, s23;
	[tilespmem:s19+$0x80] =	vst v33;
	v33 =	vmul.f32 v61, v19;
	v42 =	vsub.f32 v59, v32;
	v63 =	vsub.f32 v60, v36  }
0x22a: {  	s15 =	sadd.s32 $0x1A000, s13;
	v40 =	vmul.f32 v62, v19;
	v31 =	vadd.s32 $0x30025795, v30;
	v43 =	vxor.u32 v24, v38  }
0x22b: {  	s19 =	simm.s32 $0x40;
	[tilespmem:s15+$0x80] =	vst v58;
	s15 =	simm.s32 $0x30;
	v44 =	vxor.u32 v30, v43;
	v41 =	vmul.f32 v42, v19;
	v42 =	vmul.f32 v63, v19  }
.LBB2_8:
0x22c: {  	p0 =	sne.s32 s19, $0x1FF0;
	v44 =	vand.u32 $0x3FFF, v44;
	s16 =	sadd.s32 $0x10, s16;
	v33 =	vadd.f32 v33, v23;
	v29 =	vadd.f32 v40, v29  }
0x22d: {  	v23 =	vxor.u32 v43, v31;
	s17 =	sadd.s32 $0x10, s17;
	v40 =	vld [tilespmem:s16+$0x0];
	v32 =	vadd.f32 v41, v32;
	v36 =	vadd.f32 v42, v36  }
0x22e: {  	s18 =	sadd.s32 $0x10, s18;
	v39 =	vsub.f32 v5, v39;
	v5 =	vmovc v28;
	v42 =	vxor.u32 v34, v38;
	v43 =	vand.u32 $0x3FFF, v23;
	v41 =	vld [tilespmem:s17+$0x0]  }
0x22f: {  	v23 =	vxor.u32 v30, v42;
	v28 =	vld [tilespmem:s18+$0x0];
	v32 =	vsub.f32 v32, v33;
	v36 =	vsub.f32 v36, v29  }
0x230: {  	v35 =	vmul.f32 v35, v26;
	v26 =	vmul.f32 v37, v26;
	v45 =	vand.u32 $0x3FFF, v23;
	v46 =	vld.idx.msk [tilespmem:v9+s30+$0x0], $0xffff;
	v9 =	vmovc v44  }
0x231: {  	v37 =	vxor.u32 v42, v31;
	v23 =	vld.idx.msk [tilespmem:v44+s6+$0x0], $0xffff;
	v32 =	vmul.f32 v32, v39;
	v36 =	vmul.f32 v36, v39  }
0x232: {  	v25 =	vadd.f32 v35, v25;
	v26 =	vadd.f32 v26, v27;
	v37 =	vand.u32 $0x3FFF, v37;
	v42 =	vld.idx.msk [tilespmem:v10+s30+$0x0], $0xffff;
	v10 =	vmovc v43  }
0x233: {  	v27 =	vcvt.s32.f32 v3;
	v3 =	vmovc v24;
	v43 =	vld.idx.msk [tilespmem:v43+s6+$0x0], $0xffff;
	v32 =	vadd.f32 v32, v33;
	v33 =	vadd.f32 v36, v29  }
0x234: {  	v24 =	vadd.s32 $0x9E3779B1, v38;
	v25 =	vsub.f32 v25, v16;
	v26 =	vsub.f32 v26, v22;
	v38 =	vld.idx.msk [tilespmem:v13+s30+$0x0], $0xffff;
	v13 =	vmovc v45  }
0x235: {  	v35 =	vxor.u32 v3, v24;
	v7 =	vsub.f32 v7, v27;
	v29 =	vld.idx.msk [tilespmem:v45+s6+$0x0], $0xffff;
	v27 =	vsub.f32 v33, v32  }
0x236: {  	v24 =	vxor.u32 v34, v24;
	v36 =	vmul.f32 v25, v6;
	v33 =	vxor.u32 v30, v35;
	v34 =	vld.idx.msk [tilespmem:v14+s30+$0x0], $0xffff  }
0x237: {  	s14 =	sadd.s32 $0x20, s14;
	v25 =	vxor.u32 v31, v35;
	v33 =	vand.u32 $0x3FFF, v33;
	v14 =	vmovc v37;
	v44 =	vld.idx.msk [tilespmem:v37+s6+$0x0], $0xffff;
	v27 =	vmul.f32 v27, v7  }
0x238: {  	s20 =	sand.u32 $0x70, s11;
	s11 =	smov.u32 s15;
	s21 =	sand.u32 $0x3F00, s14;
	v30 =	vxor.u32 v30, v24;
	v35 =	vand.u32 $0x3FFF, v25;
	v37 =	vsub.f32 v42, v46;
	v25 =	vld.idx.msk [tilespmem:v17+s30+$0x0], $0xffff;
	v17 =	vmovc v33  }
0x239: {  	s15 =	smov.u32 s19;
	s20 =	sor.u32 s20, s21;
	v24 =	vxor.u32 v31, v24;
	v30 =	vand.u32 $0x3FFF, v30;
	v31 =	vld.idx.msk [tilespmem:v18+s30+$0x0], $0xffff;
	v32 =	vadd.f32 v27, v32;
	v18 =	vmovc v35  }
0x23a: {  	s21 =	sadd.s32 $0x1A000, s20;
	v26 =	vmul.f32 v26, v6;
	v6 =	vmovc v39;
	v24 =	vand.u32 $0x3FFF, v24;
	v42 =	vmul.f32 v37, v19;
	v27 =	vld.idx.msk [tilespmem:v21+s30+$0x0], $0xffff  }
0x23b: {  	v8 =	vmul.f32 v8, v0;
	v0 =	vmov v1;
	v39 =	vadd.f32 v36, v16;
	v37 =	vld.idx.msk [tilespmem:v15+s30+$0x0], $0xffff;
	[tilespmem:s21+$0x80] =	vst v32  }
0x23c: {  	v1 =	vmovc v7;
	v21 =	vmov v30;
	v16 =	vadd.f32 v42, v46;
	v32 =	vld.idx.msk [tilespmem:v33+s6+$0x0], $0xffff;
	v33 =	vsub.f32 v34, v38  }
0x23d: {  	v41 =	vmul.f32 $5.400000000e+01, v41;
	v7 =	vmovc v4;
	v4 =	vmul.f32 $5.400000000e+01, v40;
	v15 =	vmovc v24;
	v34 =	vadd.f32 v26, v22;
	v42 =	vld.idx.msk [tilespmem:v35+s6+$0x0], $0xffff  }
0x23e: {  	v8 =	vadd.f32 v8, v2;
	v28 =	vmul.f32 $5.400000000e+01, v28;
	v2 =	vmovc v39;
	v36 =	vld.idx.msk [tilespmem:v30+s6+$0x0], $0xffff;
	v22 =	vmul.f32 v33, v19  }
0x23f: {  	v26 =	vmovc v19;
	v30 =	vtrunc.f32 v4;
	v33 =	vtrunc.f32 v41;
	v35 =	vsub.f32 v31, v25;
	v40 =	vld.idx.msk [tilespmem:v24+s6+$0x0], $0xffff  }
0x240: {  	v19 =	vtrunc.f32 v28;
	v24 =	vcvt.f32.s32 v30;
	v22 =	vadd.f32 v22, v38;
	[tilespmem:s12+$0x1A000] =	vst v8;
	s12 =	smov.u32 s13;
	s13 =	smov.u32 s20  }
0x241: {  	v31 =	vcvt.s32.f32 v20;
	v20 =	vcvt.f32.s32 v33;
	v37 =	vsub.f32 v37, v27  }
0x242: {  	v39 =	vcvt.s32.f32 v12;
	v12 =	vcvt.f32.s32 v19;
	v8 =	vsub.f32 v34, v2  }
.Ltmp3:
0x243: {  	v19 =	vsub.f32 v11, v31;
	v11 =	vmovc v41;
	v34 =	vadd.s32 $0x1, v24;
	v30 =	vmul.u32 $0x30025795, v20;
	(pc) =	sbr.rel @p0 .LBB2_8-.Ltmp3, $4  }
0x244: {  	v33 =	vsub.f32 v43, v23;
	v41 =	vsub.f32 v44, v29;
	v38 =	vmul.u32 $0x9E3779B1, v12  }
0x245: {  	v42 =	vsub.f32 v42, v32;
	v31 =	vadd.s32 $0x30025795, v30;
	v45 =	vsub.f32 v40, v36  }
0x246: {  	v33 =	vmul.f32 v33, v19;
	v43 =	vxor.u32 v24, v38;
	v40 =	vmul.f32 v41, v19  }
0x247: {  	s19 =	sadd.s32 $0x10, s19;
	v44 =	vxor.u32 v30, v43;
	v41 =	vmul.f32 v42, v19;
	v42 =	vmul.f32 v45, v19  }
0x248: {  	_ =	sdelay $0x2  }
0x249: {  	v44 =	vand.u32 $0x3FFF, v44;
	v43 =	vxor.u32 v43, v31;
	v45 =	vxor.u32 v34, v38  }
0x24a: {  	v9 =	vld.idx.msk [tilespmem:v9+s30+$0x0], $0xffff;
	v23 =	vadd.f32 v33, v23;
	v29 =	vadd.f32 v40, v29;
	v35 =	vmul.f32 v35, v26  }
0x24b: {  	v10 =	vld.idx.msk [tilespmem:v10+s30+$0x0], $0xffff;
	v5 =	vsub.f32 v5, v39;
	v26 =	vmul.f32 v37, v26;
	v3 =	vcvt.s32.f32 v3  }
0x24c: {  	v13 =	vld.idx.msk [tilespmem:v13+s30+$0x0], $0xffff;
	v12 =	vcvt.s32.f32 v12;
	v0 =	vmul.f32 v8, v0;
	v46 =	vxor.u32 v30, v45  }
0x24d: {  	v14 =	vld.idx.msk [tilespmem:v14+s30+$0x0], $0xffff;
	v45 =	vxor.u32 v45, v31;
	v36 =	vadd.f32 v42, v36;
	v42 =	vadd.s32 $0x9E3779B1, v38  }
0x24e: {  	v17 =	vld.idx.msk [tilespmem:v17+s30+$0x0], $0xffff;
	v43 =	vand.u32 $0x3FFF, v43;
	v62 =	vand.u32 $0x3FFF, v45;
	v45 =	vxor.u32 v24, v42  }
0x24f: {  	v18 =	vld.idx.msk [tilespmem:v18+s30+$0x0], $0xffff;
	v32 =	vadd.f32 v41, v32;
	v46 =	vand.u32 $0x3FFF, v46;
	v50 =	vxor.u32 v30, v45  }
0x250: {  	v21 =	vld.idx.msk [tilespmem:v21+s30+$0x0], $0xffff;
	v49 =	vxor.u32 v34, v42;
	v39 =	vxor.u32 v31, v45;
	v38 =	vand.u32 $0x3FFF, v50  }
0x251: {  	v15 =	vld.idx.msk [tilespmem:v15+s30+$0x0], $0xffff;
	v25 =	vadd.f32 v35, v25;
	v30 =	vxor.u32 v30, v49;
	v39 =	vand.u32 $0x3FFF, v39  }
0x252: {  	v26 =	vadd.f32 v26, v27;
	v31 =	vxor.u32 v31, v49;
	v30 =	vand.u32 $0x3FFF, v30;
	v47 =	vld.idx.msk [tilespmem:v44+s6+$0x0], $0xffff  }
0x253: {  	v3 =	vsub.f32 v7, v3;
	v12 =	vsub.f32 v28, v12;
	v31 =	vand.u32 $0x3FFF, v31;
	v63 =	vld.idx.msk [tilespmem:v43+s6+$0x0], $0xffff  }
0x254: {  	v0 =	vadd.f32 v0, v2;
	v25 =	vsub.f32 v25, v16;
	v48 =	vld.idx.msk [tilespmem:v46+s6+$0x0], $0xffff  }
0x255: {  	v32 =	vsub.f32 v32, v23;
	v10 =	vsub.f32 v10, v9;
	v27 =	vld.idx.msk [tilespmem:v38+s6+$0x0], $0xffff  }
0x256: {  	v36 =	vsub.f32 v36, v29;
	v26 =	vsub.f32 v26, v22;
	v25 =	vmul.f32 v25, v6;
	v53 =	vld.idx.msk [tilespmem:v39+s6+$0x0], $0xffff  }
0x257: {  	v32 =	vmul.f32 v32, v5;
	v7 =	vmul.f32 v10, v19;
	v10 =	vsub.f32 v14, v13;
	v14 =	vld.idx.msk [tilespmem:v30+s6+$0x0], $0xffff  }
0x258: {  	v52 =	vmul.f32 v36, v5;
	v18 =	vsub.f32 v18, v17;
	v16 =	vadd.f32 v25, v16;
	v25 =	vld.idx.msk [tilespmem:v31+s6+$0x0], $0xffff  }
0x259: {  	v15 =	vsub.f32 v15, v21;
	v51 =	vld.idx.msk [tilespmem:v62+s6+$0x0], $0xffff;
	v7 =	vadd.f32 v7, v9;
	v9 =	vmul.f32 v10, v19  }
0x25a: {  	v6 =	vmul.f32 v26, v6;
	v23 =	vadd.f32 v32, v23;
	v26 =	vld.idx.msk [tilespmem:v46+s30+$0x0], $0xffff;
	v10 =	vcvt.s32.f32 v20  }
0x25b: {  	v29 =	vadd.f32 v52, v29;
	v33 =	vld.idx.msk [tilespmem:v62+s30+$0x0], $0xffff;
	v9 =	vadd.f32 v9, v13  }
0x25c: {  	v20 =	vld.idx.msk [tilespmem:v44+s30+$0x0], $0xffff;
	v10 =	vsub.f32 v11, v10;
	v13 =	vsub.f32 v63, v47  }
0x25d: {  	v54 =	vld.idx.msk [tilespmem:v38+s30+$0x0], $0xffff;
	v32 =	vsub.f32 v53, v27;
	v25 =	vsub.f32 v25, v14  }
0x25e: {  	v18 =	vmul.f32 v18, v19;
	v6 =	vadd.f32 v6, v22;
	v55 =	vld.idx.msk [tilespmem:v39+s30+$0x0], $0xffff;
	v13 =	vmul.f32 v13, v10  }
0x25f: {  	v29 =	vsub.f32 v29, v23;
	v30 =	vld.idx.msk [tilespmem:v30+s30+$0x0], $0xffff;
	v32 =	vmul.f32 v32, v10;
	v25 =	vmul.f32 v25, v10  }
0x260: {  	v15 =	vmul.f32 v15, v19;
	v17 =	vadd.f32 v18, v17;
	v11 =	vld.idx.msk [tilespmem:v43+s30+$0x0], $0xffff;
	v13 =	vadd.f32 v13, v47  }
0x261: {  	v27 =	vadd.f32 v32, v27;
	v14 =	vadd.f32 v25, v14;
	v25 =	vld.idx.msk [tilespmem:v31+s30+$0x0], $0xffff  }
0x262: {  	v15 =	vadd.f32 v15, v21;
	v22 =	vsub.f32 v51, v48  }
0x263: {  	v17 =	vsub.f32 v17, v7;
	v19 =	vsub.f32 v27, v13  }
0x264: {  	v15 =	vsub.f32 v15, v9;
	v22 =	vmul.f32 v22, v10;
	v21 =	vsub.f32 v55, v54  }
0x265: {  	v11 =	vsub.f32 v11, v20;
	v18 =	vmul.f32 v19, v12;
	v19 =	vsub.f32 v33, v26  }
0x266: {  	v22 =	vadd.f32 v22, v48;
	v25 =	vsub.f32 v25, v30  }
0x267: {  	v11 =	vmul.f32 v11, v10;
	v13 =	vadd.f32 v18, v13;
	v18 =	vmul.f32 v19, v10  }
0x268: {  	v14 =	vsub.f32 v14, v22;
	v19 =	vmul.f32 v21, v10;
	v10 =	vmul.f32 v25, v10  }
0x269: {  	v11 =	vadd.f32 v11, v20;
	v18 =	vadd.f32 v18, v26  }
0x26a: {  	v19 =	vadd.f32 v19, v54;
	v10 =	vadd.f32 v10, v30  }
0x26b: {  	v6 =	vsub.f32 v6, v16;
	v17 =	vmul.f32 v17, v5;
	v14 =	vmul.f32 v14, v12  }
0x26c: {  	v5 =	vmul.f32 v15, v5;
	v19 =	vsub.f32 v19, v11;
	v10 =	vsub.f32 v10, v18  }
0x26d: {  	v7 =	vadd.f32 v17, v7;
	v20 =	vcvt.s32.f32 v24;
	v14 =	vadd.f32 v14, v22  }
0x26e: {  	v5 =	vadd.f32 v5, v9;
	v15 =	vmul.f32 v19, v12;
	v10 =	vmul.f32 v10, v12  }
0x26f: {  	v4 =	vsub.f32 v4, v20;
	v14 =	vsub.f32 v14, v13  }
0x270: {  	v1 =	vmul.f32 v6, v1;
	v8 =	vadd.f32 v15, v11;
	v9 =	vadd.f32 v10, v18  }
0x271: {  	s14 =	sadd.s32 $0x20, s14;
	v5 =	vsub.f32 v5, v7;
	v12 =	vmul.f32 v29, v3  }
0x272: {  	s11 =	sand.u32 $0x70, s11;
	s16 =	sand.u32 $0x3F00, s14;
	s14 =	sadd.s32 $0x20, s14;
	[tilespmem:s12+$0x1A000] =	vst v0;
	v0 =	vadd.f32 v1, v16;
	v11 =	vmul.f32 v14, v4;
	v2 =	vsub.f32 v9, v8  }
0x273: {  	s15 =	sand.u32 $0x70, s15;
	s11 =	sor.u32 s11, s16;
	s14 =	sand.u32 $0x3F00, s14;
	v3 =	vmul.f32 v5, v3;
	v10 =	vadd.f32 v12, v23  }
0x274: {  	s16 =	sadd.s32 $0x1A000, s11;
	s14 =	sor.u32 s15, s14;
	[tilespmem:s13+$0x1A000] =	vst v0;
	v6 =	vadd.f32 v11, v13;
	v1 =	vmul.f32 v2, v4  }
0x275: {  	s23 =	sadd.s32 $0x1A000, s14;
	[tilespmem:s16+$0x80] =	vst v10;
	v2 =	vadd.f32 v3, v7  }
0x276: {  	[tilespmem:s23+$0x80] =	vst v6;
	v0 =	vadd.f32 v1, v8  }
0x277: {  	[tilespmem:s11+$0x1A000] =	vst v2  }
0x278: {  	[tilespmem:s14+$0x1A000] =	vst v0  }
0x279: {  	s11 =	rddreg [dreg:$0xe]  }
0x27a: {  	[hbm4b:s11+s1] =	stream.strided.scatter [tilespmem:s7], [sflag:$0x4], $0x4000, s3, s1, $0x38;
	[tilespmem:$0x1E000] =	vst v63  }
0x27b: {  	s15 =	simm.s32 $0x0;
	s20 =	rddreg [dreg:$0xf]  }
0x27c: {  	[tilespmem:s30], [sflag:$0x2] =	stream.linear.gather [hbm4b:s20+s15], $0x8000, $0x38;
	[tilespmem:$0x1E000] =	vst v63  }
0x27d: {  	_ =	swait.ge [sflag:s31], $0x8000  }
0x27e: {  	[sflag:s31] =	ssyncset.done $0x0  }
0x27f: {  	[sflag:s31] =	ssyncadd.s32 $0xFFFF8000  }
0x280: {  	_ =	swait.ge [sflag:s8], $0x4000  }
0x281: {  	[sflag:s8] =	ssyncset.done $0x0  }
0x282: {  	s21 =	simm.s32 $0x2000;
	[sflag:s8] =	ssyncadd.s32 $0xFFFFC000  }
0x283: {  	s22 =	simm.s32 $0x4000;
	v0 =	vld [tilespmem:s21+$0x0]  }
0x284: {  	v1 =	vld [tilespmem:s22+$0x0]  }
0x285: {  	v2 =	vld [tilespmem:s15+$0x0];
	_ =	sdelay $0x2  }
0x286: {  	v0 =	vmul.f32 $8.100000000e+01, v0  }
0x287: {  	v3 =	vmul.f32 $8.100000000e+01, v1  }
0x288: {  	v5 =	vmul.f32 $8.100000000e+01, v2;
	v1 =	vtrunc.f32 v0  }
0x289: {  	v2 =	vtrunc.f32 v3;
	v4 =	vcvt.f32.s32 v1  }
0x28a: {  	v1 =	vtrunc.f32 v5;
	v7 =	vcvt.f32.s32 v2  }
0x28b: {  	v9 =	vcvt.f32.s32 v1;
	v1 =	vmul.u32 $0x9E3779B1, v4  }
0x28c: {  	v2 =	vmul.u32 $0x30025795, v7  }
0x28d: {  	v6 =	vxor.u32 v9, v1  }
0x28e: {  	v8 =	vadd.s32 $0x1, v9;
	v10 =	vadd.s32 $0x30025795, v2;
	v11 =	vxor.u32 v2, v6  }
0x28f: {  	v12 =	vxor.u32 v8, v1;
	v6 =	vxor.u32 v6, v10;
	v11 =	vand.u32 $0x3FFF, v11  }
0x290: {  	s23 =	simm.s32 $0x10;
	v1 =	vadd.s32 $0x9E3779B1, v1;
	v13 =	vand.u32 $0x3FFF, v6;
	v6 =	vxor.u32 v2, v12  }
0x291: {  	s18 =	simm.s32 $0x4010;
	v14 =	vld [tilespmem:s23+$0x0];
	v15 =	vand.u32 $0x3FFF, v6;
	v6 =	vxor.u32 v12, v10;
	v12 =	vxor.u32 v9, v1  }
0x292: {  	s19 =	simm.s32 $0x2010;
	v16 =	vld [tilespmem:s18+$0x0];
	v17 =	vand.u32 $0x3FFF, v6;
	v6 =	vxor.u32 v2, v12  }
0x293: {  	v18 =	vld [tilespmem:s19+$0x0];
	v1 =	vxor.u32 v8, v1;
	v8 =	vxor.u32 v10, v12;
	v12 =	vand.u32 $0x3FFF, v6  }
0x294: {  	v2 =	vxor.u32 v2, v1;
	v20 =	vand.u32 $0x3FFF, v8;
	v19 =	vld.idx.msk [tilespmem:v11+s0+$0x0], $0xffff  }
0x295: {  	v1 =	vxor.u32 v10, v1;
	v10 =	vand.u32 $0x3FFF, v2;
	v21 =	vld.idx.msk [tilespmem:v13+s0+$0x0], $0xffff  }
0x296: {  	v23 =	vand.u32 $0x3FFF, v1;
	v22 =	vld.idx.msk [tilespmem:v15+s0+$0x0], $0xffff  }
0x297: {  	v24 =	vld.idx.msk [tilespmem:v17+s0+$0x0], $0xffff  }
0x298: {  	v7 =	vcvt.s32.f32 v7;
	v25 =	vld.idx.msk [tilespmem:v12+s0+$0x0], $0xffff  }
0x299: {  	v1 =	vmul.f32 $8.100000000e+01, v14;
	v14 =	vmul.f32 $8.100000000e+01, v16;
	v16 =	vld.idx.msk [tilespmem:v20+s0+$0x0], $0xffff  }
0x29a: {  	v4 =	vcvt.s32.f32 v4;
	v6 =	vmul.f32 $8.100000000e+01, v18;
	v18 =	vld.idx.msk [tilespmem:v10+s0+$0x0], $0xffff  }
0x29b: {  	v2 =	vtrunc.f32 v1;
	v8 =	vtrunc.f32 v14;
	v26 =	vld.idx.msk [tilespmem:v23+s0+$0x0], $0xffff  }
0x29c: {  	v27 =	vtrunc.f32 v6;
	v2 =	vcvt.f32.s32 v2  }
0x29d: {  	v4 =	vsub.f32 v0, v4;
	v28 =	vcvt.f32.s32 v8;
	v27 =	vcvt.f32.s32 v27  }
0x29e: {  	v8 =	vsub.f32 v3, v7;
	v29 =	vadd.s32 $0x1, v2;
	v7 =	vsub.f32 v21, v19  }
0x29f: {  	v3 =	vmul.u32 $0x9E3779B1, v27;
	v21 =	vsub.f32 v24, v22;
	v16 =	vsub.f32 v16, v25  }
0x2a0: {  	v24 =	vmul.u32 $0x30025795, v28;
	v7 =	vmul.f32 v7, v8;
	v26 =	vsub.f32 v26, v18  }
0x2a1: {  	v30 =	vxor.u32 v2, v3;
	v21 =	vmul.f32 v21, v8;
	v16 =	vmul.f32 v16, v8  }
0x2a2: {  	s21 =	simm.s32 $0x2020;
	v31 =	vxor.u32 v24, v30;
	v7 =	vadd.f32 v7, v19;
	v26 =	vmul.f32 v26, v8  }
0x2a3: {  	v56 =	vld [tilespmem:s21+$0x0];
	v19 =	vadd.f32 v21, v22;
	v21 =	vadd.s32 $0x30025795, v24;
	v16 =	vadd.f32 v16, v25  }
0x2a4: {  	v11 =	vld.idx.msk [tilespmem:v11+s28+$0x0], $0xffff;
	v31 =	vand.u32 $0x3FFF, v31;
	v18 =	vadd.f32 v26, v18;
	v25 =	vxor.u32 v30, v21  }
0x2a5: {  	v13 =	vld.idx.msk [tilespmem:v13+s28+$0x0], $0xffff;
	v30 =	vxor.u32 v29, v3;
	v3 =	vadd.s32 $0x9E3779B1, v3;
	v16 =	vsub.f32 v16, v7  }
0x2a6: {  	v15 =	vld.idx.msk [tilespmem:v15+s28+$0x0], $0xffff;
	v0 =	vxor.u32 v24, v30;
	v25 =	vand.u32 $0x3FFF, v25;
	v18 =	vsub.f32 v18, v19  }
0x2a7: {  	v17 =	vld.idx.msk [tilespmem:v17+s28+$0x0], $0xffff;
	v57 =	vand.u32 $0x3FFF, v0;
	v0 =	vxor.u32 v30, v21;
	v16 =	vmul.f32 v16, v4  }
0x2a8: {  	s20 =	simm.s32 $0x4020;
	v12 =	vld.idx.msk [tilespmem:v12+s28+$0x0], $0xffff;
	v58 =	vand.u32 $0x3FFF, v0;
	v0 =	vcvt.s32.f32 v9;
	v18 =	vmul.f32 v18, v4  }
0x2a9: {  	s11 =	simm.s32 $0x20;
	v26 =	vld [tilespmem:s20+$0x0];
	v9 =	vadd.f32 v16, v7;
	v7 =	vxor.u32 v2, v3  }
0x2aa: {  	v22 =	vld [tilespmem:s11+$0x0];
	v0 =	vsub.f32 v5, v0;
	v16 =	vadd.f32 v18, v19;
	v5 =	vxor.u32 v24, v7  }
0x2ab: {  	v30 =	vld.idx.msk [tilespmem:v31+s0+$0x0], $0xffff;
	v3 =	vxor.u32 v29, v3;
	v7 =	vxor.u32 v21, v7;
	v19 =	vand.u32 $0x3FFF, v5  }
0x2ac: {  	v18 =	vld.idx.msk [tilespmem:v25+s0+$0x0], $0xffff;
	v5 =	vsub.f32 v16, v9;
	v16 =	vxor.u32 v24, v3;
	v24 =	vand.u32 $0x3FFF, v7  }
0x2ad: {  	v29 =	vld.idx.msk [tilespmem:v57+s0+$0x0], $0xffff;
	v7 =	vsub.f32 v13, v11;
	v3 =	vxor.u32 v21, v3;
	v16 =	vand.u32 $0x3FFF, v16  }
0x2ae: {  	v38 =	vmul.f32 $8.100000000e+01, v26;
	v59 =	vld.idx.msk [tilespmem:v58+s0+$0x0], $0xffff;
	v60 =	vand.u32 $0x3FFF, v3;
	v3 =	vmul.f32 v5, v0  }
0x2af: {  	v17 =	vsub.f32 v17, v15;
	v13 =	vld.idx.msk [tilespmem:v20+s28+$0x0], $0xffff;
	v20 =	vmul.f32 v7, v8;
	v7 =	vmul.f32 $8.100000000e+01, v22  }
0x2b0: {  	v2 =	vcvt.s32.f32 v2;
	v5 =	vmul.f32 $8.100000000e+01, v56;
	v21 =	vld.idx.msk [tilespmem:v19+s0+$0x0], $0xffff  }
0x2b1: {  	v17 =	vmul.f32 v17, v8;
	v33 =	vadd.f32 v3, v9;
	v3 =	vtrunc.f32 v7;
	v22 =	vld.idx.msk [tilespmem:v24+s0+$0x0], $0xffff  }
0x2b2: {  	v1 =	vsub.f32 v1, v2;
	v9 =	vtrunc.f32 v38;
	v26 =	vtrunc.f32 v5;
	v61 =	vld.idx.msk [tilespmem:v16+s0+$0x0], $0xffff  }
0x2b3: {  	v11 =	vadd.f32 v20, v11;
	v3 =	vcvt.f32.s32 v3;
	v63 =	vcvt.f32.s32 v9;
	v20 =	vld.idx.msk [tilespmem:v60+s0+$0x0], $0xffff  }
0x2b4: {  	v62 =	vsub.f32 v13, v12;
	v9 =	vcvt.s32.f32 v28;
	v48 =	vcvt.f32.s32 v26  }
0x2b5: {  	v28 =	vadd.f32 v17, v15;
	v13 =	vcvt.s32.f32 v27;
	v15 =	vadd.s32 $0x1, v3  }
0x2b6: {  	v27 =	vmul.u32 $0x30025795, v63;
	v26 =	vsub.f32 v14, v9;
	v17 =	vmul.u32 $0x9E3779B1, v48  }
0x2b7: {  	v9 =	vsub.f32 v18, v30;
	v14 =	vsub.f32 v59, v29;
	v39 =	vmul.f32 v62, v8  }
0x2b8: {  	v49 =	vadd.s32 $0x30025795, v27;
	v18 =	vsub.f32 v22, v21;
	v20 =	vsub.f32 v20, v61  }
0x2b9: {  	v50 =	vmul.f32 v9, v26;
	v14 =	vmul.f32 v14, v26;
	v22 =	vld.idx.msk [tilespmem:v10+s28+$0x0], $0xffff;
	v10 =	vxor.u32 v3, v17  }
0x2ba: {  	s16 =	simm.s32 $0x30;
	v23 =	vld.idx.msk [tilespmem:v23+s28+$0x0], $0xffff;
	v9 =	vxor.u32 v27, v10;
	v18 =	vmul.f32 v18, v26;
	v20 =	vmul.f32 v20, v26  }
0x2bb: {  	v51 =	vld [tilespmem:s16+$0x0];
	s18 =	simm.s32 $0x2030;
	v30 =	vadd.f32 v50, v30;
	v29 =	vadd.f32 v14, v29;
	v10 =	vxor.u32 v10, v49  }
0x2bc: {  	v52 =	vld [tilespmem:s18+$0x0];
	v9 =	vand.u32 $0x3FFF, v9;
	v14 =	vadd.f32 v18, v21;
	v18 =	vadd.f32 v20, v61  }
0x2bd: {  	v31 =	vld.idx.msk [tilespmem:v31+s28+$0x0], $0xffff;
	v6 =	vsub.f32 v6, v13;
	v12 =	vadd.f32 v39, v12;
	v10 =	vand.u32 $0x3FFF, v10  }
0x2be: {  	v56 =	vld.idx.msk [tilespmem:v58+s28+$0x0], $0xffff;
	v21 =	vxor.u32 v15, v17;
	v14 =	vsub.f32 v14, v30;
	v18 =	vsub.f32 v18, v29  }
0x2bf: {  	s17 =	simm.s32 $0x4030;
	v24 =	vld.idx.msk [tilespmem:v24+s28+$0x0], $0xffff;
	v13 =	vxor.u32 v27, v21;
	v53 =	vsub.f32 v23, v22;
	v21 =	vxor.u32 v21, v49  }
0x2c0: {  	v20 =	vld [tilespmem:s17+$0x0];
	v13 =	vand.u32 $0x3FFF, v13;
	v54 =	vmul.f32 v14, v6;
	v18 =	vmul.f32 v18, v6  }
0x2c1: {  	v12 =	vsub.f32 v12, v11;
	v17 =	vadd.s32 $0x9E3779B1, v17;
	v23 =	vld.idx.msk [tilespmem:v9+s0+$0x0], $0xffff;
	v14 =	vand.u32 $0x3FFF, v21  }
0x2c2: {  	v8 =	vmul.f32 v53, v8;
	v21 =	vld.idx.msk [tilespmem:v25+s28+$0x0], $0xffff;
	v30 =	vadd.f32 v54, v30;
	v18 =	vadd.f32 v18, v29  }
0x2c3: {  	v40 =	vcvt.s32.f32 v63;
	v12 =	vmul.f32 v12, v4;
	v55 =	vld.idx.msk [tilespmem:v10+s0+$0x0], $0xffff;
	v25 =	vxor.u32 v3, v17  }
0x2c4: {  	v8 =	vadd.f32 v8, v22;
	v22 =	vld.idx.msk [tilespmem:v57+s28+$0x0], $0xffff;
	v2 =	vsub.f32 v18, v30;
	v18 =	vxor.u32 v27, v25  }
0x2c5: {  	v15 =	vxor.u32 v15, v17;
	v29 =	vld.idx.msk [tilespmem:v13+s0+$0x0], $0xffff;
	v25 =	vxor.u32 v49, v25;
	v17 =	vand.u32 $0x3FFF, v18  }
0x2c6: {  	v8 =	vsub.f32 v8, v28;
	v57 =	vld.idx.msk [tilespmem:v14+s0+$0x0], $0xffff;
	v27 =	vxor.u32 v27, v15;
	v18 =	vand.u32 $0x3FFF, v25  }
0x2c7: {  	v15 =	vxor.u32 v49, v15;
	v25 =	vld.idx.msk [tilespmem:v19+s28+$0x0], $0xffff;
	v19 =	vsub.f32 v21, v31;
	v21 =	vand.u32 $0x3FFF, v27  }
0x2c8: {  	v8 =	vmul.f32 v8, v4;
	v15 =	vand.u32 $0x3FFF, v15;
	v27 =	vld.idx.msk [tilespmem:v16+s28+$0x0], $0xffff;
	v2 =	vmul.f32 v2, v1  }
0x2c9: {  	v61 =	vsub.f32 v55, v23;
	v4 =	vmul.f32 $8.100000000e+01, v51;
	v16 =	vmul.f32 v19, v26;
	v19 =	vld.idx.msk [tilespmem:v60+s28+$0x0], $0xffff  }
0x2ca: {  	v8 =	vadd.f32 v8, v28;
	v28 =	vmul.f32 $8.100000000e+01, v52;
	v58 =	vadd.f32 v2, v30;
	v32 =	vld.idx.msk [tilespmem:v17+s0+$0x0], $0xffff  }
0x2cb: {  	v2 =	vadd.f32 v12, v11;
	v12 =	vsub.f32 v56, v22;
	v11 =	vmul.f32 $8.100000000e+01, v20;
	v59 =	vld.idx.msk [tilespmem:v18+s0+$0x0], $0xffff  }
0x2cc: {  	v20 =	vtrunc.f32 v4;
	v16 =	vadd.f32 v16, v31;
	v31 =	vtrunc.f32 v28;
	v36 =	vld.idx.msk [tilespmem:v21+s0+$0x0], $0xffff  }
0x2cd: {  	v62 =	vsub.f32 v57, v29;
	v12 =	vmul.f32 v12, v26;
	v30 =	vtrunc.f32 v11;
	v60 =	vld.idx.msk [tilespmem:v15+s0+$0x0], $0xffff  }
0x2ce: {  	v35 =	vsub.f32 v24, v25;
	v24 =	vcvt.f32.s32 v20;
	v8 =	vsub.f32 v8, v2  }
0x2cf: {  	s12 =	sand.u32 $0x3F00, s15;
	s22 =	sand.u32 $0x70, s15;
	v20 =	vcvt.f32.s32 v30;
	v22 =	vadd.f32 v12, v22;
	v12 =	vcvt.f32.s32 v31  }
0x2d0: {  	s13 =	sand.u32 $0x70, s23;
	s14 =	simm.s32 $0x20;
	s12 =	sor.u32 s22, s12;
	v39 =	vcvt.s32.f32 v48;
	v37 =	vsub.f32 v19, v27;
	v19 =	vsub.f32 v38, v40  }
0x2d1: {  	s23 =	sand.u32 $0x3F00, s14;
	s19 =	sadd.s32 $0x16000, s12;
	v34 =	vadd.s32 $0x1, v24;
	v30 =	vmul.u32 $0x30025795, v20;
	v38 =	vmul.u32 $0x9E3779B1, v12  }
0x2d2: {  	s13 =	sor.u32 s13, s23;
	[tilespmem:s19+$0x80] =	vst v33;
	v33 =	vmul.f32 v61, v19;
	v42 =	vsub.f32 v59, v32;
	v63 =	vsub.f32 v60, v36  }
0x2d3: {  	s15 =	sadd.s32 $0x16000, s13;
	v40 =	vmul.f32 v62, v19;
	v31 =	vadd.s32 $0x30025795, v30;
	v43 =	vxor.u32 v24, v38  }
0x2d4: {  	s19 =	simm.s32 $0x40;
	[tilespmem:s15+$0x80] =	vst v58;
	s15 =	simm.s32 $0x30;
	v44 =	vxor.u32 v30, v43;
	v41 =	vmul.f32 v42, v19;
	v42 =	vmul.f32 v63, v19  }
.LBB2_10:
0x2d5: {  	p0 =	sne.s32 s19, $0x1FF0;
	v44 =	vand.u32 $0x3FFF, v44;
	s16 =	sadd.s32 $0x10, s16;
	v33 =	vadd.f32 v33, v23;
	v29 =	vadd.f32 v40, v29  }
0x2d6: {  	v23 =	vxor.u32 v43, v31;
	s17 =	sadd.s32 $0x10, s17;
	v40 =	vld [tilespmem:s16+$0x0];
	v32 =	vadd.f32 v41, v32;
	v36 =	vadd.f32 v42, v36  }
0x2d7: {  	s18 =	sadd.s32 $0x10, s18;
	v39 =	vsub.f32 v5, v39;
	v5 =	vmovc v28;
	v42 =	vxor.u32 v34, v38;
	v43 =	vand.u32 $0x3FFF, v23;
	v41 =	vld [tilespmem:s17+$0x0]  }
0x2d8: {  	v23 =	vxor.u32 v30, v42;
	v28 =	vld [tilespmem:s18+$0x0];
	v32 =	vsub.f32 v32, v33;
	v36 =	vsub.f32 v36, v29  }
0x2d9: {  	v35 =	vmul.f32 v35, v26;
	v26 =	vmul.f32 v37, v26;
	v45 =	vand.u32 $0x3FFF, v23;
	v46 =	vld.idx.msk [tilespmem:v9+s28+$0x0], $0xffff;
	v9 =	vmovc v44  }
0x2da: {  	v37 =	vxor.u32 v42, v31;
	v23 =	vld.idx.msk [tilespmem:v44+s0+$0x0], $0xffff;
	v32 =	vmul.f32 v32, v39;
	v36 =	vmul.f32 v36, v39  }
0x2db: {  	v25 =	vadd.f32 v35, v25;
	v26 =	vadd.f32 v26, v27;
	v37 =	vand.u32 $0x3FFF, v37;
	v42 =	vld.idx.msk [tilespmem:v10+s28+$0x0], $0xffff;
	v10 =	vmovc v43  }
0x2dc: {  	v27 =	vcvt.s32.f32 v3;
	v3 =	vmovc v24;
	v43 =	vld.idx.msk [tilespmem:v43+s0+$0x0], $0xffff;
	v32 =	vadd.f32 v32, v33;
	v33 =	vadd.f32 v36, v29  }
0x2dd: {  	v24 =	vadd.s32 $0x9E3779B1, v38;
	v25 =	vsub.f32 v25, v16;
	v26 =	vsub.f32 v26, v22;
	v38 =	vld.idx.msk [tilespmem:v13+s28+$0x0], $0xffff;
	v13 =	vmovc v45  }
0x2de: {  	v35 =	vxor.u32 v3, v24;
	v7 =	vsub.f32 v7, v27;
	v29 =	vld.idx.msk [tilespmem:v45+s0+$0x0], $0xffff;
	v27 =	vsub.f32 v33, v32  }
0x2df: {  	v24 =	vxor.u32 v34, v24;
	v36 =	vmul.f32 v25, v6;
	v33 =	vxor.u32 v30, v35;
	v34 =	vld.idx.msk [tilespmem:v14+s28+$0x0], $0xffff  }
0x2e0: {  	s14 =	sadd.s32 $0x20, s14;
	v25 =	vxor.u32 v31, v35;
	v33 =	vand.u32 $0x3FFF, v33;
	v14 =	vmovc v37;
	v44 =	vld.idx.msk [tilespmem:v37+s0+$0x0], $0xffff;
	v27 =	vmul.f32 v27, v7  }
0x2e1: {  	s20 =	sand.u32 $0x70, s11;
	s11 =	smov.u32 s15;
	s21 =	sand.u32 $0x3F00, s14;
	v30 =	vxor.u32 v30, v24;
	v35 =	vand.u32 $0x3FFF, v25;
	v37 =	vsub.f32 v42, v46;
	v25 =	vld.idx.msk [tilespmem:v17+s28+$0x0], $0xffff;
	v17 =	vmovc v33  }
0x2e2: {  	s15 =	smov.u32 s19;
	s20 =	sor.u32 s20, s21;
	v24 =	vxor.u32 v31, v24;
	v30 =	vand.u32 $0x3FFF, v30;
	v31 =	vld.idx.msk [tilespmem:v18+s28+$0x0], $0xffff;
	v32 =	vadd.f32 v27, v32;
	v18 =	vmovc v35  }
0x2e3: {  	s21 =	sadd.s32 $0x16000, s20;
	v26 =	vmul.f32 v26, v6;
	v6 =	vmovc v39;
	v24 =	vand.u32 $0x3FFF, v24;
	v42 =	vmul.f32 v37, v19;
	v27 =	vld.idx.msk [tilespmem:v21+s28+$0x0], $0xffff  }
0x2e4: {  	v8 =	vmul.f32 v8, v0;
	v0 =	vmov v1;
	v39 =	vadd.f32 v36, v16;
	v37 =	vld.idx.msk [tilespmem:v15+s28+$0x0], $0xffff;
	[tilespmem:s21+$0x80] =	vst v32  }
0x2e5: {  	v1 =	vmovc v7;
	v21 =	vmov v30;
	v16 =	vadd.f32 v42, v46;
	v32 =	vld.idx.msk [tilespmem:v33+s0+$0x0], $0xffff;
	v33 =	vsub.f32 v34, v38  }
0x2e6: {  	v41 =	vmul.f32 $8.100000000e+01, v41;
	v7 =	vmovc v4;
	v4 =	vmul.f32 $8.100000000e+01, v40;
	v15 =	vmovc v24;
	v34 =	vadd.f32 v26, v22;
	v42 =	vld.idx.msk [tilespmem:v35+s0+$0x0], $0xffff  }
0x2e7: {  	v8 =	vadd.f32 v8, v2;
	v28 =	vmul.f32 $8.100000000e+01, v28;
	v2 =	vmovc v39;
	v36 =	vld.idx.msk [tilespmem:v30+s0+$0x0], $0xffff;
	v22 =	vmul.f32 v33, v19  }
0x2e8: {  	v26 =	vmovc v19;
	v30 =	vtrunc.f32 v4;
	v33 =	vtrunc.f32 v41;
	v35 =	vsub.f32 v31, v25;
	v40 =	vld.idx.msk [tilespmem:v24+s0+$0x0], $0xffff  }
0x2e9: {  	v19 =	vtrunc.f32 v28;
	v24 =	vcvt.f32.s32 v30;
	v22 =	vadd.f32 v22, v38;
	[tilespmem:s12+$0x16000] =	vst v8;
	s12 =	smov.u32 s13;
	s13 =	smov.u32 s20  }
0x2ea: {  	v31 =	vcvt.s32.f32 v20;
	v20 =	vcvt.f32.s32 v33;
	v37 =	vsub.f32 v37, v27  }
0x2eb: {  	v39 =	vcvt.s32.f32 v12;
	v12 =	vcvt.f32.s32 v19;
	v8 =	vsub.f32 v34, v2  }
.Ltmp4:
0x2ec: {  	v19 =	vsub.f32 v11, v31;
	v11 =	vmovc v41;
	v34 =	vadd.s32 $0x1, v24;
	v30 =	vmul.u32 $0x30025795, v20;
	(pc) =	sbr.rel @p0 .LBB2_10-.Ltmp4, $4  }
0x2ed: {  	v33 =	vsub.f32 v43, v23;
	v41 =	vsub.f32 v44, v29;
	v38 =	vmul.u32 $0x9E3779B1, v12  }
0x2ee: {  	v42 =	vsub.f32 v42, v32;
	v31 =	vadd.s32 $0x30025795, v30;
	v45 =	vsub.f32 v40, v36  }
0x2ef: {  	v33 =	vmul.f32 v33, v19;
	v43 =	vxor.u32 v24, v38;
	v40 =	vmul.f32 v41, v19  }
0x2f0: {  	s19 =	sadd.s32 $0x10, s19;
	v44 =	vxor.u32 v30, v43;
	v41 =	vmul.f32 v42, v19;
	v42 =	vmul.f32 v45, v19  }
0x2f1: {  	_ =	sdelay $0x2  }
0x2f2: {  	v44 =	vand.u32 $0x3FFF, v44;
	v43 =	vxor.u32 v43, v31;
	v45 =	vxor.u32 v34, v38  }
0x2f3: {  	v9 =	vld.idx.msk [tilespmem:v9+s28+$0x0], $0xffff;
	v23 =	vadd.f32 v33, v23;
	v29 =	vadd.f32 v40, v29;
	v35 =	vmul.f32 v35, v26  }
0x2f4: {  	v10 =	vld.idx.msk [tilespmem:v10+s28+$0x0], $0xffff;
	v5 =	vsub.f32 v5, v39;
	v26 =	vmul.f32 v37, v26;
	v3 =	vcvt.s32.f32 v3  }
0x2f5: {  	v13 =	vld.idx.msk [tilespmem:v13+s28+$0x0], $0xffff;
	v12 =	vcvt.s32.f32 v12;
	v0 =	vmul.f32 v8, v0;
	v46 =	vxor.u32 v30, v45  }
0x2f6: {  	v14 =	vld.idx.msk [tilespmem:v14+s28+$0x0], $0xffff;
	v45 =	vxor.u32 v45, v31;
	v36 =	vadd.f32 v42, v36;
	v42 =	vadd.s32 $0x9E3779B1, v38  }
0x2f7: {  	v17 =	vld.idx.msk [tilespmem:v17+s28+$0x0], $0xffff;
	v43 =	vand.u32 $0x3FFF, v43;
	v62 =	vand.u32 $0x3FFF, v45;
	v45 =	vxor.u32 v24, v42  }
0x2f8: {  	v18 =	vld.idx.msk [tilespmem:v18+s28+$0x0], $0xffff;
	v32 =	vadd.f32 v41, v32;
	v46 =	vand.u32 $0x3FFF, v46;
	v50 =	vxor.u32 v30, v45  }
0x2f9: {  	v21 =	vld.idx.msk [tilespmem:v21+s28+$0x0], $0xffff;
	v49 =	vxor.u32 v34, v42;
	v39 =	vxor.u32 v31, v45;
	v38 =	vand.u32 $0x3FFF, v50  }
0x2fa: {  	v15 =	vld.idx.msk [tilespmem:v15+s28+$0x0], $0xffff;
	v25 =	vadd.f32 v35, v25;
	v30 =	vxor.u32 v30, v49;
	v39 =	vand.u32 $0x3FFF, v39  }
0x2fb: {  	v26 =	vadd.f32 v26, v27;
	v31 =	vxor.u32 v31, v49;
	v30 =	vand.u32 $0x3FFF, v30;
	v47 =	vld.idx.msk [tilespmem:v44+s0+$0x0], $0xffff  }
0x2fc: {  	v3 =	vsub.f32 v7, v3;
	v12 =	vsub.f32 v28, v12;
	v31 =	vand.u32 $0x3FFF, v31;
	v63 =	vld.idx.msk [tilespmem:v43+s0+$0x0], $0xffff  }
0x2fd: {  	v0 =	vadd.f32 v0, v2;
	v25 =	vsub.f32 v25, v16;
	v48 =	vld.idx.msk [tilespmem:v46+s0+$0x0], $0xffff  }
0x2fe: {  	v32 =	vsub.f32 v32, v23;
	v10 =	vsub.f32 v10, v9;
	v27 =	vld.idx.msk [tilespmem:v38+s0+$0x0], $0xffff  }
0x2ff: {  	v36 =	vsub.f32 v36, v29;
	v26 =	vsub.f32 v26, v22;
	v25 =	vmul.f32 v25, v6;
	v53 =	vld.idx.msk [tilespmem:v39+s0+$0x0], $0xffff  }
0x300: {  	v32 =	vmul.f32 v32, v5;
	v7 =	vmul.f32 v10, v19;
	v10 =	vsub.f32 v14, v13;
	v14 =	vld.idx.msk [tilespmem:v30+s0+$0x0], $0xffff  }
0x301: {  	v52 =	vmul.f32 v36, v5;
	v18 =	vsub.f32 v18, v17;
	v16 =	vadd.f32 v25, v16;
	v25 =	vld.idx.msk [tilespmem:v31+s0+$0x0], $0xffff  }
0x302: {  	v15 =	vsub.f32 v15, v21;
	v51 =	vld.idx.msk [tilespmem:v62+s0+$0x0], $0xffff;
	v7 =	vadd.f32 v7, v9;
	v9 =	vmul.f32 v10, v19  }
0x303: {  	v6 =	vmul.f32 v26, v6;
	v23 =	vadd.f32 v32, v23;
	v26 =	vld.idx.msk [tilespmem:v46+s28+$0x0], $0xffff;
	v10 =	vcvt.s32.f32 v20  }
0x304: {  	v29 =	vadd.f32 v52, v29;
	v33 =	vld.idx.msk [tilespmem:v62+s28+$0x0], $0xffff;
	v9 =	vadd.f32 v9, v13  }
0x305: {  	v20 =	vld.idx.msk [tilespmem:v44+s28+$0x0], $0xffff;
	v10 =	vsub.f32 v11, v10;
	v13 =	vsub.f32 v63, v47  }
0x306: {  	v54 =	vld.idx.msk [tilespmem:v38+s28+$0x0], $0xffff;
	v32 =	vsub.f32 v53, v27;
	v25 =	vsub.f32 v25, v14  }
0x307: {  	v18 =	vmul.f32 v18, v19;
	v6 =	vadd.f32 v6, v22;
	v55 =	vld.idx.msk [tilespmem:v39+s28+$0x0], $0xffff;
	v13 =	vmul.f32 v13, v10  }
0x308: {  	v29 =	vsub.f32 v29, v23;
	v30 =	vld.idx.msk [tilespmem:v30+s28+$0x0], $0xffff;
	v32 =	vmul.f32 v32, v10;
	v25 =	vmul.f32 v25, v10  }
0x309: {  	v15 =	vmul.f32 v15, v19;
	v17 =	vadd.f32 v18, v17;
	v11 =	vld.idx.msk [tilespmem:v43+s28+$0x0], $0xffff;
	v13 =	vadd.f32 v13, v47  }
0x30a: {  	v27 =	vadd.f32 v32, v27;
	v14 =	vadd.f32 v25, v14;
	v25 =	vld.idx.msk [tilespmem:v31+s28+$0x0], $0xffff  }
0x30b: {  	v15 =	vadd.f32 v15, v21;
	v22 =	vsub.f32 v51, v48  }
0x30c: {  	v17 =	vsub.f32 v17, v7;
	v19 =	vsub.f32 v27, v13  }
0x30d: {  	v15 =	vsub.f32 v15, v9;
	v22 =	vmul.f32 v22, v10;
	v21 =	vsub.f32 v55, v54  }
0x30e: {  	v11 =	vsub.f32 v11, v20;
	v18 =	vmul.f32 v19, v12;
	v19 =	vsub.f32 v33, v26  }
0x30f: {  	v22 =	vadd.f32 v22, v48;
	v25 =	vsub.f32 v25, v30  }
0x310: {  	v11 =	vmul.f32 v11, v10;
	v13 =	vadd.f32 v18, v13;
	v18 =	vmul.f32 v19, v10  }
0x311: {  	v14 =	vsub.f32 v14, v22;
	v19 =	vmul.f32 v21, v10;
	v10 =	vmul.f32 v25, v10  }
0x312: {  	v11 =	vadd.f32 v11, v20;
	v18 =	vadd.f32 v18, v26  }
0x313: {  	v19 =	vadd.f32 v19, v54;
	v10 =	vadd.f32 v10, v30  }
0x314: {  	v6 =	vsub.f32 v6, v16;
	v17 =	vmul.f32 v17, v5;
	v14 =	vmul.f32 v14, v12  }
0x315: {  	v5 =	vmul.f32 v15, v5;
	v19 =	vsub.f32 v19, v11;
	v10 =	vsub.f32 v10, v18  }
0x316: {  	v7 =	vadd.f32 v17, v7;
	v20 =	vcvt.s32.f32 v24;
	v14 =	vadd.f32 v14, v22  }
0x317: {  	v5 =	vadd.f32 v5, v9;
	v15 =	vmul.f32 v19, v12;
	v10 =	vmul.f32 v10, v12  }
0x318: {  	v4 =	vsub.f32 v4, v20;
	v14 =	vsub.f32 v14, v13  }
0x319: {  	v1 =	vmul.f32 v6, v1;
	v8 =	vadd.f32 v15, v11;
	v9 =	vadd.f32 v10, v18  }
0x31a: {  	s14 =	sadd.s32 $0x20, s14;
	v5 =	vsub.f32 v5, v7;
	v12 =	vmul.f32 v29, v3  }
0x31b: {  	s11 =	sand.u32 $0x70, s11;
	s16 =	sand.u32 $0x3F00, s14;
	s14 =	sadd.s32 $0x20, s14;
	[tilespmem:s12+$0x16000] =	vst v0;
	v0 =	vadd.f32 v1, v16;
	v11 =	vmul.f32 v14, v4;
	v2 =	vsub.f32 v9, v8  }
0x31c: {  	s15 =	sand.u32 $0x70, s15;
	s11 =	sor.u32 s11, s16;
	s14 =	sand.u32 $0x3F00, s14;
	v3 =	vmul.f32 v5, v3;
	v10 =	vadd.f32 v12, v23  }
0x31d: {  	s16 =	sadd.s32 $0x16000, s11;
	s14 =	sor.u32 s15, s14;
	[tilespmem:s13+$0x16000] =	vst v0;
	v6 =	vadd.f32 v11, v13;
	v1 =	vmul.f32 v2, v4  }
0x31e: {  	s23 =	sadd.s32 $0x16000, s14;
	[tilespmem:s16+$0x80] =	vst v10;
	v2 =	vadd.f32 v3, v7  }
0x31f: {  	[tilespmem:s23+$0x80] =	vst v6;
	v0 =	vadd.f32 v1, v8  }
0x320: {  	[tilespmem:s11+$0x16000] =	vst v2  }
0x321: {  	[tilespmem:s14+$0x16000] =	vst v0  }
0x322: {  	s11 =	rddreg [dreg:$0x10]  }
0x323: {  	[hbm4b:s11+s1] =	stream.strided.scatter [tilespmem:s4], [sflag:$0x3], $0x4000, s3, s1, $0x38;
	[tilespmem:$0x1E000] =	vst v63  }
0x324: {  	s15 =	simm.s32 $0x0;
	s20 =	rddreg [dreg:$0x11]  }
0x325: {  	[tilespmem:s28], [sflag:$0x1] =	stream.linear.gather [hbm4b:s20+s15], $0x8000, $0x38;
	[tilespmem:$0x1E000] =	vst v63  }
0x326: {  	_ =	swait.ge [sflag:s5], $0x8000  }
0x327: {  	[sflag:s5] =	ssyncset.done $0x0  }
0x328: {  	[sflag:s5] =	ssyncadd.s32 $0xFFFF8000  }
0x329: {  	_ =	swait.ge [sflag:s9], $0x4000  }
0x32a: {  	[sflag:s9] =	ssyncset.done $0x0  }
0x32b: {  	s21 =	simm.s32 $0x2000;
	[sflag:s9] =	ssyncadd.s32 $0xFFFFC000  }
0x32c: {  	s22 =	simm.s32 $0x4000;
	v0 =	vld [tilespmem:s21+$0x0]  }
0x32d: {  	v1 =	vld [tilespmem:s22+$0x0]  }
0x32e: {  	v2 =	vld [tilespmem:s15+$0x0];
	_ =	sdelay $0x2  }
0x32f: {  	v0 =	vmul.f32 $1.210000000e+02, v0  }
0x330: {  	v3 =	vmul.f32 $1.210000000e+02, v1  }
0x331: {  	v5 =	vmul.f32 $1.210000000e+02, v2;
	v1 =	vtrunc.f32 v0  }
0x332: {  	v2 =	vtrunc.f32 v3;
	v4 =	vcvt.f32.s32 v1  }
0x333: {  	v1 =	vtrunc.f32 v5;
	v7 =	vcvt.f32.s32 v2  }
0x334: {  	v9 =	vcvt.f32.s32 v1;
	v1 =	vmul.u32 $0x9E3779B1, v4  }
0x335: {  	v2 =	vmul.u32 $0x30025795, v7  }
0x336: {  	v6 =	vxor.u32 v9, v1  }
0x337: {  	v8 =	vadd.s32 $0x1, v9;
	v10 =	vadd.s32 $0x30025795, v2;
	v11 =	vxor.u32 v2, v6  }
0x338: {  	v12 =	vxor.u32 v8, v1;
	v6 =	vxor.u32 v6, v10;
	v11 =	vand.u32 $0x3FFF, v11  }
0x339: {  	s23 =	simm.s32 $0x10;
	v1 =	vadd.s32 $0x9E3779B1, v1;
	v13 =	vand.u32 $0x3FFF, v6;
	v6 =	vxor.u32 v2, v12  }
0x33a: {  	s18 =	simm.s32 $0x4010;
	v14 =	vld [tilespmem:s23+$0x0];
	v15 =	vand.u32 $0x3FFF, v6;
	v6 =	vxor.u32 v12, v10;
	v12 =	vxor.u32 v9, v1  }
0x33b: {  	s19 =	simm.s32 $0x2010;
	v16 =	vld [tilespmem:s18+$0x0];
	v17 =	vand.u32 $0x3FFF, v6;
	v6 =	vxor.u32 v2, v12  }
0x33c: {  	v18 =	vld [tilespmem:s19+$0x0];
	v1 =	vxor.u32 v8, v1;
	v8 =	vxor.u32 v10, v12;
	v12 =	vand.u32 $0x3FFF, v6  }
0x33d: {  	v2 =	vxor.u32 v2, v1;
	v20 =	vand.u32 $0x3FFF, v8;
	v19 =	vld.idx.msk [tilespmem:v11+s6+$0x0], $0xffff  }
0x33e: {  	v1 =	vxor.u32 v10, v1;
	v10 =	vand.u32 $0x3FFF, v2;
	v21 =	vld.idx.msk [tilespmem:v13+s6+$0x0], $0xffff  }
0x33f: {  	v23 =	vand.u32 $0x3FFF, v1;
	v22 =	vld.idx.msk [tilespmem:v15+s6+$0x0], $0xffff  }
0x340: {  	v24 =	vld.idx.msk [tilespmem:v17+s6+$0x0], $0xffff  }
0x341: {  	v7 =	vcvt.s32.f32 v7;
	v25 =	vld.idx.msk [tilespmem:v12+s6+$0x0], $0xffff  }
0x342: {  	v1 =	vmul.f32 $1.210000000e+02, v14;
	v14 =	vmul.f32 $1.210000000e+02, v16;
	v16 =	vld.idx.msk [tilespmem:v20+s6+$0x0], $0xffff  }
0x343: {  	v4 =	vcvt.s32.f32 v4;
	v6 =	vmul.f32 $1.210000000e+02, v18;
	v18 =	vld.idx.msk [tilespmem:v10+s6+$0x0], $0xffff  }
0x344: {  	v2 =	vtrunc.f32 v1;
	v8 =	vtrunc.f32 v14;
	v26 =	vld.idx.msk [tilespmem:v23+s6+$0x0], $0xffff  }
0x345: {  	v27 =	vtrunc.f32 v6;
	v2 =	vcvt.f32.s32 v2  }
0x346: {  	v4 =	vsub.f32 v0, v4;
	v28 =	vcvt.f32.s32 v8;
	v27 =	vcvt.f32.s32 v27  }
0x347: {  	v8 =	vsub.f32 v3, v7;
	v29 =	vadd.s32 $0x1, v2;
	v7 =	vsub.f32 v21, v19  }
0x348: {  	v3 =	vmul.u32 $0x9E3779B1, v27;
	v21 =	vsub.f32 v24, v22;
	v16 =	vsub.f32 v16, v25  }
0x349: {  	v24 =	vmul.u32 $0x30025795, v28;
	v7 =	vmul.f32 v7, v8;
	v26 =	vsub.f32 v26, v18  }
0x34a: {  	v30 =	vxor.u32 v2, v3;
	v21 =	vmul.f32 v21, v8;
	v16 =	vmul.f32 v16, v8  }
0x34b: {  	s21 =	simm.s32 $0x2020;
	v31 =	vxor.u32 v24, v30;
	v7 =	vadd.f32 v7, v19;
	v26 =	vmul.f32 v26, v8  }
0x34c: {  	v56 =	vld [tilespmem:s21+$0x0];
	v19 =	vadd.f32 v21, v22;
	v21 =	vadd.s32 $0x30025795, v24;
	v16 =	vadd.f32 v16, v25  }
0x34d: {  	v11 =	vld.idx.msk [tilespmem:v11+s30+$0x0], $0xffff;
	v31 =	vand.u32 $0x3FFF, v31;
	v18 =	vadd.f32 v26, v18;
	v25 =	vxor.u32 v30, v21  }
0x34e: {  	v13 =	vld.idx.msk [tilespmem:v13+s30+$0x0], $0xffff;
	v30 =	vxor.u32 v29, v3;
	v3 =	vadd.s32 $0x9E3779B1, v3;
	v16 =	vsub.f32 v16, v7  }
0x34f: {  	v15 =	vld.idx.msk [tilespmem:v15+s30+$0x0], $0xffff;
	v0 =	vxor.u32 v24, v30;
	v25 =	vand.u32 $0x3FFF, v25;
	v18 =	vsub.f32 v18, v19  }
0x350: {  	v17 =	vld.idx.msk [tilespmem:v17+s30+$0x0], $0xffff;
	v57 =	vand.u32 $0x3FFF, v0;
	v0 =	vxor.u32 v30, v21;
	v16 =	vmul.f32 v16, v4  }
0x351: {  	s20 =	simm.s32 $0x4020;
	v12 =	vld.idx.msk [tilespmem:v12+s30+$0x0], $0xffff;
	v58 =	vand.u32 $0x3FFF, v0;
	v0 =	vcvt.s32.f32 v9;
	v18 =	vmul.f32 v18, v4  }
0x352: {  	s11 =	simm.s32 $0x20;
	v26 =	vld [tilespmem:s20+$0x0];
	v9 =	vadd.f32 v16, v7;
	v7 =	vxor.u32 v2, v3  }
0x353: {  	v22 =	vld [tilespmem:s11+$0x0];
	v0 =	vsub.f32 v5, v0;
	v16 =	vadd.f32 v18, v19;
	v5 =	vxor.u32 v24, v7  }
0x354: {  	v30 =	vld.idx.msk [tilespmem:v31+s6+$0x0], $0xffff;
	v3 =	vxor.u32 v29, v3;
	v7 =	vxor.u32 v21, v7;
	v19 =	vand.u32 $0x3FFF, v5  }
0x355: {  	v18 =	vld.idx.msk [tilespmem:v25+s6+$0x0], $0xffff;
	v5 =	vsub.f32 v16, v9;
	v16 =	vxor.u32 v24, v3;
	v24 =	vand.u32 $0x3FFF, v7  }
0x356: {  	v29 =	vld.idx.msk [tilespmem:v57+s6+$0x0], $0xffff;
	v7 =	vsub.f32 v13, v11;
	v3 =	vxor.u32 v21, v3;
	v16 =	vand.u32 $0x3FFF, v16  }
0x357: {  	v38 =	vmul.f32 $1.210000000e+02, v26;
	v59 =	vld.idx.msk [tilespmem:v58+s6+$0x0], $0xffff;
	v60 =	vand.u32 $0x3FFF, v3;
	v3 =	vmul.f32 v5, v0  }
0x358: {  	v17 =	vsub.f32 v17, v15;
	v13 =	vld.idx.msk [tilespmem:v20+s30+$0x0], $0xffff;
	v20 =	vmul.f32 v7, v8;
	v7 =	vmul.f32 $1.210000000e+02, v22  }
0x359: {  	v2 =	vcvt.s32.f32 v2;
	v5 =	vmul.f32 $1.210000000e+02, v56;
	v21 =	vld.idx.msk [tilespmem:v19+s6+$0x0], $0xffff  }
0x35a: {  	v17 =	vmul.f32 v17, v8;
	v33 =	vadd.f32 v3, v9;
	v3 =	vtrunc.f32 v7;
	v22 =	vld.idx.msk [tilespmem:v24+s6+$0x0], $0xffff  }
0x35b: {  	v1 =	vsub.f32 v1, v2;
	v9 =	vtrunc.f32 v38;
	v26 =	vtrunc.f32 v5;
	v61 =	vld.idx.msk [tilespmem:v16+s6+$0x0], $0xffff  }
0x35c: {  	v11 =	vadd.f32 v20, v11;
	v3 =	vcvt.f32.s32 v3;
	v63 =	vcvt.f32.s32 v9;
	v20 =	vld.idx.msk [tilespmem:v60+s6+$0x0], $0xffff  }
0x35d: {  	v62 =	vsub.f32 v13, v12;
	v9 =	vcvt.s32.f32 v28;
	v48 =	vcvt.f32.s32 v26  }
0x35e: {  	v28 =	vadd.f32 v17, v15;
	v13 =	vcvt.s32.f32 v27;
	v15 =	vadd.s32 $0x1, v3  }
0x35f: {  	v27 =	vmul.u32 $0x30025795, v63;
	v26 =	vsub.f32 v14, v9;
	v17 =	vmul.u32 $0x9E3779B1, v48  }
0x360: {  	v9 =	vsub.f32 v18, v30;
	v14 =	vsub.f32 v59, v29;
	v39 =	vmul.f32 v62, v8  }
0x361: {  	v49 =	vadd.s32 $0x30025795, v27;
	v18 =	vsub.f32 v22, v21;
	v20 =	vsub.f32 v20, v61  }
0x362: {  	v50 =	vmul.f32 v9, v26;
	v14 =	vmul.f32 v14, v26;
	v22 =	vld.idx.msk [tilespmem:v10+s30+$0x0], $0xffff;
	v10 =	vxor.u32 v3, v17  }
0x363: {  	s16 =	simm.s32 $0x30;
	v23 =	vld.idx.msk [tilespmem:v23+s30+$0x0], $0xffff;
	v9 =	vxor.u32 v27, v10;
	v18 =	vmul.f32 v18, v26;
	v20 =	vmul.f32 v20, v26  }
0x364: {  	v51 =	vld [tilespmem:s16+$0x0];
	s18 =	simm.s32 $0x2030;
	v30 =	vadd.f32 v50, v30;
	v29 =	vadd.f32 v14, v29;
	v10 =	vxor.u32 v10, v49  }
0x365: {  	v52 =	vld [tilespmem:s18+$0x0];
	v9 =	vand.u32 $0x3FFF, v9;
	v14 =	vadd.f32 v18, v21;
	v18 =	vadd.f32 v20, v61  }
0x366: {  	v31 =	vld.idx.msk [tilespmem:v31+s30+$0x0], $0xffff;
	v6 =	vsub.f32 v6, v13;
	v12 =	vadd.f32 v39, v12;
	v10 =	vand.u32 $0x3FFF, v10  }
0x367: {  	v56 =	vld.idx.msk [tilespmem:v58+s30+$0x0], $0xffff;
	v21 =	vxor.u32 v15, v17;
	v14 =	vsub.f32 v14, v30;
	v18 =	vsub.f32 v18, v29  }
0x368: {  	s17 =	simm.s32 $0x4030;
	v24 =	vld.idx.msk [tilespmem:v24+s30+$0x0], $0xffff;
	v13 =	vxor.u32 v27, v21;
	v53 =	vsub.f32 v23, v22;
	v21 =	vxor.u32 v21, v49  }
0x369: {  	v20 =	vld [tilespmem:s17+$0x0];
	v13 =	vand.u32 $0x3FFF, v13;
	v54 =	vmul.f32 v14, v6;
	v18 =	vmul.f32 v18, v6  }
0x36a: {  	v12 =	vsub.f32 v12, v11;
	v17 =	vadd.s32 $0x9E3779B1, v17;
	v23 =	vld.idx.msk [tilespmem:v9+s6+$0x0], $0xffff;
	v14 =	vand.u32 $0x3FFF, v21  }
0x36b: {  	v8 =	vmul.f32 v53, v8;
	v21 =	vld.idx.msk [tilespmem:v25+s30+$0x0], $0xffff;
	v30 =	vadd.f32 v54, v30;
	v18 =	vadd.f32 v18, v29  }
0x36c: {  	v40 =	vcvt.s32.f32 v63;
	v12 =	vmul.f32 v12, v4;
	v55 =	vld.idx.msk [tilespmem:v10+s6+$0x0], $0xffff;
	v25 =	vxor.u32 v3, v17  }
0x36d: {  	v8 =	vadd.f32 v8, v22;
	v22 =	vld.idx.msk [tilespmem:v57+s30+$0x0], $0xffff;
	v2 =	vsub.f32 v18, v30;
	v18 =	vxor.u32 v27, v25  }
0x36e: {  	v15 =	vxor.u32 v15, v17;
	v29 =	vld.idx.msk [tilespmem:v13+s6+$0x0], $0xffff;
	v25 =	vxor.u32 v49, v25;
	v17 =	vand.u32 $0x3FFF, v18  }
0x36f: {  	v8 =	vsub.f32 v8, v28;
	v57 =	vld.idx.msk [tilespmem:v14+s6+$0x0], $0xffff;
	v27 =	vxor.u32 v27, v15;
	v18 =	vand.u32 $0x3FFF, v25  }
0x370: {  	v15 =	vxor.u32 v49, v15;
	v25 =	vld.idx.msk [tilespmem:v19+s30+$0x0], $0xffff;
	v19 =	vsub.f32 v21, v31;
	v21 =	vand.u32 $0x3FFF, v27  }
0x371: {  	v8 =	vmul.f32 v8, v4;
	v15 =	vand.u32 $0x3FFF, v15;
	v27 =	vld.idx.msk [tilespmem:v16+s30+$0x0], $0xffff;
	v2 =	vmul.f32 v2, v1  }
0x372: {  	v61 =	vsub.f32 v55, v23;
	v4 =	vmul.f32 $1.210000000e+02, v51;
	v16 =	vmul.f32 v19, v26;
	v19 =	vld.idx.msk [tilespmem:v60+s30+$0x0], $0xffff  }
0x373: {  	v8 =	vadd.f32 v8, v28;
	v28 =	vmul.f32 $1.210000000e+02, v52;
	v58 =	vadd.f32 v2, v30;
	v32 =	vld.idx.msk [tilespmem:v17+s6+$0x0], $0xffff  }
0x374: {  	v2 =	vadd.f32 v12, v11;
	v12 =	vsub.f32 v56, v22;
	v11 =	vmul.f32 $1.210000000e+02, v20;
	v59 =	vld.idx.msk [tilespmem:v18+s6+$0x0], $0xffff  }
0x375: {  	v20 =	vtrunc.f32 v4;
	v16 =	vadd.f32 v16, v31;
	v31 =	vtrunc.f32 v28;
	v36 =	vld.idx.msk [tilespmem:v21+s6+$0x0], $0xffff  }
0x376: {  	v62 =	vsub.f32 v57, v29;
	v12 =	vmul.f32 v12, v26;
	v30 =	vtrunc.f32 v11;
	v60 =	vld.idx.msk [tilespmem:v15+s6+$0x0], $0xffff  }
0x377: {  	v35 =	vsub.f32 v24, v25;
	v24 =	vcvt.f32.s32 v20;
	v8 =	vsub.f32 v8, v2  }
0x378: {  	s12 =	sand.u32 $0x3F00, s15;
	s22 =	sand.u32 $0x70, s15;
	v20 =	vcvt.f32.s32 v30;
	v22 =	vadd.f32 v12, v22;
	v12 =	vcvt.f32.s32 v31  }
0x379: {  	s13 =	sand.u32 $0x70, s23;
	s14 =	simm.s32 $0x20;
	s12 =	sor.u32 s22, s12;
	v39 =	vcvt.s32.f32 v48;
	v37 =	vsub.f32 v19, v27;
	v19 =	vsub.f32 v38, v40  }
0x37a: {  	s23 =	sand.u32 $0x3F00, s14;
	s19 =	sadd.s32 $0x1A000, s12;
	v34 =	vadd.s32 $0x1, v24;
	v30 =	vmul.u32 $0x30025795, v20;
	v38 =	vmul.u32 $0x9E3779B1, v12  }
0x37b: {  	s13 =	sor.u32 s13, s23;
	[tilespmem:s19+$0x80] =	vst v33;
	v33 =	vmul.f32 v61, v19;
	v42 =	vsub.f32 v59, v32;
	v63 =	vsub.f32 v60, v36  }
0x37c: {  	s15 =	sadd.s32 $0x1A000, s13;
	v40 =	vmul.f32 v62, v19;
	v31 =	vadd.s32 $0x30025795, v30;
	v43 =	vxor.u32 v24, v38  }
0x37d: {  	s19 =	simm.s32 $0x40;
	[tilespmem:s15+$0x80] =	vst v58;
	s15 =	simm.s32 $0x30;
	v44 =	vxor.u32 v30, v43;
	v41 =	vmul.f32 v42, v19;
	v42 =	vmul.f32 v63, v19  }
.LBB2_12:
0x37e: {  	p0 =	sne.s32 s19, $0x1FF0;
	v44 =	vand.u32 $0x3FFF, v44;
	s16 =	sadd.s32 $0x10, s16;
	v33 =	vadd.f32 v33, v23;
	v29 =	vadd.f32 v40, v29  }
0x37f: {  	v23 =	vxor.u32 v43, v31;
	s17 =	sadd.s32 $0x10, s17;
	v40 =	vld [tilespmem:s16+$0x0];
	v32 =	vadd.f32 v41, v32;
	v36 =	vadd.f32 v42, v36  }
0x380: {  	s18 =	sadd.s32 $0x10, s18;
	v39 =	vsub.f32 v5, v39;
	v5 =	vmovc v28;
	v42 =	vxor.u32 v34, v38;
	v43 =	vand.u32 $0x3FFF, v23;
	v41 =	vld [tilespmem:s17+$0x0]  }
0x381: {  	v23 =	vxor.u32 v30, v42;
	v28 =	vld [tilespmem:s18+$0x0];
	v32 =	vsub.f32 v32, v33;
	v36 =	vsub.f32 v36, v29  }
0x382: {  	v35 =	vmul.f32 v35, v26;
	v26 =	vmul.f32 v37, v26;
	v45 =	vand.u32 $0x3FFF, v23;
	v46 =	vld.idx.msk [tilespmem:v9+s30+$0x0], $0xffff;
	v9 =	vmovc v44  }
0x383: {  	v37 =	vxor.u32 v42, v31;
	v23 =	vld.idx.msk [tilespmem:v44+s6+$0x0], $0xffff;
	v32 =	vmul.f32 v32, v39;
	v36 =	vmul.f32 v36, v39  }
0x384: {  	v25 =	vadd.f32 v35, v25;
	v26 =	vadd.f32 v26, v27;
	v37 =	vand.u32 $0x3FFF, v37;
	v42 =	vld.idx.msk [tilespmem:v10+s30+$0x0], $0xffff;
	v10 =	vmovc v43  }
0x385: {  	v27 =	vcvt.s32.f32 v3;
	v3 =	vmovc v24;
	v43 =	vld.idx.msk [tilespmem:v43+s6+$0x0], $0xffff;
	v32 =	vadd.f32 v32, v33;
	v33 =	vadd.f32 v36, v29  }
0x386: {  	v24 =	vadd.s32 $0x9E3779B1, v38;
	v25 =	vsub.f32 v25, v16;
	v26 =	vsub.f32 v26, v22;
	v38 =	vld.idx.msk [tilespmem:v13+s30+$0x0], $0xffff;
	v13 =	vmovc v45  }
0x387: {  	v35 =	vxor.u32 v3, v24;
	v7 =	vsub.f32 v7, v27;
	v29 =	vld.idx.msk [tilespmem:v45+s6+$0x0], $0xffff;
	v27 =	vsub.f32 v33, v32  }
0x388: {  	v24 =	vxor.u32 v34, v24;
	v36 =	vmul.f32 v25, v6;
	v33 =	vxor.u32 v30, v35;
	v34 =	vld.idx.msk [tilespmem:v14+s30+$0x0], $0xffff  }
0x389: {  	s14 =	sadd.s32 $0x20, s14;
	v25 =	vxor.u32 v31, v35;
	v33 =	vand.u32 $0x3FFF, v33;
	v14 =	vmovc v37;
	v44 =	vld.idx.msk [tilespmem:v37+s6+$0x0], $0xffff;
	v27 =	vmul.f32 v27, v7  }
0x38a: {  	s20 =	sand.u32 $0x70, s11;
	s11 =	smov.u32 s15;
	s21 =	sand.u32 $0x3F00, s14;
	v30 =	vxor.u32 v30, v24;
	v35 =	vand.u32 $0x3FFF, v25;
	v37 =	vsub.f32 v42, v46;
	v25 =	vld.idx.msk [tilespmem:v17+s30+$0x0], $0xffff;
	v17 =	vmovc v33  }
0x38b: {  	s15 =	smov.u32 s19;
	s20 =	sor.u32 s20, s21;
	v24 =	vxor.u32 v31, v24;
	v30 =	vand.u32 $0x3FFF, v30;
	v31 =	vld.idx.msk [tilespmem:v18+s30+$0x0], $0xffff;
	v32 =	vadd.f32 v27, v32;
	v18 =	vmovc v35  }
0x38c: {  	s21 =	sadd.s32 $0x1A000, s20;
	v26 =	vmul.f32 v26, v6;
	v6 =	vmovc v39;
	v24 =	vand.u32 $0x3FFF, v24;
	v42 =	vmul.f32 v37, v19;
	v27 =	vld.idx.msk [tilespmem:v21+s30+$0x0], $0xffff  }
0x38d: {  	v8 =	vmul.f32 v8, v0;
	v0 =	vmov v1;
	v39 =	vadd.f32 v36, v16;
	v37 =	vld.idx.msk [tilespmem:v15+s30+$0x0], $0xffff;
	[tilespmem:s21+$0x80] =	vst v32  }
0x38e: {  	v1 =	vmovc v7;
	v21 =	vmov v30;
	v16 =	vadd.f32 v42, v46;
	v32 =	vld.idx.msk [tilespmem:v33+s6+$0x0], $0xffff;
	v33 =	vsub.f32 v34, v38  }
0x38f: {  	v41 =	vmul.f32 $1.210000000e+02, v41;
	v7 =	vmovc v4;
	v4 =	vmul.f32 $1.210000000e+02, v40;
	v15 =	vmovc v24;
	v34 =	vadd.f32 v26, v22;
	v42 =	vld.idx.msk [tilespmem:v35+s6+$0x0], $0xffff  }
0x390: {  	v8 =	vadd.f32 v8, v2;
	v28 =	vmul.f32 $1.210000000e+02, v28;
	v2 =	vmovc v39;
	v36 =	vld.idx.msk [tilespmem:v30+s6+$0x0], $0xffff;
	v22 =	vmul.f32 v33, v19  }
0x391: {  	v26 =	vmovc v19;
	v30 =	vtrunc.f32 v4;
	v33 =	vtrunc.f32 v41;
	v35 =	vsub.f32 v31, v25;
	v40 =	vld.idx.msk [tilespmem:v24+s6+$0x0], $0xffff  }
0x392: {  	v19 =	vtrunc.f32 v28;
	v24 =	vcvt.f32.s32 v30;
	v22 =	vadd.f32 v22, v38;
	[tilespmem:s12+$0x1A000] =	vst v8;
	s12 =	smov.u32 s13;
	s13 =	smov.u32 s20  }
0x393: {  	v31 =	vcvt.s32.f32 v20;
	v20 =	vcvt.f32.s32 v33;
	v37 =	vsub.f32 v37, v27  }
0x394: {  	v39 =	vcvt.s32.f32 v12;
	v12 =	vcvt.f32.s32 v19;
	v8 =	vsub.f32 v34, v2  }
.Ltmp5:
0x395: {  	v19 =	vsub.f32 v11, v31;
	v11 =	vmovc v41;
	v34 =	vadd.s32 $0x1, v24;
	v30 =	vmul.u32 $0x30025795, v20;
	(pc) =	sbr.rel @p0 .LBB2_12-.Ltmp5, $4  }
0x396: {  	v33 =	vsub.f32 v43, v23;
	v41 =	vsub.f32 v44, v29;
	v38 =	vmul.u32 $0x9E3779B1, v12  }
0x397: {  	v42 =	vsub.f32 v42, v32;
	v31 =	vadd.s32 $0x30025795, v30;
	v45 =	vsub.f32 v40, v36  }
0x398: {  	v33 =	vmul.f32 v33, v19;
	v43 =	vxor.u32 v24, v38;
	v40 =	vmul.f32 v41, v19  }
0x399: {  	s19 =	sadd.s32 $0x10, s19;
	v44 =	vxor.u32 v30, v43;
	v41 =	vmul.f32 v42, v19;
	v42 =	vmul.f32 v45, v19  }
0x39a: {  	_ =	sdelay $0x2  }
0x39b: {  	v44 =	vand.u32 $0x3FFF, v44;
	v43 =	vxor.u32 v43, v31;
	v45 =	vxor.u32 v34, v38  }
0x39c: {  	v9 =	vld.idx.msk [tilespmem:v9+s30+$0x0], $0xffff;
	v23 =	vadd.f32 v33, v23;
	v29 =	vadd.f32 v40, v29;
	v35 =	vmul.f32 v35, v26  }
0x39d: {  	v10 =	vld.idx.msk [tilespmem:v10+s30+$0x0], $0xffff;
	v5 =	vsub.f32 v5, v39;
	v26 =	vmul.f32 v37, v26;
	v3 =	vcvt.s32.f32 v3  }
0x39e: {  	v13 =	vld.idx.msk [tilespmem:v13+s30+$0x0], $0xffff;
	v12 =	vcvt.s32.f32 v12;
	v0 =	vmul.f32 v8, v0;
	v46 =	vxor.u32 v30, v45  }
0x39f: {  	v14 =	vld.idx.msk [tilespmem:v14+s30+$0x0], $0xffff;
	v45 =	vxor.u32 v45, v31;
	v36 =	vadd.f32 v42, v36;
	v42 =	vadd.s32 $0x9E3779B1, v38  }
0x3a0: {  	v17 =	vld.idx.msk [tilespmem:v17+s30+$0x0], $0xffff;
	v43 =	vand.u32 $0x3FFF, v43;
	v62 =	vand.u32 $0x3FFF, v45;
	v45 =	vxor.u32 v24, v42  }
0x3a1: {  	v18 =	vld.idx.msk [tilespmem:v18+s30+$0x0], $0xffff;
	v32 =	vadd.f32 v41, v32;
	v46 =	vand.u32 $0x3FFF, v46;
	v50 =	vxor.u32 v30, v45  }
0x3a2: {  	v21 =	vld.idx.msk [tilespmem:v21+s30+$0x0], $0xffff;
	v49 =	vxor.u32 v34, v42;
	v39 =	vxor.u32 v31, v45;
	v38 =	vand.u32 $0x3FFF, v50  }
0x3a3: {  	v15 =	vld.idx.msk [tilespmem:v15+s30+$0x0], $0xffff;
	v25 =	vadd.f32 v35, v25;
	v30 =	vxor.u32 v30, v49;
	v39 =	vand.u32 $0x3FFF, v39  }
0x3a4: {  	v26 =	vadd.f32 v26, v27;
	v31 =	vxor.u32 v31, v49;
	v30 =	vand.u32 $0x3FFF, v30;
	v47 =	vld.idx.msk [tilespmem:v44+s6+$0x0], $0xffff  }
0x3a5: {  	v3 =	vsub.f32 v7, v3;
	v12 =	vsub.f32 v28, v12;
	v31 =	vand.u32 $0x3FFF, v31;
	v63 =	vld.idx.msk [tilespmem:v43+s6+$0x0], $0xffff  }
0x3a6: {  	v0 =	vadd.f32 v0, v2;
	v25 =	vsub.f32 v25, v16;
	v48 =	vld.idx.msk [tilespmem:v46+s6+$0x0], $0xffff  }
0x3a7: {  	v32 =	vsub.f32 v32, v23;
	v10 =	vsub.f32 v10, v9;
	v27 =	vld.idx.msk [tilespmem:v38+s6+$0x0], $0xffff  }
0x3a8: {  	v36 =	vsub.f32 v36, v29;
	v26 =	vsub.f32 v26, v22;
	v25 =	vmul.f32 v25, v6;
	v53 =	vld.idx.msk [tilespmem:v39+s6+$0x0], $0xffff  }
0x3a9: {  	v32 =	vmul.f32 v32, v5;
	v7 =	vmul.f32 v10, v19;
	v10 =	vsub.f32 v14, v13;
	v14 =	vld.idx.msk [tilespmem:v30+s6+$0x0], $0xffff  }
0x3aa: {  	v52 =	vmul.f32 v36, v5;
	v18 =	vsub.f32 v18, v17;
	v16 =	vadd.f32 v25, v16;
	v25 =	vld.idx.msk [tilespmem:v31+s6+$0x0], $0xffff  }
0x3ab: {  	v15 =	vsub.f32 v15, v21;
	v51 =	vld.idx.msk [tilespmem:v62+s6+$0x0], $0xffff;
	v7 =	vadd.f32 v7, v9;
	v9 =	vmul.f32 v10, v19  }
0x3ac: {  	v6 =	vmul.f32 v26, v6;
	v23 =	vadd.f32 v32, v23;
	v26 =	vld.idx.msk [tilespmem:v46+s30+$0x0], $0xffff;
	v10 =	vcvt.s32.f32 v20  }
0x3ad: {  	v29 =	vadd.f32 v52, v29;
	v33 =	vld.idx.msk [tilespmem:v62+s30+$0x0], $0xffff;
	v9 =	vadd.f32 v9, v13  }
0x3ae: {  	v20 =	vld.idx.msk [tilespmem:v44+s30+$0x0], $0xffff;
	v10 =	vsub.f32 v11, v10;
	v13 =	vsub.f32 v63, v47  }
0x3af: {  	v54 =	vld.idx.msk [tilespmem:v38+s30+$0x0], $0xffff;
	v32 =	vsub.f32 v53, v27;
	v25 =	vsub.f32 v25, v14  }
0x3b0: {  	v18 =	vmul.f32 v18, v19;
	v6 =	vadd.f32 v6, v22;
	v55 =	vld.idx.msk [tilespmem:v39+s30+$0x0], $0xffff;
	v13 =	vmul.f32 v13, v10  }
0x3b1: {  	v29 =	vsub.f32 v29, v23;
	v30 =	vld.idx.msk [tilespmem:v30+s30+$0x0], $0xffff;
	v32 =	vmul.f32 v32, v10;
	v25 =	vmul.f32 v25, v10  }
0x3b2: {  	v15 =	vmul.f32 v15, v19;
	v17 =	vadd.f32 v18, v17;
	v11 =	vld.idx.msk [tilespmem:v43+s30+$0x0], $0xffff;
	v13 =	vadd.f32 v13, v47  }
0x3b3: {  	v27 =	vadd.f32 v32, v27;
	v14 =	vadd.f32 v25, v14;
	v25 =	vld.idx.msk [tilespmem:v31+s30+$0x0], $0xffff  }
0x3b4: {  	v15 =	vadd.f32 v15, v21;
	v22 =	vsub.f32 v51, v48  }
0x3b5: {  	v17 =	vsub.f32 v17, v7;
	v19 =	vsub.f32 v27, v13  }
0x3b6: {  	v15 =	vsub.f32 v15, v9;
	v22 =	vmul.f32 v22, v10;
	v21 =	vsub.f32 v55, v54  }
0x3b7: {  	v11 =	vsub.f32 v11, v20;
	v18 =	vmul.f32 v19, v12;
	v19 =	vsub.f32 v33, v26  }
0x3b8: {  	v22 =	vadd.f32 v22, v48;
	v25 =	vsub.f32 v25, v30  }
0x3b9: {  	v11 =	vmul.f32 v11, v10;
	v13 =	vadd.f32 v18, v13;
	v18 =	vmul.f32 v19, v10  }
0x3ba: {  	v14 =	vsub.f32 v14, v22;
	v19 =	vmul.f32 v21, v10;
	v10 =	vmul.f32 v25, v10  }
0x3bb: {  	v11 =	vadd.f32 v11, v20;
	v18 =	vadd.f32 v18, v26  }
0x3bc: {  	v19 =	vadd.f32 v19, v54;
	v10 =	vadd.f32 v10, v30  }
0x3bd: {  	v6 =	vsub.f32 v6, v16;
	v17 =	vmul.f32 v17, v5;
	v14 =	vmul.f32 v14, v12  }
0x3be: {  	v5 =	vmul.f32 v15, v5;
	v19 =	vsub.f32 v19, v11;
	v10 =	vsub.f32 v10, v18  }
0x3bf: {  	v7 =	vadd.f32 v17, v7;
	v20 =	vcvt.s32.f32 v24;
	v14 =	vadd.f32 v14, v22  }
0x3c0: {  	v5 =	vadd.f32 v5, v9;
	v15 =	vmul.f32 v19, v12;
	v10 =	vmul.f32 v10, v12  }
0x3c1: {  	v4 =	vsub.f32 v4, v20;
	v14 =	vsub.f32 v14, v13  }
0x3c2: {  	v1 =	vmul.f32 v6, v1;
	v8 =	vadd.f32 v15, v11;
	v9 =	vadd.f32 v10, v18  }
0x3c3: {  	s14 =	sadd.s32 $0x20, s14;
	v5 =	vsub.f32 v5, v7;
	v12 =	vmul.f32 v29, v3  }
0x3c4: {  	s11 =	sand.u32 $0x70, s11;
	s16 =	sand.u32 $0x3F00, s14;
	s14 =	sadd.s32 $0x20, s14;
	[tilespmem:s12+$0x1A000] =	vst v0;
	v0 =	vadd.f32 v1, v16;
	v11 =	vmul.f32 v14, v4;
	v2 =	vsub.f32 v9, v8  }
0x3c5: {  	s15 =	sand.u32 $0x70, s15;
	s11 =	sor.u32 s11, s16;
	s14 =	sand.u32 $0x3F00, s14;
	v3 =	vmul.f32 v5, v3;
	v10 =	vadd.f32 v12, v23  }
0x3c6: {  	s16 =	sadd.s32 $0x1A000, s11;
	s14 =	sor.u32 s15, s14;
	[tilespmem:s13+$0x1A000] =	vst v0;
	v6 =	vadd.f32 v11, v13;
	v1 =	vmul.f32 v2, v4  }
0x3c7: {  	s23 =	sadd.s32 $0x1A000, s14;
	[tilespmem:s16+$0x80] =	vst v10;
	v2 =	vadd.f32 v3, v7  }
0x3c8: {  	[tilespmem:s23+$0x80] =	vst v6;
	v0 =	vadd.f32 v1, v8  }
0x3c9: {  	[tilespmem:s11+$0x1A000] =	vst v2  }
0x3ca: {  	[tilespmem:s14+$0x1A000] =	vst v0  }
0x3cb: {  	s11 =	rddreg [dreg:$0x12]  }
0x3cc: {  	[hbm4b:s11+s1] =	stream.strided.scatter [tilespmem:s7], [sflag:$0x4], $0x4000, s3, s1, $0x38;
	[tilespmem:$0x1E000] =	vst v63  }
0x3cd: {  	s15 =	simm.s32 $0x0;
	s20 =	rddreg [dreg:$0x13]  }
0x3ce: {  	[tilespmem:s30], [sflag:$0x2] =	stream.linear.gather [hbm4b:s20+s15], $0x8000, $0x38;
	[tilespmem:$0x1E000] =	vst v63  }
0x3cf: {  	_ =	swait.ge [sflag:s31], $0x8000  }
0x3d0: {  	[sflag:s31] =	ssyncset.done $0x0  }
0x3d1: {  	[sflag:s31] =	ssyncadd.s32 $0xFFFF8000  }
0x3d2: {  	_ =	swait.ge [sflag:s8], $0x4000  }
0x3d3: {  	[sflag:s8] =	ssyncset.done $0x0  }
0x3d4: {  	s21 =	simm.s32 $0x2000;
	[sflag:s8] =	ssyncadd.s32 $0xFFFFC000  }
0x3d5: {  	s22 =	simm.s32 $0x4000;
	v0 =	vld [tilespmem:s21+$0x0]  }
0x3d6: {  	v1 =	vld [tilespmem:s22+$0x0]  }
0x3d7: {  	v2 =	vld [tilespmem:s15+$0x0];
	_ =	sdelay $0x2  }
0x3d8: {  	v0 =	vmul.f32 $1.820000000e+02, v0  }
0x3d9: {  	v3 =	vmul.f32 $1.820000000e+02, v1  }
0x3da: {  	v5 =	vmul.f32 $1.820000000e+02, v2;
	v1 =	vtrunc.f32 v0  }
0x3db: {  	v2 =	vtrunc.f32 v3;
	v4 =	vcvt.f32.s32 v1  }
0x3dc: {  	v1 =	vtrunc.f32 v5;
	v7 =	vcvt.f32.s32 v2  }
0x3dd: {  	v9 =	vcvt.f32.s32 v1;
	v1 =	vmul.u32 $0x9E3779B1, v4  }
0x3de: {  	v2 =	vmul.u32 $0x30025795, v7  }
0x3df: {  	v6 =	vxor.u32 v9, v1  }
0x3e0: {  	v8 =	vadd.s32 $0x1, v9;
	v10 =	vadd.s32 $0x30025795, v2;
	v11 =	vxor.u32 v2, v6  }
0x3e1: {  	v12 =	vxor.u32 v8, v1;
	v6 =	vxor.u32 v6, v10;
	v11 =	vand.u32 $0x3FFF, v11  }
0x3e2: {  	s23 =	simm.s32 $0x10;
	v1 =	vadd.s32 $0x9E3779B1, v1;
	v13 =	vand.u32 $0x3FFF, v6;
	v6 =	vxor.u32 v2, v12  }
0x3e3: {  	s18 =	simm.s32 $0x4010;
	v14 =	vld [tilespmem:s23+$0x0];
	v15 =	vand.u32 $0x3FFF, v6;
	v6 =	vxor.u32 v12, v10;
	v12 =	vxor.u32 v9, v1  }
0x3e4: {  	s19 =	simm.s32 $0x2010;
	v16 =	vld [tilespmem:s18+$0x0];
	v17 =	vand.u32 $0x3FFF, v6;
	v6 =	vxor.u32 v2, v12  }
0x3e5: {  	v18 =	vld [tilespmem:s19+$0x0];
	v1 =	vxor.u32 v8, v1;
	v8 =	vxor.u32 v10, v12;
	v12 =	vand.u32 $0x3FFF, v6  }
0x3e6: {  	v2 =	vxor.u32 v2, v1;
	v20 =	vand.u32 $0x3FFF, v8;
	v19 =	vld.idx.msk [tilespmem:v11+s0+$0x0], $0xffff  }
0x3e7: {  	v1 =	vxor.u32 v10, v1;
	v10 =	vand.u32 $0x3FFF, v2;
	v21 =	vld.idx.msk [tilespmem:v13+s0+$0x0], $0xffff  }
0x3e8: {  	v23 =	vand.u32 $0x3FFF, v1;
	v22 =	vld.idx.msk [tilespmem:v15+s0+$0x0], $0xffff  }
0x3e9: {  	v24 =	vld.idx.msk [tilespmem:v17+s0+$0x0], $0xffff  }
0x3ea: {  	v7 =	vcvt.s32.f32 v7;
	v25 =	vld.idx.msk [tilespmem:v12+s0+$0x0], $0xffff  }
0x3eb: {  	v1 =	vmul.f32 $1.820000000e+02, v14;
	v14 =	vmul.f32 $1.820000000e+02, v16;
	v16 =	vld.idx.msk [tilespmem:v20+s0+$0x0], $0xffff  }
0x3ec: {  	v4 =	vcvt.s32.f32 v4;
	v6 =	vmul.f32 $1.820000000e+02, v18;
	v18 =	vld.idx.msk [tilespmem:v10+s0+$0x0], $0xffff  }
0x3ed: {  	v2 =	vtrunc.f32 v1;
	v8 =	vtrunc.f32 v14;
	v26 =	vld.idx.msk [tilespmem:v23+s0+$0x0], $0xffff  }
0x3ee: {  	v27 =	vtrunc.f32 v6;
	v2 =	vcvt.f32.s32 v2  }
0x3ef: {  	v4 =	vsub.f32 v0, v4;
	v28 =	vcvt.f32.s32 v8;
	v27 =	vcvt.f32.s32 v27  }
0x3f0: {  	v8 =	vsub.f32 v3, v7;
	v29 =	vadd.s32 $0x1, v2;
	v7 =	vsub.f32 v21, v19  }
0x3f1: {  	v3 =	vmul.u32 $0x9E3779B1, v27;
	v21 =	vsub.f32 v24, v22;
	v16 =	vsub.f32 v16, v25  }
0x3f2: {  	v24 =	vmul.u32 $0x30025795, v28;
	v7 =	vmul.f32 v7, v8;
	v26 =	vsub.f32 v26, v18  }
0x3f3: {  	v30 =	vxor.u32 v2, v3;
	v21 =	vmul.f32 v21, v8;
	v16 =	vmul.f32 v16, v8  }
0x3f4: {  	s21 =	simm.s32 $0x2020;
	v31 =	vxor.u32 v24, v30;
	v7 =	vadd.f32 v7, v19;
	v26 =	vmul.f32 v26, v8  }
0x3f5: {  	v56 =	vld [tilespmem:s21+$0x0];
	v19 =	vadd.f32 v21, v22;
	v21 =	vadd.s32 $0x30025795, v24;
	v16 =	vadd.f32 v16, v25  }
0x3f6: {  	v11 =	vld.idx.msk [tilespmem:v11+s28+$0x0], $0xffff;
	v31 =	vand.u32 $0x3FFF, v31;
	v18 =	vadd.f32 v26, v18;
	v25 =	vxor.u32 v30, v21  }
0x3f7: {  	v13 =	vld.idx.msk [tilespmem:v13+s28+$0x0], $0xffff;
	v30 =	vxor.u32 v29, v3;
	v3 =	vadd.s32 $0x9E3779B1, v3;
	v16 =	vsub.f32 v16, v7  }
0x3f8: {  	v15 =	vld.idx.msk [tilespmem:v15+s28+$0x0], $0xffff;
	v0 =	vxor.u32 v24, v30;
	v25 =	vand.u32 $0x3FFF, v25;
	v18 =	vsub.f32 v18, v19  }
0x3f9: {  	v17 =	vld.idx.msk [tilespmem:v17+s28+$0x0], $0xffff;
	v57 =	vand.u32 $0x3FFF, v0;
	v0 =	vxor.u32 v30, v21;
	v16 =	vmul.f32 v16, v4  }
0x3fa: {  	s20 =	simm.s32 $0x4020;
	v12 =	vld.idx.msk [tilespmem:v12+s28+$0x0], $0xffff;
	v58 =	vand.u32 $0x3FFF, v0;
	v0 =	vcvt.s32.f32 v9;
	v18 =	vmul.f32 v18, v4  }
0x3fb: {  	s11 =	simm.s32 $0x20;
	v26 =	vld [tilespmem:s20+$0x0];
	v9 =	vadd.f32 v16, v7;
	v7 =	vxor.u32 v2, v3  }
0x3fc: {  	v22 =	vld [tilespmem:s11+$0x0];
	v0 =	vsub.f32 v5, v0;
	v16 =	vadd.f32 v18, v19;
	v5 =	vxor.u32 v24, v7  }
0x3fd: {  	v30 =	vld.idx.msk [tilespmem:v31+s0+$0x0], $0xffff;
	v3 =	vxor.u32 v29, v3;
	v7 =	vxor.u32 v21, v7;
	v19 =	vand.u32 $0x3FFF, v5  }
0x3fe: {  	v18 =	vld.idx.msk [tilespmem:v25+s0+$0x0], $0xffff;
	v5 =	vsub.f32 v16, v9;
	v16 =	vxor.u32 v24, v3;
	v24 =	vand.u32 $0x3FFF, v7  }
0x3ff: {  	v29 =	vld.idx.msk [tilespmem:v57+s0+$0x0], $0xffff;
	v7 =	vsub.f32 v13, v11;
	v3 =	vxor.u32 v21, v3;
	v16 =	vand.u32 $0x3FFF, v16  }
0x400: {  	v38 =	vmul.f32 $1.820000000e+02, v26;
	v59 =	vld.idx.msk [tilespmem:v58+s0+$0x0], $0xffff;
	v60 =	vand.u32 $0x3FFF, v3;
	v3 =	vmul.f32 v5, v0  }
0x401: {  	v17 =	vsub.f32 v17, v15;
	v13 =	vld.idx.msk [tilespmem:v20+s28+$0x0], $0xffff;
	v20 =	vmul.f32 v7, v8;
	v7 =	vmul.f32 $1.820000000e+02, v22  }
0x402: {  	v2 =	vcvt.s32.f32 v2;
	v5 =	vmul.f32 $1.820000000e+02, v56;
	v21 =	vld.idx.msk [tilespmem:v19+s0+$0x0], $0xffff  }
0x403: {  	v17 =	vmul.f32 v17, v8;
	v33 =	vadd.f32 v3, v9;
	v3 =	vtrunc.f32 v7;
	v22 =	vld.idx.msk [tilespmem:v24+s0+$0x0], $0xffff  }
0x404: {  	v1 =	vsub.f32 v1, v2;
	v9 =	vtrunc.f32 v38;
	v26 =	vtrunc.f32 v5;
	v61 =	vld.idx.msk [tilespmem:v16+s0+$0x0], $0xffff  }
0x405: {  	v11 =	vadd.f32 v20, v11;
	v3 =	vcvt.f32.s32 v3;
	v63 =	vcvt.f32.s32 v9;
	v20 =	vld.idx.msk [tilespmem:v60+s0+$0x0], $0xffff  }
0x406: {  	v62 =	vsub.f32 v13, v12;
	v9 =	vcvt.s32.f32 v28;
	v48 =	vcvt.f32.s32 v26  }
0x407: {  	v28 =	vadd.f32 v17, v15;
	v13 =	vcvt.s32.f32 v27;
	v15 =	vadd.s32 $0x1, v3  }
0x408: {  	v27 =	vmul.u32 $0x30025795, v63;
	v26 =	vsub.f32 v14, v9;
	v17 =	vmul.u32 $0x9E3779B1, v48  }
0x409: {  	v9 =	vsub.f32 v18, v30;
	v14 =	vsub.f32 v59, v29;
	v39 =	vmul.f32 v62, v8  }
0x40a: {  	v49 =	vadd.s32 $0x30025795, v27;
	v18 =	vsub.f32 v22, v21;
	v20 =	vsub.f32 v20, v61  }
0x40b: {  	v50 =	vmul.f32 v9, v26;
	v14 =	vmul.f32 v14, v26;
	v22 =	vld.idx.msk [tilespmem:v10+s28+$0x0], $0xffff;
	v10 =	vxor.u32 v3, v17  }
0x40c: {  	s16 =	simm.s32 $0x30;
	v23 =	vld.idx.msk [tilespmem:v23+s28+$0x0], $0xffff;
	v9 =	vxor.u32 v27, v10;
	v18 =	vmul.f32 v18, v26;
	v20 =	vmul.f32 v20, v26  }
0x40d: {  	v51 =	vld [tilespmem:s16+$0x0];
	s18 =	simm.s32 $0x2030;
	v30 =	vadd.f32 v50, v30;
	v29 =	vadd.f32 v14, v29;
	v10 =	vxor.u32 v10, v49  }
0x40e: {  	v52 =	vld [tilespmem:s18+$0x0];
	v9 =	vand.u32 $0x3FFF, v9;
	v14 =	vadd.f32 v18, v21;
	v18 =	vadd.f32 v20, v61  }
0x40f: {  	v31 =	vld.idx.msk [tilespmem:v31+s28+$0x0], $0xffff;
	v6 =	vsub.f32 v6, v13;
	v12 =	vadd.f32 v39, v12;
	v10 =	vand.u32 $0x3FFF, v10  }
0x410: {  	v56 =	vld.idx.msk [tilespmem:v58+s28+$0x0], $0xffff;
	v21 =	vxor.u32 v15, v17;
	v14 =	vsub.f32 v14, v30;
	v18 =	vsub.f32 v18, v29  }
0x411: {  	s17 =	simm.s32 $0x4030;
	v24 =	vld.idx.msk [tilespmem:v24+s28+$0x0], $0xffff;
	v13 =	vxor.u32 v27, v21;
	v53 =	vsub.f32 v23, v22;
	v21 =	vxor.u32 v21, v49  }
0x412: {  	v20 =	vld [tilespmem:s17+$0x0];
	v13 =	vand.u32 $0x3FFF, v13;
	v54 =	vmul.f32 v14, v6;
	v18 =	vmul.f32 v18, v6  }
0x413: {  	v12 =	vsub.f32 v12, v11;
	v17 =	vadd.s32 $0x9E3779B1, v17;
	v23 =	vld.idx.msk [tilespmem:v9+s0+$0x0], $0xffff;
	v14 =	vand.u32 $0x3FFF, v21  }
0x414: {  	v8 =	vmul.f32 v53, v8;
	v21 =	vld.idx.msk [tilespmem:v25+s28+$0x0], $0xffff;
	v30 =	vadd.f32 v54, v30;
	v18 =	vadd.f32 v18, v29  }
0x415: {  	v40 =	vcvt.s32.f32 v63;
	v12 =	vmul.f32 v12, v4;
	v55 =	vld.idx.msk [tilespmem:v10+s0+$0x0], $0xffff;
	v25 =	vxor.u32 v3, v17  }
0x416: {  	v8 =	vadd.f32 v8, v22;
	v22 =	vld.idx.msk [tilespmem:v57+s28+$0x0], $0xffff;
	v2 =	vsub.f32 v18, v30;
	v18 =	vxor.u32 v27, v25  }
0x417: {  	v15 =	vxor.u32 v15, v17;
	v29 =	vld.idx.msk [tilespmem:v13+s0+$0x0], $0xffff;
	v25 =	vxor.u32 v49, v25;
	v17 =	vand.u32 $0x3FFF, v18  }
0x418: {  	v8 =	vsub.f32 v8, v28;
	v57 =	vld.idx.msk [tilespmem:v14+s0+$0x0], $0xffff;
	v27 =	vxor.u32 v27, v15;
	v18 =	vand.u32 $0x3FFF, v25  }
0x419: {  	v15 =	vxor.u32 v49, v15;
	v25 =	vld.idx.msk [tilespmem:v19+s28+$0x0], $0xffff;
	v19 =	vsub.f32 v21, v31;
	v21 =	vand.u32 $0x3FFF, v27  }
0x41a: {  	v8 =	vmul.f32 v8, v4;
	v15 =	vand.u32 $0x3FFF, v15;
	v27 =	vld.idx.msk [tilespmem:v16+s28+$0x0], $0xffff;
	v2 =	vmul.f32 v2, v1  }
0x41b: {  	v61 =	vsub.f32 v55, v23;
	v4 =	vmul.f32 $1.820000000e+02, v51;
	v16 =	vmul.f32 v19, v26;
	v19 =	vld.idx.msk [tilespmem:v60+s28+$0x0], $0xffff  }
0x41c: {  	v8 =	vadd.f32 v8, v28;
	v28 =	vmul.f32 $1.820000000e+02, v52;
	v58 =	vadd.f32 v2, v30;
	v32 =	vld.idx.msk [tilespmem:v17+s0+$0x0], $0xffff  }
0x41d: {  	v2 =	vadd.f32 v12, v11;
	v12 =	vsub.f32 v56, v22;
	v11 =	vmul.f32 $1.820000000e+02, v20;
	v59 =	vld.idx.msk [tilespmem:v18+s0+$0x0], $0xffff  }
0x41e: {  	v20 =	vtrunc.f32 v4;
	v16 =	vadd.f32 v16, v31;
	v31 =	vtrunc.f32 v28;
	v36 =	vld.idx.msk [tilespmem:v21+s0+$0x0], $0xffff  }
0x41f: {  	v62 =	vsub.f32 v57, v29;
	v12 =	vmul.f32 v12, v26;
	v30 =	vtrunc.f32 v11;
	v60 =	vld.idx.msk [tilespmem:v15+s0+$0x0], $0xffff  }
0x420: {  	v35 =	vsub.f32 v24, v25;
	v24 =	vcvt.f32.s32 v20;
	v8 =	vsub.f32 v8, v2  }
0x421: {  	s12 =	sand.u32 $0x3F00, s15;
	s22 =	sand.u32 $0x70, s15;
	v20 =	vcvt.f32.s32 v30;
	v22 =	vadd.f32 v12, v22;
	v12 =	vcvt.f32.s32 v31  }
0x422: {  	s13 =	sand.u32 $0x70, s23;
	s14 =	simm.s32 $0x20;
	s12 =	sor.u32 s22, s12;
	v39 =	vcvt.s32.f32 v48;
	v37 =	vsub.f32 v19, v27;
	v19 =	vsub.f32 v38, v40  }
0x423: {  	s23 =	sand.u32 $0x3F00, s14;
	s19 =	sadd.s32 $0x16000, s12;
	v34 =	vadd.s32 $0x1, v24;
	v30 =	vmul.u32 $0x30025795, v20;
	v38 =	vmul.u32 $0x9E3779B1, v12  }
0x424: {  	s13 =	sor.u32 s13, s23;
	[tilespmem:s19+$0x80] =	vst v33;
	v33 =	vmul.f32 v61, v19;
	v42 =	vsub.f32 v59, v32;
	v63 =	vsub.f32 v60, v36  }
0x425: {  	s15 =	sadd.s32 $0x16000, s13;
	v40 =	vmul.f32 v62, v19;
	v31 =	vadd.s32 $0x30025795, v30;
	v43 =	vxor.u32 v24, v38  }
0x426: {  	s19 =	simm.s32 $0x40;
	[tilespmem:s15+$0x80] =	vst v58;
	s15 =	simm.s32 $0x30;
	v44 =	vxor.u32 v30, v43;
	v41 =	vmul.f32 v42, v19;
	v42 =	vmul.f32 v63, v19  }
.LBB2_14:
0x427: {  	p0 =	sne.s32 s19, $0x1FF0;
	v44 =	vand.u32 $0x3FFF, v44;
	s16 =	sadd.s32 $0x10, s16;
	v33 =	vadd.f32 v33, v23;
	v29 =	vadd.f32 v40, v29  }
0x428: {  	v23 =	vxor.u32 v43, v31;
	s17 =	sadd.s32 $0x10, s17;
	v40 =	vld [tilespmem:s16+$0x0];
	v32 =	vadd.f32 v41, v32;
	v36 =	vadd.f32 v42, v36  }
0x429: {  	s18 =	sadd.s32 $0x10, s18;
	v39 =	vsub.f32 v5, v39;
	v5 =	vmovc v28;
	v42 =	vxor.u32 v34, v38;
	v43 =	vand.u32 $0x3FFF, v23;
	v41 =	vld [tilespmem:s17+$0x0]  }
0x42a: {  	v23 =	vxor.u32 v30, v42;
	v28 =	vld [tilespmem:s18+$0x0];
	v32 =	vsub.f32 v32, v33;
	v36 =	vsub.f32 v36, v29  }
0x42b: {  	v35 =	vmul.f32 v35, v26;
	v26 =	vmul.f32 v37, v26;
	v45 =	vand.u32 $0x3FFF, v23;
	v46 =	vld.idx.msk [tilespmem:v9+s28+$0x0], $0xffff;
	v9 =	vmovc v44  }
0x42c: {  	v37 =	vxor.u32 v42, v31;
	v23 =	vld.idx.msk [tilespmem:v44+s0+$0x0], $0xffff;
	v32 =	vmul.f32 v32, v39;
	v36 =	vmul.f32 v36, v39  }
0x42d: {  	v25 =	vadd.f32 v35, v25;
	v26 =	vadd.f32 v26, v27;
	v37 =	vand.u32 $0x3FFF, v37;
	v42 =	vld.idx.msk [tilespmem:v10+s28+$0x0], $0xffff;
	v10 =	vmovc v43  }
0x42e: {  	v27 =	vcvt.s32.f32 v3;
	v3 =	vmovc v24;
	v43 =	vld.idx.msk [tilespmem:v43+s0+$0x0], $0xffff;
	v32 =	vadd.f32 v32, v33;
	v33 =	vadd.f32 v36, v29  }
0x42f: {  	v24 =	vadd.s32 $0x9E3779B1, v38;
	v25 =	vsub.f32 v25, v16;
	v26 =	vsub.f32 v26, v22;
	v38 =	vld.idx.msk [tilespmem:v13+s28+$0x0], $0xffff;
	v13 =	vmovc v45  }
0x430: {  	v35 =	vxor.u32 v3, v24;
	v7 =	vsub.f32 v7, v27;
	v29 =	vld.idx.msk [tilespmem:v45+s0+$0x0], $0xffff;
	v27 =	vsub.f32 v33, v32  }
0x431: {  	v24 =	vxor.u32 v34, v24;
	v36 =	vmul.f32 v25, v6;
	v33 =	vxor.u32 v30, v35;
	v34 =	vld.idx.msk [tilespmem:v14+s28+$0x0], $0xffff  }
0x432: {  	s14 =	sadd.s32 $0x20, s14;
	v25 =	vxor.u32 v31, v35;
	v33 =	vand.u32 $0x3FFF, v33;
	v14 =	vmovc v37;
	v44 =	vld.idx.msk [tilespmem:v37+s0+$0x0], $0xffff;
	v27 =	vmul.f32 v27, v7  }
0x433: {  	s20 =	sand.u32 $0x70, s11;
	s11 =	smov.u32 s15;
	s21 =	sand.u32 $0x3F00, s14;
	v30 =	vxor.u32 v30, v24;
	v35 =	vand.u32 $0x3FFF, v25;
	v37 =	vsub.f32 v42, v46;
	v25 =	vld.idx.msk [tilespmem:v17+s28+$0x0], $0xffff;
	v17 =	vmovc v33  }
0x434: {  	s15 =	smov.u32 s19;
	s20 =	sor.u32 s20, s21;
	v24 =	vxor.u32 v31, v24;
	v30 =	vand.u32 $0x3FFF, v30;
	v31 =	vld.idx.msk [tilespmem:v18+s28+$0x0], $0xffff;
	v32 =	vadd.f32 v27, v32;
	v18 =	vmovc v35  }
0x435: {  	s21 =	sadd.s32 $0x16000, s20;
	v26 =	vmul.f32 v26, v6;
	v6 =	vmovc v39;
	v24 =	vand.u32 $0x3FFF, v24;
	v42 =	vmul.f32 v37, v19;
	v27 =	vld.idx.msk [tilespmem:v21+s28+$0x0], $0xffff  }
0x436: {  	v8 =	vmul.f32 v8, v0;
	v0 =	vmov v1;
	v39 =	vadd.f32 v36, v16;
	v37 =	vld.idx.msk [tilespmem:v15+s28+$0x0], $0xffff;
	[tilespmem:s21+$0x80] =	vst v32  }
0x437: {  	v1 =	vmovc v7;
	v21 =	vmov v30;
	v16 =	vadd.f32 v42, v46;
	v32 =	vld.idx.msk [tilespmem:v33+s0+$0x0], $0xffff;
	v33 =	vsub.f32 v34, v38  }
0x438: {  	v41 =	vmul.f32 $1.820000000e+02, v41;
	v7 =	vmovc v4;
	v4 =	vmul.f32 $1.820000000e+02, v40;
	v15 =	vmovc v24;
	v34 =	vadd.f32 v26, v22;
	v42 =	vld.idx.msk [tilespmem:v35+s0+$0x0], $0xffff  }
0x439: {  	v8 =	vadd.f32 v8, v2;
	v28 =	vmul.f32 $1.820000000e+02, v28;
	v2 =	vmovc v39;
	v36 =	vld.idx.msk [tilespmem:v30+s0+$0x0], $0xffff;
	v22 =	vmul.f32 v33, v19  }
0x43a: {  	v26 =	vmovc v19;
	v30 =	vtrunc.f32 v4;
	v33 =	vtrunc.f32 v41;
	v35 =	vsub.f32 v31, v25;
	v40 =	vld.idx.msk [tilespmem:v24+s0+$0x0], $0xffff  }
0x43b: {  	v19 =	vtrunc.f32 v28;
	v24 =	vcvt.f32.s32 v30;
	v22 =	vadd.f32 v22, v38;
	[tilespmem:s12+$0x16000] =	vst v8;
	s12 =	smov.u32 s13;
	s13 =	smov.u32 s20  }
0x43c: {  	v31 =	vcvt.s32.f32 v20;
	v20 =	vcvt.f32.s32 v33;
	v37 =	vsub.f32 v37, v27  }
0x43d: {  	v39 =	vcvt.s32.f32 v12;
	v12 =	vcvt.f32.s32 v19;
	v8 =	vsub.f32 v34, v2  }
.Ltmp6:
0x43e: {  	v19 =	vsub.f32 v11, v31;
	v11 =	vmovc v41;
	v34 =	vadd.s32 $0x1, v24;
	v30 =	vmul.u32 $0x30025795, v20;
	(pc) =	sbr.rel @p0 .LBB2_14-.Ltmp6, $4  }
0x43f: {  	v33 =	vsub.f32 v43, v23;
	v41 =	vsub.f32 v44, v29;
	v38 =	vmul.u32 $0x9E3779B1, v12  }
0x440: {  	v42 =	vsub.f32 v42, v32;
	v31 =	vadd.s32 $0x30025795, v30;
	v45 =	vsub.f32 v40, v36  }
0x441: {  	v33 =	vmul.f32 v33, v19;
	v43 =	vxor.u32 v24, v38;
	v40 =	vmul.f32 v41, v19  }
0x442: {  	s19 =	sadd.s32 $0x10, s19;
	v44 =	vxor.u32 v30, v43;
	v41 =	vmul.f32 v42, v19;
	v42 =	vmul.f32 v45, v19  }
0x443: {  	_ =	sdelay $0x2  }
0x444: {  	v44 =	vand.u32 $0x3FFF, v44;
	v43 =	vxor.u32 v43, v31;
	v45 =	vxor.u32 v34, v38  }
0x445: {  	v9 =	vld.idx.msk [tilespmem:v9+s28+$0x0], $0xffff;
	v23 =	vadd.f32 v33, v23;
	v29 =	vadd.f32 v40, v29;
	v35 =	vmul.f32 v35, v26  }
0x446: {  	v10 =	vld.idx.msk [tilespmem:v10+s28+$0x0], $0xffff;
	v5 =	vsub.f32 v5, v39;
	v26 =	vmul.f32 v37, v26;
	v3 =	vcvt.s32.f32 v3  }
0x447: {  	v13 =	vld.idx.msk [tilespmem:v13+s28+$0x0], $0xffff;
	v12 =	vcvt.s32.f32 v12;
	v0 =	vmul.f32 v8, v0;
	v46 =	vxor.u32 v30, v45  }
0x448: {  	v14 =	vld.idx.msk [tilespmem:v14+s28+$0x0], $0xffff;
	v45 =	vxor.u32 v45, v31;
	v36 =	vadd.f32 v42, v36;
	v42 =	vadd.s32 $0x9E3779B1, v38  }
0x449: {  	v17 =	vld.idx.msk [tilespmem:v17+s28+$0x0], $0xffff;
	v43 =	vand.u32 $0x3FFF, v43;
	v62 =	vand.u32 $0x3FFF, v45;
	v45 =	vxor.u32 v24, v42  }
0x44a: {  	v18 =	vld.idx.msk [tilespmem:v18+s28+$0x0], $0xffff;
	v32 =	vadd.f32 v41, v32;
	v46 =	vand.u32 $0x3FFF, v46;
	v50 =	vxor.u32 v30, v45  }
0x44b: {  	v21 =	vld.idx.msk [tilespmem:v21+s28+$0x0], $0xffff;
	v49 =	vxor.u32 v34, v42;
	v39 =	vxor.u32 v31, v45;
	v38 =	vand.u32 $0x3FFF, v50  }
0x44c: {  	v15 =	vld.idx.msk [tilespmem:v15+s28+$0x0], $0xffff;
	v25 =	vadd.f32 v35, v25;
	v30 =	vxor.u32 v30, v49;
	v39 =	vand.u32 $0x3FFF, v39  }
0x44d: {  	v26 =	vadd.f32 v26, v27;
	v31 =	vxor.u32 v31, v49;
	v30 =	vand.u32 $0x3FFF, v30;
	v47 =	vld.idx.msk [tilespmem:v44+s0+$0x0], $0xffff  }
0x44e: {  	v3 =	vsub.f32 v7, v3;
	v12 =	vsub.f32 v28, v12;
	v31 =	vand.u32 $0x3FFF, v31;
	v63 =	vld.idx.msk [tilespmem:v43+s0+$0x0], $0xffff  }
0x44f: {  	v0 =	vadd.f32 v0, v2;
	v25 =	vsub.f32 v25, v16;
	v48 =	vld.idx.msk [tilespmem:v46+s0+$0x0], $0xffff  }
0x450: {  	v32 =	vsub.f32 v32, v23;
	v10 =	vsub.f32 v10, v9;
	v27 =	vld.idx.msk [tilespmem:v38+s0+$0x0], $0xffff  }
0x451: {  	v36 =	vsub.f32 v36, v29;
	v26 =	vsub.f32 v26, v22;
	v25 =	vmul.f32 v25, v6;
	v53 =	vld.idx.msk [tilespmem:v39+s0+$0x0], $0xffff  }
0x452: {  	v32 =	vmul.f32 v32, v5;
	v7 =	vmul.f32 v10, v19;
	v10 =	vsub.f32 v14, v13;
	v14 =	vld.idx.msk [tilespmem:v30+s0+$0x0], $0xffff  }
0x453: {  	v52 =	vmul.f32 v36, v5;
	v18 =	vsub.f32 v18, v17;
	v16 =	vadd.f32 v25, v16;
	v25 =	vld.idx.msk [tilespmem:v31+s0+$0x0], $0xffff  }
0x454: {  	v15 =	vsub.f32 v15, v21;
	v51 =	vld.idx.msk [tilespmem:v62+s0+$0x0], $0xffff;
	v7 =	vadd.f32 v7, v9;
	v9 =	vmul.f32 v10, v19  }
0x455: {  	v6 =	vmul.f32 v26, v6;
	v23 =	vadd.f32 v32, v23;
	v26 =	vld.idx.msk [tilespmem:v46+s28+$0x0], $0xffff;
	v10 =	vcvt.s32.f32 v20  }
0x456: {  	v29 =	vadd.f32 v52, v29;
	v33 =	vld.idx.msk [tilespmem:v62+s28+$0x0], $0xffff;
	v9 =	vadd.f32 v9, v13  }
0x457: {  	v20 =	vld.idx.msk [tilespmem:v44+s28+$0x0], $0xffff;
	v10 =	vsub.f32 v11, v10;
	v13 =	vsub.f32 v63, v47  }
0x458: {  	v54 =	vld.idx.msk [tilespmem:v38+s28+$0x0], $0xffff;
	v32 =	vsub.f32 v53, v27;
	v25 =	vsub.f32 v25, v14  }
0x459: {  	v18 =	vmul.f32 v18, v19;
	v6 =	vadd.f32 v6, v22;
	v55 =	vld.idx.msk [tilespmem:v39+s28+$0x0], $0xffff;
	v13 =	vmul.f32 v13, v10  }
0x45a: {  	v29 =	vsub.f32 v29, v23;
	v30 =	vld.idx.msk [tilespmem:v30+s28+$0x0], $0xffff;
	v32 =	vmul.f32 v32, v10;
	v25 =	vmul.f32 v25, v10  }
0x45b: {  	v15 =	vmul.f32 v15, v19;
	v17 =	vadd.f32 v18, v17;
	v11 =	vld.idx.msk [tilespmem:v43+s28+$0x0], $0xffff;
	v13 =	vadd.f32 v13, v47  }
0x45c: {  	v27 =	vadd.f32 v32, v27;
	v14 =	vadd.f32 v25, v14;
	v25 =	vld.idx.msk [tilespmem:v31+s28+$0x0], $0xffff  }
0x45d: {  	v15 =	vadd.f32 v15, v21;
	v22 =	vsub.f32 v51, v48  }
0x45e: {  	v17 =	vsub.f32 v17, v7;
	v19 =	vsub.f32 v27, v13  }
0x45f: {  	v15 =	vsub.f32 v15, v9;
	v22 =	vmul.f32 v22, v10;
	v21 =	vsub.f32 v55, v54  }
0x460: {  	v11 =	vsub.f32 v11, v20;
	v18 =	vmul.f32 v19, v12;
	v19 =	vsub.f32 v33, v26  }
0x461: {  	v22 =	vadd.f32 v22, v48;
	v25 =	vsub.f32 v25, v30  }
0x462: {  	v11 =	vmul.f32 v11, v10;
	v13 =	vadd.f32 v18, v13;
	v18 =	vmul.f32 v19, v10  }
0x463: {  	v14 =	vsub.f32 v14, v22;
	v19 =	vmul.f32 v21, v10;
	v10 =	vmul.f32 v25, v10  }
0x464: {  	v11 =	vadd.f32 v11, v20;
	v18 =	vadd.f32 v18, v26  }
0x465: {  	v19 =	vadd.f32 v19, v54;
	v10 =	vadd.f32 v10, v30  }
0x466: {  	v6 =	vsub.f32 v6, v16;
	v17 =	vmul.f32 v17, v5;
	v14 =	vmul.f32 v14, v12  }
0x467: {  	v5 =	vmul.f32 v15, v5;
	v19 =	vsub.f32 v19, v11;
	v10 =	vsub.f32 v10, v18  }
0x468: {  	v7 =	vadd.f32 v17, v7;
	v20 =	vcvt.s32.f32 v24;
	v14 =	vadd.f32 v14, v22  }
0x469: {  	v5 =	vadd.f32 v5, v9;
	v15 =	vmul.f32 v19, v12;
	v10 =	vmul.f32 v10, v12  }
0x46a: {  	v4 =	vsub.f32 v4, v20;
	v14 =	vsub.f32 v14, v13  }
0x46b: {  	v1 =	vmul.f32 v6, v1;
	v8 =	vadd.f32 v15, v11;
	v9 =	vadd.f32 v10, v18  }
0x46c: {  	s14 =	sadd.s32 $0x20, s14;
	v5 =	vsub.f32 v5, v7;
	v12 =	vmul.f32 v29, v3  }
0x46d: {  	s11 =	sand.u32 $0x70, s11;
	s16 =	sand.u32 $0x3F00, s14;
	s14 =	sadd.s32 $0x20, s14;
	[tilespmem:s12+$0x16000] =	vst v0;
	v0 =	vadd.f32 v1, v16;
	v11 =	vmul.f32 v14, v4;
	v2 =	vsub.f32 v9, v8  }
0x46e: {  	s15 =	sand.u32 $0x70, s15;
	s11 =	sor.u32 s11, s16;
	s14 =	sand.u32 $0x3F00, s14;
	v3 =	vmul.f32 v5, v3;
	v10 =	vadd.f32 v12, v23  }
0x46f: {  	s16 =	sadd.s32 $0x16000, s11;
	s14 =	sor.u32 s15, s14;
	[tilespmem:s13+$0x16000] =	vst v0;
	v6 =	vadd.f32 v11, v13;
	v1 =	vmul.f32 v2, v4  }
0x470: {  	s23 =	sadd.s32 $0x16000, s14;
	[tilespmem:s16+$0x80] =	vst v10;
	v2 =	vadd.f32 v3, v7  }
0x471: {  	[tilespmem:s23+$0x80] =	vst v6;
	v0 =	vadd.f32 v1, v8  }
0x472: {  	[tilespmem:s11+$0x16000] =	vst v2  }
0x473: {  	[tilespmem:s14+$0x16000] =	vst v0  }
0x474: {  	s11 =	rddreg [dreg:$0x14]  }
0x475: {  	[hbm4b:s11+s1] =	stream.strided.scatter [tilespmem:s4], [sflag:$0x3], $0x4000, s3, s1, $0x38;
	[tilespmem:$0x1E000] =	vst v63  }
0x476: {  	s15 =	simm.s32 $0x0;
	s20 =	rddreg [dreg:$0x15]  }
0x477: {  	[tilespmem:s28], [sflag:$0x1] =	stream.linear.gather [hbm4b:s20+s15], $0x8000, $0x38;
	[tilespmem:$0x1E000] =	vst v63  }
0x478: {  	_ =	swait.ge [sflag:s5], $0x8000  }
0x479: {  	[sflag:s5] =	ssyncset.done $0x0  }
0x47a: {  	[sflag:s5] =	ssyncadd.s32 $0xFFFF8000  }
0x47b: {  	_ =	swait.ge [sflag:s9], $0x4000  }
0x47c: {  	[sflag:s9] =	ssyncset.done $0x0  }
0x47d: {  	s21 =	simm.s32 $0x2000;
	[sflag:s9] =	ssyncadd.s32 $0xFFFFC000  }
0x47e: {  	s22 =	simm.s32 $0x4000;
	v0 =	vld [tilespmem:s21+$0x0]  }
0x47f: {  	v1 =	vld [tilespmem:s22+$0x0]  }
0x480: {  	v2 =	vld [tilespmem:s15+$0x0];
	_ =	sdelay $0x2  }
0x481: {  	v0 =	vmul.f32 $2.730000000e+02, v0  }
0x482: {  	v3 =	vmul.f32 $2.730000000e+02, v1  }
0x483: {  	v5 =	vmul.f32 $2.730000000e+02, v2;
	v1 =	vtrunc.f32 v0  }
0x484: {  	v2 =	vtrunc.f32 v3;
	v4 =	vcvt.f32.s32 v1  }
0x485: {  	v1 =	vtrunc.f32 v5;
	v7 =	vcvt.f32.s32 v2  }
0x486: {  	v9 =	vcvt.f32.s32 v1;
	v1 =	vmul.u32 $0x9E3779B1, v4  }
0x487: {  	v2 =	vmul.u32 $0x30025795, v7  }
0x488: {  	v6 =	vxor.u32 v9, v1  }
0x489: {  	v8 =	vadd.s32 $0x1, v9;
	v10 =	vadd.s32 $0x30025795, v2;
	v11 =	vxor.u32 v2, v6  }
0x48a: {  	v12 =	vxor.u32 v8, v1;
	v6 =	vxor.u32 v6, v10;
	v11 =	vand.u32 $0x3FFF, v11  }
0x48b: {  	s23 =	simm.s32 $0x10;
	v1 =	vadd.s32 $0x9E3779B1, v1;
	v13 =	vand.u32 $0x3FFF, v6;
	v6 =	vxor.u32 v2, v12  }
0x48c: {  	s18 =	simm.s32 $0x4010;
	v14 =	vld [tilespmem:s23+$0x0];
	v15 =	vand.u32 $0x3FFF, v6;
	v6 =	vxor.u32 v12, v10;
	v12 =	vxor.u32 v9, v1  }
0x48d: {  	s19 =	simm.s32 $0x2010;
	v16 =	vld [tilespmem:s18+$0x0];
	v17 =	vand.u32 $0x3FFF, v6;
	v6 =	vxor.u32 v2, v12  }
0x48e: {  	v18 =	vld [tilespmem:s19+$0x0];
	v1 =	vxor.u32 v8, v1;
	v8 =	vxor.u32 v10, v12;
	v12 =	vand.u32 $0x3FFF, v6  }
0x48f: {  	v2 =	vxor.u32 v2, v1;
	v20 =	vand.u32 $0x3FFF, v8;
	v19 =	vld.idx.msk [tilespmem:v11+s6+$0x0], $0xffff  }
0x490: {  	v1 =	vxor.u32 v10, v1;
	v10 =	vand.u32 $0x3FFF, v2;
	v21 =	vld.idx.msk [tilespmem:v13+s6+$0x0], $0xffff  }
0x491: {  	v23 =	vand.u32 $0x3FFF, v1;
	v22 =	vld.idx.msk [tilespmem:v15+s6+$0x0], $0xffff  }
0x492: {  	v24 =	vld.idx.msk [tilespmem:v17+s6+$0x0], $0xffff  }
0x493: {  	v7 =	vcvt.s32.f32 v7;
	v25 =	vld.idx.msk [tilespmem:v12+s6+$0x0], $0xffff  }
0x494: {  	v1 =	vmul.f32 $2.730000000e+02, v14;
	v14 =	vmul.f32 $2.730000000e+02, v16;
	v16 =	vld.idx.msk [tilespmem:v20+s6+$0x0], $0xffff  }
0x495: {  	v4 =	vcvt.s32.f32 v4;
	v6 =	vmul.f32 $2.730000000e+02, v18;
	v18 =	vld.idx.msk [tilespmem:v10+s6+$0x0], $0xffff  }
0x496: {  	v2 =	vtrunc.f32 v1;
	v8 =	vtrunc.f32 v14;
	v26 =	vld.idx.msk [tilespmem:v23+s6+$0x0], $0xffff  }
0x497: {  	v27 =	vtrunc.f32 v6;
	v2 =	vcvt.f32.s32 v2  }
0x498: {  	v4 =	vsub.f32 v0, v4;
	v28 =	vcvt.f32.s32 v8;
	v27 =	vcvt.f32.s32 v27  }
0x499: {  	v8 =	vsub.f32 v3, v7;
	v29 =	vadd.s32 $0x1, v2;
	v7 =	vsub.f32 v21, v19  }
0x49a: {  	v3 =	vmul.u32 $0x9E3779B1, v27;
	v21 =	vsub.f32 v24, v22;
	v16 =	vsub.f32 v16, v25  }
0x49b: {  	v24 =	vmul.u32 $0x30025795, v28;
	v7 =	vmul.f32 v7, v8;
	v26 =	vsub.f32 v26, v18  }
0x49c: {  	v30 =	vxor.u32 v2, v3;
	v21 =	vmul.f32 v21, v8;
	v16 =	vmul.f32 v16, v8  }
0x49d: {  	s21 =	simm.s32 $0x2020;
	v31 =	vxor.u32 v24, v30;
	v7 =	vadd.f32 v7, v19;
	v26 =	vmul.f32 v26, v8  }
0x49e: {  	v56 =	vld [tilespmem:s21+$0x0];
	v19 =	vadd.f32 v21, v22;
	v21 =	vadd.s32 $0x30025795, v24;
	v16 =	vadd.f32 v16, v25  }
0x49f: {  	v11 =	vld.idx.msk [tilespmem:v11+s30+$0x0], $0xffff;
	v31 =	vand.u32 $0x3FFF, v31;
	v18 =	vadd.f32 v26, v18;
	v25 =	vxor.u32 v30, v21  }
0x4a0: {  	v13 =	vld.idx.msk [tilespmem:v13+s30+$0x0], $0xffff;
	v30 =	vxor.u32 v29, v3;
	v3 =	vadd.s32 $0x9E3779B1, v3;
	v16 =	vsub.f32 v16, v7  }
0x4a1: {  	v15 =	vld.idx.msk [tilespmem:v15+s30+$0x0], $0xffff;
	v0 =	vxor.u32 v24, v30;
	v25 =	vand.u32 $0x3FFF, v25;
	v18 =	vsub.f32 v18, v19  }
0x4a2: {  	v17 =	vld.idx.msk [tilespmem:v17+s30+$0x0], $0xffff;
	v57 =	vand.u32 $0x3FFF, v0;
	v0 =	vxor.u32 v30, v21;
	v16 =	vmul.f32 v16, v4  }
0x4a3: {  	s20 =	simm.s32 $0x4020;
	v12 =	vld.idx.msk [tilespmem:v12+s30+$0x0], $0xffff;
	v58 =	vand.u32 $0x3FFF, v0;
	v0 =	vcvt.s32.f32 v9;
	v18 =	vmul.f32 v18, v4  }
0x4a4: {  	s11 =	simm.s32 $0x20;
	v26 =	vld [tilespmem:s20+$0x0];
	v9 =	vadd.f32 v16, v7;
	v7 =	vxor.u32 v2, v3  }
0x4a5: {  	v22 =	vld [tilespmem:s11+$0x0];
	v0 =	vsub.f32 v5, v0;
	v16 =	vadd.f32 v18, v19;
	v5 =	vxor.u32 v24, v7  }
0x4a6: {  	v30 =	vld.idx.msk [tilespmem:v31+s6+$0x0], $0xffff;
	v3 =	vxor.u32 v29, v3;
	v7 =	vxor.u32 v21, v7;
	v19 =	vand.u32 $0x3FFF, v5  }
0x4a7: {  	v18 =	vld.idx.msk [tilespmem:v25+s6+$0x0], $0xffff;
	v5 =	vsub.f32 v16, v9;
	v16 =	vxor.u32 v24, v3;
	v24 =	vand.u32 $0x3FFF, v7  }
0x4a8: {  	v29 =	vld.idx.msk [tilespmem:v57+s6+$0x0], $0xffff;
	v7 =	vsub.f32 v13, v11;
	v3 =	vxor.u32 v21, v3;
	v16 =	vand.u32 $0x3FFF, v16  }
0x4a9: {  	v38 =	vmul.f32 $2.730000000e+02, v26;
	v59 =	vld.idx.msk [tilespmem:v58+s6+$0x0], $0xffff;
	v60 =	vand.u32 $0x3FFF, v3;
	v3 =	vmul.f32 v5, v0  }
0x4aa: {  	v17 =	vsub.f32 v17, v15;
	v13 =	vld.idx.msk [tilespmem:v20+s30+$0x0], $0xffff;
	v20 =	vmul.f32 v7, v8;
	v7 =	vmul.f32 $2.730000000e+02, v22  }
0x4ab: {  	v2 =	vcvt.s32.f32 v2;
	v5 =	vmul.f32 $2.730000000e+02, v56;
	v21 =	vld.idx.msk [tilespmem:v19+s6+$0x0], $0xffff  }
0x4ac: {  	v17 =	vmul.f32 v17, v8;
	v33 =	vadd.f32 v3, v9;
	v3 =	vtrunc.f32 v7;
	v22 =	vld.idx.msk [tilespmem:v24+s6+$0x0], $0xffff  }
0x4ad: {  	v1 =	vsub.f32 v1, v2;
	v9 =	vtrunc.f32 v38;
	v26 =	vtrunc.f32 v5;
	v61 =	vld.idx.msk [tilespmem:v16+s6+$0x0], $0xffff  }
0x4ae: {  	v11 =	vadd.f32 v20, v11;
	v3 =	vcvt.f32.s32 v3;
	v63 =	vcvt.f32.s32 v9;
	v20 =	vld.idx.msk [tilespmem:v60+s6+$0x0], $0xffff  }
0x4af: {  	v62 =	vsub.f32 v13, v12;
	v9 =	vcvt.s32.f32 v28;
	v48 =	vcvt.f32.s32 v26  }
0x4b0: {  	v28 =	vadd.f32 v17, v15;
	v13 =	vcvt.s32.f32 v27;
	v15 =	vadd.s32 $0x1, v3  }
0x4b1: {  	v27 =	vmul.u32 $0x30025795, v63;
	v26 =	vsub.f32 v14, v9;
	v17 =	vmul.u32 $0x9E3779B1, v48  }
0x4b2: {  	v9 =	vsub.f32 v18, v30;
	v14 =	vsub.f32 v59, v29;
	v39 =	vmul.f32 v62, v8  }
0x4b3: {  	v49 =	vadd.s32 $0x30025795, v27;
	v18 =	vsub.f32 v22, v21;
	v20 =	vsub.f32 v20, v61  }
0x4b4: {  	v50 =	vmul.f32 v9, v26;
	v14 =	vmul.f32 v14, v26;
	v22 =	vld.idx.msk [tilespmem:v10+s30+$0x0], $0xffff;
	v10 =	vxor.u32 v3, v17  }
0x4b5: {  	s16 =	simm.s32 $0x30;
	v23 =	vld.idx.msk [tilespmem:v23+s30+$0x0], $0xffff;
	v9 =	vxor.u32 v27, v10;
	v18 =	vmul.f32 v18, v26;
	v20 =	vmul.f32 v20, v26  }
0x4b6: {  	v51 =	vld [tilespmem:s16+$0x0];
	s18 =	simm.s32 $0x2030;
	v30 =	vadd.f32 v50, v30;
	v29 =	vadd.f32 v14, v29;
	v10 =	vxor.u32 v10, v49  }
0x4b7: {  	v52 =	vld [tilespmem:s18+$0x0];
	v9 =	vand.u32 $0x3FFF, v9;
	v14 =	vadd.f32 v18, v21;
	v18 =	vadd.f32 v20, v61  }
0x4b8: {  	v31 =	vld.idx.msk [tilespmem:v31+s30+$0x0], $0xffff;
	v6 =	vsub.f32 v6, v13;
	v12 =	vadd.f32 v39, v12;
	v10 =	vand.u32 $0x3FFF, v10  }
0x4b9: {  	v56 =	vld.idx.msk [tilespmem:v58+s30+$0x0], $0xffff;
	v21 =	vxor.u32 v15, v17;
	v14 =	vsub.f32 v14, v30;
	v18 =	vsub.f32 v18, v29  }
0x4ba: {  	s17 =	simm.s32 $0x4030;
	v24 =	vld.idx.msk [tilespmem:v24+s30+$0x0], $0xffff;
	v13 =	vxor.u32 v27, v21;
	v53 =	vsub.f32 v23, v22;
	v21 =	vxor.u32 v21, v49  }
0x4bb: {  	v20 =	vld [tilespmem:s17+$0x0];
	v13 =	vand.u32 $0x3FFF, v13;
	v54 =	vmul.f32 v14, v6;
	v18 =	vmul.f32 v18, v6  }
0x4bc: {  	v12 =	vsub.f32 v12, v11;
	v17 =	vadd.s32 $0x9E3779B1, v17;
	v23 =	vld.idx.msk [tilespmem:v9+s6+$0x0], $0xffff;
	v14 =	vand.u32 $0x3FFF, v21  }
0x4bd: {  	v8 =	vmul.f32 v53, v8;
	v21 =	vld.idx.msk [tilespmem:v25+s30+$0x0], $0xffff;
	v30 =	vadd.f32 v54, v30;
	v18 =	vadd.f32 v18, v29  }
0x4be: {  	v40 =	vcvt.s32.f32 v63;
	v12 =	vmul.f32 v12, v4;
	v55 =	vld.idx.msk [tilespmem:v10+s6+$0x0], $0xffff;
	v25 =	vxor.u32 v3, v17  }
0x4bf: {  	v8 =	vadd.f32 v8, v22;
	v22 =	vld.idx.msk [tilespmem:v57+s30+$0x0], $0xffff;
	v2 =	vsub.f32 v18, v30;
	v18 =	vxor.u32 v27, v25  }
0x4c0: {  	v15 =	vxor.u32 v15, v17;
	v29 =	vld.idx.msk [tilespmem:v13+s6+$0x0], $0xffff;
	v25 =	vxor.u32 v49, v25;
	v17 =	vand.u32 $0x3FFF, v18  }
0x4c1: {  	v8 =	vsub.f32 v8, v28;
	v57 =	vld.idx.msk [tilespmem:v14+s6+$0x0], $0xffff;
	v27 =	vxor.u32 v27, v15;
	v18 =	vand.u32 $0x3FFF, v25  }
0x4c2: {  	v15 =	vxor.u32 v49, v15;
	v25 =	vld.idx.msk [tilespmem:v19+s30+$0x0], $0xffff;
	v19 =	vsub.f32 v21, v31;
	v21 =	vand.u32 $0x3FFF, v27  }
0x4c3: {  	v8 =	vmul.f32 v8, v4;
	v15 =	vand.u32 $0x3FFF, v15;
	v27 =	vld.idx.msk [tilespmem:v16+s30+$0x0], $0xffff;
	v2 =	vmul.f32 v2, v1  }
0x4c4: {  	v61 =	vsub.f32 v55, v23;
	v4 =	vmul.f32 $2.730000000e+02, v51;
	v16 =	vmul.f32 v19, v26;
	v19 =	vld.idx.msk [tilespmem:v60+s30+$0x0], $0xffff  }
0x4c5: {  	v8 =	vadd.f32 v8, v28;
	v28 =	vmul.f32 $2.730000000e+02, v52;
	v58 =	vadd.f32 v2, v30;
	v32 =	vld.idx.msk [tilespmem:v17+s6+$0x0], $0xffff  }
0x4c6: {  	v2 =	vadd.f32 v12, v11;
	v12 =	vsub.f32 v56, v22;
	v11 =	vmul.f32 $2.730000000e+02, v20;
	v59 =	vld.idx.msk [tilespmem:v18+s6+$0x0], $0xffff  }
0x4c7: {  	v20 =	vtrunc.f32 v4;
	v16 =	vadd.f32 v16, v31;
	v31 =	vtrunc.f32 v28;
	v36 =	vld.idx.msk [tilespmem:v21+s6+$0x0], $0xffff  }
0x4c8: {  	v62 =	vsub.f32 v57, v29;
	v12 =	vmul.f32 v12, v26;
	v30 =	vtrunc.f32 v11;
	v60 =	vld.idx.msk [tilespmem:v15+s6+$0x0], $0xffff  }
0x4c9: {  	v35 =	vsub.f32 v24, v25;
	v24 =	vcvt.f32.s32 v20;
	v8 =	vsub.f32 v8, v2  }
0x4ca: {  	s12 =	sand.u32 $0x3F00, s15;
	s22 =	sand.u32 $0x70, s15;
	v20 =	vcvt.f32.s32 v30;
	v22 =	vadd.f32 v12, v22;
	v12 =	vcvt.f32.s32 v31  }
0x4cb: {  	s13 =	sand.u32 $0x70, s23;
	s14 =	simm.s32 $0x20;
	s12 =	sor.u32 s22, s12;
	v39 =	vcvt.s32.f32 v48;
	v37 =	vsub.f32 v19, v27;
	v19 =	vsub.f32 v38, v40  }
0x4cc: {  	s23 =	sand.u32 $0x3F00, s14;
	s19 =	sadd.s32 $0x1A000, s12;
	v34 =	vadd.s32 $0x1, v24;
	v30 =	vmul.u32 $0x30025795, v20;
	v38 =	vmul.u32 $0x9E3779B1, v12  }
0x4cd: {  	s13 =	sor.u32 s13, s23;
	[tilespmem:s19+$0x80] =	vst v33;
	v33 =	vmul.f32 v61, v19;
	v42 =	vsub.f32 v59, v32;
	v63 =	vsub.f32 v60, v36  }
0x4ce: {  	s15 =	sadd.s32 $0x1A000, s13;
	v40 =	vmul.f32 v62, v19;
	v31 =	vadd.s32 $0x30025795, v30;
	v43 =	vxor.u32 v24, v38  }
0x4cf: {  	s19 =	simm.s32 $0x40;
	[tilespmem:s15+$0x80] =	vst v58;
	s15 =	simm.s32 $0x30;
	v44 =	vxor.u32 v30, v43;
	v41 =	vmul.f32 v42, v19;
	v42 =	vmul.f32 v63, v19  }
.LBB2_16:
0x4d0: {  	p0 =	sne.s32 s19, $0x1FF0;
	v44 =	vand.u32 $0x3FFF, v44;
	s16 =	sadd.s32 $0x10, s16;
	v33 =	vadd.f32 v33, v23;
	v29 =	vadd.f32 v40, v29  }
0x4d1: {  	v23 =	vxor.u32 v43, v31;
	s17 =	sadd.s32 $0x10, s17;
	v40 =	vld [tilespmem:s16+$0x0];
	v32 =	vadd.f32 v41, v32;
	v36 =	vadd.f32 v42, v36  }
0x4d2: {  	s18 =	sadd.s32 $0x10, s18;
	v39 =	vsub.f32 v5, v39;
	v5 =	vmovc v28;
	v42 =	vxor.u32 v34, v38;
	v43 =	vand.u32 $0x3FFF, v23;
	v41 =	vld [tilespmem:s17+$0x0]  }
0x4d3: {  	v23 =	vxor.u32 v30, v42;
	v28 =	vld [tilespmem:s18+$0x0];
	v32 =	vsub.f32 v32, v33;
	v36 =	vsub.f32 v36, v29  }
0x4d4: {  	v35 =	vmul.f32 v35, v26;
	v26 =	vmul.f32 v37, v26;
	v45 =	vand.u32 $0x3FFF, v23;
	v46 =	vld.idx.msk [tilespmem:v9+s30+$0x0], $0xffff;
	v9 =	vmovc v44  }
0x4d5: {  	v37 =	vxor.u32 v42, v31;
	v23 =	vld.idx.msk [tilespmem:v44+s6+$0x0], $0xffff;
	v32 =	vmul.f32 v32, v39;
	v36 =	vmul.f32 v36, v39  }
0x4d6: {  	v25 =	vadd.f32 v35, v25;
	v26 =	vadd.f32 v26, v27;
	v37 =	vand.u32 $0x3FFF, v37;
	v42 =	vld.idx.msk [tilespmem:v10+s30+$0x0], $0xffff;
	v10 =	vmovc v43  }
0x4d7: {  	v27 =	vcvt.s32.f32 v3;
	v3 =	vmovc v24;
	v43 =	vld.idx.msk [tilespmem:v43+s6+$0x0], $0xffff;
	v32 =	vadd.f32 v32, v33;
	v33 =	vadd.f32 v36, v29  }
0x4d8: {  	v24 =	vadd.s32 $0x9E3779B1, v38;
	v25 =	vsub.f32 v25, v16;
	v26 =	vsub.f32 v26, v22;
	v38 =	vld.idx.msk [tilespmem:v13+s30+$0x0], $0xffff;
	v13 =	vmovc v45  }
0x4d9: {  	v35 =	vxor.u32 v3, v24;
	v7 =	vsub.f32 v7, v27;
	v29 =	vld.idx.msk [tilespmem:v45+s6+$0x0], $0xffff;
	v27 =	vsub.f32 v33, v32  }
0x4da: {  	v24 =	vxor.u32 v34, v24;
	v36 =	vmul.f32 v25, v6;
	v33 =	vxor.u32 v30, v35;
	v34 =	vld.idx.msk [tilespmem:v14+s30+$0x0], $0xffff  }
0x4db: {  	s14 =	sadd.s32 $0x20, s14;
	v25 =	vxor.u32 v31, v35;
	v33 =	vand.u32 $0x3FFF, v33;
	v14 =	vmovc v37;
	v44 =	vld.idx.msk [tilespmem:v37+s6+$0x0], $0xffff;
	v27 =	vmul.f32 v27, v7  }
0x4dc: {  	s20 =	sand.u32 $0x70, s11;
	s11 =	smov.u32 s15;
	s21 =	sand.u32 $0x3F00, s14;
	v30 =	vxor.u32 v30, v24;
	v35 =	vand.u32 $0x3FFF, v25;
	v37 =	vsub.f32 v42, v46;
	v25 =	vld.idx.msk [tilespmem:v17+s30+$0x0], $0xffff;
	v17 =	vmovc v33  }
0x4dd: {  	s15 =	smov.u32 s19;
	s20 =	sor.u32 s20, s21;
	v24 =	vxor.u32 v31, v24;
	v30 =	vand.u32 $0x3FFF, v30;
	v31 =	vld.idx.msk [tilespmem:v18+s30+$0x0], $0xffff;
	v32 =	vadd.f32 v27, v32;
	v18 =	vmovc v35  }
0x4de: {  	s21 =	sadd.s32 $0x1A000, s20;
	v26 =	vmul.f32 v26, v6;
	v6 =	vmovc v39;
	v24 =	vand.u32 $0x3FFF, v24;
	v42 =	vmul.f32 v37, v19;
	v27 =	vld.idx.msk [tilespmem:v21+s30+$0x0], $0xffff  }
0x4df: {  	v8 =	vmul.f32 v8, v0;
	v0 =	vmov v1;
	v39 =	vadd.f32 v36, v16;
	v37 =	vld.idx.msk [tilespmem:v15+s30+$0x0], $0xffff;
	[tilespmem:s21+$0x80] =	vst v32  }
0x4e0: {  	v1 =	vmovc v7;
	v21 =	vmov v30;
	v16 =	vadd.f32 v42, v46;
	v32 =	vld.idx.msk [tilespmem:v33+s6+$0x0], $0xffff;
	v33 =	vsub.f32 v34, v38  }
0x4e1: {  	v41 =	vmul.f32 $2.730000000e+02, v41;
	v7 =	vmovc v4;
	v4 =	vmul.f32 $2.730000000e+02, v40;
	v15 =	vmovc v24;
	v34 =	vadd.f32 v26, v22;
	v42 =	vld.idx.msk [tilespmem:v35+s6+$0x0], $0xffff  }
0x4e2: {  	v8 =	vadd.f32 v8, v2;
	v28 =	vmul.f32 $2.730000000e+02, v28;
	v2 =	vmovc v39;
	v36 =	vld.idx.msk [tilespmem:v30+s6+$0x0], $0xffff;
	v22 =	vmul.f32 v33, v19  }
0x4e3: {  	v26 =	vmovc v19;
	v30 =	vtrunc.f32 v4;
	v33 =	vtrunc.f32 v41;
	v35 =	vsub.f32 v31, v25;
	v40 =	vld.idx.msk [tilespmem:v24+s6+$0x0], $0xffff  }
0x4e4: {  	v19 =	vtrunc.f32 v28;
	v24 =	vcvt.f32.s32 v30;
	v22 =	vadd.f32 v22, v38;
	[tilespmem:s12+$0x1A000] =	vst v8;
	s12 =	smov.u32 s13;
	s13 =	smov.u32 s20  }
0x4e5: {  	v31 =	vcvt.s32.f32 v20;
	v20 =	vcvt.f32.s32 v33;
	v37 =	vsub.f32 v37, v27  }
0x4e6: {  	v39 =	vcvt.s32.f32 v12;
	v12 =	vcvt.f32.s32 v19;
	v8 =	vsub.f32 v34, v2  }
.Ltmp7:
0x4e7: {  	v19 =	vsub.f32 v11, v31;
	v11 =	vmovc v41;
	v34 =	vadd.s32 $0x1, v24;
	v30 =	vmul.u32 $0x30025795, v20;
	(pc) =	sbr.rel @p0 .LBB2_16-.Ltmp7, $4  }
0x4e8: {  	v33 =	vsub.f32 v43, v23;
	v41 =	vsub.f32 v44, v29;
	v38 =	vmul.u32 $0x9E3779B1, v12  }
0x4e9: {  	v42 =	vsub.f32 v42, v32;
	v31 =	vadd.s32 $0x30025795, v30;
	v45 =	vsub.f32 v40, v36  }
0x4ea: {  	v33 =	vmul.f32 v33, v19;
	v43 =	vxor.u32 v24, v38;
	v40 =	vmul.f32 v41, v19  }
0x4eb: {  	s19 =	sadd.s32 $0x10, s19;
	v44 =	vxor.u32 v30, v43;
	v41 =	vmul.f32 v42, v19;
	v42 =	vmul.f32 v45, v19  }
0x4ec: {  	_ =	sdelay $0x2  }
0x4ed: {  	v44 =	vand.u32 $0x3FFF, v44;
	v43 =	vxor.u32 v43, v31;
	v45 =	vxor.u32 v34, v38  }
0x4ee: {  	v9 =	vld.idx.msk [tilespmem:v9+s30+$0x0], $0xffff;
	v23 =	vadd.f32 v33, v23;
	v29 =	vadd.f32 v40, v29;
	v35 =	vmul.f32 v35, v26  }
0x4ef: {  	v10 =	vld.idx.msk [tilespmem:v10+s30+$0x0], $0xffff;
	v5 =	vsub.f32 v5, v39;
	v26 =	vmul.f32 v37, v26;
	v3 =	vcvt.s32.f32 v3  }
0x4f0: {  	v13 =	vld.idx.msk [tilespmem:v13+s30+$0x0], $0xffff;
	v12 =	vcvt.s32.f32 v12;
	v0 =	vmul.f32 v8, v0;
	v46 =	vxor.u32 v30, v45  }
0x4f1: {  	v14 =	vld.idx.msk [tilespmem:v14+s30+$0x0], $0xffff;
	v45 =	vxor.u32 v45, v31;
	v36 =	vadd.f32 v42, v36;
	v42 =	vadd.s32 $0x9E3779B1, v38  }
0x4f2: {  	v17 =	vld.idx.msk [tilespmem:v17+s30+$0x0], $0xffff;
	v43 =	vand.u32 $0x3FFF, v43;
	v62 =	vand.u32 $0x3FFF, v45;
	v45 =	vxor.u32 v24, v42  }
0x4f3: {  	v18 =	vld.idx.msk [tilespmem:v18+s30+$0x0], $0xffff;
	v32 =	vadd.f32 v41, v32;
	v46 =	vand.u32 $0x3FFF, v46;
	v50 =	vxor.u32 v30, v45  }
0x4f4: {  	v21 =	vld.idx.msk [tilespmem:v21+s30+$0x0], $0xffff;
	v49 =	vxor.u32 v34, v42;
	v39 =	vxor.u32 v31, v45;
	v38 =	vand.u32 $0x3FFF, v50  }
0x4f5: {  	v15 =	vld.idx.msk [tilespmem:v15+s30+$0x0], $0xffff;
	v25 =	vadd.f32 v35, v25;
	v30 =	vxor.u32 v30, v49;
	v39 =	vand.u32 $0x3FFF, v39  }
0x4f6: {  	v26 =	vadd.f32 v26, v27;
	v31 =	vxor.u32 v31, v49;
	v30 =	vand.u32 $0x3FFF, v30;
	v47 =	vld.idx.msk [tilespmem:v44+s6+$0x0], $0xffff  }
0x4f7: {  	v3 =	vsub.f32 v7, v3;
	v12 =	vsub.f32 v28, v12;
	v31 =	vand.u32 $0x3FFF, v31;
	v63 =	vld.idx.msk [tilespmem:v43+s6+$0x0], $0xffff  }
0x4f8: {  	v0 =	vadd.f32 v0, v2;
	v25 =	vsub.f32 v25, v16;
	v48 =	vld.idx.msk [tilespmem:v46+s6+$0x0], $0xffff  }
0x4f9: {  	v32 =	vsub.f32 v32, v23;
	v10 =	vsub.f32 v10, v9;
	v27 =	vld.idx.msk [tilespmem:v38+s6+$0x0], $0xffff  }
0x4fa: {  	v36 =	vsub.f32 v36, v29;
	v26 =	vsub.f32 v26, v22;
	v25 =	vmul.f32 v25, v6;
	v53 =	vld.idx.msk [tilespmem:v39+s6+$0x0], $0xffff  }
0x4fb: {  	v32 =	vmul.f32 v32, v5;
	v7 =	vmul.f32 v10, v19;
	v10 =	vsub.f32 v14, v13;
	v14 =	vld.idx.msk [tilespmem:v30+s6+$0x0], $0xffff  }
0x4fc: {  	v52 =	vmul.f32 v36, v5;
	v18 =	vsub.f32 v18, v17;
	v16 =	vadd.f32 v25, v16;
	v25 =	vld.idx.msk [tilespmem:v31+s6+$0x0], $0xffff  }
0x4fd: {  	v15 =	vsub.f32 v15, v21;
	v51 =	vld.idx.msk [tilespmem:v62+s6+$0x0], $0xffff;
	v7 =	vadd.f32 v7, v9;
	v9 =	vmul.f32 v10, v19  }
0x4fe: {  	v6 =	vmul.f32 v26, v6;
	v23 =	vadd.f32 v32, v23;
	v26 =	vld.idx.msk [tilespmem:v46+s30+$0x0], $0xffff;
	v10 =	vcvt.s32.f32 v20  }
0x4ff: {  	v29 =	vadd.f32 v52, v29;
	v33 =	vld.idx.msk [tilespmem:v62+s30+$0x0], $0xffff;
	v9 =	vadd.f32 v9, v13  }
0x500: {  	v20 =	vld.idx.msk [tilespmem:v44+s30+$0x0], $0xffff;
	v10 =	vsub.f32 v11, v10;
	v13 =	vsub.f32 v63, v47  }
0x501: {  	v54 =	vld.idx.msk [tilespmem:v38+s30+$0x0], $0xffff;
	v32 =	vsub.f32 v53, v27;
	v25 =	vsub.f32 v25, v14  }
0x502: {  	v18 =	vmul.f32 v18, v19;
	v6 =	vadd.f32 v6, v22;
	v55 =	vld.idx.msk [tilespmem:v39+s30+$0x0], $0xffff;
	v13 =	vmul.f32 v13, v10  }
0x503: {  	v29 =	vsub.f32 v29, v23;
	v30 =	vld.idx.msk [tilespmem:v30+s30+$0x0], $0xffff;
	v32 =	vmul.f32 v32, v10;
	v25 =	vmul.f32 v25, v10  }
0x504: {  	v15 =	vmul.f32 v15, v19;
	v17 =	vadd.f32 v18, v17;
	v11 =	vld.idx.msk [tilespmem:v43+s30+$0x0], $0xffff;
	v13 =	vadd.f32 v13, v47  }
0x505: {  	v27 =	vadd.f32 v32, v27;
	v14 =	vadd.f32 v25, v14;
	v25 =	vld.idx.msk [tilespmem:v31+s30+$0x0], $0xffff  }
0x506: {  	v15 =	vadd.f32 v15, v21;
	v22 =	vsub.f32 v51, v48  }
0x507: {  	v17 =	vsub.f32 v17, v7;
	v19 =	vsub.f32 v27, v13  }
0x508: {  	v15 =	vsub.f32 v15, v9;
	v22 =	vmul.f32 v22, v10;
	v21 =	vsub.f32 v55, v54  }
0x509: {  	v11 =	vsub.f32 v11, v20;
	v18 =	vmul.f32 v19, v12;
	v19 =	vsub.f32 v33, v26  }
0x50a: {  	v22 =	vadd.f32 v22, v48;
	v25 =	vsub.f32 v25, v30  }
0x50b: {  	v11 =	vmul.f32 v11, v10;
	v13 =	vadd.f32 v18, v13;
	v18 =	vmul.f32 v19, v10  }
0x50c: {  	v14 =	vsub.f32 v14, v22;
	v19 =	vmul.f32 v21, v10;
	v10 =	vmul.f32 v25, v10  }
0x50d: {  	v11 =	vadd.f32 v11, v20;
	v18 =	vadd.f32 v18, v26  }
0x50e: {  	v19 =	vadd.f32 v19, v54;
	v10 =	vadd.f32 v10, v30  }
0x50f: {  	v6 =	vsub.f32 v6, v16;
	v17 =	vmul.f32 v17, v5;
	v14 =	vmul.f32 v14, v12  }
0x510: {  	v5 =	vmul.f32 v15, v5;
	v19 =	vsub.f32 v19, v11;
	v10 =	vsub.f32 v10, v18  }
0x511: {  	v7 =	vadd.f32 v17, v7;
	v20 =	vcvt.s32.f32 v24;
	v14 =	vadd.f32 v14, v22  }
0x512: {  	v5 =	vadd.f32 v5, v9;
	v15 =	vmul.f32 v19, v12;
	v10 =	vmul.f32 v10, v12  }
0x513: {  	v4 =	vsub.f32 v4, v20;
	v14 =	vsub.f32 v14, v13  }
0x514: {  	v1 =	vmul.f32 v6, v1;
	v8 =	vadd.f32 v15, v11;
	v9 =	vadd.f32 v10, v18  }
0x515: {  	s14 =	sadd.s32 $0x20, s14;
	v5 =	vsub.f32 v5, v7;
	v12 =	vmul.f32 v29, v3  }
0x516: {  	s11 =	sand.u32 $0x70, s11;
	s16 =	sand.u32 $0x3F00, s14;
	s14 =	sadd.s32 $0x20, s14;
	[tilespmem:s12+$0x1A000] =	vst v0;
	v0 =	vadd.f32 v1, v16;
	v11 =	vmul.f32 v14, v4;
	v2 =	vsub.f32 v9, v8  }
0x517: {  	s15 =	sand.u32 $0x70, s15;
	s11 =	sor.u32 s11, s16;
	s14 =	sand.u32 $0x3F00, s14;
	v3 =	vmul.f32 v5, v3;
	v10 =	vadd.f32 v12, v23  }
0x518: {  	s16 =	sadd.s32 $0x1A000, s11;
	s14 =	sor.u32 s15, s14;
	[tilespmem:s13+$0x1A000] =	vst v0;
	v6 =	vadd.f32 v11, v13;
	v1 =	vmul.f32 v2, v4  }
0x519: {  	s23 =	sadd.s32 $0x1A000, s14;
	[tilespmem:s16+$0x80] =	vst v10;
	v2 =	vadd.f32 v3, v7  }
0x51a: {  	[tilespmem:s23+$0x80] =	vst v6;
	v0 =	vadd.f32 v1, v8  }
0x51b: {  	[tilespmem:s11+$0x1A000] =	vst v2  }
0x51c: {  	[tilespmem:s14+$0x1A000] =	vst v0  }
0x51d: {  	s11 =	rddreg [dreg:$0x16]  }
0x51e: {  	[hbm4b:s11+s1] =	stream.strided.scatter [tilespmem:s7], [sflag:$0x4], $0x4000, s3, s1, $0x38;
	[tilespmem:$0x1E000] =	vst v63  }
0x51f: {  	s15 =	simm.s32 $0x0;
	s20 =	rddreg [dreg:$0x17]  }
0x520: {  	[tilespmem:s30], [sflag:$0x2] =	stream.linear.gather [hbm4b:s20+s15], $0x8000, $0x38;
	[tilespmem:$0x1E000] =	vst v63  }
0x521: {  	_ =	swait.ge [sflag:s31], $0x8000  }
0x522: {  	[sflag:s31] =	ssyncset.done $0x0  }
0x523: {  	[sflag:s31] =	ssyncadd.s32 $0xFFFF8000  }
0x524: {  	_ =	swait.ge [sflag:s8], $0x4000  }
0x525: {  	[sflag:s8] =	ssyncset.done $0x0  }
0x526: {  	s21 =	simm.s32 $0x2000;
	[sflag:s8] =	ssyncadd.s32 $0xFFFFC000  }
0x527: {  	s22 =	simm.s32 $0x4000;
	v0 =	vld [tilespmem:s21+$0x0]  }
0x528: {  	v1 =	vld [tilespmem:s22+$0x0]  }
0x529: {  	v2 =	vld [tilespmem:s15+$0x0];
	_ =	sdelay $0x2  }
0x52a: {  	v0 =	vmul.f32 $4.100000000e+02, v0  }
0x52b: {  	v3 =	vmul.f32 $4.100000000e+02, v1  }
0x52c: {  	v5 =	vmul.f32 $4.100000000e+02, v2;
	v1 =	vtrunc.f32 v0  }
0x52d: {  	v2 =	vtrunc.f32 v3;
	v4 =	vcvt.f32.s32 v1  }
0x52e: {  	v1 =	vtrunc.f32 v5;
	v7 =	vcvt.f32.s32 v2  }
0x52f: {  	v9 =	vcvt.f32.s32 v1;
	v1 =	vmul.u32 $0x9E3779B1, v4  }
0x530: {  	v2 =	vmul.u32 $0x30025795, v7  }
0x531: {  	v6 =	vxor.u32 v9, v1  }
0x532: {  	v8 =	vadd.s32 $0x1, v9;
	v10 =	vadd.s32 $0x30025795, v2;
	v11 =	vxor.u32 v2, v6  }
0x533: {  	v12 =	vxor.u32 v8, v1;
	v6 =	vxor.u32 v6, v10;
	v11 =	vand.u32 $0x3FFF, v11  }
0x534: {  	s23 =	simm.s32 $0x10;
	v1 =	vadd.s32 $0x9E3779B1, v1;
	v13 =	vand.u32 $0x3FFF, v6;
	v6 =	vxor.u32 v2, v12  }
0x535: {  	s18 =	simm.s32 $0x4010;
	v14 =	vld [tilespmem:s23+$0x0];
	v15 =	vand.u32 $0x3FFF, v6;
	v6 =	vxor.u32 v12, v10;
	v12 =	vxor.u32 v9, v1  }
0x536: {  	s19 =	simm.s32 $0x2010;
	v16 =	vld [tilespmem:s18+$0x0];
	v17 =	vand.u32 $0x3FFF, v6;
	v6 =	vxor.u32 v2, v12  }
0x537: {  	v18 =	vld [tilespmem:s19+$0x0];
	v1 =	vxor.u32 v8, v1;
	v8 =	vxor.u32 v10, v12;
	v12 =	vand.u32 $0x3FFF, v6  }
0x538: {  	v2 =	vxor.u32 v2, v1;
	v20 =	vand.u32 $0x3FFF, v8;
	v19 =	vld.idx.msk [tilespmem:v11+s0+$0x0], $0xffff  }
0x539: {  	v1 =	vxor.u32 v10, v1;
	v10 =	vand.u32 $0x3FFF, v2;
	v21 =	vld.idx.msk [tilespmem:v13+s0+$0x0], $0xffff  }
0x53a: {  	v23 =	vand.u32 $0x3FFF, v1;
	v22 =	vld.idx.msk [tilespmem:v15+s0+$0x0], $0xffff  }
0x53b: {  	v24 =	vld.idx.msk [tilespmem:v17+s0+$0x0], $0xffff  }
0x53c: {  	v7 =	vcvt.s32.f32 v7;
	v25 =	vld.idx.msk [tilespmem:v12+s0+$0x0], $0xffff  }
0x53d: {  	v1 =	vmul.f32 $4.100000000e+02, v14;
	v14 =	vmul.f32 $4.100000000e+02, v16;
	v16 =	vld.idx.msk [tilespmem:v20+s0+$0x0], $0xffff  }
0x53e: {  	v4 =	vcvt.s32.f32 v4;
	v6 =	vmul.f32 $4.100000000e+02, v18;
	v18 =	vld.idx.msk [tilespmem:v10+s0+$0x0], $0xffff  }
0x53f: {  	v2 =	vtrunc.f32 v1;
	v8 =	vtrunc.f32 v14;
	v26 =	vld.idx.msk [tilespmem:v23+s0+$0x0], $0xffff  }
0x540: {  	v27 =	vtrunc.f32 v6;
	v2 =	vcvt.f32.s32 v2  }
0x541: {  	v4 =	vsub.f32 v0, v4;
	v28 =	vcvt.f32.s32 v8;
	v27 =	vcvt.f32.s32 v27  }
0x542: {  	v8 =	vsub.f32 v3, v7;
	v29 =	vadd.s32 $0x1, v2;
	v7 =	vsub.f32 v21, v19  }
0x543: {  	v3 =	vmul.u32 $0x9E3779B1, v27;
	v21 =	vsub.f32 v24, v22;
	v16 =	vsub.f32 v16, v25  }
0x544: {  	v24 =	vmul.u32 $0x30025795, v28;
	v7 =	vmul.f32 v7, v8;
	v26 =	vsub.f32 v26, v18  }
0x545: {  	v30 =	vxor.u32 v2, v3;
	v21 =	vmul.f32 v21, v8;
	v16 =	vmul.f32 v16, v8  }
0x546: {  	s21 =	simm.s32 $0x2020;
	v31 =	vxor.u32 v24, v30;
	v7 =	vadd.f32 v7, v19;
	v26 =	vmul.f32 v26, v8  }
0x547: {  	v56 =	vld [tilespmem:s21+$0x0];
	v19 =	vadd.f32 v21, v22;
	v21 =	vadd.s32 $0x30025795, v24;
	v16 =	vadd.f32 v16, v25  }
0x548: {  	v11 =	vld.idx.msk [tilespmem:v11+s28+$0x0], $0xffff;
	v31 =	vand.u32 $0x3FFF, v31;
	v18 =	vadd.f32 v26, v18;
	v25 =	vxor.u32 v30, v21  }
0x549: {  	v13 =	vld.idx.msk [tilespmem:v13+s28+$0x0], $0xffff;
	v30 =	vxor.u32 v29, v3;
	v3 =	vadd.s32 $0x9E3779B1, v3;
	v16 =	vsub.f32 v16, v7  }
0x54a: {  	v15 =	vld.idx.msk [tilespmem:v15+s28+$0x0], $0xffff;
	v0 =	vxor.u32 v24, v30;
	v25 =	vand.u32 $0x3FFF, v25;
	v18 =	vsub.f32 v18, v19  }
0x54b: {  	v17 =	vld.idx.msk [tilespmem:v17+s28+$0x0], $0xffff;
	v57 =	vand.u32 $0x3FFF, v0;
	v0 =	vxor.u32 v30, v21;
	v16 =	vmul.f32 v16, v4  }
0x54c: {  	s20 =	simm.s32 $0x4020;
	v12 =	vld.idx.msk [tilespmem:v12+s28+$0x0], $0xffff;
	v58 =	vand.u32 $0x3FFF, v0;
	v0 =	vcvt.s32.f32 v9;
	v18 =	vmul.f32 v18, v4  }
0x54d: {  	s11 =	simm.s32 $0x20;
	v26 =	vld [tilespmem:s20+$0x0];
	v9 =	vadd.f32 v16, v7;
	v7 =	vxor.u32 v2, v3  }
0x54e: {  	v22 =	vld [tilespmem:s11+$0x0];
	v0 =	vsub.f32 v5, v0;
	v16 =	vadd.f32 v18, v19;
	v5 =	vxor.u32 v24, v7  }
0x54f: {  	v30 =	vld.idx.msk [tilespmem:v31+s0+$0x0], $0xffff;
	v3 =	vxor.u32 v29, v3;
	v7 =	vxor.u32 v21, v7;
	v19 =	vand.u32 $0x3FFF, v5  }
0x550: {  	v18 =	vld.idx.msk [tilespmem:v25+s0+$0x0], $0xffff;
	v5 =	vsub.f32 v16, v9;
	v16 =	vxor.u32 v24, v3;
	v24 =	vand.u32 $0x3FFF, v7  }
0x551: {  	v29 =	vld.idx.msk [tilespmem:v57+s0+$0x0], $0xffff;
	v7 =	vsub.f32 v13, v11;
	v3 =	vxor.u32 v21, v3;
	v16 =	vand.u32 $0x3FFF, v16  }
0x552: {  	v38 =	vmul.f32 $4.100000000e+02, v26;
	v59 =	vld.idx.msk [tilespmem:v58+s0+$0x0], $0xffff;
	v60 =	vand.u32 $0x3FFF, v3;
	v3 =	vmul.f32 v5, v0  }
0x553: {  	v17 =	vsub.f32 v17, v15;
	v13 =	vld.idx.msk [tilespmem:v20+s28+$0x0], $0xffff;
	v20 =	vmul.f32 v7, v8;
	v7 =	vmul.f32 $4.100000000e+02, v22  }
0x554: {  	v2 =	vcvt.s32.f32 v2;
	v5 =	vmul.f32 $4.100000000e+02, v56;
	v21 =	vld.idx.msk [tilespmem:v19+s0+$0x0], $0xffff  }
0x555: {  	v17 =	vmul.f32 v17, v8;
	v33 =	vadd.f32 v3, v9;
	v3 =	vtrunc.f32 v7;
	v22 =	vld.idx.msk [tilespmem:v24+s0+$0x0], $0xffff  }
0x556: {  	v1 =	vsub.f32 v1, v2;
	v9 =	vtrunc.f32 v38;
	v26 =	vtrunc.f32 v5;
	v61 =	vld.idx.msk [tilespmem:v16+s0+$0x0], $0xffff  }
0x557: {  	v11 =	vadd.f32 v20, v11;
	v3 =	vcvt.f32.s32 v3;
	v63 =	vcvt.f32.s32 v9;
	v20 =	vld.idx.msk [tilespmem:v60+s0+$0x0], $0xffff  }
0x558: {  	v62 =	vsub.f32 v13, v12;
	v9 =	vcvt.s32.f32 v28;
	v48 =	vcvt.f32.s32 v26  }
0x559: {  	v28 =	vadd.f32 v17, v15;
	v13 =	vcvt.s32.f32 v27;
	v15 =	vadd.s32 $0x1, v3  }
0x55a: {  	v27 =	vmul.u32 $0x30025795, v63;
	v26 =	vsub.f32 v14, v9;
	v17 =	vmul.u32 $0x9E3779B1, v48  }
0x55b: {  	v9 =	vsub.f32 v18, v30;
	v14 =	vsub.f32 v59, v29;
	v39 =	vmul.f32 v62, v8  }
0x55c: {  	v49 =	vadd.s32 $0x30025795, v27;
	v18 =	vsub.f32 v22, v21;
	v20 =	vsub.f32 v20, v61  }
0x55d: {  	v50 =	vmul.f32 v9, v26;
	v14 =	vmul.f32 v14, v26;
	v22 =	vld.idx.msk [tilespmem:v10+s28+$0x0], $0xffff;
	v10 =	vxor.u32 v3, v17  }
0x55e: {  	s16 =	simm.s32 $0x30;
	v23 =	vld.idx.msk [tilespmem:v23+s28+$0x0], $0xffff;
	v9 =	vxor.u32 v27, v10;
	v18 =	vmul.f32 v18, v26;
	v20 =	vmul.f32 v20, v26  }
0x55f: {  	v51 =	vld [tilespmem:s16+$0x0];
	s18 =	simm.s32 $0x2030;
	v30 =	vadd.f32 v50, v30;
	v29 =	vadd.f32 v14, v29;
	v10 =	vxor.u32 v10, v49  }
0x560: {  	v52 =	vld [tilespmem:s18+$0x0];
	v9 =	vand.u32 $0x3FFF, v9;
	v14 =	vadd.f32 v18, v21;
	v18 =	vadd.f32 v20, v61  }
0x561: {  	v31 =	vld.idx.msk [tilespmem:v31+s28+$0x0], $0xffff;
	v6 =	vsub.f32 v6, v13;
	v12 =	vadd.f32 v39, v12;
	v10 =	vand.u32 $0x3FFF, v10  }
0x562: {  	v56 =	vld.idx.msk [tilespmem:v58+s28+$0x0], $0xffff;
	v21 =	vxor.u32 v15, v17;
	v14 =	vsub.f32 v14, v30;
	v18 =	vsub.f32 v18, v29  }
0x563: {  	s17 =	simm.s32 $0x4030;
	v24 =	vld.idx.msk [tilespmem:v24+s28+$0x0], $0xffff;
	v13 =	vxor.u32 v27, v21;
	v53 =	vsub.f32 v23, v22;
	v21 =	vxor.u32 v21, v49  }
0x564: {  	v20 =	vld [tilespmem:s17+$0x0];
	v13 =	vand.u32 $0x3FFF, v13;
	v54 =	vmul.f32 v14, v6;
	v18 =	vmul.f32 v18, v6  }
0x565: {  	v12 =	vsub.f32 v12, v11;
	v17 =	vadd.s32 $0x9E3779B1, v17;
	v23 =	vld.idx.msk [tilespmem:v9+s0+$0x0], $0xffff;
	v14 =	vand.u32 $0x3FFF, v21  }
0x566: {  	v8 =	vmul.f32 v53, v8;
	v21 =	vld.idx.msk [tilespmem:v25+s28+$0x0], $0xffff;
	v30 =	vadd.f32 v54, v30;
	v18 =	vadd.f32 v18, v29  }
0x567: {  	v40 =	vcvt.s32.f32 v63;
	v12 =	vmul.f32 v12, v4;
	v55 =	vld.idx.msk [tilespmem:v10+s0+$0x0], $0xffff;
	v25 =	vxor.u32 v3, v17  }
0x568: {  	v8 =	vadd.f32 v8, v22;
	v22 =	vld.idx.msk [tilespmem:v57+s28+$0x0], $0xffff;
	v2 =	vsub.f32 v18, v30;
	v18 =	vxor.u32 v27, v25  }
0x569: {  	v15 =	vxor.u32 v15, v17;
	v29 =	vld.idx.msk [tilespmem:v13+s0+$0x0], $0xffff;
	v25 =	vxor.u32 v49, v25;
	v17 =	vand.u32 $0x3FFF, v18  }
0x56a: {  	v8 =	vsub.f32 v8, v28;
	v57 =	vld.idx.msk [tilespmem:v14+s0+$0x0], $0xffff;
	v27 =	vxor.u32 v27, v15;
	v18 =	vand.u32 $0x3FFF, v25  }
0x56b: {  	v15 =	vxor.u32 v49, v15;
	v25 =	vld.idx.msk [tilespmem:v19+s28+$0x0], $0xffff;
	v19 =	vsub.f32 v21, v31;
	v21 =	vand.u32 $0x3FFF, v27  }
0x56c: {  	v8 =	vmul.f32 v8, v4;
	v15 =	vand.u32 $0x3FFF, v15;
	v27 =	vld.idx.msk [tilespmem:v16+s28+$0x0], $0xffff;
	v2 =	vmul.f32 v2, v1  }
0x56d: {  	v61 =	vsub.f32 v55, v23;
	v4 =	vmul.f32 $4.100000000e+02, v51;
	v16 =	vmul.f32 v19, v26;
	v19 =	vld.idx.msk [tilespmem:v60+s28+$0x0], $0xffff  }
0x56e: {  	v8 =	vadd.f32 v8, v28;
	v28 =	vmul.f32 $4.100000000e+02, v52;
	v58 =	vadd.f32 v2, v30;
	v32 =	vld.idx.msk [tilespmem:v17+s0+$0x0], $0xffff  }
0x56f: {  	v2 =	vadd.f32 v12, v11;
	v12 =	vsub.f32 v56, v22;
	v11 =	vmul.f32 $4.100000000e+02, v20;
	v59 =	vld.idx.msk [tilespmem:v18+s0+$0x0], $0xffff  }
0x570: {  	v20 =	vtrunc.f32 v4;
	v16 =	vadd.f32 v16, v31;
	v31 =	vtrunc.f32 v28;
	v36 =	vld.idx.msk [tilespmem:v21+s0+$0x0], $0xffff  }
0x571: {  	v62 =	vsub.f32 v57, v29;
	v12 =	vmul.f32 v12, v26;
	v30 =	vtrunc.f32 v11;
	v60 =	vld.idx.msk [tilespmem:v15+s0+$0x0], $0xffff  }
0x572: {  	v35 =	vsub.f32 v24, v25;
	v24 =	vcvt.f32.s32 v20;
	v8 =	vsub.f32 v8, v2  }
0x573: {  	s12 =	sand.u32 $0x3F00, s15;
	s22 =	sand.u32 $0x70, s15;
	v20 =	vcvt.f32.s32 v30;
	v22 =	vadd.f32 v12, v22;
	v12 =	vcvt.f32.s32 v31  }
0x574: {  	s13 =	sand.u32 $0x70, s23;
	s14 =	simm.s32 $0x20;
	s12 =	sor.u32 s22, s12;
	v39 =	vcvt.s32.f32 v48;
	v37 =	vsub.f32 v19, v27;
	v19 =	vsub.f32 v38, v40  }
0x575: {  	s23 =	sand.u32 $0x3F00, s14;
	s19 =	sadd.s32 $0x16000, s12;
	v34 =	vadd.s32 $0x1, v24;
	v30 =	vmul.u32 $0x30025795, v20;
	v38 =	vmul.u32 $0x9E3779B1, v12  }
0x576: {  	s13 =	sor.u32 s13, s23;
	[tilespmem:s19+$0x80] =	vst v33;
	v33 =	vmul.f32 v61, v19;
	v42 =	vsub.f32 v59, v32;
	v63 =	vsub.f32 v60, v36  }
0x577: {  	s15 =	sadd.s32 $0x16000, s13;
	v40 =	vmul.f32 v62, v19;
	v31 =	vadd.s32 $0x30025795, v30;
	v43 =	vxor.u32 v24, v38  }
0x578: {  	s19 =	simm.s32 $0x40;
	[tilespmem:s15+$0x80] =	vst v58;
	s15 =	simm.s32 $0x30;
	v44 =	vxor.u32 v30, v43;
	v41 =	vmul.f32 v42, v19;
	v42 =	vmul.f32 v63, v19  }
.LBB2_18:
0x579: {  	p0 =	sne.s32 s19, $0x1FF0;
	v44 =	vand.u32 $0x3FFF, v44;
	s16 =	sadd.s32 $0x10, s16;
	v33 =	vadd.f32 v33, v23;
	v29 =	vadd.f32 v40, v29  }
0x57a: {  	v23 =	vxor.u32 v43, v31;
	s17 =	sadd.s32 $0x10, s17;
	v40 =	vld [tilespmem:s16+$0x0];
	v32 =	vadd.f32 v41, v32;
	v36 =	vadd.f32 v42, v36  }
0x57b: {  	s18 =	sadd.s32 $0x10, s18;
	v39 =	vsub.f32 v5, v39;
	v5 =	vmovc v28;
	v42 =	vxor.u32 v34, v38;
	v43 =	vand.u32 $0x3FFF, v23;
	v41 =	vld [tilespmem:s17+$0x0]  }
0x57c: {  	v23 =	vxor.u32 v30, v42;
	v28 =	vld [tilespmem:s18+$0x0];
	v32 =	vsub.f32 v32, v33;
	v36 =	vsub.f32 v36, v29  }
0x57d: {  	v35 =	vmul.f32 v35, v26;
	v26 =	vmul.f32 v37, v26;
	v45 =	vand.u32 $0x3FFF, v23;
	v46 =	vld.idx.msk [tilespmem:v9+s28+$0x0], $0xffff;
	v9 =	vmovc v44  }
0x57e: {  	v37 =	vxor.u32 v42, v31;
	v23 =	vld.idx.msk [tilespmem:v44+s0+$0x0], $0xffff;
	v32 =	vmul.f32 v32, v39;
	v36 =	vmul.f32 v36, v39  }
0x57f: {  	v25 =	vadd.f32 v35, v25;
	v26 =	vadd.f32 v26, v27;
	v37 =	vand.u32 $0x3FFF, v37;
	v42 =	vld.idx.msk [tilespmem:v10+s28+$0x0], $0xffff;
	v10 =	vmovc v43  }
0x580: {  	v27 =	vcvt.s32.f32 v3;
	v3 =	vmovc v24;
	v43 =	vld.idx.msk [tilespmem:v43+s0+$0x0], $0xffff;
	v32 =	vadd.f32 v32, v33;
	v33 =	vadd.f32 v36, v29  }
0x581: {  	v24 =	vadd.s32 $0x9E3779B1, v38;
	v25 =	vsub.f32 v25, v16;
	v26 =	vsub.f32 v26, v22;
	v38 =	vld.idx.msk [tilespmem:v13+s28+$0x0], $0xffff;
	v13 =	vmovc v45  }
0x582: {  	v35 =	vxor.u32 v3, v24;
	v7 =	vsub.f32 v7, v27;
	v29 =	vld.idx.msk [tilespmem:v45+s0+$0x0], $0xffff;
	v27 =	vsub.f32 v33, v32  }
0x583: {  	v24 =	vxor.u32 v34, v24;
	v36 =	vmul.f32 v25, v6;
	v33 =	vxor.u32 v30, v35;
	v34 =	vld.idx.msk [tilespmem:v14+s28+$0x0], $0xffff  }
0x584: {  	s14 =	sadd.s32 $0x20, s14;
	v25 =	vxor.u32 v31, v35;
	v33 =	vand.u32 $0x3FFF, v33;
	v14 =	vmovc v37;
	v44 =	vld.idx.msk [tilespmem:v37+s0+$0x0], $0xffff;
	v27 =	vmul.f32 v27, v7  }
0x585: {  	s20 =	sand.u32 $0x70, s11;
	s11 =	smov.u32 s15;
	s21 =	sand.u32 $0x3F00, s14;
	v30 =	vxor.u32 v30, v24;
	v35 =	vand.u32 $0x3FFF, v25;
	v37 =	vsub.f32 v42, v46;
	v25 =	vld.idx.msk [tilespmem:v17+s28+$0x0], $0xffff;
	v17 =	vmovc v33  }
0x586: {  	s15 =	smov.u32 s19;
	s20 =	sor.u32 s20, s21;
	v24 =	vxor.u32 v31, v24;
	v30 =	vand.u32 $0x3FFF, v30;
	v31 =	vld.idx.msk [tilespmem:v18+s28+$0x0], $0xffff;
	v32 =	vadd.f32 v27, v32;
	v18 =	vmovc v35  }
0x587: {  	s21 =	sadd.s32 $0x16000, s20;
	v26 =	vmul.f32 v26, v6;
	v6 =	vmovc v39;
	v24 =	vand.u32 $0x3FFF, v24;
	v42 =	vmul.f32 v37, v19;
	v27 =	vld.idx.msk [tilespmem:v21+s28+$0x0], $0xffff  }
0x588: {  	v8 =	vmul.f32 v8, v0;
	v0 =	vmov v1;
	v39 =	vadd.f32 v36, v16;
	v37 =	vld.idx.msk [tilespmem:v15+s28+$0x0], $0xffff;
	[tilespmem:s21+$0x80] =	vst v32  }
0x589: {  	v1 =	vmovc v7;
	v21 =	vmov v30;
	v16 =	vadd.f32 v42, v46;
	v32 =	vld.idx.msk [tilespmem:v33+s0+$0x0], $0xffff;
	v33 =	vsub.f32 v34, v38  }
0x58a: {  	v41 =	vmul.f32 $4.100000000e+02, v41;
	v7 =	vmovc v4;
	v4 =	vmul.f32 $4.100000000e+02, v40;
	v15 =	vmovc v24;
	v34 =	vadd.f32 v26, v22;
	v42 =	vld.idx.msk [tilespmem:v35+s0+$0x0], $0xffff  }
0x58b: {  	v8 =	vadd.f32 v8, v2;
	v28 =	vmul.f32 $4.100000000e+02, v28;
	v2 =	vmovc v39;
	v36 =	vld.idx.msk [tilespmem:v30+s0+$0x0], $0xffff;
	v22 =	vmul.f32 v33, v19  }
0x58c: {  	v26 =	vmovc v19;
	v30 =	vtrunc.f32 v4;
	v33 =	vtrunc.f32 v41;
	v35 =	vsub.f32 v31, v25;
	v40 =	vld.idx.msk [tilespmem:v24+s0+$0x0], $0xffff  }
0x58d: {  	v19 =	vtrunc.f32 v28;
	v24 =	vcvt.f32.s32 v30;
	v22 =	vadd.f32 v22, v38;
	[tilespmem:s12+$0x16000] =	vst v8;
	s12 =	smov.u32 s13;
	s13 =	smov.u32 s20  }
0x58e: {  	v31 =	vcvt.s32.f32 v20;
	v20 =	vcvt.f32.s32 v33;
	v37 =	vsub.f32 v37, v27  }
0x58f: {  	v39 =	vcvt.s32.f32 v12;
	v12 =	vcvt.f32.s32 v19;
	v8 =	vsub.f32 v34, v2  }
.Ltmp8:
0x590: {  	v19 =	vsub.f32 v11, v31;
	v11 =	vmovc v41;
	v34 =	vadd.s32 $0x1, v24;
	v30 =	vmul.u32 $0x30025795, v20;
	(pc) =	sbr.rel @p0 .LBB2_18-.Ltmp8, $4  }
0x591: {  	v33 =	vsub.f32 v43, v23;
	v41 =	vsub.f32 v44, v29;
	v38 =	vmul.u32 $0x9E3779B1, v12  }
0x592: {  	v42 =	vsub.f32 v42, v32;
	v31 =	vadd.s32 $0x30025795, v30;
	v45 =	vsub.f32 v40, v36  }
0x593: {  	v33 =	vmul.f32 v33, v19;
	v43 =	vxor.u32 v24, v38;
	v40 =	vmul.f32 v41, v19  }
0x594: {  	s19 =	sadd.s32 $0x10, s19;
	v44 =	vxor.u32 v30, v43;
	v41 =	vmul.f32 v42, v19;
	v42 =	vmul.f32 v45, v19  }
0x595: {  	_ =	sdelay $0x2  }
0x596: {  	v44 =	vand.u32 $0x3FFF, v44;
	v43 =	vxor.u32 v43, v31;
	v45 =	vxor.u32 v34, v38  }
0x597: {  	v9 =	vld.idx.msk [tilespmem:v9+s28+$0x0], $0xffff;
	v23 =	vadd.f32 v33, v23;
	v29 =	vadd.f32 v40, v29;
	v35 =	vmul.f32 v35, v26  }
0x598: {  	v10 =	vld.idx.msk [tilespmem:v10+s28+$0x0], $0xffff;
	v5 =	vsub.f32 v5, v39;
	v26 =	vmul.f32 v37, v26;
	v3 =	vcvt.s32.f32 v3  }
0x599: {  	v13 =	vld.idx.msk [tilespmem:v13+s28+$0x0], $0xffff;
	v12 =	vcvt.s32.f32 v12;
	v0 =	vmul.f32 v8, v0;
	v46 =	vxor.u32 v30, v45  }
0x59a: {  	v14 =	vld.idx.msk [tilespmem:v14+s28+$0x0], $0xffff;
	v45 =	vxor.u32 v45, v31;
	v36 =	vadd.f32 v42, v36;
	v42 =	vadd.s32 $0x9E3779B1, v38  }
0x59b: {  	v17 =	vld.idx.msk [tilespmem:v17+s28+$0x0], $0xffff;
	v43 =	vand.u32 $0x3FFF, v43;
	v62 =	vand.u32 $0x3FFF, v45;
	v45 =	vxor.u32 v24, v42  }
0x59c: {  	v18 =	vld.idx.msk [tilespmem:v18+s28+$0x0], $0xffff;
	v32 =	vadd.f32 v41, v32;
	v46 =	vand.u32 $0x3FFF, v46;
	v50 =	vxor.u32 v30, v45  }
0x59d: {  	v21 =	vld.idx.msk [tilespmem:v21+s28+$0x0], $0xffff;
	v49 =	vxor.u32 v34, v42;
	v39 =	vxor.u32 v31, v45;
	v38 =	vand.u32 $0x3FFF, v50  }
0x59e: {  	v15 =	vld.idx.msk [tilespmem:v15+s28+$0x0], $0xffff;
	v25 =	vadd.f32 v35, v25;
	v30 =	vxor.u32 v30, v49;
	v39 =	vand.u32 $0x3FFF, v39  }
0x59f: {  	v26 =	vadd.f32 v26, v27;
	v31 =	vxor.u32 v31, v49;
	v30 =	vand.u32 $0x3FFF, v30;
	v47 =	vld.idx.msk [tilespmem:v44+s0+$0x0], $0xffff  }
0x5a0: {  	v3 =	vsub.f32 v7, v3;
	v12 =	vsub.f32 v28, v12;
	v31 =	vand.u32 $0x3FFF, v31;
	v63 =	vld.idx.msk [tilespmem:v43+s0+$0x0], $0xffff  }
0x5a1: {  	v0 =	vadd.f32 v0, v2;
	v25 =	vsub.f32 v25, v16;
	v48 =	vld.idx.msk [tilespmem:v46+s0+$0x0], $0xffff  }
0x5a2: {  	v32 =	vsub.f32 v32, v23;
	v10 =	vsub.f32 v10, v9;
	v27 =	vld.idx.msk [tilespmem:v38+s0+$0x0], $0xffff  }
0x5a3: {  	v36 =	vsub.f32 v36, v29;
	v26 =	vsub.f32 v26, v22;
	v25 =	vmul.f32 v25, v6;
	v53 =	vld.idx.msk [tilespmem:v39+s0+$0x0], $0xffff  }
0x5a4: {  	v32 =	vmul.f32 v32, v5;
	v7 =	vmul.f32 v10, v19;
	v10 =	vsub.f32 v14, v13;
	v14 =	vld.idx.msk [tilespmem:v30+s0+$0x0], $0xffff  }
0x5a5: {  	v52 =	vmul.f32 v36, v5;
	v18 =	vsub.f32 v18, v17;
	v16 =	vadd.f32 v25, v16;
	v25 =	vld.idx.msk [tilespmem:v31+s0+$0x0], $0xffff  }
0x5a6: {  	v15 =	vsub.f32 v15, v21;
	v51 =	vld.idx.msk [tilespmem:v62+s0+$0x0], $0xffff;
	v7 =	vadd.f32 v7, v9;
	v9 =	vmul.f32 v10, v19  }
0x5a7: {  	v6 =	vmul.f32 v26, v6;
	v23 =	vadd.f32 v32, v23;
	v26 =	vld.idx.msk [tilespmem:v46+s28+$0x0], $0xffff;
	v10 =	vcvt.s32.f32 v20  }
0x5a8: {  	v29 =	vadd.f32 v52, v29;
	v33 =	vld.idx.msk [tilespmem:v62+s28+$0x0], $0xffff;
	v9 =	vadd.f32 v9, v13  }
0x5a9: {  	v20 =	vld.idx.msk [tilespmem:v44+s28+$0x0], $0xffff;
	v10 =	vsub.f32 v11, v10;
	v13 =	vsub.f32 v63, v47  }
0x5aa: {  	v54 =	vld.idx.msk [tilespmem:v38+s28+$0x0], $0xffff;
	v32 =	vsub.f32 v53, v27;
	v25 =	vsub.f32 v25, v14  }
0x5ab: {  	v18 =	vmul.f32 v18, v19;
	v6 =	vadd.f32 v6, v22;
	v55 =	vld.idx.msk [tilespmem:v39+s28+$0x0], $0xffff;
	v13 =	vmul.f32 v13, v10  }
0x5ac: {  	v29 =	vsub.f32 v29, v23;
	v30 =	vld.idx.msk [tilespmem:v30+s28+$0x0], $0xffff;
	v32 =	vmul.f32 v32, v10;
	v25 =	vmul.f32 v25, v10  }
0x5ad: {  	v15 =	vmul.f32 v15, v19;
	v17 =	vadd.f32 v18, v17;
	v11 =	vld.idx.msk [tilespmem:v43+s28+$0x0], $0xffff;
	v13 =	vadd.f32 v13, v47  }
0x5ae: {  	v27 =	vadd.f32 v32, v27;
	v14 =	vadd.f32 v25, v14;
	v25 =	vld.idx.msk [tilespmem:v31+s28+$0x0], $0xffff  }
0x5af: {  	v15 =	vadd.f32 v15, v21;
	v22 =	vsub.f32 v51, v48  }
0x5b0: {  	v17 =	vsub.f32 v17, v7;
	v19 =	vsub.f32 v27, v13  }
0x5b1: {  	v15 =	vsub.f32 v15, v9;
	v22 =	vmul.f32 v22, v10;
	v21 =	vsub.f32 v55, v54  }
0x5b2: {  	v11 =	vsub.f32 v11, v20;
	v18 =	vmul.f32 v19, v12;
	v19 =	vsub.f32 v33, v26  }
0x5b3: {  	v22 =	vadd.f32 v22, v48;
	v25 =	vsub.f32 v25, v30  }
0x5b4: {  	v11 =	vmul.f32 v11, v10;
	v13 =	vadd.f32 v18, v13;
	v18 =	vmul.f32 v19, v10  }
0x5b5: {  	v14 =	vsub.f32 v14, v22;
	v19 =	vmul.f32 v21, v10;
	v10 =	vmul.f32 v25, v10  }
0x5b6: {  	v11 =	vadd.f32 v11, v20;
	v18 =	vadd.f32 v18, v26  }
0x5b7: {  	v19 =	vadd.f32 v19, v54;
	v10 =	vadd.f32 v10, v30  }
0x5b8: {  	v6 =	vsub.f32 v6, v16;
	v17 =	vmul.f32 v17, v5;
	v14 =	vmul.f32 v14, v12  }
0x5b9: {  	v5 =	vmul.f32 v15, v5;
	v19 =	vsub.f32 v19, v11;
	v10 =	vsub.f32 v10, v18  }
0x5ba: {  	v7 =	vadd.f32 v17, v7;
	v20 =	vcvt.s32.f32 v24;
	v14 =	vadd.f32 v14, v22  }
0x5bb: {  	v5 =	vadd.f32 v5, v9;
	v15 =	vmul.f32 v19, v12;
	v10 =	vmul.f32 v10, v12  }
0x5bc: {  	v4 =	vsub.f32 v4, v20;
	v14 =	vsub.f32 v14, v13  }
0x5bd: {  	v1 =	vmul.f32 v6, v1;
	v8 =	vadd.f32 v15, v11;
	v9 =	vadd.f32 v10, v18  }
0x5be: {  	s14 =	sadd.s32 $0x20, s14;
	v5 =	vsub.f32 v5, v7;
	v12 =	vmul.f32 v29, v3  }
0x5bf: {  	s11 =	sand.u32 $0x70, s11;
	s16 =	sand.u32 $0x3F00, s14;
	s14 =	sadd.s32 $0x20, s14;
	[tilespmem:s12+$0x16000] =	vst v0;
	v0 =	vadd.f32 v1, v16;
	v11 =	vmul.f32 v14, v4;
	v2 =	vsub.f32 v9, v8  }
0x5c0: {  	s15 =	sand.u32 $0x70, s15;
	s11 =	sor.u32 s11, s16;
	s14 =	sand.u32 $0x3F00, s14;
	v3 =	vmul.f32 v5, v3;
	v10 =	vadd.f32 v12, v23  }
0x5c1: {  	s16 =	sadd.s32 $0x16000, s11;
	s14 =	sor.u32 s15, s14;
	[tilespmem:s13+$0x16000] =	vst v0;
	v6 =	vadd.f32 v11, v13;
	v1 =	vmul.f32 v2, v4  }
0x5c2: {  	s23 =	sadd.s32 $0x16000, s14;
	[tilespmem:s16+$0x80] =	vst v10;
	v2 =	vadd.f32 v3, v7  }
0x5c3: {  	[tilespmem:s23+$0x80] =	vst v6;
	v0 =	vadd.f32 v1, v8  }
0x5c4: {  	[tilespmem:s11+$0x16000] =	vst v2  }
0x5c5: {  	[tilespmem:s14+$0x16000] =	vst v0  }
0x5c6: {  	[hbm4b:s24+s1] =	stream.strided.scatter [tilespmem:s4], [sflag:$0x3], $0x4000, s3, s1, $0x38;
	[tilespmem:$0x1E000] =	vst v63  }
0x5c7: {  	_ =	swait.ge [sflag:s5], $0x8000  }
0x5c8: {  	[sflag:s5] =	ssyncset.done $0x0  }
0x5c9: {  	[sflag:s5] =	ssyncadd.s32 $0xFFFF8000  }
0x5ca: {  	_ =	swait.ge [sflag:s9], $0x4000  }
0x5cb: {  	[sflag:s9] =	ssyncset.done $0x0  }
0x5cc: {  	s13 =	simm.s32 $0x2000;
	[sflag:s9] =	ssyncadd.s32 $0xFFFFC000  }
0x5cd: {  	s14 =	simm.s32 $0x4000;
	v0 =	vld [tilespmem:s13+$0x0]  }
0x5ce: {  	s15 =	simm.s32 $0x0;
	v1 =	vld [tilespmem:s14+$0x0]  }
0x5cf: {  	v2 =	vld [tilespmem:s15+$0x0];
	_ =	sdelay $0x2  }
0x5d0: {  	v0 =	vmul.f32 $6.150000000e+02, v0  }
0x5d1: {  	v3 =	vmul.f32 $6.150000000e+02, v1  }
0x5d2: {  	v5 =	vmul.f32 $6.150000000e+02, v2;
	v1 =	vtrunc.f32 v0  }
0x5d3: {  	v2 =	vtrunc.f32 v3;
	v4 =	vcvt.f32.s32 v1  }
0x5d4: {  	v1 =	vtrunc.f32 v5;
	v7 =	vcvt.f32.s32 v2  }
0x5d5: {  	v9 =	vcvt.f32.s32 v1;
	v1 =	vmul.u32 $0x9E3779B1, v4  }
0x5d6: {  	v2 =	vmul.u32 $0x30025795, v7  }
0x5d7: {  	v6 =	vxor.u32 v9, v1  }
0x5d8: {  	v8 =	vadd.s32 $0x1, v9;
	v10 =	vadd.s32 $0x30025795, v2;
	v11 =	vxor.u32 v2, v6  }
0x5d9: {  	v12 =	vxor.u32 v8, v1;
	v6 =	vxor.u32 v6, v10;
	v11 =	vand.u32 $0x3FFF, v11  }
0x5da: {  	s23 =	simm.s32 $0x10;
	v1 =	vadd.s32 $0x9E3779B1, v1;
	v13 =	vand.u32 $0x3FFF, v6;
	v6 =	vxor.u32 v2, v12  }
0x5db: {  	s18 =	simm.s32 $0x4010;
	v14 =	vld [tilespmem:s23+$0x0];
	v15 =	vand.u32 $0x3FFF, v6;
	v6 =	vxor.u32 v12, v10;
	v12 =	vxor.u32 v9, v1  }
0x5dc: {  	s19 =	simm.s32 $0x2010;
	v16 =	vld [tilespmem:s18+$0x0];
	v17 =	vand.u32 $0x3FFF, v6;
	v6 =	vxor.u32 v2, v12  }
0x5dd: {  	v18 =	vld [tilespmem:s19+$0x0];
	v1 =	vxor.u32 v8, v1;
	v8 =	vxor.u32 v10, v12;
	v12 =	vand.u32 $0x3FFF, v6  }
0x5de: {  	v2 =	vxor.u32 v2, v1;
	v20 =	vand.u32 $0x3FFF, v8;
	v19 =	vld.idx.msk [tilespmem:v11+s6+$0x0], $0xffff  }
0x5df: {  	v1 =	vxor.u32 v10, v1;
	v10 =	vand.u32 $0x3FFF, v2;
	v21 =	vld.idx.msk [tilespmem:v13+s6+$0x0], $0xffff  }
0x5e0: {  	v23 =	vand.u32 $0x3FFF, v1;
	v22 =	vld.idx.msk [tilespmem:v15+s6+$0x0], $0xffff  }
0x5e1: {  	v24 =	vld.idx.msk [tilespmem:v17+s6+$0x0], $0xffff  }
0x5e2: {  	v7 =	vcvt.s32.f32 v7;
	v25 =	vld.idx.msk [tilespmem:v12+s6+$0x0], $0xffff  }
0x5e3: {  	v1 =	vmul.f32 $6.150000000e+02, v14;
	v14 =	vmul.f32 $6.150000000e+02, v16;
	v16 =	vld.idx.msk [tilespmem:v20+s6+$0x0], $0xffff  }
0x5e4: {  	v4 =	vcvt.s32.f32 v4;
	v6 =	vmul.f32 $6.150000000e+02, v18;
	v18 =	vld.idx.msk [tilespmem:v10+s6+$0x0], $0xffff  }
0x5e5: {  	v2 =	vtrunc.f32 v1;
	v8 =	vtrunc.f32 v14;
	v26 =	vld.idx.msk [tilespmem:v23+s6+$0x0], $0xffff  }
0x5e6: {  	v27 =	vtrunc.f32 v6;
	v2 =	vcvt.f32.s32 v2  }
0x5e7: {  	v4 =	vsub.f32 v0, v4;
	v28 =	vcvt.f32.s32 v8;
	v27 =	vcvt.f32.s32 v27  }
0x5e8: {  	v8 =	vsub.f32 v3, v7;
	v29 =	vadd.s32 $0x1, v2;
	v7 =	vsub.f32 v21, v19  }
0x5e9: {  	v3 =	vmul.u32 $0x9E3779B1, v27;
	v21 =	vsub.f32 v24, v22;
	v16 =	vsub.f32 v16, v25  }
0x5ea: {  	v24 =	vmul.u32 $0x30025795, v28;
	v7 =	vmul.f32 v7, v8;
	v26 =	vsub.f32 v26, v18  }
0x5eb: {  	v30 =	vxor.u32 v2, v3;
	v21 =	vmul.f32 v21, v8;
	v16 =	vmul.f32 v16, v8  }
0x5ec: {  	s21 =	simm.s32 $0x2020;
	v31 =	vxor.u32 v24, v30;
	v7 =	vadd.f32 v7, v19;
	v26 =	vmul.f32 v26, v8  }
0x5ed: {  	v56 =	vld [tilespmem:s21+$0x0];
	v19 =	vadd.f32 v21, v22;
	v21 =	vadd.s32 $0x30025795, v24;
	v16 =	vadd.f32 v16, v25  }
0x5ee: {  	v11 =	vld.idx.msk [tilespmem:v11+s30+$0x0], $0xffff;
	v31 =	vand.u32 $0x3FFF, v31;
	v18 =	vadd.f32 v26, v18;
	v25 =	vxor.u32 v30, v21  }
0x5ef: {  	v13 =	vld.idx.msk [tilespmem:v13+s30+$0x0], $0xffff;
	v30 =	vxor.u32 v29, v3;
	v3 =	vadd.s32 $0x9E3779B1, v3;
	v16 =	vsub.f32 v16, v7  }
0x5f0: {  	v15 =	vld.idx.msk [tilespmem:v15+s30+$0x0], $0xffff;
	v0 =	vxor.u32 v24, v30;
	v25 =	vand.u32 $0x3FFF, v25;
	v18 =	vsub.f32 v18, v19  }
0x5f1: {  	v17 =	vld.idx.msk [tilespmem:v17+s30+$0x0], $0xffff;
	v57 =	vand.u32 $0x3FFF, v0;
	v0 =	vxor.u32 v30, v21;
	v16 =	vmul.f32 v16, v4  }
0x5f2: {  	s20 =	simm.s32 $0x4020;
	v12 =	vld.idx.msk [tilespmem:v12+s30+$0x0], $0xffff;
	v58 =	vand.u32 $0x3FFF, v0;
	v0 =	vcvt.s32.f32 v9;
	v18 =	vmul.f32 v18, v4  }
0x5f3: {  	s11 =	simm.s32 $0x20;
	v26 =	vld [tilespmem:s20+$0x0];
	v9 =	vadd.f32 v16, v7;
	v7 =	vxor.u32 v2, v3  }
0x5f4: {  	v22 =	vld [tilespmem:s11+$0x0];
	v0 =	vsub.f32 v5, v0;
	v16 =	vadd.f32 v18, v19;
	v5 =	vxor.u32 v24, v7  }
0x5f5: {  	v30 =	vld.idx.msk [tilespmem:v31+s6+$0x0], $0xffff;
	v3 =	vxor.u32 v29, v3;
	v7 =	vxor.u32 v21, v7;
	v19 =	vand.u32 $0x3FFF, v5  }
0x5f6: {  	v18 =	vld.idx.msk [tilespmem:v25+s6+$0x0], $0xffff;
	v5 =	vsub.f32 v16, v9;
	v16 =	vxor.u32 v24, v3;
	v24 =	vand.u32 $0x3FFF, v7  }
0x5f7: {  	v29 =	vld.idx.msk [tilespmem:v57+s6+$0x0], $0xffff;
	v7 =	vsub.f32 v13, v11;
	v3 =	vxor.u32 v21, v3;
	v16 =	vand.u32 $0x3FFF, v16  }
0x5f8: {  	v38 =	vmul.f32 $6.150000000e+02, v26;
	v59 =	vld.idx.msk [tilespmem:v58+s6+$0x0], $0xffff;
	v60 =	vand.u32 $0x3FFF, v3;
	v3 =	vmul.f32 v5, v0  }
0x5f9: {  	v17 =	vsub.f32 v17, v15;
	v13 =	vld.idx.msk [tilespmem:v20+s30+$0x0], $0xffff;
	v20 =	vmul.f32 v7, v8;
	v7 =	vmul.f32 $6.150000000e+02, v22  }
0x5fa: {  	v2 =	vcvt.s32.f32 v2;
	v5 =	vmul.f32 $6.150000000e+02, v56;
	v21 =	vld.idx.msk [tilespmem:v19+s6+$0x0], $0xffff  }
0x5fb: {  	v17 =	vmul.f32 v17, v8;
	v33 =	vadd.f32 v3, v9;
	v3 =	vtrunc.f32 v7;
	v22 =	vld.idx.msk [tilespmem:v24+s6+$0x0], $0xffff  }
0x5fc: {  	v1 =	vsub.f32 v1, v2;
	v9 =	vtrunc.f32 v38;
	v26 =	vtrunc.f32 v5;
	v61 =	vld.idx.msk [tilespmem:v16+s6+$0x0], $0xffff  }
0x5fd: {  	v11 =	vadd.f32 v20, v11;
	v3 =	vcvt.f32.s32 v3;
	v63 =	vcvt.f32.s32 v9;
	v20 =	vld.idx.msk [tilespmem:v60+s6+$0x0], $0xffff  }
0x5fe: {  	v62 =	vsub.f32 v13, v12;
	v9 =	vcvt.s32.f32 v28;
	v48 =	vcvt.f32.s32 v26  }
0x5ff: {  	v28 =	vadd.f32 v17, v15;
	v13 =	vcvt.s32.f32 v27;
	v15 =	vadd.s32 $0x1, v3  }
0x600: {  	v27 =	vmul.u32 $0x30025795, v63;
	v26 =	vsub.f32 v14, v9;
	v17 =	vmul.u32 $0x9E3779B1, v48  }
0x601: {  	v9 =	vsub.f32 v18, v30;
	v14 =	vsub.f32 v59, v29;
	v39 =	vmul.f32 v62, v8  }
0x602: {  	v49 =	vadd.s32 $0x30025795, v27;
	v18 =	vsub.f32 v22, v21;
	v20 =	vsub.f32 v20, v61  }
0x603: {  	v50 =	vmul.f32 v9, v26;
	v14 =	vmul.f32 v14, v26;
	v22 =	vld.idx.msk [tilespmem:v10+s30+$0x0], $0xffff;
	v10 =	vxor.u32 v3, v17  }
0x604: {  	s16 =	simm.s32 $0x30;
	v23 =	vld.idx.msk [tilespmem:v23+s30+$0x0], $0xffff;
	v9 =	vxor.u32 v27, v10;
	v18 =	vmul.f32 v18, v26;
	v20 =	vmul.f32 v20, v26  }
0x605: {  	v51 =	vld [tilespmem:s16+$0x0];
	s18 =	simm.s32 $0x2030;
	v30 =	vadd.f32 v50, v30;
	v29 =	vadd.f32 v14, v29;
	v10 =	vxor.u32 v10, v49  }
0x606: {  	v52 =	vld [tilespmem:s18+$0x0];
	v9 =	vand.u32 $0x3FFF, v9;
	v14 =	vadd.f32 v18, v21;
	v18 =	vadd.f32 v20, v61  }
0x607: {  	v31 =	vld.idx.msk [tilespmem:v31+s30+$0x0], $0xffff;
	v6 =	vsub.f32 v6, v13;
	v12 =	vadd.f32 v39, v12;
	v10 =	vand.u32 $0x3FFF, v10  }
0x608: {  	v56 =	vld.idx.msk [tilespmem:v58+s30+$0x0], $0xffff;
	v21 =	vxor.u32 v15, v17;
	v14 =	vsub.f32 v14, v30;
	v18 =	vsub.f32 v18, v29  }
0x609: {  	s17 =	simm.s32 $0x4030;
	v24 =	vld.idx.msk [tilespmem:v24+s30+$0x0], $0xffff;
	v13 =	vxor.u32 v27, v21;
	v53 =	vsub.f32 v23, v22;
	v21 =	vxor.u32 v21, v49  }
0x60a: {  	v20 =	vld [tilespmem:s17+$0x0];
	v13 =	vand.u32 $0x3FFF, v13;
	v54 =	vmul.f32 v14, v6;
	v18 =	vmul.f32 v18, v6  }
0x60b: {  	v12 =	vsub.f32 v12, v11;
	v17 =	vadd.s32 $0x9E3779B1, v17;
	v23 =	vld.idx.msk [tilespmem:v9+s6+$0x0], $0xffff;
	v14 =	vand.u32 $0x3FFF, v21  }
0x60c: {  	v8 =	vmul.f32 v53, v8;
	v21 =	vld.idx.msk [tilespmem:v25+s30+$0x0], $0xffff;
	v30 =	vadd.f32 v54, v30;
	v18 =	vadd.f32 v18, v29  }
0x60d: {  	v40 =	vcvt.s32.f32 v63;
	v12 =	vmul.f32 v12, v4;
	v55 =	vld.idx.msk [tilespmem:v10+s6+$0x0], $0xffff;
	v25 =	vxor.u32 v3, v17  }
0x60e: {  	v8 =	vadd.f32 v8, v22;
	v22 =	vld.idx.msk [tilespmem:v57+s30+$0x0], $0xffff;
	v2 =	vsub.f32 v18, v30;
	v18 =	vxor.u32 v27, v25  }
0x60f: {  	v15 =	vxor.u32 v15, v17;
	v29 =	vld.idx.msk [tilespmem:v13+s6+$0x0], $0xffff;
	v25 =	vxor.u32 v49, v25;
	v17 =	vand.u32 $0x3FFF, v18  }
0x610: {  	v8 =	vsub.f32 v8, v28;
	v57 =	vld.idx.msk [tilespmem:v14+s6+$0x0], $0xffff;
	v27 =	vxor.u32 v27, v15;
	v18 =	vand.u32 $0x3FFF, v25  }
0x611: {  	v15 =	vxor.u32 v49, v15;
	v25 =	vld.idx.msk [tilespmem:v19+s30+$0x0], $0xffff;
	v19 =	vsub.f32 v21, v31;
	v21 =	vand.u32 $0x3FFF, v27  }
0x612: {  	v8 =	vmul.f32 v8, v4;
	v15 =	vand.u32 $0x3FFF, v15;
	v27 =	vld.idx.msk [tilespmem:v16+s30+$0x0], $0xffff;
	v2 =	vmul.f32 v2, v1  }
0x613: {  	v61 =	vsub.f32 v55, v23;
	v4 =	vmul.f32 $6.150000000e+02, v51;
	v16 =	vmul.f32 v19, v26;
	v19 =	vld.idx.msk [tilespmem:v60+s30+$0x0], $0xffff  }
0x614: {  	v8 =	vadd.f32 v8, v28;
	v28 =	vmul.f32 $6.150000000e+02, v52;
	v58 =	vadd.f32 v2, v30;
	v32 =	vld.idx.msk [tilespmem:v17+s6+$0x0], $0xffff  }
0x615: {  	v2 =	vadd.f32 v12, v11;
	v12 =	vsub.f32 v56, v22;
	v11 =	vmul.f32 $6.150000000e+02, v20;
	v59 =	vld.idx.msk [tilespmem:v18+s6+$0x0], $0xffff  }
0x616: {  	v20 =	vtrunc.f32 v4;
	v16 =	vadd.f32 v16, v31;
	v31 =	vtrunc.f32 v28;
	v36 =	vld.idx.msk [tilespmem:v21+s6+$0x0], $0xffff  }
0x617: {  	v62 =	vsub.f32 v57, v29;
	v12 =	vmul.f32 v12, v26;
	v30 =	vtrunc.f32 v11;
	v60 =	vld.idx.msk [tilespmem:v15+s6+$0x0], $0xffff  }
0x618: {  	v35 =	vsub.f32 v24, v25;
	v24 =	vcvt.f32.s32 v20;
	v8 =	vsub.f32 v8, v2  }
0x619: {  	s22 =	sand.u32 $0x70, s15;
	s12 =	sand.u32 $0x3F00, s15;
	v20 =	vcvt.f32.s32 v30;
	v22 =	vadd.f32 v12, v22;
	v12 =	vcvt.f32.s32 v31  }
0x61a: {  	s12 =	sor.u32 s22, s12;
	s14 =	simm.s32 $0x20;
	s13 =	sand.u32 $0x70, s23;
	v39 =	vcvt.s32.f32 v48;
	v37 =	vsub.f32 v19, v27;
	v19 =	vsub.f32 v38, v40  }
0x61b: {  	s19 =	sadd.s32 $0x1A000, s12;
	s23 =	sand.u32 $0x3F00, s14;
	v34 =	vadd.s32 $0x1, v24;
	v30 =	vmul.u32 $0x30025795, v20;
	v38 =	vmul.u32 $0x9E3779B1, v12  }
0x61c: {  	s13 =	sor.u32 s13, s23;
	[tilespmem:s19+$0x80] =	vst v33;
	v33 =	vmul.f32 v61, v19;
	v42 =	vsub.f32 v59, v32;
	v63 =	vsub.f32 v60, v36  }
0x61d: {  	s15 =	sadd.s32 $0x1A000, s13;
	v40 =	vmul.f32 v62, v19;
	v31 =	vadd.s32 $0x30025795, v30;
	v43 =	vxor.u32 v24, v38  }
0x61e: {  	s19 =	simm.s32 $0x40;
	[tilespmem:s15+$0x80] =	vst v58;
	s15 =	simm.s32 $0x30;
	v44 =	vxor.u32 v30, v43;
	v41 =	vmul.f32 v42, v19;
	v42 =	vmul.f32 v63, v19  }
.LBB2_20:
0x61f: {  	p0 =	sne.s32 s19, $0x1FF0;
	v44 =	vand.u32 $0x3FFF, v44;
	s16 =	sadd.s32 $0x10, s16;
	v33 =	vadd.f32 v33, v23;
	v29 =	vadd.f32 v40, v29  }
0x620: {  	v23 =	vxor.u32 v43, v31;
	s17 =	sadd.s32 $0x10, s17;
	v40 =	vld [tilespmem:s16+$0x0];
	v32 =	vadd.f32 v41, v32;
	v36 =	vadd.f32 v42, v36  }
0x621: {  	s18 =	sadd.s32 $0x10, s18;
	v39 =	vsub.f32 v5, v39;
	v5 =	vmovc v28;
	v42 =	vxor.u32 v34, v38;
	v43 =	vand.u32 $0x3FFF, v23;
	v41 =	vld [tilespmem:s17+$0x0]  }
0x622: {  	v23 =	vxor.u32 v30, v42;
	v28 =	vld [tilespmem:s18+$0x0];
	v32 =	vsub.f32 v32, v33;
	v36 =	vsub.f32 v36, v29  }
0x623: {  	v35 =	vmul.f32 v35, v26;
	v26 =	vmul.f32 v37, v26;
	v45 =	vand.u32 $0x3FFF, v23;
	v46 =	vld.idx.msk [tilespmem:v9+s30+$0x0], $0xffff;
	v9 =	vmovc v44  }
0x624: {  	v37 =	vxor.u32 v42, v31;
	v23 =	vld.idx.msk [tilespmem:v44+s6+$0x0], $0xffff;
	v32 =	vmul.f32 v32, v39;
	v36 =	vmul.f32 v36, v39  }
0x625: {  	v25 =	vadd.f32 v35, v25;
	v26 =	vadd.f32 v26, v27;
	v37 =	vand.u32 $0x3FFF, v37;
	v42 =	vld.idx.msk [tilespmem:v10+s30+$0x0], $0xffff;
	v10 =	vmovc v43  }
0x626: {  	v27 =	vcvt.s32.f32 v3;
	v3 =	vmovc v24;
	v43 =	vld.idx.msk [tilespmem:v43+s6+$0x0], $0xffff;
	v32 =	vadd.f32 v32, v33;
	v33 =	vadd.f32 v36, v29  }
0x627: {  	v24 =	vadd.s32 $0x9E3779B1, v38;
	v25 =	vsub.f32 v25, v16;
	v26 =	vsub.f32 v26, v22;
	v38 =	vld.idx.msk [tilespmem:v13+s30+$0x0], $0xffff;
	v13 =	vmovc v45  }
0x628: {  	v35 =	vxor.u32 v3, v24;
	v7 =	vsub.f32 v7, v27;
	v29 =	vld.idx.msk [tilespmem:v45+s6+$0x0], $0xffff;
	v27 =	vsub.f32 v33, v32  }
0x629: {  	v24 =	vxor.u32 v34, v24;
	v36 =	vmul.f32 v25, v6;
	v33 =	vxor.u32 v30, v35;
	v34 =	vld.idx.msk [tilespmem:v14+s30+$0x0], $0xffff  }
0x62a: {  	s14 =	sadd.s32 $0x20, s14;
	v25 =	vxor.u32 v31, v35;
	v33 =	vand.u32 $0x3FFF, v33;
	v14 =	vmovc v37;
	v44 =	vld.idx.msk [tilespmem:v37+s6+$0x0], $0xffff;
	v27 =	vmul.f32 v27, v7  }
0x62b: {  	s20 =	sand.u32 $0x70, s11;
	s11 =	smov.u32 s15;
	s21 =	sand.u32 $0x3F00, s14;
	v30 =	vxor.u32 v30, v24;
	v35 =	vand.u32 $0x3FFF, v25;
	v37 =	vsub.f32 v42, v46;
	v25 =	vld.idx.msk [tilespmem:v17+s30+$0x0], $0xffff;
	v17 =	vmovc v33  }
0x62c: {  	s15 =	smov.u32 s19;
	s20 =	sor.u32 s20, s21;
	v24 =	vxor.u32 v31, v24;
	v30 =	vand.u32 $0x3FFF, v30;
	v31 =	vld.idx.msk [tilespmem:v18+s30+$0x0], $0xffff;
	v32 =	vadd.f32 v27, v32;
	v18 =	vmovc v35  }
0x62d: {  	s21 =	sadd.s32 $0x1A000, s20;
	v26 =	vmul.f32 v26, v6;
	v6 =	vmovc v39;
	v24 =	vand.u32 $0x3FFF, v24;
	v42 =	vmul.f32 v37, v19;
	v27 =	vld.idx.msk [tilespmem:v21+s30+$0x0], $0xffff  }
0x62e: {  	v8 =	vmul.f32 v8, v0;
	v0 =	vmov v1;
	v39 =	vadd.f32 v36, v16;
	v37 =	vld.idx.msk [tilespmem:v15+s30+$0x0], $0xffff;
	[tilespmem:s21+$0x80] =	vst v32  }
0x62f: {  	v1 =	vmovc v7;
	v21 =	vmov v30;
	v16 =	vadd.f32 v42, v46;
	v32 =	vld.idx.msk [tilespmem:v33+s6+$0x0], $0xffff;
	v33 =	vsub.f32 v34, v38  }
0x630: {  	v41 =	vmul.f32 $6.150000000e+02, v41;
	v7 =	vmovc v4;
	v4 =	vmul.f32 $6.150000000e+02, v40;
	v15 =	vmovc v24;
	v34 =	vadd.f32 v26, v22;
	v42 =	vld.idx.msk [tilespmem:v35+s6+$0x0], $0xffff  }
0x631: {  	v8 =	vadd.f32 v8, v2;
	v28 =	vmul.f32 $6.150000000e+02, v28;
	v2 =	vmovc v39;
	v36 =	vld.idx.msk [tilespmem:v30+s6+$0x0], $0xffff;
	v22 =	vmul.f32 v33, v19  }
0x632: {  	v26 =	vmovc v19;
	v30 =	vtrunc.f32 v4;
	v33 =	vtrunc.f32 v41;
	v35 =	vsub.f32 v31, v25;
	v40 =	vld.idx.msk [tilespmem:v24+s6+$0x0], $0xffff  }
0x633: {  	v19 =	vtrunc.f32 v28;
	v24 =	vcvt.f32.s32 v30;
	v22 =	vadd.f32 v22, v38;
	[tilespmem:s12+$0x1A000] =	vst v8;
	s12 =	smov.u32 s13;
	s13 =	smov.u32 s20  }
0x634: {  	v31 =	vcvt.s32.f32 v20;
	v20 =	vcvt.f32.s32 v33;
	v37 =	vsub.f32 v37, v27  }
0x635: {  	v39 =	vcvt.s32.f32 v12;
	v12 =	vcvt.f32.s32 v19;
	v8 =	vsub.f32 v34, v2  }
.Ltmp9:
0x636: {  	v19 =	vsub.f32 v11, v31;
	v11 =	vmovc v41;
	v34 =	vadd.s32 $0x1, v24;
	v30 =	vmul.u32 $0x30025795, v20;
	(pc) =	sbr.rel @p0 .LBB2_20-.Ltmp9, $4  }
0x637: {  	v33 =	vsub.f32 v43, v23;
	v41 =	vsub.f32 v44, v29;
	v38 =	vmul.u32 $0x9E3779B1, v12  }
0x638: {  	v42 =	vsub.f32 v42, v32;
	v31 =	vadd.s32 $0x30025795, v30;
	v45 =	vsub.f32 v40, v36  }
0x639: {  	v33 =	vmul.f32 v33, v19;
	v43 =	vxor.u32 v24, v38;
	v40 =	vmul.f32 v41, v19  }
0x63a: {  	s19 =	sadd.s32 $0x10, s19;
	v44 =	vxor.u32 v30, v43;
	v41 =	vmul.f32 v42, v19;
	v42 =	vmul.f32 v45, v19  }
0x63b: {  	_ =	sdelay $0x3  }
0x63c: {  	v44 =	vand.u32 $0x3FFF, v44;
	v9 =	vld.idx.msk [tilespmem:v9+s30+$0x0], $0xffff  }
0x63d: {  	v43 =	vxor.u32 v43, v31;
	v45 =	vxor.u32 v34, v38;
	v23 =	vadd.f32 v33, v23;
	v10 =	vld.idx.msk [tilespmem:v10+s30+$0x0], $0xffff  }
0x63e: {  	v29 =	vadd.f32 v40, v29;
	v62 =	vadd.s32 $0x9E3779B1, v38;
	v35 =	vmul.f32 v35, v26;
	v13 =	vld.idx.msk [tilespmem:v13+s30+$0x0], $0xffff  }
0x63f: {  	v5 =	vsub.f32 v5, v39;
	v14 =	vld.idx.msk [tilespmem:v14+s30+$0x0], $0xffff;
	v3 =	vcvt.s32.f32 v3;
	v61 =	vcvt.s32.f32 v20  }
0x640: {  	v17 =	vld.idx.msk [tilespmem:v17+s30+$0x0], $0xffff;
	v12 =	vcvt.s32.f32 v12;
	v0 =	vmul.f32 v8, v0;
	v43 =	vand.u32 $0x3FFF, v43  }
0x641: {  	v18 =	vld.idx.msk [tilespmem:v18+s30+$0x0], $0xffff;
	v46 =	vxor.u32 v30, v45;
	v45 =	vxor.u32 v45, v31;
	v32 =	vadd.f32 v41, v32  }
0x642: {  	v21 =	vld.idx.msk [tilespmem:v21+s30+$0x0], $0xffff;
	v36 =	vadd.f32 v42, v36;
	v63 =	vxor.u32 v24, v62;
	v42 =	vmul.f32 v37, v26  }
0x643: {  	v15 =	vld.idx.msk [tilespmem:v15+s30+$0x0], $0xffff;
	v46 =	vand.u32 $0x3FFF, v46;
	v33 =	vand.u32 $0x3FFF, v45;
	v45 =	vxor.u32 v34, v62  }
0x644: {  	v48 =	vxor.u32 v30, v63;
	v25 =	vadd.f32 v35, v25;
	v3 =	vsub.f32 v7, v3;
	v47 =	vld.idx.msk [tilespmem:v44+s6+$0x0], $0xffff  }
0x645: {  	v39 =	vxor.u32 v31, v63;
	v12 =	vsub.f32 v28, v12;
	v0 =	vadd.f32 v0, v2;
	v62 =	vld.idx.msk [tilespmem:v44+s30+$0x0], $0xffff  }
0x646: {  	v32 =	vsub.f32 v32, v23;
	v38 =	vand.u32 $0x3FFF, v48;
	v50 =	vxor.u32 v30, v45;
	v40 =	vld.idx.msk [tilespmem:v43+s6+$0x0], $0xffff  }
0x647: {  	v39 =	vand.u32 $0x3FFF, v39;
	v36 =	vsub.f32 v36, v29;
	v51 =	vxor.u32 v31, v45;
	v63 =	vld.idx.msk [tilespmem:v43+s30+$0x0], $0xffff  }
0x648: {  	v26 =	vadd.f32 v42, v27;
	v30 =	vand.u32 $0x3FFF, v50;
	v31 =	vand.u32 $0x3FFF, v51;
	v37 =	vld.idx.msk [tilespmem:v46+s6+$0x0], $0xffff  }
0x649: {  	v25 =	vsub.f32 v25, v16;
	v32 =	vmul.f32 v32, v5;
	v10 =	vsub.f32 v10, v9;
	v49 =	vld.idx.msk [tilespmem:v33+s6+$0x0], $0xffff  }
0x64a: {  	v52 =	vmul.f32 v36, v5;
	v26 =	vsub.f32 v26, v22;
	v56 =	vsub.f32 v14, v13;
	v41 =	vld.idx.msk [tilespmem:v46+s30+$0x0], $0xffff  }
0x64b: {  	v18 =	vsub.f32 v18, v17;
	v15 =	vsub.f32 v15, v21;
	v25 =	vmul.f32 v25, v6;
	v53 =	vld.idx.msk [tilespmem:v38+s6+$0x0], $0xffff  }
0x64c: {  	v23 =	vadd.f32 v32, v23;
	v29 =	vadd.f32 v52, v29;
	v55 =	vmul.f32 v10, v19;
	v54 =	vld.idx.msk [tilespmem:v39+s6+$0x0], $0xffff  }
0x64d: {  	v58 =	vmul.f32 v26, v6;
	v60 =	vmul.f32 v56, v19;
	v10 =	vsub.f32 v11, v61;
	v42 =	vld.idx.msk [tilespmem:v38+s30+$0x0], $0xffff  }
0x64e: {  	v18 =	vmul.f32 v18, v19;
	v16 =	vadd.f32 v25, v16;
	v57 =	vld.idx.msk [tilespmem:v30+s6+$0x0], $0xffff;
	v29 =	vsub.f32 v29, v23  }
0x64f: {  	v15 =	vmul.f32 v15, v19;
	v59 =	vld.idx.msk [tilespmem:v31+s6+$0x0], $0xffff;
	v7 =	vadd.f32 v55, v9;
	v6 =	vadd.f32 v58, v22  }
0x650: {  	v43 =	vld.idx.msk [tilespmem:v39+s30+$0x0], $0xffff;
	v9 =	vadd.f32 v60, v13;
	v17 =	vadd.f32 v18, v17  }
0x651: {  	v33 =	vld.idx.msk [tilespmem:v33+s30+$0x0], $0xffff;
	v15 =	vadd.f32 v15, v21;
	v36 =	vsub.f32 v40, v47  }
0x652: {  	v30 =	vld.idx.msk [tilespmem:v30+s30+$0x0], $0xffff;
	v11 =	vsub.f32 v63, v62;
	v17 =	vsub.f32 v17, v7  }
0x653: {  	v44 =	vld.idx.msk [tilespmem:v31+s30+$0x0], $0xffff;
	v15 =	vsub.f32 v15, v9;
	v40 =	vsub.f32 v49, v37  }
0x654: {  	v32 =	vsub.f32 v54, v53;
	v13 =	vmul.f32 v36, v10;
	v25 =	vsub.f32 v59, v57  }
0x655: {  	v48 =	vsub.f32 v43, v42;
	v11 =	vmul.f32 v11, v10;
	v17 =	vmul.f32 v17, v5  }
0x656: {  	v5 =	vmul.f32 v15, v5;
	v13 =	vadd.f32 v13, v47;
	v25 =	vmul.f32 v25, v10  }
0x657: {  	v22 =	vmul.f32 v40, v10;
	v47 =	vsub.f32 v33, v41;
	v11 =	vadd.f32 v11, v62  }
0x658: {  	v32 =	vmul.f32 v32, v10;
	v14 =	vadd.f32 v25, v57;
	v25 =	vsub.f32 v44, v30  }
0x659: {  	v50 =	vmul.f32 v48, v10;
	v7 =	vadd.f32 v17, v7;
	v5 =	vadd.f32 v5, v9  }
0x65a: {  	v22 =	vadd.f32 v22, v37;
	v49 =	vmul.f32 v47, v10;
	v10 =	vmul.f32 v25, v10  }
0x65b: {  	v27 =	vadd.f32 v32, v53;
	v19 =	vadd.f32 v50, v42  }
0x65c: {  	v18 =	vadd.f32 v49, v41;
	v10 =	vadd.f32 v10, v30  }
0x65d: {  	v45 =	vsub.f32 v27, v13;
	v14 =	vsub.f32 v14, v22  }
0x65e: {  	v19 =	vsub.f32 v19, v11;
	v10 =	vsub.f32 v10, v18  }
0x65f: {  	v6 =	vsub.f32 v6, v16;
	v46 =	vmul.f32 v45, v12;
	v14 =	vmul.f32 v14, v12  }
0x660: {  	v5 =	vsub.f32 v5, v7;
	v52 =	vmul.f32 v19, v12;
	v10 =	vmul.f32 v10, v12  }
0x661: {  	v51 =	vcvt.s32.f32 v24;
	v13 =	vadd.f32 v46, v13;
	v14 =	vadd.f32 v14, v22  }
0x662: {  	v1 =	vmul.f32 v6, v1;
	v54 =	vadd.f32 v52, v11;
	v55 =	vadd.f32 v10, v18  }
0x663: {  	s14 =	sadd.s32 $0x20, s14;
	v4 =	vsub.f32 v4, v51;
	v53 =	vmul.f32 v29, v3;
	v14 =	vsub.f32 v14, v13  }
0x664: {  	s11 =	sand.u32 $0x70, s11;
	s16 =	sand.u32 $0x3F00, s14;
	v60 =	vadd.f32 v1, v16;
	v3 =	vmul.f32 v5, v3;
	v58 =	vsub.f32 v55, v54  }
0x665: {  	s14 =	sadd.s32 $0x20, s14;
	s11 =	sor.u32 s11, s16;
	[tilespmem:s12+$0x1A000] =	vst v0;
	v56 =	vadd.f32 v53, v23;
	v57 =	vmul.f32 v14, v4  }
0x666: {  	s15 =	sand.u32 $0x70, s15;
	s14 =	sand.u32 $0x3F00, s14;
	s16 =	sadd.s32 $0x1A000, s11;
	[tilespmem:s13+$0x1A000] =	vst v60;
	v62 =	vadd.f32 v3, v7;
	v61 =	vmul.f32 v58, v4  }
0x667: {  	s14 =	sor.u32 s15, s14;
	[tilespmem:s16+$0x80] =	vst v56;
	v59 =	vadd.f32 v57, v13  }
0x668: {  	s23 =	sadd.s32 $0x1A000, s14;
	[tilespmem:s11+$0x1A000] =	vst v62;
	v63 =	vadd.f32 v61, v54  }
0x669: {  	[tilespmem:s23+$0x80] =	vst v59  }
0x66a: {  	s10 =	sadd.s32 $0x1, s10;
	[tilespmem:s14+$0x1A000] =	vst v63  }
0x66b: {  	[hbm4b:s25+s1] =	stream.strided.scatter [tilespmem:s7], [sflag:$0x4], $0x4000, s3, s1, $0x38;
	[tilespmem:$0x1E000] =	vst v63  }
0x66c: {  	p0 =	sne.s32 s10, s26;
	_ =	swait.ge [sflag:s8], $0x4000  }
.Ltmp10:
0x66d: {  	[sflag:s8] =	ssyncset.done $0x0;
	(pc) =	sbr.rel @p0 .LBB2_1-.Ltmp10, $4  }
0x66e: {  	[sflag:s8] =	ssyncadd.s32 $0xFFFFC000  }
0x66f: {  	_ =	swait.ge [sflag:s9], $0x4000  }
0x670: {  	[sflag:s9] =	ssyncset.done $0x0  }
0x671: {  	[sflag:s9] =	ssyncadd.s32 $0xFFFFC000  }
0x672: {  	_ =	sfence.sel $0x180000  }
0x673: {  	[bflag:$0x0] =	sbarrier.arrive $0xFFFF  }
0x674: {  	_ =	strace $0x90000047  }
0x675: {  	s0 =	stileid.u32;
	[bflag:$0x2] =	sbarrier.arrive $0xFFFF  }
0x676: {  	p0 =	sne.s32 s0, $0x0;
	s0 =	rddreg [dreg:$0x2]  }
0x677: {  	s0 =	sadd.s32 @!p0 $0x100000, s0  }
0x678: {  	[sflag:s0] =	ssyncadd.tile.s32 @!p0 $0x1;
	_ =	shalt  }
.Lfunc_end2:
_tile_overlayer_lowered:
.L_overlay_start_2:
0x679: {  	(tag) =	ssettag $0x2  }
0x67a: {  	s0 =	rddreg [dreg:$0x0];
	s2 =	stileid.u32  }
0x67b: {  	s1 =	rddreg [dreg:$0x1];
	p0 =	sne.s32 s2, $0x0  }
0x67c: {  	s3 =	rddreg [dreg:$0x2];
	[bflag:$0x3] =	sbarrier.arrive $0xFFFF;
	s2 =	simm.s32 @!p0 $0x1C05  }
0x67d: {  	[timem:s3], [sflag:s2] =	dma.local @!p0 [hbm:s0], s1  }
0x67e: {  	s0 =	simm.s32 @!p0 $0x5  }
0x67f: {  	_ =	swait.ge @!p0 [sflag:s0], s1  }
0x680: {  	s1 =	ssub.s32 @!p0 $0x0, s1;
	[sflag:s0] =	ssyncset.done @!p0 $0x0  }
0x681: {  	[sflag:s0] =	ssyncadd.s32 @!p0 s1  }
0x682: {  	[bflag:$0x3] =	sbarrier.arrive $0xFFFF  }
0x683: {  	_ =	shalt  }

</sc_bundles>
